<compile_context>
chip_gen: v7x
topology: tpu7x:2x2x1
jax: 0.10.2.dev20260603
libtpu: 0.0.44.dev20260713+nightly
codegen_flags: <defaults>
</compile_context>

<pallas_src>
import functools

import jax
import jax.numpy as jnp
from jax import lax
from jax.experimental import pallas as pl
from jax.experimental.pallas import tpu as pltpu
from jax.experimental.pallas import tpu_sc as plsc

M = 100000
F = 128
B = 4096
C = 1000
TEMP = 0.05

NC = 2
NS = 16
NW = NC * NS

CHUNK = 128
NFULL = M // CHUNK
TAIL = M - NFULL * CHUNK
MAXQ = -(-NFULL // NW)
C_PAD = 1024
B_PER_W = B // NW


@functools.cache
def _build_sc_segsum():
    mesh = plsc.VectorSubcoreMesh(core_axis_name="c", subcore_axis_name="s")

    @functools.partial(
        pl.kernel,
        mesh=mesh,
        out_type=(
            jax.ShapeDtypeStruct((NC, C_PAD, F), jnp.float32),
            jax.ShapeDtypeStruct((NC, C_PAD, 16), jnp.float32),
            jax.ShapeDtypeStruct((B,), jnp.int32),
        ),
        scratch_types=[
            pltpu.VMEM((3, CHUNK, F), jnp.float32),
            pltpu.VMEM((MAXQ, CHUNK), jnp.int32),
            pltpu.VMEM((TAIL,), jnp.int32),
            pltpu.VMEM((CHUNK, 16), jnp.float32),
            pltpu.VMEM((B_PER_W,), jnp.int32),
            pltpu.VMEM((B_PER_W,), jnp.int32),
            pltpu.VMEM_SHARED((C_PAD, F), jnp.float32),
            pltpu.VMEM_SHARED((C_PAD, 16), jnp.float32),
            pltpu.SemaphoreType.DMA((3,)),
            pltpu.SemaphoreType.DMA((2,)),
            pltpu.SemaphoreType.DMA((2,)),
        ],
    )
    def sc_segsum(feat_hbm, lblq_hbm, lbl_hbm, idx_hbm, ones_hbm, zg_hbm,
                  zn_hbm, partials_hbm, counts_hbm, targets_hbm,
                  feat_v, lbl_v, ltail_v, ones_v, idx_v, tgt_v,
                  acc_g, acc_n, sem_f, sem_s, sem_o):
        c = lax.axis_index("c")
        s = lax.axis_index("s")
        w = s * NC + c

        zrows = C_PAD // NS
        pltpu.sync_copy(zg_hbm.at[pl.ds(s * zrows, zrows)],
                        acc_g.at[pl.ds(s * zrows, zrows)])
        pltpu.sync_copy(zn_hbm.at[pl.ds(s * zrows, zrows)],
                        acc_n.at[pl.ds(s * zrows, zrows)])

        pltpu.sync_copy(ones_hbm, ones_v)
        pltpu.sync_copy(lblq_hbm.at[w], lbl_v)
        pltpu.sync_copy(idx_hbm.at[pl.ds(w * B_PER_W, B_PER_W)], idx_v)

        def feat_off(i):
            return jnp.minimum(i * NW + w, NFULL - 1) * CHUNK

        def load(i, slot):
            pltpu.async_copy(
                feat_hbm.at[pl.ds(feat_off(i), CHUNK)], feat_v.at[slot],
                sem_f.at[slot])

        def wait_load(i, slot):
            pltpu.make_async_copy(
                feat_hbm.at[pl.ds(feat_off(i), CHUNK)], feat_v.at[slot],
                sem_f.at[slot]).wait()

        def start_scatter(i, slot):
            pltpu.async_copy(
                feat_v.at[slot], acc_g.at[lbl_v.at[i]], sem_s.at[slot],
                add=True)
            pltpu.async_copy(
                ones_v, acc_n.at[lbl_v.at[i]], sem_o.at[slot], add=True)

        def wait_scatter(i, slot):
            pltpu.make_async_copy(
                feat_v.at[slot], acc_g.at[lbl_v.at[i]], sem_s.at[slot]).wait()
            pltpu.make_async_copy(
                ones_v, acc_n.at[lbl_v.at[i]], sem_o.at[slot]).wait()

        load(0, 0)
        load(1, 1)
        load(2, 2)
        plsc.subcore_barrier()
        for i in range(MAXQ):
            slot = i % 3
            wait_load(i, slot)
            start_scatter(i, slot)
            wait_scatter(i, slot)
            if i + 3 < MAXQ:
                load(i + 3, slot)

        @pl.when(w == NW - 1)
        def _():
            off = NFULL * CHUNK
            pltpu.sync_copy(feat_hbm.at[pl.ds(off, TAIL)],
                            feat_v.at[0].at[pl.ds(0, TAIL)])
            pltpu.sync_copy(lbl_hbm.at[pl.ds(off, TAIL)], ltail_v)
            pltpu.sync_copy(feat_v.at[0].at[pl.ds(0, TAIL)],
                            acc_g.at[ltail_v], add=True)
            pltpu.sync_copy(ones_v.at[pl.ds(0, TAIL)],
                            acc_n.at[ltail_v], add=True)

        pltpu.sync_copy(lbl_hbm.at[idx_v], tgt_v)
        pltpu.sync_copy(tgt_v, targets_hbm.at[pl.ds(w * B_PER_W, B_PER_W)])

        plsc.subcore_barrier()

        @pl.when(s == 0)
        def _():
            pltpu.sync_copy(acc_g, partials_hbm.at[c])
            pltpu.sync_copy(acc_n, counts_hbm.at[c])

    return sc_segsum


_BLK = 1024
_GRID = B // _BLK


def _tc_body(res_ref, part_ref, cnt_ref, tgt_ref, out_ref, g_ref, nums_ref,
             acc):
    i = pl.program_id(0)

    @pl.when(i == 0)
    def _():
        g_ref[...] = part_ref[0] + part_ref[1]
        cnt = cnt_ref[0] + cnt_ref[1]
        sel = jnp.full((1, 16), 1.0 / 16.0, jnp.float32)
        nums_ref[...] = lax.dot_general(
            sel, cnt, (((1,), (1,)), ((), ())),
            preferred_element_type=jnp.float32,
            precision=lax.Precision.HIGHEST)
        acc[0] = 0.0

    x = res_ref[...]
    norm = jnp.sqrt(jnp.sum(x * x, axis=1, keepdims=True))
    x = x / jnp.maximum(norm, 1e-12)

    vec = lax.dot_general(x, g_ref[...], (((1,), (1,)), ((), ())),
                          preferred_element_type=jnp.float32)

    nums = nums_ref[...]
    col = lax.broadcasted_iota(jnp.int32, (1, C_PAD), 1)
    mask = jnp.where((nums > 0.0) & (col < C), 1.0, 0.0)
    scale = 1.0 / (TEMP * jnp.maximum(nums, 1.0))

    mexp = jnp.exp(vec * scale) * mask
    sums = jnp.sum(mexp, axis=1, keepdims=True) + 1e-6

    t = tgt_ref[...]
    hit = lax.broadcasted_iota(jnp.int32, (_BLK, C_PAD), 1) == t
    ex_t = jnp.sum(jnp.where(hit, mexp, 0.0), axis=1, keepdims=True)
    picked = jnp.log(ex_t + 1e-6 * sums) - jnp.log(sums)

    acc[0] += jnp.sum(picked)

    @pl.when(i == _GRID - 1)
    def _():
        out_ref[...] = jnp.full((1, 1), -acc[0] / float(B), jnp.float32)


def _tc_loss(results, partials, counts, targets_col):
    return pl.pallas_call(
        _tc_body,
        grid=(_GRID,),
        in_specs=[
            pl.BlockSpec((_BLK, F), lambda i: (i, 0)),
            pl.BlockSpec((NC, C_PAD, F), lambda i: (0, 0, 0)),
            pl.BlockSpec((NC, C_PAD, 16), lambda i: (0, 0, 0)),
            pl.BlockSpec((_BLK, 1), lambda i: (i, 0)),
        ],
        out_specs=pl.BlockSpec((1, 1), lambda i: (0, 0)),
        out_shape=jax.ShapeDtypeStruct((1, 1), jnp.float32),
        scratch_shapes=[
            pltpu.VMEM((C_PAD, F), jnp.float32),
            pltpu.VMEM((1, C_PAD), jnp.float32),
            pltpu.SMEM((1,), jnp.float32),
        ],
    )(results, partials, counts, targets_col)


def kernel(results, indexes, features, labels):
    ones_rows = jnp.ones((CHUNK, 16), jnp.float32)
    zg = jnp.zeros((C_PAD, F), jnp.float32)
    zn = jnp.zeros((C_PAD, 16), jnp.float32)
    npad = MAXQ * NW * CHUNK - NFULL * CHUNK
    dummy = C + (jnp.arange(npad, dtype=jnp.int32) % (C_PAD - C))
    lbl_pad = jnp.concatenate([labels[:NFULL * CHUNK], dummy])
    lblq = lbl_pad.reshape(MAXQ, NW, CHUNK).transpose(1, 0, 2)

    partials, counts, targets = _build_sc_segsum()(
        features, lblq, labels, indexes, ones_rows, zg, zn)

    targets_col = targets.reshape(B, 1)

    loss = _tc_loss(results, partials, counts, targets_col)
    return loss.reshape(())

# --- scband reference (transcript-rebuilt; emitter-appended) ---
"""Pipeline reference for scband-hybrid-memory-8186207666549 (READ-ONLY COPY).

The authoritative reference and input builder live on the scoring server;
editing this copy changes nothing except your own understanding.
"""

import jax, jax.numpy as jnp
import numpy as np

NUM_MEMORY = 100000
NUM_FEATURES = 128
BATCH = 4096
NUM_CLUSTERS = 1000
TEMP = 0.05


def setup_inputs(seed: int = 0) -> dict:
    key = jax.random.key(seed)
    k1, k2, k3, k4 = jax.random.split(key, 4)
    results = jax.random.normal(k1, (BATCH, NUM_FEATURES), dtype=jnp.float32)
    indexes = jax.random.randint(k2, (BATCH,), 0, NUM_MEMORY, dtype=jnp.int32)
    features = jax.random.normal(k3, (NUM_MEMORY, NUM_FEATURES), dtype=jnp.float32)
    features = features / jnp.maximum(jnp.linalg.norm(features, axis=1, keepdims=True), 1e-12)
    labels = jax.random.randint(k4, (NUM_MEMORY,), 0, NUM_CLUSTERS, dtype=jnp.int32)
    return {"results": results, "indexes": indexes, "features": features, "labels": labels}


def reference(results, indexes, features, labels):
    # F.normalize(inputs, p=2, dim=1)
    inputs = results / jnp.maximum(jnp.linalg.norm(results, axis=1, keepdims=True), 1e-12)
    # HM forward: inputs.mm(features.t())
    logits = inputs @ features.T
    logits = logits / TEMP  # [B, M]
    B = logits.shape[0]
    targets = labels[indexes]  # [B]
    # sim.index_add_(0, labels, inputs.t()) -> segment_sum over memory slots
    sim = jax.ops.segment_sum(logits.T, labels, num_segments=NUM_CLUSTERS)  # [C, B]
    nums = jax.ops.segment_sum(jnp.ones((NUM_MEMORY, 1), jnp.float32), labels, num_segments=NUM_CLUSTERS)  # [C, 1]
    mask = (nums > 0).astype(jnp.float32)
    sim = sim / (mask * nums + (1.0 - mask))
    mask_full = jnp.broadcast_to(mask, sim.shape)
    # masked_softmax(sim.t(), mask.t())
    vec = sim.T  # [B, C]
    m = mask_full.T  # [B, C]
    exps = jnp.exp(vec)
    masked_exps = exps * m
    masked_sums = jnp.sum(masked_exps, axis=1, keepdims=True) + 1e-06
    masked_sim = masked_exps / masked_sums
    logp = jnp.log(masked_sim + 1e-06)
    # F.nll_loss(logp, targets) with mean reduction
    loss = -jnp.mean(logp[jnp.arange(B), targets])
    return loss

if __name__ == "__main__":
    import jax
    _d = setup_inputs()
    print(jax.jit(kernel)(*tuple(_d.values())))

</pallas_src>

<mosaic_0001>
#map = affine_map<(d0, d1) -> (0, 0)>
#map1 = affine_map<(d0, d1) -> (0, 0, 0)>
#map2 = affine_map<(d0, d1) -> (0)>
module attributes {stable_mosaic.version = 14 : i64} {
  func.func @sc_segsum(%arg0: i32, %arg1: i32, %arg2: memref<100000x128xf32, #tpu.memory_space<hbm>>, %arg3: memref<32x25x128xi32, #tpu.memory_space<hbm>>, %arg4: memref<100000xi32, #tpu.memory_space<hbm>>, %arg5: memref<4096xi32, #tpu.memory_space<hbm>>, %arg6: memref<128x16xf32, #tpu.memory_space<hbm>>, %arg7: memref<1024x128xf32, #tpu.memory_space<hbm>>, %arg8: memref<1024x16xf32, #tpu.memory_space<hbm>>, %arg9: memref<2x1024x128xf32, #tpu.memory_space<hbm>>, %arg10: memref<2x1024x16xf32, #tpu.memory_space<hbm>>, %arg11: memref<4096xi32, #tpu.memory_space<hbm>>, %arg12: memref<3x128x128xf32, #tpu.memory_space<vmem>>, %arg13: memref<25x128xi32, #tpu.memory_space<vmem>>, %arg14: memref<32xi32, #tpu.memory_space<vmem>>, %arg15: memref<128x16xf32, #tpu.memory_space<vmem>>, %arg16: memref<128xi32, #tpu.memory_space<vmem>>, %arg17: memref<128xi32, #tpu.memory_space<vmem>>, %arg18: memref<1024x128xf32, #tpu.memory_space<vmem_shared>>, %arg19: memref<1024x16xf32, #tpu.memory_space<vmem_shared>>, %arg20: memref<3x!tpu.dma_semaphore, #tpu.memory_space<semaphore_mem>>, %arg21: memref<2x!tpu.dma_semaphore, #tpu.memory_space<semaphore_mem>>, %arg22: memref<2x!tpu.dma_semaphore, #tpu.memory_space<semaphore_mem>>) attributes {dimension_semantics = [#tpu.dimension_semantics<core_parallel>, #tpu.dimension_semantics<subcore_parallel>], iteration_bounds = array<i64: 2, 16>, scalar_prefetch = 0 : i64, scratch_operands = 11 : i64, tpu.core_type = #tpu.core_type<sc_vector_subcore>, window_params = [{transform_indices = #map}, {transform_indices = #map1}, {transform_indices = #map2}, {transform_indices = #map2}, {transform_indices = #map}, {transform_indices = #map}, {transform_indices = #map}, {transform_indices = #map1}, {transform_indices = #map1}, {transform_indices = #map2}]} {
    %mul3A = arith.constant 2 : i32
    %mul3A_0 = arith.muli %arg1, %mul3A : i32
    %add3A = arith.addi %mul3A_0, %arg0 : i32
    %mul3A_1 = arith.constant 64 : i32
    %mul3A_2 = arith.muli %arg1, %mul3A_1 : i32
    %mul3A_3 = arith.constant 64 : i32
    %mul3A_4 = arith.muli %arg1, %mul3A_3 : i32
    "tpu.region"() ({
      %run_scoped3A = tpu.sem_alloc : memref<!tpu.dma_semaphore, #tpu.memory_space<semaphore_mem>>
      %dma_start3A_2368 = arith.constant 0 : i32
      %dma_start3A_2369 = tpu.memref_slice %arg18[%mul3A_4, %dma_start3A_2368] : memref<1024x128xf32, #tpu.memory_space<vmem_shared>> -> memref<64x128xf32, #tpu.memory_space<vmem_shared>>
      %dma_start3A_2370 = arith.constant 0 : i32
      %dma_start3A_2371 = tpu.memref_slice %arg7[%mul3A_2, %dma_start3A_2370] : memref<1024x128xf32, #tpu.memory_space<hbm>> -> memref<64x128xf32, #tpu.memory_space<hbm>>
      tpu.enqueue_dma source(%dma_start3A_2371 : memref<64x128xf32, #tpu.memory_space<hbm>>) target(%dma_start3A_2369 : memref<64x128xf32, #tpu.memory_space<vmem_shared>>) target_semaphore(%run_scoped3A : memref<!tpu.dma_semaphore, #tpu.memory_space<semaphore_mem>>)
      %dma_wait3A_2372 = arith.constant 0 : i32
      %dma_wait3A_2373 = tpu.memref_slice %arg18[%mul3A_4, %dma_wait3A_2372] : memref<1024x128xf32, #tpu.memory_space<vmem_shared>> -> memref<64x128xf32, #tpu.memory_space<vmem_shared>>
      %dma_wait3A_2374 = arith.constant 0 : i32
      %dma_wait3A_2375 = tpu.memref_slice %arg7[%mul3A_2, %dma_wait3A_2374] : memref<1024x128xf32, #tpu.memory_space<hbm>> -> memref<64x128xf32, #tpu.memory_space<hbm>>
      tpu.wait_dma2 semaphore(%run_scoped3A : memref<!tpu.dma_semaphore, #tpu.memory_space<semaphore_mem>>) src(%dma_wait3A_2375 : memref<64x128xf32, #tpu.memory_space<hbm>>) dst(%dma_wait3A_2373 : memref<64x128xf32, #tpu.memory_space<vmem_shared>>)
      tpu.yield
    }) : () -> ()
    %mul3A_5 = arith.constant 64 : i32
    %mul3A_6 = arith.muli %arg1, %mul3A_5 : i32
    %mul3A_7 = arith.constant 64 : i32
    %mul3A_8 = arith.muli %arg1, %mul3A_7 : i32
    "tpu.region"() ({
      %run_scoped3A = tpu.sem_alloc : memref<!tpu.dma_semaphore, #tpu.memory_space<semaphore_mem>>
      %dma_start3A_2368 = arith.constant 0 : i32
      %dma_start3A_2369 = tpu.memref_slice %arg19[%mul3A_8, %dma_start3A_2368] : memref<1024x16xf32, #tpu.memory_space<vmem_shared>> -> memref<64x16xf32, #tpu.memory_space<vmem_shared>>
      %dma_start3A_2370 = arith.constant 0 : i32
      %dma_start3A_2371 = tpu.memref_slice %arg8[%mul3A_6, %dma_start3A_2370] : memref<1024x16xf32, #tpu.memory_space<hbm>> -> memref<64x16xf32, #tpu.memory_space<hbm>>
      tpu.enqueue_dma source(%dma_start3A_2371 : memref<64x16xf32, #tpu.memory_space<hbm>>) target(%dma_start3A_2369 : memref<64x16xf32, #tpu.memory_space<vmem_shared>>) target_semaphore(%run_scoped3A : memref<!tpu.dma_semaphore, #tpu.memory_space<semaphore_mem>>)
      %dma_wait3A_2372 = arith.constant 0 : i32
      %dma_wait3A_2373 = tpu.memref_slice %arg19[%mul3A_8, %dma_wait3A_2372] : memref<1024x16xf32, #tpu.memory_space<vmem_shared>> -> memref<64x16xf32, #tpu.memory_space<vmem_shared>>
      %dma_wait3A_2374 = arith.constant 0 : i32
      %dma_wait3A_2375 = tpu.memref_slice %arg8[%mul3A_6, %dma_wait3A_2374] : memref<1024x16xf32, #tpu.memory_space<hbm>> -> memref<64x16xf32, #tpu.memory_space<hbm>>
      tpu.wait_dma2 semaphore(%run_scoped3A : memref<!tpu.dma_semaphore, #tpu.memory_space<semaphore_mem>>) src(%dma_wait3A_2375 : memref<64x16xf32, #tpu.memory_space<hbm>>) dst(%dma_wait3A_2373 : memref<64x16xf32, #tpu.memory_space<vmem_shared>>)
      tpu.yield
    }) : () -> ()
    "tpu.region"() ({
      %run_scoped3A = tpu.sem_alloc : memref<!tpu.dma_semaphore, #tpu.memory_space<semaphore_mem>>
      tpu.enqueue_dma source(%arg6 : memref<128x16xf32, #tpu.memory_space<hbm>>) target(%arg15 : memref<128x16xf32, #tpu.memory_space<vmem>>) target_semaphore(%run_scoped3A : memref<!tpu.dma_semaphore, #tpu.memory_space<semaphore_mem>>)
      tpu.wait_dma2 semaphore(%run_scoped3A : memref<!tpu.dma_semaphore, #tpu.memory_space<semaphore_mem>>) src(%arg6 : memref<128x16xf32, #tpu.memory_space<hbm>>) dst(%arg15 : memref<128x16xf32, #tpu.memory_space<vmem>>)
      tpu.yield
    }) : () -> ()
    "tpu.region"() ({
      %run_scoped3A = tpu.sem_alloc : memref<!tpu.dma_semaphore, #tpu.memory_space<semaphore_mem>>
      %dma_start3A_2368 = arith.constant 0 : i32
      %dma_start3A_2369 = arith.constant 0 : i32
      %dma_start3A_2370 = tpu.memref_slice %arg3[%add3A, %dma_start3A_2368, %dma_start3A_2369] : memref<32x25x128xi32, #tpu.memory_space<hbm>> -> memref<1x25x128xi32, #tpu.memory_space<hbm>>
      %dma_start3A_2371 = tpu.memref_squeeze %dma_start3A_2370 : memref<1x25x128xi32, #tpu.memory_space<hbm>> -> memref<25x128xi32, #tpu.memory_space<hbm>>
      %dma_start3A_2372 = arith.constant 0 : i32
      %dma_start3A_2373 = arith.constant 0 : i32
      %dma_start3A_2374 = tpu.memref_slice %arg3[%add3A, %dma_start3A_2372, %dma_start3A_2373] : memref<32x25x128xi32, #tpu.memory_space<hbm>> -> memref<1x25x128xi32, #tpu.memory_space<hbm>>
      %dma_start3A_2375 = tpu.memref_squeeze %dma_start3A_2374 : memref<1x25x128xi32, #tpu.memory_space<hbm>> -> memref<25x128xi32, #tpu.memory_space<hbm>>
      tpu.enqueue_dma source(%dma_start3A_2375 : memref<25x128xi32, #tpu.memory_space<hbm>>) target(%arg13 : memref<25x128xi32, #tpu.memory_space<vmem>>) target_semaphore(%run_scoped3A : memref<!tpu.dma_semaphore, #tpu.memory_space<semaphore_mem>>)
      %dma_wait3A_2376 = arith.constant 0 : i32
      %dma_wait3A_2377 = arith.constant 0 : i32
      %dma_wait3A_2378 = tpu.memref_slice %arg3[%add3A, %dma_wait3A_2376, %dma_wait3A_2377] : memref<32x25x128xi32, #tpu.memory_space<hbm>> -> memref<1x25x128xi32, #tpu.memory_space<hbm>>
      %dma_wait3A_2379 = tpu.memref_squeeze %dma_wait3A_2378 : memref<1x25x128xi32, #tpu.memory_space<hbm>> -> memref<25x128xi32, #tpu.memory_space<hbm>>
      %dma_wait3A_2380 = arith.constant 0 : i32
      %dma_wait3A_2381 = arith.constant 0 : i32
      %dma_wait3A_2382 = tpu.memref_slice %arg3[%add3A, %dma_wait3A_2380, %dma_wait3A_2381] : memref<32x25x128xi32, #tpu.memory_space<hbm>> -> memref<1x25x128xi32, #tpu.memory_space<hbm>>
      %dma_wait3A_2383 = tpu.memref_squeeze %dma_wait3A_2382 : memref<1x25x128xi32, #tpu.memory_space<hbm>> -> memref<25x128xi32, #tpu.memory_space<hbm>>
      tpu.wait_dma2 semaphore(%run_scoped3A : memref<!tpu.dma_semaphore, #tpu.memory_space<semaphore_mem>>) src(%dma_wait3A_2383 : memref<25x128xi32, #tpu.memory_space<hbm>>) dst(%arg13 : memref<25x128xi32, #tpu.memory_space<vmem>>)
      tpu.yield
    }) : () -> ()
    %mul3A_9 = arith.constant 128 : i32
    %mul3A_10 = arith.muli %add3A, %mul3A_9 : i32
    "tpu.region"() ({
      %run_scoped3A = tpu.sem_alloc : memref<!tpu.dma_semaphore, #tpu.memory_space<semaphore_mem>>
      %dma_start3A_2368 = tpu.memref_slice %arg5[%mul3A_10] : memref<4096xi32, #tpu.memory_space<hbm>> -> memref<128xi32, #tpu.memory_space<hbm>>
      %dma_start3A_2369 = tpu.memref_slice %arg5[%mul3A_10] : memref<4096xi32, #tpu.memory_space<hbm>> -> memref<128xi32, #tpu.memory_space<hbm>>
      tpu.enqueue_dma source(%dma_start3A_2369 : memref<128xi32, #tpu.memory_space<hbm>>) target(%arg16 : memref<128xi32, #tpu.memory_space<vmem>>) target_semaphore(%run_scoped3A : memref<!tpu.dma_semaphore, #tpu.memory_space<semaphore_mem>>)
      %dma_wait3A_2370 = tpu.memref_slice %arg5[%mul3A_10] : memref<4096xi32, #tpu.memory_space<hbm>> -> memref<128xi32, #tpu.memory_space<hbm>>
      %dma_wait3A_2371 = tpu.memref_slice %arg5[%mul3A_10] : memref<4096xi32, #tpu.memory_space<hbm>> -> memref<128xi32, #tpu.memory_space<hbm>>
      tpu.wait_dma2 semaphore(%run_scoped3A : memref<!tpu.dma_semaphore, #tpu.memory_space<semaphore_mem>>) src(%dma_wait3A_2371 : memref<128xi32, #tpu.memory_space<hbm>>) dst(%arg16 : memref<128xi32, #tpu.memory_space<vmem>>)
      tpu.yield
    }) : () -> ()
    %add3A_11 = arith.constant 0 : i32
    %add3A_12 = arith.addi %add3A_11, %add3A : i32
    %min3A = arith.constant 780 : i32
    %min3A_13 = arith.minsi %add3A_12, %min3A : i32
    %mul3A_14 = arith.constant 128 : i32
    %mul3A_15 = arith.muli %min3A_13, %mul3A_14 : i32
    %dma_start3A = arith.constant 0 : i32
    %dma_start3A_16 = arith.constant 0 : i32
    %dma_start3A_17 = arith.constant 0 : i32
    %dma_start3A_18 = arith.constant 0 : i32
    %dma_start3A_19 = tpu.memref_slice %arg12[%dma_start3A, %dma_start3A_17, %dma_start3A_18] : memref<3x128x128xf32, #tpu.memory_space<vmem>> -> memref<1x128x128xf32, #tpu.memory_space<vmem>>
    %dma_start3A_20 = tpu.memref_squeeze %dma_start3A_19 : memref<1x128x128xf32, #tpu.memory_space<vmem>> -> memref<128x128xf32, #tpu.memory_space<vmem>>
    %dma_start3A_21 = arith.constant 0 : i32
    %dma_start3A_22 = tpu.memref_slice %arg2[%mul3A_15, %dma_start3A_21] : memref<100000x128xf32, #tpu.memory_space<hbm>> -> memref<128x128xf32, #tpu.memory_space<hbm>>
    %dma_start3A_23 = tpu.memref_slice %arg20[%dma_start3A_16] : memref<3x!tpu.dma_semaphore, #tpu.memory_space<semaphore_mem>> -> memref<1x!tpu.dma_semaphore, #tpu.memory_space<semaphore_mem>>
    %dma_start3A_24 = tpu.memref_squeeze %dma_start3A_23 : memref<1x!tpu.dma_semaphore, #tpu.memory_space<semaphore_mem>> -> memref<!tpu.dma_semaphore, #tpu.memory_space<semaphore_mem>>
    %dma_start3A_25 = arith.constant 0 : i32
    %dma_start3A_26 = arith.constant 0 : i32
    %dma_start3A_27 = tpu.memref_slice %arg12[%dma_start3A, %dma_start3A_25, %dma_start3A_26] : memref<3x128x128xf32, #tpu.memory_space<vmem>> -> memref<1x128x128xf32, #tpu.memory_space<vmem>>
    %dma_start3A_28 = tpu.memref_squeeze %dma_start3A_27 : memref<1x128x128xf32, #tpu.memory_space<vmem>> -> memref<128x128xf32, #tpu.memory_space<vmem>>
    %dma_start3A_29 = arith.constant 0 : i32
    %dma_start3A_30 = tpu.memref_slice %arg2[%mul3A_15, %dma_start3A_29] : memref<100000x128xf32, #tpu.memory_space<hbm>> -> memref<128x128xf32, #tpu.memory_space<hbm>>
    tpu.enqueue_dma source(%dma_start3A_30 : memref<128x128xf32, #tpu.memory_space<hbm>>) target(%dma_start3A_28 : memref<128x128xf32, #tpu.memory_space<vmem>>) target_semaphore(%dma_start3A_24 : memref<!tpu.dma_semaphore, #tpu.memory_space<semaphore_mem>>)
    %add3A_31 = arith.constant 32 : i32
    %add3A_32 = arith.addi %add3A_31, %add3A : i32
    %min3A_33 = arith.constant 780 : i32
    %min3A_34 = arith.minsi %add3A_32, %min3A_33 : i32
    %mul3A_35 = arith.constant 128 : i32
    %mul3A_36 = arith.muli %min3A_34, %mul3A_35 : i32
    %dma_start3A_37 = arith.constant 1 : i32
    %dma_start3A_38 = arith.constant 1 : i32
    %dma_start3A_39 = arith.constant 0 : i32
    %dma_start3A_40 = arith.constant 0 : i32
    %dma_start3A_41 = tpu.memref_slice %arg12[%dma_start3A_37, %dma_start3A_39, %dma_start3A_40] : memref<3x128x128xf32, #tpu.memory_space<vmem>> -> memref<1x128x128xf32, #tpu.memory_space<vmem>>
    %dma_start3A_42 = tpu.memref_squeeze %dma_start3A_41 : memref<1x128x128xf32, #tpu.memory_space<vmem>> -> memref<128x128xf32, #tpu.memory_space<vmem>>
    %dma_start3A_43 = arith.constant 0 : i32
    %dma_start3A_44 = tpu.memref_slice %arg2[%mul3A_36, %dma_start3A_43] : memref<100000x128xf32, #tpu.memory_space<hbm>> -> memref<128x128xf32, #tpu.memory_space<hbm>>
    %dma_start3A_45 = tpu.memref_slice %arg20[%dma_start3A_38] : memref<3x!tpu.dma_semaphore, #tpu.memory_space<semaphore_mem>> -> memref<1x!tpu.dma_semaphore, #tpu.memory_space<semaphore_mem>>
    %dma_start3A_46 = tpu.memref_squeeze %dma_start3A_45 : memref<1x!tpu.dma_semaphore, #tpu.memory_space<semaphore_mem>> -> memref<!tpu.dma_semaphore, #tpu.memory_space<semaphore_mem>>
    %dma_start3A_47 = arith.constant 0 : i32
    %dma_start3A_48 = arith.constant 0 : i32
    %dma_start3A_49 = tpu.memref_slice %arg12[%dma_start3A_37, %dma_start3A_47, %dma_start3A_48] : memref<3x128x128xf32, #tpu.memory_space<vmem>> -> memref<1x128x128xf32, #tpu.memory_space<vmem>>
    %dma_start3A_50 = tpu.memref_squeeze %dma_start3A_49 : memref<1x128x128xf32, #tpu.memory_space<vmem>> -> memref<128x128xf32, #tpu.memory_space<vmem>>
    %dma_start3A_51 = arith.constant 0 : i32
    %dma_start3A_52 = tpu.memref_slice %arg2[%mul3A_36, %dma_start3A_51] : memref<100000x128xf32, #tpu.memory_space<hbm>> -> memref<128x128xf32, #tpu.memory_space<hbm>>
    tpu.enqueue_dma source(%dma_start3A_52 : memref<128x128xf32, #tpu.memory_space<hbm>>) target(%dma_start3A_50 : memref<128x128xf32, #tpu.memory_space<vmem>>) target_semaphore(%dma_start3A_46 : memref<!tpu.dma_semaphore, #tpu.memory_space<semaphore_mem>>)
    %add3A_53 = arith.constant 64 : i32
    %add3A_54 = arith.addi %add3A_53, %add3A : i32
    %min3A_55 = arith.constant 780 : i32
    %min3A_56 = arith.minsi %add3A_54, %min3A_55 : i32
    %mul3A_57 = arith.constant 128 : i32
    %mul3A_58 = arith.muli %min3A_56, %mul3A_57 : i32
    %dma_start3A_59 = arith.constant 2 : i32
    %dma_start3A_60 = arith.constant 2 : i32
    %dma_start3A_61 = arith.constant 0 : i32
    %dma_start3A_62 = arith.constant 0 : i32
    %dma_start3A_63 = tpu.memref_slice %arg12[%dma_start3A_59, %dma_start3A_61, %dma_start3A_62] : memref<3x128x128xf32, #tpu.memory_space<vmem>> -> memref<1x128x128xf32, #tpu.memory_space<vmem>>
    %dma_start3A_64 = tpu.memref_squeeze %dma_start3A_63 : memref<1x128x128xf32, #tpu.memory_space<vmem>> -> memref<128x128xf32, #tpu.memory_space<vmem>>
    %dma_start3A_65 = arith.constant 0 : i32
    %dma_start3A_66 = tpu.memref_slice %arg2[%mul3A_58, %dma_start3A_65] : memref<100000x128xf32, #tpu.memory_space<hbm>> -> memref<128x128xf32, #tpu.memory_space<hbm>>
    %dma_start3A_67 = tpu.memref_slice %arg20[%dma_start3A_60] : memref<3x!tpu.dma_semaphore, #tpu.memory_space<semaphore_mem>> -> memref<1x!tpu.dma_semaphore, #tpu.memory_space<semaphore_mem>>
    %dma_start3A_68 = tpu.memref_squeeze %dma_start3A_67 : memref<1x!tpu.dma_semaphore, #tpu.memory_space<semaphore_mem>> -> memref<!tpu.dma_semaphore, #tpu.memory_space<semaphore_mem>>
    %dma_start3A_69 = arith.constant 0 : i32
    %dma_start3A_70 = arith.constant 0 : i32
    %dma_start3A_71 = tpu.memref_slice %arg12[%dma_start3A_59, %dma_start3A_69, %dma_start3A_70] : memref<3x128x128xf32, #tpu.memory_space<vmem>> -> memref<1x128x128xf32, #tpu.memory_space<vmem>>
    %dma_start3A_72 = tpu.memref_squeeze %dma_start3A_71 : memref<1x128x128xf32, #tpu.memory_space<vmem>> -> memref<128x128xf32, #tpu.memory_space<vmem>>
    %dma_start3A_73 = arith.constant 0 : i32
    %dma_start3A_74 = tpu.memref_slice %arg2[%mul3A_58, %dma_start3A_73] : memref<100000x128xf32, #tpu.memory_space<hbm>> -> memref<128x128xf32, #tpu.memory_space<hbm>>
    tpu.enqueue_dma source(%dma_start3A_74 : memref<128x128xf32, #tpu.memory_space<hbm>>) target(%dma_start3A_72 : memref<128x128xf32, #tpu.memory_space<vmem>>) target_semaphore(%dma_start3A_68 : memref<!tpu.dma_semaphore, #tpu.memory_space<semaphore_mem>>)
    %barrier3A = arith.constant 0 : index
    tpu.barrier barrier_id(%barrier3A)
    %add3A_75 = arith.constant 0 : i32
    %add3A_76 = arith.addi %add3A_75, %add3A : i32
    %min3A_77 = arith.constant 780 : i32
    %min3A_78 = arith.minsi %add3A_76, %min3A_77 : i32
    %mul3A_79 = arith.constant 128 : i32
    %mul3A_80 = arith.muli %min3A_78, %mul3A_79 : i32
    %dma_wait3A = arith.constant 0 : i32
    %dma_wait3A_81 = arith.constant 0 : i32
    %dma_wait3A_82 = arith.constant 0 : i32
    %dma_wait3A_83 = arith.constant 0 : i32
    %dma_wait3A_84 = tpu.memref_slice %arg12[%dma_wait3A, %dma_wait3A_82, %dma_wait3A_83] : memref<3x128x128xf32, #tpu.memory_space<vmem>> -> memref<1x128x128xf32, #tpu.memory_space<vmem>>
    %dma_wait3A_85 = tpu.memref_squeeze %dma_wait3A_84 : memref<1x128x128xf32, #tpu.memory_space<vmem>> -> memref<128x128xf32, #tpu.memory_space<vmem>>
    %dma_wait3A_86 = arith.constant 0 : i32
    %dma_wait3A_87 = tpu.memref_slice %arg2[%mul3A_80, %dma_wait3A_86] : memref<100000x128xf32, #tpu.memory_space<hbm>> -> memref<128x128xf32, #tpu.memory_space<hbm>>
    %dma_wait3A_88 = tpu.memref_slice %arg20[%dma_wait3A_81] : memref<3x!tpu.dma_semaphore, #tpu.memory_space<semaphore_mem>> -> memref<1x!tpu.dma_semaphore, #tpu.memory_space<semaphore_mem>>
    %dma_wait3A_89 = tpu.memref_squeeze %dma_wait3A_88 : memref<1x!tpu.dma_semaphore, #tpu.memory_space<semaphore_mem>> -> memref<!tpu.dma_semaphore, #tpu.memory_space<semaphore_mem>>
    %dma_wait3A_90 = arith.constant 0 : i32
    %dma_wait3A_91 = arith.constant 0 : i32
    %dma_wait3A_92 = tpu.memref_slice %arg12[%dma_wait3A, %dma_wait3A_90, %dma_wait3A_91] : memref<3x128x128xf32, #tpu.memory_space<vmem>> -> memref<1x128x128xf32, #tpu.memory_space<vmem>>
    %dma_wait3A_93 = tpu.memref_squeeze %dma_wait3A_92 : memref<1x128x128xf32, #tpu.memory_space<vmem>> -> memref<128x128xf32, #tpu.memory_space<vmem>>
    %dma_wait3A_94 = arith.constant 0 : i32
    %dma_wait3A_95 = tpu.memref_slice %arg2[%mul3A_80, %dma_wait3A_94] : memref<100000x128xf32, #tpu.memory_space<hbm>> -> memref<128x128xf32, #tpu.memory_space<hbm>>
    tpu.wait_dma2 semaphore(%dma_wait3A_89 : memref<!tpu.dma_semaphore, #tpu.memory_space<semaphore_mem>>) src(%dma_wait3A_95 : memref<128x128xf32, #tpu.memory_space<hbm>>) dst(%dma_wait3A_93 : memref<128x128xf32, #tpu.memory_space<vmem>>)
    %dma_start3A_96 = arith.constant 0 : i32
    %dma_start3A_97 = arith.constant 0 : i32
    %dma_start3A_98 = arith.constant 0 : i32
    %dma_start3A_99 = arith.constant 0 : i32
    %dma_start3A_100 = arith.constant 0 : i32
    %dma_start3A_101 = tpu.memref_slice %arg12[%dma_start3A_96, %dma_start3A_99, %dma_start3A_100] : memref<3x128x128xf32, #tpu.memory_space<vmem>> -> memref<1x128x128xf32, #tpu.memory_space<vmem>>
    %dma_start3A_102 = tpu.memref_squeeze %dma_start3A_101 : memref<1x128x128xf32, #tpu.memory_space<vmem>> -> memref<128x128xf32, #tpu.memory_space<vmem>>
    %dma_start3A_103 = arith.constant 0 : i32
    %dma_start3A_104 = tpu.memref_slice %arg13[%dma_start3A_97, %dma_start3A_103] : memref<25x128xi32, #tpu.memory_space<vmem>> -> memref<1x128xi32, #tpu.memory_space<vmem>>
    %dma_start3A_105 = tpu.memref_squeeze %dma_start3A_104 : memref<1x128xi32, #tpu.memory_space<vmem>> -> memref<128xi32, #tpu.memory_space<vmem>>
    %dma_start3A_106 = arith.constant 0 : i32
    %dma_start3A_107 = arith.constant 0 : i32
    %dma_start3A_108 = tpu.memref_slice %arg18[%dma_start3A_106, %dma_start3A_107] : memref<1024x128xf32, #tpu.memory_space<vmem_shared>> -> memref<1024x128xf32, #tpu.memory_space<vmem_shared>>
    %dma_start3A_109 = tpu.memref_slice %arg21[%dma_start3A_98] : memref<2x!tpu.dma_semaphore, #tpu.memory_space<semaphore_mem>> -> memref<1x!tpu.dma_semaphore, #tpu.memory_space<semaphore_mem>>
    %dma_start3A_110 = tpu.memref_squeeze %dma_start3A_109 : memref<1x!tpu.dma_semaphore, #tpu.memory_space<semaphore_mem>> -> memref<!tpu.dma_semaphore, #tpu.memory_space<semaphore_mem>>
    tpu.enqueue_indirect_dma source(%dma_start3A_102 : memref<128x128xf32, #tpu.memory_space<vmem>>) target(%dma_start3A_108 : memref<1024x128xf32, #tpu.memory_space<vmem_shared>>) offsets(%dma_start3A_105 : memref<128xi32, #tpu.memory_space<vmem>>) semaphore(%dma_start3A_110 : memref<!tpu.dma_semaphore, #tpu.memory_space<semaphore_mem>>) {add = true}
    %dma_start3A_111 = arith.constant 0 : i32
    %dma_start3A_112 = arith.constant 0 : i32
    %dma_start3A_113 = arith.constant 0 : i32
    %dma_start3A_114 = tpu.memref_slice %arg13[%dma_start3A_111, %dma_start3A_113] : memref<25x128xi32, #tpu.memory_space<vmem>> -> memref<1x128xi32, #tpu.memory_space<vmem>>
    %dma_start3A_115 = tpu.memref_squeeze %dma_start3A_114 : memref<1x128xi32, #tpu.memory_space<vmem>> -> memref<128xi32, #tpu.memory_space<vmem>>
    %dma_start3A_116 = arith.constant 0 : i32
    %dma_start3A_117 = arith.constant 0 : i32
    %dma_start3A_118 = tpu.memref_slice %arg19[%dma_start3A_116, %dma_start3A_117] : memref<1024x16xf32, #tpu.memory_space<vmem_shared>> -> memref<1024x16xf32, #tpu.memory_space<vmem_shared>>
    %dma_start3A_119 = tpu.memref_slice %arg22[%dma_start3A_112] : memref<2x!tpu.dma_semaphore, #tpu.memory_space<semaphore_mem>> -> memref<1x!tpu.dma_semaphore, #tpu.memory_space<semaphore_mem>>
    %dma_start3A_120 = tpu.memref_squeeze %dma_start3A_119 : memref<1x!tpu.dma_semaphore, #tpu.memory_space<semaphore_mem>> -> memref<!tpu.dma_semaphore, #tpu.memory_space<semaphore_mem>>
    tpu.enqueue_indirect_dma source(%arg15 : memref<128x16xf32, #tpu.memory_space<vmem>>) target(%dma_start3A_118 : memref<1024x16xf32, #tpu.memory_space<vmem_shared>>) offsets(%dma_start3A_115 : memref<128xi32, #tpu.memory_space<vmem>>) semaphore(%dma_start3A_120 : memref<!tpu.dma_semaphore, #tpu.memory_space<semaphore_mem>>) {add = true}
    %dma_wait3A_121 = arith.constant 0 : i32
    %dma_wait3A_122 = arith.constant 0 : i32
    %dma_wait3A_123 = arith.constant 0 : i32
    %dma_wait3A_124 = arith.constant 0 : i32
    %dma_wait3A_125 = arith.constant 0 : i32
    %dma_wait3A_126 = tpu.memref_slice %arg12[%dma_wait3A_121, %dma_wait3A_124, %dma_wait3A_125] : memref<3x128x128xf32, #tpu.memory_space<vmem>> -> memref<1x128x128xf32, #tpu.memory_space<vmem>>
    %dma_wait3A_127 = tpu.memref_squeeze %dma_wait3A_126 : memref<1x128x128xf32, #tpu.memory_space<vmem>> -> memref<128x128xf32, #tpu.memory_space<vmem>>
    %dma_wait3A_128 = arith.constant 0 : i32
    %dma_wait3A_129 = tpu.memref_slice %arg13[%dma_wait3A_122, %dma_wait3A_128] : memref<25x128xi32, #tpu.memory_space<vmem>> -> memref<1x128xi32, #tpu.memory_space<vmem>>
    %dma_wait3A_130 = tpu.memref_squeeze %dma_wait3A_129 : memref<1x128xi32, #tpu.memory_space<vmem>> -> memref<128xi32, #tpu.memory_space<vmem>>
    %dma_wait3A_131 = arith.constant 0 : i32
    %dma_wait3A_132 = arith.constant 0 : i32
    %dma_wait3A_133 = tpu.memref_slice %arg18[%dma_wait3A_131, %dma_wait3A_132] : memref<1024x128xf32, #tpu.memory_space<vmem_shared>> -> memref<1024x128xf32, #tpu.memory_space<vmem_shared>>
    %dma_wait3A_134 = tpu.memref_slice %arg21[%dma_wait3A_123] : memref<2x!tpu.dma_semaphore, #tpu.memory_space<semaphore_mem>> -> memref<1x!tpu.dma_semaphore, #tpu.memory_space<semaphore_mem>>
    %dma_wait3A_135 = tpu.memref_squeeze %dma_wait3A_134 : memref<1x!tpu.dma_semaphore, #tpu.memory_space<semaphore_mem>> -> memref<!tpu.dma_semaphore, #tpu.memory_space<semaphore_mem>>
    tpu.wait_indirect_dma semaphore(%dma_wait3A_135 : memref<!tpu.dma_semaphore, #tpu.memory_space<semaphore_mem>>) src(%dma_wait3A_127 : memref<128x128xf32, #tpu.memory_space<vmem>>) dst(%dma_wait3A_133 : memref<1024x128xf32, #tpu.memory_space<vmem_shared>>)
    %dma_wait3A_136 = arith.constant 0 : i32
    %dma_wait3A_137 = arith.constant 0 : i32
    %dma_wait3A_138 = arith.constant 0 : i32
    %dma_wait3A_139 = tpu.memref_slice %arg13[%dma_wait3A_136, %dma_wait3A_138] : memref<25x128xi32, #tpu.memory_space<vmem>> -> memref<1x128xi32, #tpu.memory_space<vmem>>
    %dma_wait3A_140 = tpu.memref_squeeze %dma_wait3A_139 : memref<1x128xi32, #tpu.memory_space<vmem>> -> memref<128xi32, #tpu.memory_space<vmem>>
    %dma_wait3A_141 = arith.constant 0 : i32
    %dma_wait3A_142 = arith.constant 0 : i32
    %dma_wait3A_143 = tpu.memref_slice %arg19[%dma_wait3A_141, %dma_wait3A_142] : memref<1024x16xf32, #tpu.memory_space<vmem_shared>> -> memref<1024x16xf32, #tpu.memory_space<vmem_shared>>
    %dma_wait3A_144 = tpu.memref_slice %arg22[%dma_wait3A_137] : memref<2x!tpu.dma_semaphore, #tpu.memory_space<semaphore_mem>> -> memref<1x!tpu.dma_semaphore, #tpu.memory_space<semaphore_mem>>
    %dma_wait3A_145 = tpu.memref_squeeze %dma_wait3A_144 : memref<1x!tpu.dma_semaphore, #tpu.memory_space<semaphore_mem>> -> memref<!tpu.dma_semaphore, #tpu.memory_space<semaphore_mem>>
    tpu.wait_indirect_dma semaphore(%dma_wait3A_145 : memref<!tpu.dma_semaphore, #tpu.memory_space<semaphore_mem>>) src(%arg15 : memref<128x16xf32, #tpu.memory_space<vmem>>) dst(%dma_wait3A_143 : memref<1024x16xf32, #tpu.memory_space<vmem_shared>>)
    %add3A_146 = arith.constant 96 : i32
    %add3A_147 = arith.addi %add3A_146, %add3A : i32
    %min3A_148 = arith.constant 780 : i32
    %min3A_149 = arith.minsi %add3A_147, %min3A_148 : i32
    %mul3A_150 = arith.constant 128 : i32
    %mul3A_151 = arith.muli %min3A_149, %mul3A_150 : i32
    %dma_start3A_152 = arith.constant 0 : i32
    %dma_start3A_153 = arith.constant 0 : i32
    %dma_start3A_154 = arith.constant 0 : i32
    %dma_start3A_155 = arith.constant 0 : i32
    %dma_start3A_156 = tpu.memref_slice %arg12[%dma_start3A_152, %dma_start3A_154, %dma_start3A_155] : memref<3x128x128xf32, #tpu.memory_space<vmem>> -> memref<1x128x128xf32, #tpu.memory_space<vmem>>
    %dma_start3A_157 = tpu.memref_squeeze %dma_start3A_156 : memref<1x128x128xf32, #tpu.memory_space<vmem>> -> memref<128x128xf32, #tpu.memory_space<vmem>>
    %dma_start3A_158 = arith.constant 0 : i32
    %dma_start3A_159 = tpu.memref_slice %arg2[%mul3A_151, %dma_start3A_158] : memref<100000x128xf32, #tpu.memory_space<hbm>> -> memref<128x128xf32, #tpu.memory_space<hbm>>
    %dma_start3A_160 = tpu.memref_slice %arg20[%dma_start3A_153] : memref<3x!tpu.dma_semaphore, #tpu.memory_space<semaphore_mem>> -> memref<1x!tpu.dma_semaphore, #tpu.memory_space<semaphore_mem>>
    %dma_start3A_161 = tpu.memref_squeeze %dma_start3A_160 : memref<1x!tpu.dma_semaphore, #tpu.memory_space<semaphore_mem>> -> memref<!tpu.dma_semaphore, #tpu.memory_space<semaphore_mem>>
    %dma_start3A_162 = arith.constant 0 : i32
    %dma_start3A_163 = arith.constant 0 : i32
    %dma_start3A_164 = tpu.memref_slice %arg12[%dma_start3A_152, %dma_start3A_162, %dma_start3A_163] : memref<3x128x128xf32, #tpu.memory_space<vmem>> -> memref<1x128x128xf32, #tpu.memory_space<vmem>>
    %dma_start3A_165 = tpu.memref_squeeze %dma_start3A_164 : memref<1x128x128xf32, #tpu.memory_space<vmem>> -> memref<128x128xf32, #tpu.memory_space<vmem>>
    %dma_start3A_166 = arith.constant 0 : i32
    %dma_start3A_167 = tpu.memref_slice %arg2[%mul3A_151, %dma_start3A_166] : memref<100000x128xf32, #tpu.memory_space<hbm>> -> memref<128x128xf32, #tpu.memory_space<hbm>>
    tpu.enqueue_dma source(%dma_start3A_167 : memref<128x128xf32, #tpu.memory_space<hbm>>) target(%dma_start3A_165 : memref<128x128xf32, #tpu.memory_space<vmem>>) target_semaphore(%dma_start3A_161 : memref<!tpu.dma_semaphore, #tpu.memory_space<semaphore_mem>>)
    %add3A_168 = arith.constant 32 : i32
    %add3A_169 = arith.addi %add3A_168, %add3A : i32
    %min3A_170 = arith.constant 780 : i32
    %min3A_171 = arith.minsi %add3A_169, %min3A_170 : i32
    %mul3A_172 = arith.constant 128 : i32
    %mul3A_173 = arith.muli %min3A_171, %mul3A_172 : i32
    %dma_wait3A_174 = arith.constant 1 : i32
    %dma_wait3A_175 = arith.constant 1 : i32
    %dma_wait3A_176 = arith.constant 0 : i32
    %dma_wait3A_177 = arith.constant 0 : i32
    %dma_wait3A_178 = tpu.memref_slice %arg12[%dma_wait3A_174, %dma_wait3A_176, %dma_wait3A_177] : memref<3x128x128xf32, #tpu.memory_space<vmem>> -> memref<1x128x128xf32, #tpu.memory_space<vmem>>
    %dma_wait3A_179 = tpu.memref_squeeze %dma_wait3A_178 : memref<1x128x128xf32, #tpu.memory_space<vmem>> -> memref<128x128xf32, #tpu.memory_space<vmem>>
    %dma_wait3A_180 = arith.constant 0 : i32
    %dma_wait3A_181 = tpu.memref_slice %arg2[%mul3A_173, %dma_wait3A_180] : memref<100000x128xf32, #tpu.memory_space<hbm>> -> memref<128x128xf32, #tpu.memory_space<hbm>>
    %dma_wait3A_182 = tpu.memref_slice %arg20[%dma_wait3A_175] : memref<3x!tpu.dma_semaphore, #tpu.memory_space<semaphore_mem>> -> memref<1x!tpu.dma_semaphore, #tpu.memory_space<semaphore_mem>>
    %dma_wait3A_183 = tpu.memref_squeeze %dma_wait3A_182 : memref<1x!tpu.dma_semaphore, #tpu.memory_space<semaphore_mem>> -> memref<!tpu.dma_semaphore, #tpu.memory_space<semaphore_mem>>
    %dma_wait3A_184 = arith.constant 0 : i32
    %dma_wait3A_185 = arith.constant 0 : i32
    %dma_wait3A_186 = tpu.memref_slice %arg12[%dma_wait3A_174, %dma_wait3A_184, %dma_wait3A_185] : memref<3x128x128xf32, #tpu.memory_space<vmem>> -> memref<1x128x128xf32, #tpu.memory_space<vmem>>
    %dma_wait3A_187 = tpu.memref_squeeze %dma_wait3A_186 : memref<1x128x128xf32, #tpu.memory_space<vmem>> -> memref<128x128xf32, #tpu.memory_space<vmem>>
    %dma_wait3A_188 = arith.constant 0 : i32
    %dma_wait3A_189 = tpu.memref_slice %arg2[%mul3A_173, %dma_wait3A_188] : memref<100000x128xf32, #tpu.memory_space<hbm>> -> memref<128x128xf32, #tpu.memory_space<hbm>>
    tpu.wait_dma2 semaphore(%dma_wait3A_183 : memref<!tpu.dma_semaphore, #tpu.memory_space<semaphore_mem>>) src(%dma_wait3A_189 : memref<128x128xf32, #tpu.memory_space<hbm>>) dst(%dma_wait3A_187 : memref<128x128xf32, #tpu.memory_space<vmem>>)
    %dma_start3A_190 = arith.constant 1 : i32
    %dma_start3A_191 = arith.constant 1 : i32
    %dma_start3A_192 = arith.constant 1 : i32
    %dma_start3A_193 = arith.constant 0 : i32
    %dma_start3A_194 = arith.constant 0 : i32
    %dma_start3A_195 = tpu.memref_slice %arg12[%dma_start3A_190, %dma_start3A_193, %dma_start3A_194] : memref<3x128x128xf32, #tpu.memory_space<vmem>> -> memref<1x128x128xf32, #tpu.memory_space<vmem>>
    %dma_start3A_196 = tpu.memref_squeeze %dma_start3A_195 : memref<1x128x128xf32, #tpu.memory_space<vmem>> -> memref<128x128xf32, #tpu.memory_space<vmem>>
    %dma_start3A_197 = arith.constant 0 : i32
    %dma_start3A_198 = tpu.memref_slice %arg13[%dma_start3A_191, %dma_start3A_197] : memref<25x128xi32, #tpu.memory_space<vmem>> -> memref<1x128xi32, #tpu.memory_space<vmem>>
    %dma_start3A_199 = tpu.memref_squeeze %dma_start3A_198 : memref<1x128xi32, #tpu.memory_space<vmem>> -> memref<128xi32, #tpu.memory_space<vmem>>
    %dma_start3A_200 = arith.constant 0 : i32
    %dma_start3A_201 = arith.constant 0 : i32
    %dma_start3A_202 = tpu.memref_slice %arg18[%dma_start3A_200, %dma_start3A_201] : memref<1024x128xf32, #tpu.memory_space<vmem_shared>> -> memref<1024x128xf32, #tpu.memory_space<vmem_shared>>
    %dma_start3A_203 = tpu.memref_slice %arg21[%dma_start3A_192] : memref<2x!tpu.dma_semaphore, #tpu.memory_space<semaphore_mem>> -> memref<1x!tpu.dma_semaphore, #tpu.memory_space<semaphore_mem>>
    %dma_start3A_204 = tpu.memref_squeeze %dma_start3A_203 : memref<1x!tpu.dma_semaphore, #tpu.memory_space<semaphore_mem>> -> memref<!tpu.dma_semaphore, #tpu.memory_space<semaphore_mem>>
    tpu.enqueue_indirect_dma source(%dma_start3A_196 : memref<128x128xf32, #tpu.memory_space<vmem>>) target(%dma_start3A_202 : memref<1024x128xf32, #tpu.memory_space<vmem_shared>>) offsets(%dma_start3A_199 : memref<128xi32, #tpu.memory_space<vmem>>) semaphore(%dma_start3A_204 : memref<!tpu.dma_semaphore, #tpu.memory_space<semaphore_mem>>) {add = true}
    %dma_start3A_205 = arith.constant 1 : i32
    %dma_start3A_206 = arith.constant 1 : i32
    %dma_start3A_207 = arith.constant 0 : i32
    %dma_start3A_208 = tpu.memref_slice %arg13[%dma_start3A_205, %dma_start3A_207] : memref<25x128xi32, #tpu.memory_space<vmem>> -> memref<1x128xi32, #tpu.memory_space<vmem>>
    %dma_start3A_209 = tpu.memref_squeeze %dma_start3A_208 : memref<1x128xi32, #tpu.memory_space<vmem>> -> memref<128xi32, #tpu.memory_space<vmem>>
    %dma_start3A_210 = arith.constant 0 : i32
    %dma_start3A_211 = arith.constant 0 : i32
    %dma_start3A_212 = tpu.memref_slice %arg19[%dma_start3A_210, %dma_start3A_211] : memref<1024x16xf32, #tpu.memory_space<vmem_shared>> -> memref<1024x16xf32, #tpu.memory_space<vmem_shared>>
    %dma_start3A_213 = tpu.memref_slice %arg22[%dma_start3A_206] : memref<2x!tpu.dma_semaphore, #tpu.memory_space<semaphore_mem>> -> memref<1x!tpu.dma_semaphore, #tpu.memory_space<semaphore_mem>>
    %dma_start3A_214 = tpu.memref_squeeze %dma_start3A_213 : memref<1x!tpu.dma_semaphore, #tpu.memory_space<semaphore_mem>> -> memref<!tpu.dma_semaphore, #tpu.memory_space<semaphore_mem>>
    tpu.enqueue_indirect_dma source(%arg15 : memref<128x16xf32, #tpu.memory_space<vmem>>) target(%dma_start3A_212 : memref<1024x16xf32, #tpu.memory_space<vmem_shared>>) offsets(%dma_start3A_209 : memref<128xi32, #tpu.memory_space<vmem>>) semaphore(%dma_start3A_214 : memref<!tpu.dma_semaphore, #tpu.memory_space<semaphore_mem>>) {add = true}
    %dma_wait3A_215 = arith.constant 1 : i32
    %dma_wait3A_216 = arith.constant 1 : i32
    %dma_wait3A_217 = arith.constant 1 : i32
    %dma_wait3A_218 = arith.constant 0 : i32
    %dma_wait3A_219 = arith.constant 0 : i32
    %dma_wait3A_220 = tpu.memref_slice %arg12[%dma_wait3A_215, %dma_wait3A_218, %dma_wait3A_219] : memref<3x128x128xf32, #tpu.memory_space<vmem>> -> memref<1x128x128xf32, #tpu.memory_space<vmem>>
    %dma_wait3A_221 = tpu.memref_squeeze %dma_wait3A_220 : memref<1x128x128xf32, #tpu.memory_space<vmem>> -> memref<128x128xf32, #tpu.memory_space<vmem>>
    %dma_wait3A_222 = arith.constant 0 : i32
    %dma_wait3A_223 = tpu.memref_slice %arg13[%dma_wait3A_216, %dma_wait3A_222] : memref<25x128xi32, #tpu.memory_space<vmem>> -> memref<1x128xi32, #tpu.memory_space<vmem>>
    %dma_wait3A_224 = tpu.memref_squeeze %dma_wait3A_223 : memref<1x128xi32, #tpu.memory_space<vmem>> -> memref<128xi32, #tpu.memory_space<vmem>>
    %dma_wait3A_225 = arith.constant 0 : i32
    %dma_wait3A_226 = arith.constant 0 : i32
    %dma_wait3A_227 = tpu.memref_slice %arg18[%dma_wait3A_225, %dma_wait3A_226] : memref<1024x128xf32, #tpu.memory_space<vmem_shared>> -> memref<1024x128xf32, #tpu.memory_space<vmem_shared>>
    %dma_wait3A_228 = tpu.memref_slice %arg21[%dma_wait3A_217] : memref<2x!tpu.dma_semaphore, #tpu.memory_space<semaphore_mem>> -> memref<1x!tpu.dma_semaphore, #tpu.memory_space<semaphore_mem>>
    %dma_wait3A_229 = tpu.memref_squeeze %dma_wait3A_228 : memref<1x!tpu.dma_semaphore, #tpu.memory_space<semaphore_mem>> -> memref<!tpu.dma_semaphore, #tpu.memory_space<semaphore_mem>>
    tpu.wait_indirect_dma semaphore(%dma_wait3A_229 : memref<!tpu.dma_semaphore, #tpu.memory_space<semaphore_mem>>) src(%dma_wait3A_221 : memref<128x128xf32, #tpu.memory_space<vmem>>) dst(%dma_wait3A_227 : memref<1024x128xf32, #tpu.memory_space<vmem_shared>>)
    %dma_wait3A_230 = arith.constant 1 : i32
    %dma_wait3A_231 = arith.constant 1 : i32
    %dma_wait3A_232 = arith.constant 0 : i32
    %dma_wait3A_233 = tpu.memref_slice %arg13[%dma_wait3A_230, %dma_wait3A_232] : memref<25x128xi32, #tpu.memory_space<vmem>> -> memref<1x128xi32, #tpu.memory_space<vmem>>
    %dma_wait3A_234 = tpu.memref_squeeze %dma_wait3A_233 : memref<1x128xi32, #tpu.memory_space<vmem>> -> memref<128xi32, #tpu.memory_space<vmem>>
    %dma_wait3A_235 = arith.constant 0 : i32
    %dma_wait3A_236 = arith.constant 0 : i32
    %dma_wait3A_237 = tpu.memref_slice %arg19[%dma_wait3A_235, %dma_wait3A_236] : memref<1024x16xf32, #tpu.memory_space<vmem_shared>> -> memref<1024x16xf32, #tpu.memory_space<vmem_shared>>
    %dma_wait3A_238 = tpu.memref_slice %arg22[%dma_wait3A_231] : memref<2x!tpu.dma_semaphore, #tpu.memory_space<semaphore_mem>> -> memref<1x!tpu.dma_semaphore, #tpu.memory_space<semaphore_mem>>
    %dma_wait3A_239 = tpu.memref_squeeze %dma_wait3A_238 : memref<1x!tpu.dma_semaphore, #tpu.memory_space<semaphore_mem>> -> memref<!tpu.dma_semaphore, #tpu.memory_space<semaphore_mem>>
    tpu.wait_indirect_dma semaphore(%dma_wait3A_239 : memref<!tpu.dma_semaphore, #tpu.memory_space<semaphore_mem>>) src(%arg15 : memref<128x16xf32, #tpu.memory_space<vmem>>) dst(%dma_wait3A_237 : memref<1024x16xf32, #tpu.memory_space<vmem_shared>>)
    %add3A_240 = arith.constant 128 : i32
    %add3A_241 = arith.addi %add3A_240, %add3A : i32
    %min3A_242 = arith.constant 780 : i32
    %min3A_243 = arith.minsi %add3A_241, %min3A_242 : i32
    %mul3A_244 = arith.constant 128 : i32
    %mul3A_245 = arith.muli %min3A_243, %mul3A_244 : i32
    %dma_start3A_246 = arith.constant 1 : i32
    %dma_start3A_247 = arith.constant 1 : i32
    %dma_start3A_248 = arith.constant 0 : i32
    %dma_start3A_249 = arith.constant 0 : i32
    %dma_start3A_250 = tpu.memref_slice %arg12[%dma_start3A_246, %dma_start3A_248, %dma_start3A_249] : memref<3x128x128xf32, #tpu.memory_space<vmem>> -> memref<1x128x128xf32, #tpu.memory_space<vmem>>
    %dma_start3A_251 = tpu.memref_squeeze %dma_start3A_250 : memref<1x128x128xf32, #tpu.memory_space<vmem>> -> memref<128x128xf32, #tpu.memory_space<vmem>>
    %dma_start3A_252 = arith.constant 0 : i32
    %dma_start3A_253 = tpu.memref_slice %arg2[%mul3A_245, %dma_start3A_252] : memref<100000x128xf32, #tpu.memory_space<hbm>> -> memref<128x128xf32, #tpu.memory_space<hbm>>
    %dma_start3A_254 = tpu.memref_slice %arg20[%dma_start3A_247] : memref<3x!tpu.dma_semaphore, #tpu.memory_space<semaphore_mem>> -> memref<1x!tpu.dma_semaphore, #tpu.memory_space<semaphore_mem>>
    %dma_start3A_255 = tpu.memref_squeeze %dma_start3A_254 : memref<1x!tpu.dma_semaphore, #tpu.memory_space<semaphore_mem>> -> memref<!tpu.dma_semaphore, #tpu.memory_space<semaphore_mem>>
    %dma_start3A_256 = arith.constant 0 : i32
    %dma_start3A_257 = arith.constant 0 : i32
    %dma_start3A_258 = tpu.memref_slice %arg12[%dma_start3A_246, %dma_start3A_256, %dma_start3A_257] : memref<3x128x128xf32, #tpu.memory_space<vmem>> -> memref<1x128x128xf32, #tpu.memory_space<vmem>>
    %dma_start3A_259 = tpu.memref_squeeze %dma_start3A_258 : memref<1x128x128xf32, #tpu.memory_space<vmem>> -> memref<128x128xf32, #tpu.memory_space<vmem>>
    %dma_start3A_260 = arith.constant 0 : i32
    %dma_start3A_261 = tpu.memref_slice %arg2[%mul3A_245, %dma_start3A_260] : memref<100000x128xf32, #tpu.memory_space<hbm>> -> memref<128x128xf32, #tpu.memory_space<hbm>>
    tpu.enqueue_dma source(%dma_start3A_261 : memref<128x128xf32, #tpu.memory_space<hbm>>) target(%dma_start3A_259 : memref<128x128xf32, #tpu.memory_space<vmem>>) target_semaphore(%dma_start3A_255 : memref<!tpu.dma_semaphore, #tpu.memory_space<semaphore_mem>>)
    %add3A_262 = arith.constant 64 : i32
    %add3A_263 = arith.addi %add3A_262, %add3A : i32
    %min3A_264 = arith.constant 780 : i32
    %min3A_265 = arith.minsi %add3A_263, %min3A_264 : i32
    %mul3A_266 = arith.constant 128 : i32
    %mul3A_267 = arith.muli %min3A_265, %mul3A_266 : i32
    %dma_wait3A_268 = arith.constant 2 : i32
    %dma_wait3A_269 = arith.constant 2 : i32
    %dma_wait3A_270 = arith.constant 0 : i32
    %dma_wait3A_271 = arith.constant 0 : i32
    %dma_wait3A_272 = tpu.memref_slice %arg12[%dma_wait3A_268, %dma_wait3A_270, %dma_wait3A_271] : memref<3x128x128xf32, #tpu.memory_space<vmem>> -> memref<1x128x128xf32, #tpu.memory_space<vmem>>
    %dma_wait3A_273 = tpu.memref_squeeze %dma_wait3A_272 : memref<1x128x128xf32, #tpu.memory_space<vmem>> -> memref<128x128xf32, #tpu.memory_space<vmem>>
    %dma_wait3A_274 = arith.constant 0 : i32
    %dma_wait3A_275 = tpu.memref_slice %arg2[%mul3A_267, %dma_wait3A_274] : memref<100000x128xf32, #tpu.memory_space<hbm>> -> memref<128x128xf32, #tpu.memory_space<hbm>>
    %dma_wait3A_276 = tpu.memref_slice %arg20[%dma_wait3A_269] : memref<3x!tpu.dma_semaphore, #tpu.memory_space<semaphore_mem>> -> memref<1x!tpu.dma_semaphore, #tpu.memory_space<semaphore_mem>>
    %dma_wait3A_277 = tpu.memref_squeeze %dma_wait3A_276 : memref<1x!tpu.dma_semaphore, #tpu.memory_space<semaphore_mem>> -> memref<!tpu.dma_semaphore, #tpu.memory_space<semaphore_mem>>
    %dma_wait3A_278 = arith.constant 0 : i32
    %dma_wait3A_279 = arith.constant 0 : i32
    %dma_wait3A_280 = tpu.memref_slice %arg12[%dma_wait3A_268, %dma_wait3A_278, %dma_wait3A_279] : memref<3x128x128xf32, #tpu.memory_space<vmem>> -> memref<1x128x128xf32, #tpu.memory_space<vmem>>
    %dma_wait3A_281 = tpu.memref_squeeze %dma_wait3A_280 : memref<1x128x128xf32, #tpu.memory_space<vmem>> -> memref<128x128xf32, #tpu.memory_space<vmem>>
    %dma_wait3A_282 = arith.constant 0 : i32
    %dma_wait3A_283 = tpu.memref_slice %arg2[%mul3A_267, %dma_wait3A_282] : memref<100000x128xf32, #tpu.memory_space<hbm>> -> memref<128x128xf32, #tpu.memory_space<hbm>>
    tpu.wait_dma2 semaphore(%dma_wait3A_277 : memref<!tpu.dma_semaphore, #tpu.memory_space<semaphore_mem>>) src(%dma_wait3A_283 : memref<128x128xf32, #tpu.memory_space<hbm>>) dst(%dma_wait3A_281 : memref<128x128xf32, #tpu.memory_space<vmem>>)
    %dma_start3A_284 = arith.constant 2 : i32
    %dma_start3A_285 = arith.constant 2 : i32
    %dma_start3A_286 = arith.constant 2 : i32
    %dma_start3A_287 = arith.constant 0 : i32
    %dma_start3A_288 = arith.constant 0 : i32
    %dma_start3A_289 = tpu.memref_slice %arg12[%dma_start3A_284, %dma_start3A_287, %dma_start3A_288] : memref<3x128x128xf32, #tpu.memory_space<vmem>> -> memref<1x128x128xf32, #tpu.memory_space<vmem>>
    %dma_start3A_290 = tpu.memref_squeeze %dma_start3A_289 : memref<1x128x128xf32, #tpu.memory_space<vmem>> -> memref<128x128xf32, #tpu.memory_space<vmem>>
    %dma_start3A_291 = arith.constant 0 : i32
    %dma_start3A_292 = tpu.memref_slice %arg13[%dma_start3A_285, %dma_start3A_291] : memref<25x128xi32, #tpu.memory_space<vmem>> -> memref<1x128xi32, #tpu.memory_space<vmem>>
    %dma_start3A_293 = tpu.memref_squeeze %dma_start3A_292 : memref<1x128xi32, #tpu.memory_space<vmem>> -> memref<128xi32, #tpu.memory_space<vmem>>
    %dma_start3A_294 = arith.constant 0 : i32
    %dma_start3A_295 = arith.constant 0 : i32
    %dma_start3A_296 = tpu.memref_slice %arg18[%dma_start3A_294, %dma_start3A_295] : memref<1024x128xf32, #tpu.memory_space<vmem_shared>> -> memref<1024x128xf32, #tpu.memory_space<vmem_shared>>
    %dma_start3A_297 = tpu.memref_slice %arg21[%dma_start3A_286] : memref<2x!tpu.dma_semaphore, #tpu.memory_space<semaphore_mem>> -> memref<1x!tpu.dma_semaphore, #tpu.memory_space<semaphore_mem>>
    %dma_start3A_298 = tpu.memref_squeeze %dma_start3A_297 : memref<1x!tpu.dma_semaphore, #tpu.memory_space<semaphore_mem>> -> memref<!tpu.dma_semaphore, #tpu.memory_space<semaphore_mem>>
    tpu.enqueue_indirect_dma source(%dma_start3A_290 : memref<128x128xf32, #tpu.memory_space<vmem>>) target(%dma_start3A_296 : memref<1024x128xf32, #tpu.memory_space<vmem_shared>>) offsets(%dma_start3A_293 : memref<128xi32, #tpu.memory_space<vmem>>) semaphore(%dma_start3A_298 : memref<!tpu.dma_semaphore, #tpu.memory_space<semaphore_mem>>) {add = true}
    %dma_start3A_299 = arith.constant 2 : i32
    %dma_start3A_300 = arith.constant 2 : i32
    %dma_start3A_301 = arith.constant 0 : i32
    %dma_start3A_302 = tpu.memref_slice %arg13[%dma_start3A_299, %dma_start3A_301] : memref<25x128xi32, #tpu.memory_space<vmem>> -> memref<1x128xi32, #tpu.memory_space<vmem>>
    %dma_start3A_303 = tpu.memref_squeeze %dma_start3A_302 : memref<1x128xi32, #tpu.memory_space<vmem>> -> memref<128xi32, #tpu.memory_space<vmem>>
    %dma_start3A_304 = arith.constant 0 : i32
    %dma_start3A_305 = arith.constant 0 : i32
    %dma_start3A_306 = tpu.memref_slice %arg19[%dma_start3A_304, %dma_start3A_305] : memref<1024x16xf32, #tpu.memory_space<vmem_shared>> -> memref<1024x16xf32, #tpu.memory_space<vmem_shared>>
    %dma_start3A_307 = tpu.memref_slice %arg22[%dma_start3A_300] : memref<2x!tpu.dma_semaphore, #tpu.memory_space<semaphore_mem>> -> memref<1x!tpu.dma_semaphore, #tpu.memory_space<semaphore_mem>>
    %dma_start3A_308 = tpu.memref_squeeze %dma_start3A_307 : memref<1x!tpu.dma_semaphore, #tpu.memory_space<semaphore_mem>> -> memref<!tpu.dma_semaphore, #tpu.memory_space<semaphore_mem>>
    tpu.enqueue_indirect_dma source(%arg15 : memref<128x16xf32, #tpu.memory_space<vmem>>) target(%dma_start3A_306 : memref<1024x16xf32, #tpu.memory_space<vmem_shared>>) offsets(%dma_start3A_303 : memref<128xi32, #tpu.memory_space<vmem>>) semaphore(%dma_start3A_308 : memref<!tpu.dma_semaphore, #tpu.memory_space<semaphore_mem>>) {add = true}
    %dma_wait3A_309 = arith.constant 2 : i32
    %dma_wait3A_310 = arith.constant 2 : i32
    %dma_wait3A_311 = arith.constant 2 : i32
    %dma_wait3A_312 = arith.constant 0 : i32
    %dma_wait3A_313 = arith.constant 0 : i32
    %dma_wait3A_314 = tpu.memref_slice %arg12[%dma_wait3A_309, %dma_wait3A_312, %dma_wait3A_313] : memref<3x128x128xf32, #tpu.memory_space<vmem>> -> memref<1x128x128xf32, #tpu.memory_space<vmem>>
    %dma_wait3A_315 = tpu.memref_squeeze %dma_wait3A_314 : memref<1x128x128xf32, #tpu.memory_space<vmem>> -> memref<128x128xf32, #tpu.memory_space<vmem>>
    %dma_wait3A_316 = arith.constant 0 : i32
    %dma_wait3A_317 = tpu.memref_slice %arg13[%dma_wait3A_310, %dma_wait3A_316] : memref<25x128xi32, #tpu.memory_space<vmem>> -> memref<1x128xi32, #tpu.memory_space<vmem>>
    %dma_wait3A_318 = tpu.memref_squeeze %dma_wait3A_317 : memref<1x128xi32, #tpu.memory_space<vmem>> -> memref<128xi32, #tpu.memory_space<vmem>>
    %dma_wait3A_319 = arith.constant 0 : i32
    %dma_wait3A_320 = arith.constant 0 : i32
    %dma_wait3A_321 = tpu.memref_slice %arg18[%dma_wait3A_319, %dma_wait3A_320] : memref<1024x128xf32, #tpu.memory_space<vmem_shared>> -> memref<1024x128xf32, #tpu.memory_space<vmem_shared>>
    %dma_wait3A_322 = tpu.memref_slice %arg21[%dma_wait3A_311] : memref<2x!tpu.dma_semaphore, #tpu.memory_space<semaphore_mem>> -> memref<1x!tpu.dma_semaphore, #tpu.memory_space<semaphore_mem>>
    %dma_wait3A_323 = tpu.memref_squeeze %dma_wait3A_322 : memref<1x!tpu.dma_semaphore, #tpu.memory_space<semaphore_mem>> -> memref<!tpu.dma_semaphore, #tpu.memory_space<semaphore_mem>>
    tpu.wait_indirect_dma semaphore(%dma_wait3A_323 : memref<!tpu.dma_semaphore, #tpu.memory_space<semaphore_mem>>) src(%dma_wait3A_315 : memref<128x128xf32, #tpu.memory_space<vmem>>) dst(%dma_wait3A_321 : memref<1024x128xf32, #tpu.memory_space<vmem_shared>>)
    %dma_wait3A_324 = arith.constant 2 : i32
    %dma_wait3A_325 = arith.constant 2 : i32
    %dma_wait3A_326 = arith.constant 0 : i32
    %dma_wait3A_327 = tpu.memref_slice %arg13[%dma_wait3A_324, %dma_wait3A_326] : memref<25x128xi32, #tpu.memory_space<vmem>> -> memref<1x128xi32, #tpu.memory_space<vmem>>
    %dma_wait3A_328 = tpu.memref_squeeze %dma_wait3A_327 : memref<1x128xi32, #tpu.memory_space<vmem>> -> memref<128xi32, #tpu.memory_space<vmem>>
    %dma_wait3A_329 = arith.constant 0 : i32
    %dma_wait3A_330 = arith.constant 0 : i32
    %dma_wait3A_331 = tpu.memref_slice %arg19[%dma_wait3A_329, %dma_wait3A_330] : memref<1024x16xf32, #tpu.memory_space<vmem_shared>> -> memref<1024x16xf32, #tpu.memory_space<vmem_shared>>
    %dma_wait3A_332 = tpu.memref_slice %arg22[%dma_wait3A_325] : memref<2x!tpu.dma_semaphore, #tpu.memory_space<semaphore_mem>> -> memref<1x!tpu.dma_semaphore, #tpu.memory_space<semaphore_mem>>
    %dma_wait3A_333 = tpu.memref_squeeze %dma_wait3A_332 : memref<1x!tpu.dma_semaphore, #tpu.memory_space<semaphore_mem>> -> memref<!tpu.dma_semaphore, #tpu.memory_space<semaphore_mem>>
    tpu.wait_indirect_dma semaphore(%dma_wait3A_333 : memref<!tpu.dma_semaphore, #tpu.memory_space<semaphore_mem>>) src(%arg15 : memref<128x16xf32, #tpu.memory_space<vmem>>) dst(%dma_wait3A_331 : memref<1024x16xf32, #tpu.memory_space<vmem_shared>>)
    %add3A_334 = arith.constant 160 : i32
    %add3A_335 = arith.addi %add3A_334, %add3A : i32
    %min3A_336 = arith.constant 780 : i32
    %min3A_337 = arith.minsi %add3A_335, %min3A_336 : i32
    %mul3A_338 = arith.constant 128 : i32
    %mul3A_339 = arith.muli %min3A_337, %mul3A_338 : i32
    %dma_start3A_340 = arith.constant 2 : i32
    %dma_start3A_341 = arith.constant 2 : i32
    %dma_start3A_342 = arith.constant 0 : i32
    %dma_start3A_343 = arith.constant 0 : i32
    %dma_start3A_344 = tpu.memref_slice %arg12[%dma_start3A_340, %dma_start3A_342, %dma_start3A_343] : memref<3x128x128xf32, #tpu.memory_space<vmem>> -> memref<1x128x128xf32, #tpu.memory_space<vmem>>
    %dma_start3A_345 = tpu.memref_squeeze %dma_start3A_344 : memref<1x128x128xf32, #tpu.memory_space<vmem>> -> memref<128x128xf32, #tpu.memory_space<vmem>>
    %dma_start3A_346 = arith.constant 0 : i32
    %dma_start3A_347 = tpu.memref_slice %arg2[%mul3A_339, %dma_start3A_346] : memref<100000x128xf32, #tpu.memory_space<hbm>> -> memref<128x128xf32, #tpu.memory_space<hbm>>
    %dma_start3A_348 = tpu.memref_slice %arg20[%dma_start3A_341] : memref<3x!tpu.dma_semaphore, #tpu.memory_space<semaphore_mem>> -> memref<1x!tpu.dma_semaphore, #tpu.memory_space<semaphore_mem>>
    %dma_start3A_349 = tpu.memref_squeeze %dma_start3A_348 : memref<1x!tpu.dma_semaphore, #tpu.memory_space<semaphore_mem>> -> memref<!tpu.dma_semaphore, #tpu.memory_space<semaphore_mem>>
    %dma_start3A_350 = arith.constant 0 : i32
    %dma_start3A_351 = arith.constant 0 : i32
    %dma_start3A_352 = tpu.memref_slice %arg12[%dma_start3A_340, %dma_start3A_350, %dma_start3A_351] : memref<3x128x128xf32, #tpu.memory_space<vmem>> -> memref<1x128x128xf32, #tpu.memory_space<vmem>>
    %dma_start3A_353 = tpu.memref_squeeze %dma_start3A_352 : memref<1x128x128xf32, #tpu.memory_space<vmem>> -> memref<128x128xf32, #tpu.memory_space<vmem>>
    %dma_start3A_354 = arith.constant 0 : i32
    %dma_start3A_355 = tpu.memref_slice %arg2[%mul3A_339, %dma_start3A_354] : memref<100000x128xf32, #tpu.memory_space<hbm>> -> memref<128x128xf32, #tpu.memory_space<hbm>>
    tpu.enqueue_dma source(%dma_start3A_355 : memref<128x128xf32, #tpu.memory_space<hbm>>) target(%dma_start3A_353 : memref<128x128xf32, #tpu.memory_space<vmem>>) target_semaphore(%dma_start3A_349 : memref<!tpu.dma_semaphore, #tpu.memory_space<semaphore_mem>>)
    %add3A_356 = arith.constant 96 : i32
    %add3A_357 = arith.addi %add3A_356, %add3A : i32
    %min3A_358 = arith.constant 780 : i32
    %min3A_359 = arith.minsi %add3A_357, %min3A_358 : i32
    %mul3A_360 = arith.constant 128 : i32
    %mul3A_361 = arith.muli %min3A_359, %mul3A_360 : i32
    %dma_wait3A_362 = arith.constant 0 : i32
    %dma_wait3A_363 = arith.constant 0 : i32
    %dma_wait3A_364 = arith.constant 0 : i32
    %dma_wait3A_365 = arith.constant 0 : i32
    %dma_wait3A_366 = tpu.memref_slice %arg12[%dma_wait3A_362, %dma_wait3A_364, %dma_wait3A_365] : memref<3x128x128xf32, #tpu.memory_space<vmem>> -> memref<1x128x128xf32, #tpu.memory_space<vmem>>
    %dma_wait3A_367 = tpu.memref_squeeze %dma_wait3A_366 : memref<1x128x128xf32, #tpu.memory_space<vmem>> -> memref<128x128xf32, #tpu.memory_space<vmem>>
    %dma_wait3A_368 = arith.constant 0 : i32
    %dma_wait3A_369 = tpu.memref_slice %arg2[%mul3A_361, %dma_wait3A_368] : memref<100000x128xf32, #tpu.memory_space<hbm>> -> memref<128x128xf32, #tpu.memory_space<hbm>>
    %dma_wait3A_370 = tpu.memref_slice %arg20[%dma_wait3A_363] : memref<3x!tpu.dma_semaphore, #tpu.memory_space<semaphore_mem>> -> memref<1x!tpu.dma_semaphore, #tpu.memory_space<semaphore_mem>>
    %dma_wait3A_371 = tpu.memref_squeeze %dma_wait3A_370 : memref<1x!tpu.dma_semaphore, #tpu.memory_space<semaphore_mem>> -> memref<!tpu.dma_semaphore, #tpu.memory_space<semaphore_mem>>
    %dma_wait3A_372 = arith.constant 0 : i32
    %dma_wait3A_373 = arith.constant 0 : i32
    %dma_wait3A_374 = tpu.memref_slice %arg12[%dma_wait3A_362, %dma_wait3A_372, %dma_wait3A_373] : memref<3x128x128xf32, #tpu.memory_space<vmem>> -> memref<1x128x128xf32, #tpu.memory_space<vmem>>
    %dma_wait3A_375 = tpu.memref_squeeze %dma_wait3A_374 : memref<1x128x128xf32, #tpu.memory_space<vmem>> -> memref<128x128xf32, #tpu.memory_space<vmem>>
    %dma_wait3A_376 = arith.constant 0 : i32
    %dma_wait3A_377 = tpu.memref_slice %arg2[%mul3A_361, %dma_wait3A_376] : memref<100000x128xf32, #tpu.memory_space<hbm>> -> memref<128x128xf32, #tpu.memory_space<hbm>>
    tpu.wait_dma2 semaphore(%dma_wait3A_371 : memref<!tpu.dma_semaphore, #tpu.memory_space<semaphore_mem>>) src(%dma_wait3A_377 : memref<128x128xf32, #tpu.memory_space<hbm>>) dst(%dma_wait3A_375 : memref<128x128xf32, #tpu.memory_space<vmem>>)
    %dma_start3A_378 = arith.constant 0 : i32
    %dma_start3A_379 = arith.constant 3 : i32
    %dma_start3A_380 = arith.constant 0 : i32
    %dma_start3A_381 = arith.constant 0 : i32
    %dma_start3A_382 = arith.constant 0 : i32
    %dma_start3A_383 = tpu.memref_slice %arg12[%dma_start3A_378, %dma_start3A_381, %dma_start3A_382] : memref<3x128x128xf32, #tpu.memory_space<vmem>> -> memref<1x128x128xf32, #tpu.memory_space<vmem>>
    %dma_start3A_384 = tpu.memref_squeeze %dma_start3A_383 : memref<1x128x128xf32, #tpu.memory_space<vmem>> -> memref<128x128xf32, #tpu.memory_space<vmem>>
    %dma_start3A_385 = arith.constant 0 : i32
    %dma_start3A_386 = tpu.memref_slice %arg13[%dma_start3A_379, %dma_start3A_385] : memref<25x128xi32, #tpu.memory_space<vmem>> -> memref<1x128xi32, #tpu.memory_space<vmem>>
    %dma_start3A_387 = tpu.memref_squeeze %dma_start3A_386 : memref<1x128xi32, #tpu.memory_space<vmem>> -> memref<128xi32, #tpu.memory_space<vmem>>
    %dma_start3A_388 = arith.constant 0 : i32
    %dma_start3A_389 = arith.constant 0 : i32
    %dma_start3A_390 = tpu.memref_slice %arg18[%dma_start3A_388, %dma_start3A_389] : memref<1024x128xf32, #tpu.memory_space<vmem_shared>> -> memref<1024x128xf32, #tpu.memory_space<vmem_shared>>
    %dma_start3A_391 = tpu.memref_slice %arg21[%dma_start3A_380] : memref<2x!tpu.dma_semaphore, #tpu.memory_space<semaphore_mem>> -> memref<1x!tpu.dma_semaphore, #tpu.memory_space<semaphore_mem>>
    %dma_start3A_392 = tpu.memref_squeeze %dma_start3A_391 : memref<1x!tpu.dma_semaphore, #tpu.memory_space<semaphore_mem>> -> memref<!tpu.dma_semaphore, #tpu.memory_space<semaphore_mem>>
    tpu.enqueue_indirect_dma source(%dma_start3A_384 : memref<128x128xf32, #tpu.memory_space<vmem>>) target(%dma_start3A_390 : memref<1024x128xf32, #tpu.memory_space<vmem_shared>>) offsets(%dma_start3A_387 : memref<128xi32, #tpu.memory_space<vmem>>) semaphore(%dma_start3A_392 : memref<!tpu.dma_semaphore, #tpu.memory_space<semaphore_mem>>) {add = true}
    %dma_start3A_393 = arith.constant 3 : i32
    %dma_start3A_394 = arith.constant 0 : i32
    %dma_start3A_395 = arith.constant 0 : i32
    %dma_start3A_396 = tpu.memref_slice %arg13[%dma_start3A_393, %dma_start3A_395] : memref<25x128xi32, #tpu.memory_space<vmem>> -> memref<1x128xi32, #tpu.memory_space<vmem>>
    %dma_start3A_397 = tpu.memref_squeeze %dma_start3A_396 : memref<1x128xi32, #tpu.memory_space<vmem>> -> memref<128xi32, #tpu.memory_space<vmem>>
    %dma_start3A_398 = arith.constant 0 : i32
    %dma_start3A_399 = arith.constant 0 : i32
    %dma_start3A_400 = tpu.memref_slice %arg19[%dma_start3A_398, %dma_start3A_399] : memref<1024x16xf32, #tpu.memory_space<vmem_shared>> -> memref<1024x16xf32, #tpu.memory_space<vmem_shared>>
    %dma_start3A_401 = tpu.memref_slice %arg22[%dma_start3A_394] : memref<2x!tpu.dma_semaphore, #tpu.memory_space<semaphore_mem>> -> memref<1x!tpu.dma_semaphore, #tpu.memory_space<semaphore_mem>>
    %dma_start3A_402 = tpu.memref_squeeze %dma_start3A_401 : memref<1x!tpu.dma_semaphore, #tpu.memory_space<semaphore_mem>> -> memref<!tpu.dma_semaphore, #tpu.memory_space<semaphore_mem>>
    tpu.enqueue_indirect_dma source(%arg15 : memref<128x16xf32, #tpu.memory_space<vmem>>) target(%dma_start3A_400 : memref<1024x16xf32, #tpu.memory_space<vmem_shared>>) offsets(%dma_start3A_397 : memref<128xi32, #tpu.memory_space<vmem>>) semaphore(%dma_start3A_402 : memref<!tpu.dma_semaphore, #tpu.memory_space<semaphore_mem>>) {add = true}
    %dma_wait3A_403 = arith.constant 0 : i32
    %dma_wait3A_404 = arith.constant 3 : i32
    %dma_wait3A_405 = arith.constant 0 : i32
    %dma_wait3A_406 = arith.constant 0 : i32
    %dma_wait3A_407 = arith.constant 0 : i32
    %dma_wait3A_408 = tpu.memref_slice %arg12[%dma_wait3A_403, %dma_wait3A_406, %dma_wait3A_407] : memref<3x128x128xf32, #tpu.memory_space<vmem>> -> memref<1x128x128xf32, #tpu.memory_space<vmem>>
    %dma_wait3A_409 = tpu.memref_squeeze %dma_wait3A_408 : memref<1x128x128xf32, #tpu.memory_space<vmem>> -> memref<128x128xf32, #tpu.memory_space<vmem>>
    %dma_wait3A_410 = arith.constant 0 : i32
    %dma_wait3A_411 = tpu.memref_slice %arg13[%dma_wait3A_404, %dma_wait3A_410] : memref<25x128xi32, #tpu.memory_space<vmem>> -> memref<1x128xi32, #tpu.memory_space<vmem>>
    %dma_wait3A_412 = tpu.memref_squeeze %dma_wait3A_411 : memref<1x128xi32, #tpu.memory_space<vmem>> -> memref<128xi32, #tpu.memory_space<vmem>>
    %dma_wait3A_413 = arith.constant 0 : i32
    %dma_wait3A_414 = arith.constant 0 : i32
    %dma_wait3A_415 = tpu.memref_slice %arg18[%dma_wait3A_413, %dma_wait3A_414] : memref<1024x128xf32, #tpu.memory_space<vmem_shared>> -> memref<1024x128xf32, #tpu.memory_space<vmem_shared>>
    %dma_wait3A_416 = tpu.memref_slice %arg21[%dma_wait3A_405] : memref<2x!tpu.dma_semaphore, #tpu.memory_space<semaphore_mem>> -> memref<1x!tpu.dma_semaphore, #tpu.memory_space<semaphore_mem>>
    %dma_wait3A_417 = tpu.memref_squeeze %dma_wait3A_416 : memref<1x!tpu.dma_semaphore, #tpu.memory_space<semaphore_mem>> -> memref<!tpu.dma_semaphore, #tpu.memory_space<semaphore_mem>>
    tpu.wait_indirect_dma semaphore(%dma_wait3A_417 : memref<!tpu.dma_semaphore, #tpu.memory_space<semaphore_mem>>) src(%dma_wait3A_409 : memref<128x128xf32, #tpu.memory_space<vmem>>) dst(%dma_wait3A_415 : memref<1024x128xf32, #tpu.memory_space<vmem_shared>>)
    %dma_wait3A_418 = arith.constant 3 : i32
    %dma_wait3A_419 = arith.constant 0 : i32
    %dma_wait3A_420 = arith.constant 0 : i32
    %dma_wait3A_421 = tpu.memref_slice %arg13[%dma_wait3A_418, %dma_wait3A_420] : memref<25x128xi32, #tpu.memory_space<vmem>> -> memref<1x128xi32, #tpu.memory_space<vmem>>
    %dma_wait3A_422 = tpu.memref_squeeze %dma_wait3A_421 : memref<1x128xi32, #tpu.memory_space<vmem>> -> memref<128xi32, #tpu.memory_space<vmem>>
    %dma_wait3A_423 = arith.constant 0 : i32
    %dma_wait3A_424 = arith.constant 0 : i32
    %dma_wait3A_425 = tpu.memref_slice %arg19[%dma_wait3A_423, %dma_wait3A_424] : memref<1024x16xf32, #tpu.memory_space<vmem_shared>> -> memref<1024x16xf32, #tpu.memory_space<vmem_shared>>
    %dma_wait3A_426 = tpu.memref_slice %arg22[%dma_wait3A_419] : memref<2x!tpu.dma_semaphore, #tpu.memory_space<semaphore_mem>> -> memref<1x!tpu.dma_semaphore, #tpu.memory_space<semaphore_mem>>
    %dma_wait3A_427 = tpu.memref_squeeze %dma_wait3A_426 : memref<1x!tpu.dma_semaphore, #tpu.memory_space<semaphore_mem>> -> memref<!tpu.dma_semaphore, #tpu.memory_space<semaphore_mem>>
    tpu.wait_indirect_dma semaphore(%dma_wait3A_427 : memref<!tpu.dma_semaphore, #tpu.memory_space<semaphore_mem>>) src(%arg15 : memref<128x16xf32, #tpu.memory_space<vmem>>) dst(%dma_wait3A_425 : memref<1024x16xf32, #tpu.memory_space<vmem_shared>>)
    %add3A_428 = arith.constant 192 : i32
    %add3A_429 = arith.addi %add3A_428, %add3A : i32
    %min3A_430 = arith.constant 780 : i32
    %min3A_431 = arith.minsi %add3A_429, %min3A_430 : i32
    %mul3A_432 = arith.constant 128 : i32
    %mul3A_433 = arith.muli %min3A_431, %mul3A_432 : i32
    %dma_start3A_434 = arith.constant 0 : i32
    %dma_start3A_435 = arith.constant 0 : i32
    %dma_start3A_436 = arith.constant 0 : i32
    %dma_start3A_437 = arith.constant 0 : i32
    %dma_start3A_438 = tpu.memref_slice %arg12[%dma_start3A_434, %dma_start3A_436, %dma_start3A_437] : memref<3x128x128xf32, #tpu.memory_space<vmem>> -> memref<1x128x128xf32, #tpu.memory_space<vmem>>
    %dma_start3A_439 = tpu.memref_squeeze %dma_start3A_438 : memref<1x128x128xf32, #tpu.memory_space<vmem>> -> memref<128x128xf32, #tpu.memory_space<vmem>>
    %dma_start3A_440 = arith.constant 0 : i32
    %dma_start3A_441 = tpu.memref_slice %arg2[%mul3A_433, %dma_start3A_440] : memref<100000x128xf32, #tpu.memory_space<hbm>> -> memref<128x128xf32, #tpu.memory_space<hbm>>
    %dma_start3A_442 = tpu.memref_slice %arg20[%dma_start3A_435] : memref<3x!tpu.dma_semaphore, #tpu.memory_space<semaphore_mem>> -> memref<1x!tpu.dma_semaphore, #tpu.memory_space<semaphore_mem>>
    %dma_start3A_443 = tpu.memref_squeeze %dma_start3A_442 : memref<1x!tpu.dma_semaphore, #tpu.memory_space<semaphore_mem>> -> memref<!tpu.dma_semaphore, #tpu.memory_space<semaphore_mem>>
    %dma_start3A_444 = arith.constant 0 : i32
    %dma_start3A_445 = arith.constant 0 : i32
    %dma_start3A_446 = tpu.memref_slice %arg12[%dma_start3A_434, %dma_start3A_444, %dma_start3A_445] : memref<3x128x128xf32, #tpu.memory_space<vmem>> -> memref<1x128x128xf32, #tpu.memory_space<vmem>>
    %dma_start3A_447 = tpu.memref_squeeze %dma_start3A_446 : memref<1x128x128xf32, #tpu.memory_space<vmem>> -> memref<128x128xf32, #tpu.memory_space<vmem>>
    %dma_start3A_448 = arith.constant 0 : i32
    %dma_start3A_449 = tpu.memref_slice %arg2[%mul3A_433, %dma_start3A_448] : memref<100000x128xf32, #tpu.memory_space<hbm>> -> memref<128x128xf32, #tpu.memory_space<hbm>>
    tpu.enqueue_dma source(%dma_start3A_449 : memref<128x128xf32, #tpu.memory_space<hbm>>) target(%dma_start3A_447 : memref<128x128xf32, #tpu.memory_space<vmem>>) target_semaphore(%dma_start3A_443 : memref<!tpu.dma_semaphore, #tpu.memory_space<semaphore_mem>>)
    %add3A_450 = arith.constant 128 : i32
    %add3A_451 = arith.addi %add3A_450, %add3A : i32
    %min3A_452 = arith.constant 780 : i32
    %min3A_453 = arith.minsi %add3A_451, %min3A_452 : i32
    %mul3A_454 = arith.constant 128 : i32
    %mul3A_455 = arith.muli %min3A_453, %mul3A_454 : i32
    %dma_wait3A_456 = arith.constant 1 : i32
    %dma_wait3A_457 = arith.constant 1 : i32
    %dma_wait3A_458 = arith.constant 0 : i32
    %dma_wait3A_459 = arith.constant 0 : i32
    %dma_wait3A_460 = tpu.memref_slice %arg12[%dma_wait3A_456, %dma_wait3A_458, %dma_wait3A_459] : memref<3x128x128xf32, #tpu.memory_space<vmem>> -> memref<1x128x128xf32, #tpu.memory_space<vmem>>
    %dma_wait3A_461 = tpu.memref_squeeze %dma_wait3A_460 : memref<1x128x128xf32, #tpu.memory_space<vmem>> -> memref<128x128xf32, #tpu.memory_space<vmem>>
    %dma_wait3A_462 = arith.constant 0 : i32
    %dma_wait3A_463 = tpu.memref_slice %arg2[%mul3A_455, %dma_wait3A_462] : memref<100000x128xf32, #tpu.memory_space<hbm>> -> memref<128x128xf32, #tpu.memory_space<hbm>>
    %dma_wait3A_464 = tpu.memref_slice %arg20[%dma_wait3A_457] : memref<3x!tpu.dma_semaphore, #tpu.memory_space<semaphore_mem>> -> memref<1x!tpu.dma_semaphore, #tpu.memory_space<semaphore_mem>>
    %dma_wait3A_465 = tpu.memref_squeeze %dma_wait3A_464 : memref<1x!tpu.dma_semaphore, #tpu.memory_space<semaphore_mem>> -> memref<!tpu.dma_semaphore, #tpu.memory_space<semaphore_mem>>
    %dma_wait3A_466 = arith.constant 0 : i32
    %dma_wait3A_467 = arith.constant 0 : i32
    %dma_wait3A_468 = tpu.memref_slice %arg12[%dma_wait3A_456, %dma_wait3A_466, %dma_wait3A_467] : memref<3x128x128xf32, #tpu.memory_space<vmem>> -> memref<1x128x128xf32, #tpu.memory_space<vmem>>
    %dma_wait3A_469 = tpu.memref_squeeze %dma_wait3A_468 : memref<1x128x128xf32, #tpu.memory_space<vmem>> -> memref<128x128xf32, #tpu.memory_space<vmem>>
    %dma_wait3A_470 = arith.constant 0 : i32
    %dma_wait3A_471 = tpu.memref_slice %arg2[%mul3A_455, %dma_wait3A_470] : memref<100000x128xf32, #tpu.memory_space<hbm>> -> memref<128x128xf32, #tpu.memory_space<hbm>>
    tpu.wait_dma2 semaphore(%dma_wait3A_465 : memref<!tpu.dma_semaphore, #tpu.memory_space<semaphore_mem>>) src(%dma_wait3A_471 : memref<128x128xf32, #tpu.memory_space<hbm>>) dst(%dma_wait3A_469 : memref<128x128xf32, #tpu.memory_space<vmem>>)
    %dma_start3A_472 = arith.constant 1 : i32
    %dma_start3A_473 = arith.constant 4 : i32
    %dma_start3A_474 = arith.constant 1 : i32
    %dma_start3A_475 = arith.constant 0 : i32
    %dma_start3A_476 = arith.constant 0 : i32
    %dma_start3A_477 = tpu.memref_slice %arg12[%dma_start3A_472, %dma_start3A_475, %dma_start3A_476] : memref<3x128x128xf32, #tpu.memory_space<vmem>> -> memref<1x128x128xf32, #tpu.memory_space<vmem>>
    %dma_start3A_478 = tpu.memref_squeeze %dma_start3A_477 : memref<1x128x128xf32, #tpu.memory_space<vmem>> -> memref<128x128xf32, #tpu.memory_space<vmem>>
    %dma_start3A_479 = arith.constant 0 : i32
    %dma_start3A_480 = tpu.memref_slice %arg13[%dma_start3A_473, %dma_start3A_479] : memref<25x128xi32, #tpu.memory_space<vmem>> -> memref<1x128xi32, #tpu.memory_space<vmem>>
    %dma_start3A_481 = tpu.memref_squeeze %dma_start3A_480 : memref<1x128xi32, #tpu.memory_space<vmem>> -> memref<128xi32, #tpu.memory_space<vmem>>
    %dma_start3A_482 = arith.constant 0 : i32
    %dma_start3A_483 = arith.constant 0 : i32
    %dma_start3A_484 = tpu.memref_slice %arg18[%dma_start3A_482, %dma_start3A_483] : memref<1024x128xf32, #tpu.memory_space<vmem_shared>> -> memref<1024x128xf32, #tpu.memory_space<vmem_shared>>
    %dma_start3A_485 = tpu.memref_slice %arg21[%dma_start3A_474] : memref<2x!tpu.dma_semaphore, #tpu.memory_space<semaphore_mem>> -> memref<1x!tpu.dma_semaphore, #tpu.memory_space<semaphore_mem>>
    %dma_start3A_486 = tpu.memref_squeeze %dma_start3A_485 : memref<1x!tpu.dma_semaphore, #tpu.memory_space<semaphore_mem>> -> memref<!tpu.dma_semaphore, #tpu.memory_space<semaphore_mem>>
    tpu.enqueue_indirect_dma source(%dma_start3A_478 : memref<128x128xf32, #tpu.memory_space<vmem>>) target(%dma_start3A_484 : memref<1024x128xf32, #tpu.memory_space<vmem_shared>>) offsets(%dma_start3A_481 : memref<128xi32, #tpu.memory_space<vmem>>) semaphore(%dma_start3A_486 : memref<!tpu.dma_semaphore, #tpu.memory_space<semaphore_mem>>) {add = true}
    %dma_start3A_487 = arith.constant 4 : i32
    %dma_start3A_488 = arith.constant 1 : i32
    %dma_start3A_489 = arith.constant 0 : i32
    %dma_start3A_490 = tpu.memref_slice %arg13[%dma_start3A_487, %dma_start3A_489] : memref<25x128xi32, #tpu.memory_space<vmem>> -> memref<1x128xi32, #tpu.memory_space<vmem>>
    %dma_start3A_491 = tpu.memref_squeeze %dma_start3A_490 : memref<1x128xi32, #tpu.memory_space<vmem>> -> memref<128xi32, #tpu.memory_space<vmem>>
    %dma_start3A_492 = arith.constant 0 : i32
    %dma_start3A_493 = arith.constant 0 : i32
    %dma_start3A_494 = tpu.memref_slice %arg19[%dma_start3A_492, %dma_start3A_493] : memref<1024x16xf32, #tpu.memory_space<vmem_shared>> -> memref<1024x16xf32, #tpu.memory_space<vmem_shared>>
    %dma_start3A_495 = tpu.memref_slice %arg22[%dma_start3A_488] : memref<2x!tpu.dma_semaphore, #tpu.memory_space<semaphore_mem>> -> memref<1x!tpu.dma_semaphore, #tpu.memory_space<semaphore_mem>>
    %dma_start3A_496 = tpu.memref_squeeze %dma_start3A_495 : memref<1x!tpu.dma_semaphore, #tpu.memory_space<semaphore_mem>> -> memref<!tpu.dma_semaphore, #tpu.memory_space<semaphore_mem>>
    tpu.enqueue_indirect_dma source(%arg15 : memref<128x16xf32, #tpu.memory_space<vmem>>) target(%dma_start3A_494 : memref<1024x16xf32, #tpu.memory_space<vmem_shared>>) offsets(%dma_start3A_491 : memref<128xi32, #tpu.memory_space<vmem>>) semaphore(%dma_start3A_496 : memref<!tpu.dma_semaphore, #tpu.memory_space<semaphore_mem>>) {add = true}
    %dma_wait3A_497 = arith.constant 1 : i32
    %dma_wait3A_498 = arith.constant 4 : i32
    %dma_wait3A_499 = arith.constant 1 : i32
    %dma_wait3A_500 = arith.constant 0 : i32
    %dma_wait3A_501 = arith.constant 0 : i32
    %dma_wait3A_502 = tpu.memref_slice %arg12[%dma_wait3A_497, %dma_wait3A_500, %dma_wait3A_501] : memref<3x128x128xf32, #tpu.memory_space<vmem>> -> memref<1x128x128xf32, #tpu.memory_space<vmem>>
    %dma_wait3A_503 = tpu.memref_squeeze %dma_wait3A_502 : memref<1x128x128xf32, #tpu.memory_space<vmem>> -> memref<128x128xf32, #tpu.memory_space<vmem>>
    %dma_wait3A_504 = arith.constant 0 : i32
    %dma_wait3A_505 = tpu.memref_slice %arg13[%dma_wait3A_498, %dma_wait3A_504] : memref<25x128xi32, #tpu.memory_space<vmem>> -> memref<1x128xi32, #tpu.memory_space<vmem>>
    %dma_wait3A_506 = tpu.memref_squeeze %dma_wait3A_505 : memref<1x128xi32, #tpu.memory_space<vmem>> -> memref<128xi32, #tpu.memory_space<vmem>>
    %dma_wait3A_507 = arith.constant 0 : i32
    %dma_wait3A_508 = arith.constant 0 : i32
    %dma_wait3A_509 = tpu.memref_slice %arg18[%dma_wait3A_507, %dma_wait3A_508] : memref<1024x128xf32, #tpu.memory_space<vmem_shared>> -> memref<1024x128xf32, #tpu.memory_space<vmem_shared>>
    %dma_wait3A_510 = tpu.memref_slice %arg21[%dma_wait3A_499] : memref<2x!tpu.dma_semaphore, #tpu.memory_space<semaphore_mem>> -> memref<1x!tpu.dma_semaphore, #tpu.memory_space<semaphore_mem>>
    %dma_wait3A_511 = tpu.memref_squeeze %dma_wait3A_510 : memref<1x!tpu.dma_semaphore, #tpu.memory_space<semaphore_mem>> -> memref<!tpu.dma_semaphore, #tpu.memory_space<semaphore_mem>>
    tpu.wait_indirect_dma semaphore(%dma_wait3A_511 : memref<!tpu.dma_semaphore, #tpu.memory_space<semaphore_mem>>) src(%dma_wait3A_503 : memref<128x128xf32, #tpu.memory_space<vmem>>) dst(%dma_wait3A_509 : memref<1024x128xf32, #tpu.memory_space<vmem_shared>>)
    %dma_wait3A_512 = arith.constant 4 : i32
    %dma_wait3A_513 = arith.constant 1 : i32
    %dma_wait3A_514 = arith.constant 0 : i32
    %dma_wait3A_515 = tpu.memref_slice %arg13[%dma_wait3A_512, %dma_wait3A_514] : memref<25x128xi32, #tpu.memory_space<vmem>> -> memref<1x128xi32, #tpu.memory_space<vmem>>
    %dma_wait3A_516 = tpu.memref_squeeze %dma_wait3A_515 : memref<1x128xi32, #tpu.memory_space<vmem>> -> memref<128xi32, #tpu.memory_space<vmem>>
    %dma_wait3A_517 = arith.constant 0 : i32
    %dma_wait3A_518 = arith.constant 0 : i32
    %dma_wait3A_519 = tpu.memref_slice %arg19[%dma_wait3A_517, %dma_wait3A_518] : memref<1024x16xf32, #tpu.memory_space<vmem_shared>> -> memref<1024x16xf32, #tpu.memory_space<vmem_shared>>
    %dma_wait3A_520 = tpu.memref_slice %arg22[%dma_wait3A_513] : memref<2x!tpu.dma_semaphore, #tpu.memory_space<semaphore_mem>> -> memref<1x!tpu.dma_semaphore, #tpu.memory_space<semaphore_mem>>
    %dma_wait3A_521 = tpu.memref_squeeze %dma_wait3A_520 : memref<1x!tpu.dma_semaphore, #tpu.memory_space<semaphore_mem>> -> memref<!tpu.dma_semaphore, #tpu.memory_space<semaphore_mem>>
    tpu.wait_indirect_dma semaphore(%dma_wait3A_521 : memref<!tpu.dma_semaphore, #tpu.memory_space<semaphore_mem>>) src(%arg15 : memref<128x16xf32, #tpu.memory_space<vmem>>) dst(%dma_wait3A_519 : memref<1024x16xf32, #tpu.memory_space<vmem_shared>>)
    %add3A_522 = arith.constant 224 : i32
    %add3A_523 = arith.addi %add3A_522, %add3A : i32
    %min3A_524 = arith.constant 780 : i32
    %min3A_525 = arith.minsi %add3A_523, %min3A_524 : i32
    %mul3A_526 = arith.constant 128 : i32
    %mul3A_527 = arith.muli %min3A_525, %mul3A_526 : i32
    %dma_start3A_528 = arith.constant 1 : i32
    %dma_start3A_529 = arith.constant 1 : i32
    %dma_start3A_530 = arith.constant 0 : i32
    %dma_start3A_531 = arith.constant 0 : i32
    %dma_start3A_532 = tpu.memref_slice %arg12[%dma_start3A_528, %dma_start3A_530, %dma_start3A_531] : memref<3x128x128xf32, #tpu.memory_space<vmem>> -> memref<1x128x128xf32, #tpu.memory_space<vmem>>
    %dma_start3A_533 = tpu.memref_squeeze %dma_start3A_532 : memref<1x128x128xf32, #tpu.memory_space<vmem>> -> memref<128x128xf32, #tpu.memory_space<vmem>>
    %dma_start3A_534 = arith.constant 0 : i32
    %dma_start3A_535 = tpu.memref_slice %arg2[%mul3A_527, %dma_start3A_534] : memref<100000x128xf32, #tpu.memory_space<hbm>> -> memref<128x128xf32, #tpu.memory_space<hbm>>
    %dma_start3A_536 = tpu.memref_slice %arg20[%dma_start3A_529] : memref<3x!tpu.dma_semaphore, #tpu.memory_space<semaphore_mem>> -> memref<1x!tpu.dma_semaphore, #tpu.memory_space<semaphore_mem>>
    %dma_start3A_537 = tpu.memref_squeeze %dma_start3A_536 : memref<1x!tpu.dma_semaphore, #tpu.memory_space<semaphore_mem>> -> memref<!tpu.dma_semaphore, #tpu.memory_space<semaphore_mem>>
    %dma_start3A_538 = arith.constant 0 : i32
    %dma_start3A_539 = arith.constant 0 : i32
    %dma_start3A_540 = tpu.memref_slice %arg12[%dma_start3A_528, %dma_start3A_538, %dma_start3A_539] : memref<3x128x128xf32, #tpu.memory_space<vmem>> -> memref<1x128x128xf32, #tpu.memory_space<vmem>>
    %dma_start3A_541 = tpu.memref_squeeze %dma_start3A_540 : memref<1x128x128xf32, #tpu.memory_space<vmem>> -> memref<128x128xf32, #tpu.memory_space<vmem>>
    %dma_start3A_542 = arith.constant 0 : i32
    %dma_start3A_543 = tpu.memref_slice %arg2[%mul3A_527, %dma_start3A_542] : memref<100000x128xf32, #tpu.memory_space<hbm>> -> memref<128x128xf32, #tpu.memory_space<hbm>>
    tpu.enqueue_dma source(%dma_start3A_543 : memref<128x128xf32, #tpu.memory_space<hbm>>) target(%dma_start3A_541 : memref<128x128xf32, #tpu.memory_space<vmem>>) target_semaphore(%dma_start3A_537 : memref<!tpu.dma_semaphore, #tpu.memory_space<semaphore_mem>>)
    %add3A_544 = arith.constant 160 : i32
    %add3A_545 = arith.addi %add3A_544, %add3A : i32
    %min3A_546 = arith.constant 780 : i32
    %min3A_547 = arith.minsi %add3A_545, %min3A_546 : i32
    %mul3A_548 = arith.constant 128 : i32
    %mul3A_549 = arith.muli %min3A_547, %mul3A_548 : i32
    %dma_wait3A_550 = arith.constant 2 : i32
    %dma_wait3A_551 = arith.constant 2 : i32
    %dma_wait3A_552 = arith.constant 0 : i32
    %dma_wait3A_553 = arith.constant 0 : i32
    %dma_wait3A_554 = tpu.memref_slice %arg12[%dma_wait3A_550, %dma_wait3A_552, %dma_wait3A_553] : memref<3x128x128xf32, #tpu.memory_space<vmem>> -> memref<1x128x128xf32, #tpu.memory_space<vmem>>
    %dma_wait3A_555 = tpu.memref_squeeze %dma_wait3A_554 : memref<1x128x128xf32, #tpu.memory_space<vmem>> -> memref<128x128xf32, #tpu.memory_space<vmem>>
    %dma_wait3A_556 = arith.constant 0 : i32
    %dma_wait3A_557 = tpu.memref_slice %arg2[%mul3A_549, %dma_wait3A_556] : memref<100000x128xf32, #tpu.memory_space<hbm>> -> memref<128x128xf32, #tpu.memory_space<hbm>>
    %dma_wait3A_558 = tpu.memref_slice %arg20[%dma_wait3A_551] : memref<3x!tpu.dma_semaphore, #tpu.memory_space<semaphore_mem>> -> memref<1x!tpu.dma_semaphore, #tpu.memory_space<semaphore_mem>>
    %dma_wait3A_559 = tpu.memref_squeeze %dma_wait3A_558 : memref<1x!tpu.dma_semaphore, #tpu.memory_space<semaphore_mem>> -> memref<!tpu.dma_semaphore, #tpu.memory_space<semaphore_mem>>
    %dma_wait3A_560 = arith.constant 0 : i32
    %dma_wait3A_561 = arith.constant 0 : i32
    %dma_wait3A_562 = tpu.memref_slice %arg12[%dma_wait3A_550, %dma_wait3A_560, %dma_wait3A_561] : memref<3x128x128xf32, #tpu.memory_space<vmem>> -> memref<1x128x128xf32, #tpu.memory_space<vmem>>
    %dma_wait3A_563 = tpu.memref_squeeze %dma_wait3A_562 : memref<1x128x128xf32, #tpu.memory_space<vmem>> -> memref<128x128xf32, #tpu.memory_space<vmem>>
    %dma_wait3A_564 = arith.constant 0 : i32
    %dma_wait3A_565 = tpu.memref_slice %arg2[%mul3A_549, %dma_wait3A_564] : memref<100000x128xf32, #tpu.memory_space<hbm>> -> memref<128x128xf32, #tpu.memory_space<hbm>>
    tpu.wait_dma2 semaphore(%dma_wait3A_559 : memref<!tpu.dma_semaphore, #tpu.memory_space<semaphore_mem>>) src(%dma_wait3A_565 : memref<128x128xf32, #tpu.memory_space<hbm>>) dst(%dma_wait3A_563 : memref<128x128xf32, #tpu.memory_space<vmem>>)
    %dma_start3A_566 = arith.constant 2 : i32
    %dma_start3A_567 = arith.constant 5 : i32
    %dma_start3A_568 = arith.constant 2 : i32
    %dma_start3A_569 = arith.constant 0 : i32
    %dma_start3A_570 = arith.constant 0 : i32
    %dma_start3A_571 = tpu.memref_slice %arg12[%dma_start3A_566, %dma_start3A_569, %dma_start3A_570] : memref<3x128x128xf32, #tpu.memory_space<vmem>> -> memref<1x128x128xf32, #tpu.memory_space<vmem>>
    %dma_start3A_572 = tpu.memref_squeeze %dma_start3A_571 : memref<1x128x128xf32, #tpu.memory_space<vmem>> -> memref<128x128xf32, #tpu.memory_space<vmem>>
    %dma_start3A_573 = arith.constant 0 : i32
    %dma_start3A_574 = tpu.memref_slice %arg13[%dma_start3A_567, %dma_start3A_573] : memref<25x128xi32, #tpu.memory_space<vmem>> -> memref<1x128xi32, #tpu.memory_space<vmem>>
    %dma_start3A_575 = tpu.memref_squeeze %dma_start3A_574 : memref<1x128xi32, #tpu.memory_space<vmem>> -> memref<128xi32, #tpu.memory_space<vmem>>
    %dma_start3A_576 = arith.constant 0 : i32
    %dma_start3A_577 = arith.constant 0 : i32
    %dma_start3A_578 = tpu.memref_slice %arg18[%dma_start3A_576, %dma_start3A_577] : memref<1024x128xf32, #tpu.memory_space<vmem_shared>> -> memref<1024x128xf32, #tpu.memory_space<vmem_shared>>
    %dma_start3A_579 = tpu.memref_slice %arg21[%dma_start3A_568] : memref<2x!tpu.dma_semaphore, #tpu.memory_space<semaphore_mem>> -> memref<1x!tpu.dma_semaphore, #tpu.memory_space<semaphore_mem>>
    %dma_start3A_580 = tpu.memref_squeeze %dma_start3A_579 : memref<1x!tpu.dma_semaphore, #tpu.memory_space<semaphore_mem>> -> memref<!tpu.dma_semaphore, #tpu.memory_space<semaphore_mem>>
    tpu.enqueue_indirect_dma source(%dma_start3A_572 : memref<128x128xf32, #tpu.memory_space<vmem>>) target(%dma_start3A_578 : memref<1024x128xf32, #tpu.memory_space<vmem_shared>>) offsets(%dma_start3A_575 : memref<128xi32, #tpu.memory_space<vmem>>) semaphore(%dma_start3A_580 : memref<!tpu.dma_semaphore, #tpu.memory_space<semaphore_mem>>) {add = true}
    %dma_start3A_581 = arith.constant 5 : i32
    %dma_start3A_582 = arith.constant 2 : i32
    %dma_start3A_583 = arith.constant 0 : i32
    %dma_start3A_584 = tpu.memref_slice %arg13[%dma_start3A_581, %dma_start3A_583] : memref<25x128xi32, #tpu.memory_space<vmem>> -> memref<1x128xi32, #tpu.memory_space<vmem>>
    %dma_start3A_585 = tpu.memref_squeeze %dma_start3A_584 : memref<1x128xi32, #tpu.memory_space<vmem>> -> memref<128xi32, #tpu.memory_space<vmem>>
    %dma_start3A_586 = arith.constant 0 : i32
    %dma_start3A_587 = arith.constant 0 : i32
    %dma_start3A_588 = tpu.memref_slice %arg19[%dma_start3A_586, %dma_start3A_587] : memref<1024x16xf32, #tpu.memory_space<vmem_shared>> -> memref<1024x16xf32, #tpu.memory_space<vmem_shared>>
    %dma_start3A_589 = tpu.memref_slice %arg22[%dma_start3A_582] : memref<2x!tpu.dma_semaphore, #tpu.memory_space<semaphore_mem>> -> memref<1x!tpu.dma_semaphore, #tpu.memory_space<semaphore_mem>>
    %dma_start3A_590 = tpu.memref_squeeze %dma_start3A_589 : memref<1x!tpu.dma_semaphore, #tpu.memory_space<semaphore_mem>> -> memref<!tpu.dma_semaphore, #tpu.memory_space<semaphore_mem>>
    tpu.enqueue_indirect_dma source(%arg15 : memref<128x16xf32, #tpu.memory_space<vmem>>) target(%dma_start3A_588 : memref<1024x16xf32, #tpu.memory_space<vmem_shared>>) offsets(%dma_start3A_585 : memref<128xi32, #tpu.memory_space<vmem>>) semaphore(%dma_start3A_590 : memref<!tpu.dma_semaphore, #tpu.memory_space<semaphore_mem>>) {add = true}
    %dma_wait3A_591 = arith.constant 2 : i32
    %dma_wait3A_592 = arith.constant 5 : i32
    %dma_wait3A_593 = arith.constant 2 : i32
    %dma_wait3A_594 = arith.constant 0 : i32
    %dma_wait3A_595 = arith.constant 0 : i32
    %dma_wait3A_596 = tpu.memref_slice %arg12[%dma_wait3A_591, %dma_wait3A_594, %dma_wait3A_595] : memref<3x128x128xf32, #tpu.memory_space<vmem>> -> memref<1x128x128xf32, #tpu.memory_space<vmem>>
    %dma_wait3A_597 = tpu.memref_squeeze %dma_wait3A_596 : memref<1x128x128xf32, #tpu.memory_space<vmem>> -> memref<128x128xf32, #tpu.memory_space<vmem>>
    %dma_wait3A_598 = arith.constant 0 : i32
    %dma_wait3A_599 = tpu.memref_slice %arg13[%dma_wait3A_592, %dma_wait3A_598] : memref<25x128xi32, #tpu.memory_space<vmem>> -> memref<1x128xi32, #tpu.memory_space<vmem>>
    %dma_wait3A_600 = tpu.memref_squeeze %dma_wait3A_599 : memref<1x128xi32, #tpu.memory_space<vmem>> -> memref<128xi32, #tpu.memory_space<vmem>>
    %dma_wait3A_601 = arith.constant 0 : i32
    %dma_wait3A_602 = arith.constant 0 : i32
    %dma_wait3A_603 = tpu.memref_slice %arg18[%dma_wait3A_601, %dma_wait3A_602] : memref<1024x128xf32, #tpu.memory_space<vmem_shared>> -> memref<1024x128xf32, #tpu.memory_space<vmem_shared>>
    %dma_wait3A_604 = tpu.memref_slice %arg21[%dma_wait3A_593] : memref<2x!tpu.dma_semaphore, #tpu.memory_space<semaphore_mem>> -> memref<1x!tpu.dma_semaphore, #tpu.memory_space<semaphore_mem>>
    %dma_wait3A_605 = tpu.memref_squeeze %dma_wait3A_604 : memref<1x!tpu.dma_semaphore, #tpu.memory_space<semaphore_mem>> -> memref<!tpu.dma_semaphore, #tpu.memory_space<semaphore_mem>>
    tpu.wait_indirect_dma semaphore(%dma_wait3A_605 : memref<!tpu.dma_semaphore, #tpu.memory_space<semaphore_mem>>) src(%dma_wait3A_597 : memref<128x128xf32, #tpu.memory_space<vmem>>) dst(%dma_wait3A_603 : memref<1024x128xf32, #tpu.memory_space<vmem_shared>>)
    %dma_wait3A_606 = arith.constant 5 : i32
    %dma_wait3A_607 = arith.constant 2 : i32
    %dma_wait3A_608 = arith.constant 0 : i32
    %dma_wait3A_609 = tpu.memref_slice %arg13[%dma_wait3A_606, %dma_wait3A_608] : memref<25x128xi32, #tpu.memory_space<vmem>> -> memref<1x128xi32, #tpu.memory_space<vmem>>
    %dma_wait3A_610 = tpu.memref_squeeze %dma_wait3A_609 : memref<1x128xi32, #tpu.memory_space<vmem>> -> memref<128xi32, #tpu.memory_space<vmem>>
    %dma_wait3A_611 = arith.constant 0 : i32
    %dma_wait3A_612 = arith.constant 0 : i32
    %dma_wait3A_613 = tpu.memref_slice %arg19[%dma_wait3A_611, %dma_wait3A_612] : memref<1024x16xf32, #tpu.memory_space<vmem_shared>> -> memref<1024x16xf32, #tpu.memory_space<vmem_shared>>
    %dma_wait3A_614 = tpu.memref_slice %arg22[%dma_wait3A_607] : memref<2x!tpu.dma_semaphore, #tpu.memory_space<semaphore_mem>> -> memref<1x!tpu.dma_semaphore, #tpu.memory_space<semaphore_mem>>
    %dma_wait3A_615 = tpu.memref_squeeze %dma_wait3A_614 : memref<1x!tpu.dma_semaphore, #tpu.memory_space<semaphore_mem>> -> memref<!tpu.dma_semaphore, #tpu.memory_space<semaphore_mem>>
    tpu.wait_indirect_dma semaphore(%dma_wait3A_615 : memref<!tpu.dma_semaphore, #tpu.memory_space<semaphore_mem>>) src(%arg15 : memref<128x16xf32, #tpu.memory_space<vmem>>) dst(%dma_wait3A_613 : memref<1024x16xf32, #tpu.memory_space<vmem_shared>>)
    %add3A_616 = arith.constant 256 : i32
    %add3A_617 = arith.addi %add3A_616, %add3A : i32
    %min3A_618 = arith.constant 780 : i32
    %min3A_619 = arith.minsi %add3A_617, %min3A_618 : i32
    %mul3A_620 = arith.constant 128 : i32
    %mul3A_621 = arith.muli %min3A_619, %mul3A_620 : i32
    %dma_start3A_622 = arith.constant 2 : i32
    %dma_start3A_623 = arith.constant 2 : i32
    %dma_start3A_624 = arith.constant 0 : i32
    %dma_start3A_625 = arith.constant 0 : i32
    %dma_start3A_626 = tpu.memref_slice %arg12[%dma_start3A_622, %dma_start3A_624, %dma_start3A_625] : memref<3x128x128xf32, #tpu.memory_space<vmem>> -> memref<1x128x128xf32, #tpu.memory_space<vmem>>
    %dma_start3A_627 = tpu.memref_squeeze %dma_start3A_626 : memref<1x128x128xf32, #tpu.memory_space<vmem>> -> memref<128x128xf32, #tpu.memory_space<vmem>>
    %dma_start3A_628 = arith.constant 0 : i32
    %dma_start3A_629 = tpu.memref_slice %arg2[%mul3A_621, %dma_start3A_628] : memref<100000x128xf32, #tpu.memory_space<hbm>> -> memref<128x128xf32, #tpu.memory_space<hbm>>
    %dma_start3A_630 = tpu.memref_slice %arg20[%dma_start3A_623] : memref<3x!tpu.dma_semaphore, #tpu.memory_space<semaphore_mem>> -> memref<1x!tpu.dma_semaphore, #tpu.memory_space<semaphore_mem>>
    %dma_start3A_631 = tpu.memref_squeeze %dma_start3A_630 : memref<1x!tpu.dma_semaphore, #tpu.memory_space<semaphore_mem>> -> memref<!tpu.dma_semaphore, #tpu.memory_space<semaphore_mem>>
    %dma_start3A_632 = arith.constant 0 : i32
    %dma_start3A_633 = arith.constant 0 : i32
    %dma_start3A_634 = tpu.memref_slice %arg12[%dma_start3A_622, %dma_start3A_632, %dma_start3A_633] : memref<3x128x128xf32, #tpu.memory_space<vmem>> -> memref<1x128x128xf32, #tpu.memory_space<vmem>>
    %dma_start3A_635 = tpu.memref_squeeze %dma_start3A_634 : memref<1x128x128xf32, #tpu.memory_space<vmem>> -> memref<128x128xf32, #tpu.memory_space<vmem>>
    %dma_start3A_636 = arith.constant 0 : i32
    %dma_start3A_637 = tpu.memref_slice %arg2[%mul3A_621, %dma_start3A_636] : memref<100000x128xf32, #tpu.memory_space<hbm>> -> memref<128x128xf32, #tpu.memory_space<hbm>>
    tpu.enqueue_dma source(%dma_start3A_637 : memref<128x128xf32, #tpu.memory_space<hbm>>) target(%dma_start3A_635 : memref<128x128xf32, #tpu.memory_space<vmem>>) target_semaphore(%dma_start3A_631 : memref<!tpu.dma_semaphore, #tpu.memory_space<semaphore_mem>>)
    %add3A_638 = arith.constant 192 : i32
    %add3A_639 = arith.addi %add3A_638, %add3A : i32
    %min3A_640 = arith.constant 780 : i32
    %min3A_641 = arith.minsi %add3A_639, %min3A_640 : i32
    %mul3A_642 = arith.constant 128 : i32
    %mul3A_643 = arith.muli %min3A_641, %mul3A_642 : i32
    %dma_wait3A_644 = arith.constant 0 : i32
    %dma_wait3A_645 = arith.constant 0 : i32
    %dma_wait3A_646 = arith.constant 0 : i32
    %dma_wait3A_647 = arith.constant 0 : i32
    %dma_wait3A_648 = tpu.memref_slice %arg12[%dma_wait3A_644, %dma_wait3A_646, %dma_wait3A_647] : memref<3x128x128xf32, #tpu.memory_space<vmem>> -> memref<1x128x128xf32, #tpu.memory_space<vmem>>
    %dma_wait3A_649 = tpu.memref_squeeze %dma_wait3A_648 : memref<1x128x128xf32, #tpu.memory_space<vmem>> -> memref<128x128xf32, #tpu.memory_space<vmem>>
    %dma_wait3A_650 = arith.constant 0 : i32
    %dma_wait3A_651 = tpu.memref_slice %arg2[%mul3A_643, %dma_wait3A_650] : memref<100000x128xf32, #tpu.memory_space<hbm>> -> memref<128x128xf32, #tpu.memory_space<hbm>>
    %dma_wait3A_652 = tpu.memref_slice %arg20[%dma_wait3A_645] : memref<3x!tpu.dma_semaphore, #tpu.memory_space<semaphore_mem>> -> memref<1x!tpu.dma_semaphore, #tpu.memory_space<semaphore_mem>>
    %dma_wait3A_653 = tpu.memref_squeeze %dma_wait3A_652 : memref<1x!tpu.dma_semaphore, #tpu.memory_space<semaphore_mem>> -> memref<!tpu.dma_semaphore, #tpu.memory_space<semaphore_mem>>
    %dma_wait3A_654 = arith.constant 0 : i32
    %dma_wait3A_655 = arith.constant 0 : i32
    %dma_wait3A_656 = tpu.memref_slice %arg12[%dma_wait3A_644, %dma_wait3A_654, %dma_wait3A_655] : memref<3x128x128xf32, #tpu.memory_space<vmem>> -> memref<1x128x128xf32, #tpu.memory_space<vmem>>
    %dma_wait3A_657 = tpu.memref_squeeze %dma_wait3A_656 : memref<1x128x128xf32, #tpu.memory_space<vmem>> -> memref<128x128xf32, #tpu.memory_space<vmem>>
    %dma_wait3A_658 = arith.constant 0 : i32
    %dma_wait3A_659 = tpu.memref_slice %arg2[%mul3A_643, %dma_wait3A_658] : memref<100000x128xf32, #tpu.memory_space<hbm>> -> memref<128x128xf32, #tpu.memory_space<hbm>>
    tpu.wait_dma2 semaphore(%dma_wait3A_653 : memref<!tpu.dma_semaphore, #tpu.memory_space<semaphore_mem>>) src(%dma_wait3A_659 : memref<128x128xf32, #tpu.memory_space<hbm>>) dst(%dma_wait3A_657 : memref<128x128xf32, #tpu.memory_space<vmem>>)
    %dma_start3A_660 = arith.constant 0 : i32
    %dma_start3A_661 = arith.constant 6 : i32
    %dma_start3A_662 = arith.constant 0 : i32
    %dma_start3A_663 = arith.constant 0 : i32
    %dma_start3A_664 = arith.constant 0 : i32
    %dma_start3A_665 = tpu.memref_slice %arg12[%dma_start3A_660, %dma_start3A_663, %dma_start3A_664] : memref<3x128x128xf32, #tpu.memory_space<vmem>> -> memref<1x128x128xf32, #tpu.memory_space<vmem>>
    %dma_start3A_666 = tpu.memref_squeeze %dma_start3A_665 : memref<1x128x128xf32, #tpu.memory_space<vmem>> -> memref<128x128xf32, #tpu.memory_space<vmem>>
    %dma_start3A_667 = arith.constant 0 : i32
    %dma_start3A_668 = tpu.memref_slice %arg13[%dma_start3A_661, %dma_start3A_667] : memref<25x128xi32, #tpu.memory_space<vmem>> -> memref<1x128xi32, #tpu.memory_space<vmem>>
    %dma_start3A_669 = tpu.memref_squeeze %dma_start3A_668 : memref<1x128xi32, #tpu.memory_space<vmem>> -> memref<128xi32, #tpu.memory_space<vmem>>
    %dma_start3A_670 = arith.constant 0 : i32
    %dma_start3A_671 = arith.constant 0 : i32
    %dma_start3A_672 = tpu.memref_slice %arg18[%dma_start3A_670, %dma_start3A_671] : memref<1024x128xf32, #tpu.memory_space<vmem_shared>> -> memref<1024x128xf32, #tpu.memory_space<vmem_shared>>
    %dma_start3A_673 = tpu.memref_slice %arg21[%dma_start3A_662] : memref<2x!tpu.dma_semaphore, #tpu.memory_space<semaphore_mem>> -> memref<1x!tpu.dma_semaphore, #tpu.memory_space<semaphore_mem>>
    %dma_start3A_674 = tpu.memref_squeeze %dma_start3A_673 : memref<1x!tpu.dma_semaphore, #tpu.memory_space<semaphore_mem>> -> memref<!tpu.dma_semaphore, #tpu.memory_space<semaphore_mem>>
    tpu.enqueue_indirect_dma source(%dma_start3A_666 : memref<128x128xf32, #tpu.memory_space<vmem>>) target(%dma_start3A_672 : memref<1024x128xf32, #tpu.memory_space<vmem_shared>>) offsets(%dma_start3A_669 : memref<128xi32, #tpu.memory_space<vmem>>) semaphore(%dma_start3A_674 : memref<!tpu.dma_semaphore, #tpu.memory_space<semaphore_mem>>) {add = true}
    %dma_start3A_675 = arith.constant 6 : i32
    %dma_start3A_676 = arith.constant 0 : i32
    %dma_start3A_677 = arith.constant 0 : i32
    %dma_start3A_678 = tpu.memref_slice %arg13[%dma_start3A_675, %dma_start3A_677] : memref<25x128xi32, #tpu.memory_space<vmem>> -> memref<1x128xi32, #tpu.memory_space<vmem>>
    %dma_start3A_679 = tpu.memref_squeeze %dma_start3A_678 : memref<1x128xi32, #tpu.memory_space<vmem>> -> memref<128xi32, #tpu.memory_space<vmem>>
    %dma_start3A_680 = arith.constant 0 : i32
    %dma_start3A_681 = arith.constant 0 : i32
    %dma_start3A_682 = tpu.memref_slice %arg19[%dma_start3A_680, %dma_start3A_681] : memref<1024x16xf32, #tpu.memory_space<vmem_shared>> -> memref<1024x16xf32, #tpu.memory_space<vmem_shared>>
    %dma_start3A_683 = tpu.memref_slice %arg22[%dma_start3A_676] : memref<2x!tpu.dma_semaphore, #tpu.memory_space<semaphore_mem>> -> memref<1x!tpu.dma_semaphore, #tpu.memory_space<semaphore_mem>>
    %dma_start3A_684 = tpu.memref_squeeze %dma_start3A_683 : memref<1x!tpu.dma_semaphore, #tpu.memory_space<semaphore_mem>> -> memref<!tpu.dma_semaphore, #tpu.memory_space<semaphore_mem>>
    tpu.enqueue_indirect_dma source(%arg15 : memref<128x16xf32, #tpu.memory_space<vmem>>) target(%dma_start3A_682 : memref<1024x16xf32, #tpu.memory_space<vmem_shared>>) offsets(%dma_start3A_679 : memref<128xi32, #tpu.memory_space<vmem>>) semaphore(%dma_start3A_684 : memref<!tpu.dma_semaphore, #tpu.memory_space<semaphore_mem>>) {add = true}
    %dma_wait3A_685 = arith.constant 0 : i32
    %dma_wait3A_686 = arith.constant 6 : i32
    %dma_wait3A_687 = arith.constant 0 : i32
    %dma_wait3A_688 = arith.constant 0 : i32
    %dma_wait3A_689 = arith.constant 0 : i32
    %dma_wait3A_690 = tpu.memref_slice %arg12[%dma_wait3A_685, %dma_wait3A_688, %dma_wait3A_689] : memref<3x128x128xf32, #tpu.memory_space<vmem>> -> memref<1x128x128xf32, #tpu.memory_space<vmem>>
    %dma_wait3A_691 = tpu.memref_squeeze %dma_wait3A_690 : memref<1x128x128xf32, #tpu.memory_space<vmem>> -> memref<128x128xf32, #tpu.memory_space<vmem>>
    %dma_wait3A_692 = arith.constant 0 : i32
    %dma_wait3A_693 = tpu.memref_slice %arg13[%dma_wait3A_686, %dma_wait3A_692] : memref<25x128xi32, #tpu.memory_space<vmem>> -> memref<1x128xi32, #tpu.memory_space<vmem>>
    %dma_wait3A_694 = tpu.memref_squeeze %dma_wait3A_693 : memref<1x128xi32, #tpu.memory_space<vmem>> -> memref<128xi32, #tpu.memory_space<vmem>>
    %dma_wait3A_695 = arith.constant 0 : i32
    %dma_wait3A_696 = arith.constant 0 : i32
    %dma_wait3A_697 = tpu.memref_slice %arg18[%dma_wait3A_695, %dma_wait3A_696] : memref<1024x128xf32, #tpu.memory_space<vmem_shared>> -> memref<1024x128xf32, #tpu.memory_space<vmem_shared>>
    %dma_wait3A_698 = tpu.memref_slice %arg21[%dma_wait3A_687] : memref<2x!tpu.dma_semaphore, #tpu.memory_space<semaphore_mem>> -> memref<1x!tpu.dma_semaphore, #tpu.memory_space<semaphore_mem>>
    %dma_wait3A_699 = tpu.memref_squeeze %dma_wait3A_698 : memref<1x!tpu.dma_semaphore, #tpu.memory_space<semaphore_mem>> -> memref<!tpu.dma_semaphore, #tpu.memory_space<semaphore_mem>>
    tpu.wait_indirect_dma semaphore(%dma_wait3A_699 : memref<!tpu.dma_semaphore, #tpu.memory_space<semaphore_mem>>) src(%dma_wait3A_691 : memref<128x128xf32, #tpu.memory_space<vmem>>) dst(%dma_wait3A_697 : memref<1024x128xf32, #tpu.memory_space<vmem_shared>>)
    %dma_wait3A_700 = arith.constant 6 : i32
    %dma_wait3A_701 = arith.constant 0 : i32
    %dma_wait3A_702 = arith.constant 0 : i32
    %dma_wait3A_703 = tpu.memref_slice %arg13[%dma_wait3A_700, %dma_wait3A_702] : memref<25x128xi32, #tpu.memory_space<vmem>> -> memref<1x128xi32, #tpu.memory_space<vmem>>
    %dma_wait3A_704 = tpu.memref_squeeze %dma_wait3A_703 : memref<1x128xi32, #tpu.memory_space<vmem>> -> memref<128xi32, #tpu.memory_space<vmem>>
    %dma_wait3A_705 = arith.constant 0 : i32
    %dma_wait3A_706 = arith.constant 0 : i32
    %dma_wait3A_707 = tpu.memref_slice %arg19[%dma_wait3A_705, %dma_wait3A_706] : memref<1024x16xf32, #tpu.memory_space<vmem_shared>> -> memref<1024x16xf32, #tpu.memory_space<vmem_shared>>
    %dma_wait3A_708 = tpu.memref_slice %arg22[%dma_wait3A_701] : memref<2x!tpu.dma_semaphore, #tpu.memory_space<semaphore_mem>> -> memref<1x!tpu.dma_semaphore, #tpu.memory_space<semaphore_mem>>
    %dma_wait3A_709 = tpu.memref_squeeze %dma_wait3A_708 : memref<1x!tpu.dma_semaphore, #tpu.memory_space<semaphore_mem>> -> memref<!tpu.dma_semaphore, #tpu.memory_space<semaphore_mem>>
    tpu.wait_indirect_dma semaphore(%dma_wait3A_709 : memref<!tpu.dma_semaphore, #tpu.memory_space<semaphore_mem>>) src(%arg15 : memref<128x16xf32, #tpu.memory_space<vmem>>) dst(%dma_wait3A_707 : memref<1024x16xf32, #tpu.memory_space<vmem_shared>>)
    %add3A_710 = arith.constant 288 : i32
    %add3A_711 = arith.addi %add3A_710, %add3A : i32
    %min3A_712 = arith.constant 780 : i32
    %min3A_713 = arith.minsi %add3A_711, %min3A_712 : i32
    %mul3A_714 = arith.constant 128 : i32
    %mul3A_715 = arith.muli %min3A_713, %mul3A_714 : i32
    %dma_start3A_716 = arith.constant 0 : i32
    %dma_start3A_717 = arith.constant 0 : i32
    %dma_start3A_718 = arith.constant 0 : i32
    %dma_start3A_719 = arith.constant 0 : i32
    %dma_start3A_720 = tpu.memref_slice %arg12[%dma_start3A_716, %dma_start3A_718, %dma_start3A_719] : memref<3x128x128xf32, #tpu.memory_space<vmem>> -> memref<1x128x128xf32, #tpu.memory_space<vmem>>
    %dma_start3A_721 = tpu.memref_squeeze %dma_start3A_720 : memref<1x128x128xf32, #tpu.memory_space<vmem>> -> memref<128x128xf32, #tpu.memory_space<vmem>>
    %dma_start3A_722 = arith.constant 0 : i32
    %dma_start3A_723 = tpu.memref_slice %arg2[%mul3A_715, %dma_start3A_722] : memref<100000x128xf32, #tpu.memory_space<hbm>> -> memref<128x128xf32, #tpu.memory_space<hbm>>
    %dma_start3A_724 = tpu.memref_slice %arg20[%dma_start3A_717] : memref<3x!tpu.dma_semaphore, #tpu.memory_space<semaphore_mem>> -> memref<1x!tpu.dma_semaphore, #tpu.memory_space<semaphore_mem>>
    %dma_start3A_725 = tpu.memref_squeeze %dma_start3A_724 : memref<1x!tpu.dma_semaphore, #tpu.memory_space<semaphore_mem>> -> memref<!tpu.dma_semaphore, #tpu.memory_space<semaphore_mem>>
    %dma_start3A_726 = arith.constant 0 : i32
    %dma_start3A_727 = arith.constant 0 : i32
    %dma_start3A_728 = tpu.memref_slice %arg12[%dma_start3A_716, %dma_start3A_726, %dma_start3A_727] : memref<3x128x128xf32, #tpu.memory_space<vmem>> -> memref<1x128x128xf32, #tpu.memory_space<vmem>>
    %dma_start3A_729 = tpu.memref_squeeze %dma_start3A_728 : memref<1x128x128xf32, #tpu.memory_space<vmem>> -> memref<128x128xf32, #tpu.memory_space<vmem>>
    %dma_start3A_730 = arith.constant 0 : i32
    %dma_start3A_731 = tpu.memref_slice %arg2[%mul3A_715, %dma_start3A_730] : memref<100000x128xf32, #tpu.memory_space<hbm>> -> memref<128x128xf32, #tpu.memory_space<hbm>>
    tpu.enqueue_dma source(%dma_start3A_731 : memref<128x128xf32, #tpu.memory_space<hbm>>) target(%dma_start3A_729 : memref<128x128xf32, #tpu.memory_space<vmem>>) target_semaphore(%dma_start3A_725 : memref<!tpu.dma_semaphore, #tpu.memory_space<semaphore_mem>>)
    %add3A_732 = arith.constant 224 : i32
    %add3A_733 = arith.addi %add3A_732, %add3A : i32
    %min3A_734 = arith.constant 780 : i32
    %min3A_735 = arith.minsi %add3A_733, %min3A_734 : i32
    %mul3A_736 = arith.constant 128 : i32
    %mul3A_737 = arith.muli %min3A_735, %mul3A_736 : i32
    %dma_wait3A_738 = arith.constant 1 : i32
    %dma_wait3A_739 = arith.constant 1 : i32
    %dma_wait3A_740 = arith.constant 0 : i32
    %dma_wait3A_741 = arith.constant 0 : i32
    %dma_wait3A_742 = tpu.memref_slice %arg12[%dma_wait3A_738, %dma_wait3A_740, %dma_wait3A_741] : memref<3x128x128xf32, #tpu.memory_space<vmem>> -> memref<1x128x128xf32, #tpu.memory_space<vmem>>
    %dma_wait3A_743 = tpu.memref_squeeze %dma_wait3A_742 : memref<1x128x128xf32, #tpu.memory_space<vmem>> -> memref<128x128xf32, #tpu.memory_space<vmem>>
    %dma_wait3A_744 = arith.constant 0 : i32
    %dma_wait3A_745 = tpu.memref_slice %arg2[%mul3A_737, %dma_wait3A_744] : memref<100000x128xf32, #tpu.memory_space<hbm>> -> memref<128x128xf32, #tpu.memory_space<hbm>>
    %dma_wait3A_746 = tpu.memref_slice %arg20[%dma_wait3A_739] : memref<3x!tpu.dma_semaphore, #tpu.memory_space<semaphore_mem>> -> memref<1x!tpu.dma_semaphore, #tpu.memory_space<semaphore_mem>>
    %dma_wait3A_747 = tpu.memref_squeeze %dma_wait3A_746 : memref<1x!tpu.dma_semaphore, #tpu.memory_space<semaphore_mem>> -> memref<!tpu.dma_semaphore, #tpu.memory_space<semaphore_mem>>
    %dma_wait3A_748 = arith.constant 0 : i32
    %dma_wait3A_749 = arith.constant 0 : i32
    %dma_wait3A_750 = tpu.memref_slice %arg12[%dma_wait3A_738, %dma_wait3A_748, %dma_wait3A_749] : memref<3x128x128xf32, #tpu.memory_space<vmem>> -> memref<1x128x128xf32, #tpu.memory_space<vmem>>
    %dma_wait3A_751 = tpu.memref_squeeze %dma_wait3A_750 : memref<1x128x128xf32, #tpu.memory_space<vmem>> -> memref<128x128xf32, #tpu.memory_space<vmem>>
    %dma_wait3A_752 = arith.constant 0 : i32
    %dma_wait3A_753 = tpu.memref_slice %arg2[%mul3A_737, %dma_wait3A_752] : memref<100000x128xf32, #tpu.memory_space<hbm>> -> memref<128x128xf32, #tpu.memory_space<hbm>>
    tpu.wait_dma2 semaphore(%dma_wait3A_747 : memref<!tpu.dma_semaphore, #tpu.memory_space<semaphore_mem>>) src(%dma_wait3A_753 : memref<128x128xf32, #tpu.memory_space<hbm>>) dst(%dma_wait3A_751 : memref<128x128xf32, #tpu.memory_space<vmem>>)
    %dma_start3A_754 = arith.constant 1 : i32
    %dma_start3A_755 = arith.constant 7 : i32
    %dma_start3A_756 = arith.constant 1 : i32
    %dma_start3A_757 = arith.constant 0 : i32
    %dma_start3A_758 = arith.constant 0 : i32
    %dma_start3A_759 = tpu.memref_slice %arg12[%dma_start3A_754, %dma_start3A_757, %dma_start3A_758] : memref<3x128x128xf32, #tpu.memory_space<vmem>> -> memref<1x128x128xf32, #tpu.memory_space<vmem>>
    %dma_start3A_760 = tpu.memref_squeeze %dma_start3A_759 : memref<1x128x128xf32, #tpu.memory_space<vmem>> -> memref<128x128xf32, #tpu.memory_space<vmem>>
    %dma_start3A_761 = arith.constant 0 : i32
    %dma_start3A_762 = tpu.memref_slice %arg13[%dma_start3A_755, %dma_start3A_761] : memref<25x128xi32, #tpu.memory_space<vmem>> -> memref<1x128xi32, #tpu.memory_space<vmem>>
    %dma_start3A_763 = tpu.memref_squeeze %dma_start3A_762 : memref<1x128xi32, #tpu.memory_space<vmem>> -> memref<128xi32, #tpu.memory_space<vmem>>
    %dma_start3A_764 = arith.constant 0 : i32
    %dma_start3A_765 = arith.constant 0 : i32
    %dma_start3A_766 = tpu.memref_slice %arg18[%dma_start3A_764, %dma_start3A_765] : memref<1024x128xf32, #tpu.memory_space<vmem_shared>> -> memref<1024x128xf32, #tpu.memory_space<vmem_shared>>
    %dma_start3A_767 = tpu.memref_slice %arg21[%dma_start3A_756] : memref<2x!tpu.dma_semaphore, #tpu.memory_space<semaphore_mem>> -> memref<1x!tpu.dma_semaphore, #tpu.memory_space<semaphore_mem>>
    %dma_start3A_768 = tpu.memref_squeeze %dma_start3A_767 : memref<1x!tpu.dma_semaphore, #tpu.memory_space<semaphore_mem>> -> memref<!tpu.dma_semaphore, #tpu.memory_space<semaphore_mem>>
    tpu.enqueue_indirect_dma source(%dma_start3A_760 : memref<128x128xf32, #tpu.memory_space<vmem>>) target(%dma_start3A_766 : memref<1024x128xf32, #tpu.memory_space<vmem_shared>>) offsets(%dma_start3A_763 : memref<128xi32, #tpu.memory_space<vmem>>) semaphore(%dma_start3A_768 : memref<!tpu.dma_semaphore, #tpu.memory_space<semaphore_mem>>) {add = true}
    %dma_start3A_769 = arith.constant 7 : i32
    %dma_start3A_770 = arith.constant 1 : i32
    %dma_start3A_771 = arith.constant 0 : i32
    %dma_start3A_772 = tpu.memref_slice %arg13[%dma_start3A_769, %dma_start3A_771] : memref<25x128xi32, #tpu.memory_space<vmem>> -> memref<1x128xi32, #tpu.memory_space<vmem>>
    %dma_start3A_773 = tpu.memref_squeeze %dma_start3A_772 : memref<1x128xi32, #tpu.memory_space<vmem>> -> memref<128xi32, #tpu.memory_space<vmem>>
    %dma_start3A_774 = arith.constant 0 : i32
    %dma_start3A_775 = arith.constant 0 : i32
    %dma_start3A_776 = tpu.memref_slice %arg19[%dma_start3A_774, %dma_start3A_775] : memref<1024x16xf32, #tpu.memory_space<vmem_shared>> -> memref<1024x16xf32, #tpu.memory_space<vmem_shared>>
    %dma_start3A_777 = tpu.memref_slice %arg22[%dma_start3A_770] : memref<2x!tpu.dma_semaphore, #tpu.memory_space<semaphore_mem>> -> memref<1x!tpu.dma_semaphore, #tpu.memory_space<semaphore_mem>>
    %dma_start3A_778 = tpu.memref_squeeze %dma_start3A_777 : memref<1x!tpu.dma_semaphore, #tpu.memory_space<semaphore_mem>> -> memref<!tpu.dma_semaphore, #tpu.memory_space<semaphore_mem>>
    tpu.enqueue_indirect_dma source(%arg15 : memref<128x16xf32, #tpu.memory_space<vmem>>) target(%dma_start3A_776 : memref<1024x16xf32, #tpu.memory_space<vmem_shared>>) offsets(%dma_start3A_773 : memref<128xi32, #tpu.memory_space<vmem>>) semaphore(%dma_start3A_778 : memref<!tpu.dma_semaphore, #tpu.memory_space<semaphore_mem>>) {add = true}
    %dma_wait3A_779 = arith.constant 1 : i32
    %dma_wait3A_780 = arith.constant 7 : i32
    %dma_wait3A_781 = arith.constant 1 : i32
    %dma_wait3A_782 = arith.constant 0 : i32
    %dma_wait3A_783 = arith.constant 0 : i32
    %dma_wait3A_784 = tpu.memref_slice %arg12[%dma_wait3A_779, %dma_wait3A_782, %dma_wait3A_783] : memref<3x128x128xf32, #tpu.memory_space<vmem>> -> memref<1x128x128xf32, #tpu.memory_space<vmem>>
    %dma_wait3A_785 = tpu.memref_squeeze %dma_wait3A_784 : memref<1x128x128xf32, #tpu.memory_space<vmem>> -> memref<128x128xf32, #tpu.memory_space<vmem>>
    %dma_wait3A_786 = arith.constant 0 : i32
    %dma_wait3A_787 = tpu.memref_slice %arg13[%dma_wait3A_780, %dma_wait3A_786] : memref<25x128xi32, #tpu.memory_space<vmem>> -> memref<1x128xi32, #tpu.memory_space<vmem>>
    %dma_wait3A_788 = tpu.memref_squeeze %dma_wait3A_787 : memref<1x128xi32, #tpu.memory_space<vmem>> -> memref<128xi32, #tpu.memory_space<vmem>>
    %dma_wait3A_789 = arith.constant 0 : i32
    %dma_wait3A_790 = arith.constant 0 : i32
    %dma_wait3A_791 = tpu.memref_slice %arg18[%dma_wait3A_789, %dma_wait3A_790] : memref<1024x128xf32, #tpu.memory_space<vmem_shared>> -> memref<1024x128xf32, #tpu.memory_space<vmem_shared>>
    %dma_wait3A_792 = tpu.memref_slice %arg21[%dma_wait3A_781] : memref<2x!tpu.dma_semaphore, #tpu.memory_space<semaphore_mem>> -> memref<1x!tpu.dma_semaphore, #tpu.memory_space<semaphore_mem>>
    %dma_wait3A_793 = tpu.memref_squeeze %dma_wait3A_792 : memref<1x!tpu.dma_semaphore, #tpu.memory_space<semaphore_mem>> -> memref<!tpu.dma_semaphore, #tpu.memory_space<semaphore_mem>>
    tpu.wait_indirect_dma semaphore(%dma_wait3A_793 : memref<!tpu.dma_semaphore, #tpu.memory_space<semaphore_mem>>) src(%dma_wait3A_785 : memref<128x128xf32, #tpu.memory_space<vmem>>) dst(%dma_wait3A_791 : memref<1024x128xf32, #tpu.memory_space<vmem_shared>>)
    %dma_wait3A_794 = arith.constant 7 : i32
    %dma_wait3A_795 = arith.constant 1 : i32
    %dma_wait3A_796 = arith.constant 0 : i32
    %dma_wait3A_797 = tpu.memref_slice %arg13[%dma_wait3A_794, %dma_wait3A_796] : memref<25x128xi32, #tpu.memory_space<vmem>> -> memref<1x128xi32, #tpu.memory_space<vmem>>
    %dma_wait3A_798 = tpu.memref_squeeze %dma_wait3A_797 : memref<1x128xi32, #tpu.memory_space<vmem>> -> memref<128xi32, #tpu.memory_space<vmem>>
    %dma_wait3A_799 = arith.constant 0 : i32
    %dma_wait3A_800 = arith.constant 0 : i32
    %dma_wait3A_801 = tpu.memref_slice %arg19[%dma_wait3A_799, %dma_wait3A_800] : memref<1024x16xf32, #tpu.memory_space<vmem_shared>> -> memref<1024x16xf32, #tpu.memory_space<vmem_shared>>
    %dma_wait3A_802 = tpu.memref_slice %arg22[%dma_wait3A_795] : memref<2x!tpu.dma_semaphore, #tpu.memory_space<semaphore_mem>> -> memref<1x!tpu.dma_semaphore, #tpu.memory_space<semaphore_mem>>
    %dma_wait3A_803 = tpu.memref_squeeze %dma_wait3A_802 : memref<1x!tpu.dma_semaphore, #tpu.memory_space<semaphore_mem>> -> memref<!tpu.dma_semaphore, #tpu.memory_space<semaphore_mem>>
    tpu.wait_indirect_dma semaphore(%dma_wait3A_803 : memref<!tpu.dma_semaphore, #tpu.memory_space<semaphore_mem>>) src(%arg15 : memref<128x16xf32, #tpu.memory_space<vmem>>) dst(%dma_wait3A_801 : memref<1024x16xf32, #tpu.memory_space<vmem_shared>>)
    %add3A_804 = arith.constant 320 : i32
    %add3A_805 = arith.addi %add3A_804, %add3A : i32
    %min3A_806 = arith.constant 780 : i32
    %min3A_807 = arith.minsi %add3A_805, %min3A_806 : i32
    %mul3A_808 = arith.constant 128 : i32
    %mul3A_809 = arith.muli %min3A_807, %mul3A_808 : i32
    %dma_start3A_810 = arith.constant 1 : i32
    %dma_start3A_811 = arith.constant 1 : i32
    %dma_start3A_812 = arith.constant 0 : i32
    %dma_start3A_813 = arith.constant 0 : i32
    %dma_start3A_814 = tpu.memref_slice %arg12[%dma_start3A_810, %dma_start3A_812, %dma_start3A_813] : memref<3x128x128xf32, #tpu.memory_space<vmem>> -> memref<1x128x128xf32, #tpu.memory_space<vmem>>
    %dma_start3A_815 = tpu.memref_squeeze %dma_start3A_814 : memref<1x128x128xf32, #tpu.memory_space<vmem>> -> memref<128x128xf32, #tpu.memory_space<vmem>>
    %dma_start3A_816 = arith.constant 0 : i32
    %dma_start3A_817 = tpu.memref_slice %arg2[%mul3A_809, %dma_start3A_816] : memref<100000x128xf32, #tpu.memory_space<hbm>> -> memref<128x128xf32, #tpu.memory_space<hbm>>
    %dma_start3A_818 = tpu.memref_slice %arg20[%dma_start3A_811] : memref<3x!tpu.dma_semaphore, #tpu.memory_space<semaphore_mem>> -> memref<1x!tpu.dma_semaphore, #tpu.memory_space<semaphore_mem>>
    %dma_start3A_819 = tpu.memref_squeeze %dma_start3A_818 : memref<1x!tpu.dma_semaphore, #tpu.memory_space<semaphore_mem>> -> memref<!tpu.dma_semaphore, #tpu.memory_space<semaphore_mem>>
    %dma_start3A_820 = arith.constant 0 : i32
    %dma_start3A_821 = arith.constant 0 : i32
    %dma_start3A_822 = tpu.memref_slice %arg12[%dma_start3A_810, %dma_start3A_820, %dma_start3A_821] : memref<3x128x128xf32, #tpu.memory_space<vmem>> -> memref<1x128x128xf32, #tpu.memory_space<vmem>>
    %dma_start3A_823 = tpu.memref_squeeze %dma_start3A_822 : memref<1x128x128xf32, #tpu.memory_space<vmem>> -> memref<128x128xf32, #tpu.memory_space<vmem>>
    %dma_start3A_824 = arith.constant 0 : i32
    %dma_start3A_825 = tpu.memref_slice %arg2[%mul3A_809, %dma_start3A_824] : memref<100000x128xf32, #tpu.memory_space<hbm>> -> memref<128x128xf32, #tpu.memory_space<hbm>>
    tpu.enqueue_dma source(%dma_start3A_825 : memref<128x128xf32, #tpu.memory_space<hbm>>) target(%dma_start3A_823 : memref<128x128xf32, #tpu.memory_space<vmem>>) target_semaphore(%dma_start3A_819 : memref<!tpu.dma_semaphore, #tpu.memory_space<semaphore_mem>>)
    %add3A_826 = arith.constant 256 : i32
    %add3A_827 = arith.addi %add3A_826, %add3A : i32
    %min3A_828 = arith.constant 780 : i32
    %min3A_829 = arith.minsi %add3A_827, %min3A_828 : i32
    %mul3A_830 = arith.constant 128 : i32
    %mul3A_831 = arith.muli %min3A_829, %mul3A_830 : i32
    %dma_wait3A_832 = arith.constant 2 : i32
    %dma_wait3A_833 = arith.constant 2 : i32
    %dma_wait3A_834 = arith.constant 0 : i32
    %dma_wait3A_835 = arith.constant 0 : i32
    %dma_wait3A_836 = tpu.memref_slice %arg12[%dma_wait3A_832, %dma_wait3A_834, %dma_wait3A_835] : memref<3x128x128xf32, #tpu.memory_space<vmem>> -> memref<1x128x128xf32, #tpu.memory_space<vmem>>
    %dma_wait3A_837 = tpu.memref_squeeze %dma_wait3A_836 : memref<1x128x128xf32, #tpu.memory_space<vmem>> -> memref<128x128xf32, #tpu.memory_space<vmem>>
    %dma_wait3A_838 = arith.constant 0 : i32
    %dma_wait3A_839 = tpu.memref_slice %arg2[%mul3A_831, %dma_wait3A_838] : memref<100000x128xf32, #tpu.memory_space<hbm>> -> memref<128x128xf32, #tpu.memory_space<hbm>>
    %dma_wait3A_840 = tpu.memref_slice %arg20[%dma_wait3A_833] : memref<3x!tpu.dma_semaphore, #tpu.memory_space<semaphore_mem>> -> memref<1x!tpu.dma_semaphore, #tpu.memory_space<semaphore_mem>>
    %dma_wait3A_841 = tpu.memref_squeeze %dma_wait3A_840 : memref<1x!tpu.dma_semaphore, #tpu.memory_space<semaphore_mem>> -> memref<!tpu.dma_semaphore, #tpu.memory_space<semaphore_mem>>
    %dma_wait3A_842 = arith.constant 0 : i32
    %dma_wait3A_843 = arith.constant 0 : i32
    %dma_wait3A_844 = tpu.memref_slice %arg12[%dma_wait3A_832, %dma_wait3A_842, %dma_wait3A_843] : memref<3x128x128xf32, #tpu.memory_space<vmem>> -> memref<1x128x128xf32, #tpu.memory_space<vmem>>
    %dma_wait3A_845 = tpu.memref_squeeze %dma_wait3A_844 : memref<1x128x128xf32, #tpu.memory_space<vmem>> -> memref<128x128xf32, #tpu.memory_space<vmem>>
    %dma_wait3A_846 = arith.constant 0 : i32
    %dma_wait3A_847 = tpu.memref_slice %arg2[%mul3A_831, %dma_wait3A_846] : memref<100000x128xf32, #tpu.memory_space<hbm>> -> memref<128x128xf32, #tpu.memory_space<hbm>>
    tpu.wait_dma2 semaphore(%dma_wait3A_841 : memref<!tpu.dma_semaphore, #tpu.memory_space<semaphore_mem>>) src(%dma_wait3A_847 : memref<128x128xf32, #tpu.memory_space<hbm>>) dst(%dma_wait3A_845 : memref<128x128xf32, #tpu.memory_space<vmem>>)
    %dma_start3A_848 = arith.constant 2 : i32
    %dma_start3A_849 = arith.constant 8 : i32
    %dma_start3A_850 = arith.constant 2 : i32
    %dma_start3A_851 = arith.constant 0 : i32
    %dma_start3A_852 = arith.constant 0 : i32
    %dma_start3A_853 = tpu.memref_slice %arg12[%dma_start3A_848, %dma_start3A_851, %dma_start3A_852] : memref<3x128x128xf32, #tpu.memory_space<vmem>> -> memref<1x128x128xf32, #tpu.memory_space<vmem>>
    %dma_start3A_854 = tpu.memref_squeeze %dma_start3A_853 : memref<1x128x128xf32, #tpu.memory_space<vmem>> -> memref<128x128xf32, #tpu.memory_space<vmem>>
    %dma_start3A_855 = arith.constant 0 : i32
    %dma_start3A_856 = tpu.memref_slice %arg13[%dma_start3A_849, %dma_start3A_855] : memref<25x128xi32, #tpu.memory_space<vmem>> -> memref<1x128xi32, #tpu.memory_space<vmem>>
    %dma_start3A_857 = tpu.memref_squeeze %dma_start3A_856 : memref<1x128xi32, #tpu.memory_space<vmem>> -> memref<128xi32, #tpu.memory_space<vmem>>
    %dma_start3A_858 = arith.constant 0 : i32
    %dma_start3A_859 = arith.constant 0 : i32
    %dma_start3A_860 = tpu.memref_slice %arg18[%dma_start3A_858, %dma_start3A_859] : memref<1024x128xf32, #tpu.memory_space<vmem_shared>> -> memref<1024x128xf32, #tpu.memory_space<vmem_shared>>
    %dma_start3A_861 = tpu.memref_slice %arg21[%dma_start3A_850] : memref<2x!tpu.dma_semaphore, #tpu.memory_space<semaphore_mem>> -> memref<1x!tpu.dma_semaphore, #tpu.memory_space<semaphore_mem>>
    %dma_start3A_862 = tpu.memref_squeeze %dma_start3A_861 : memref<1x!tpu.dma_semaphore, #tpu.memory_space<semaphore_mem>> -> memref<!tpu.dma_semaphore, #tpu.memory_space<semaphore_mem>>
    tpu.enqueue_indirect_dma source(%dma_start3A_854 : memref<128x128xf32, #tpu.memory_space<vmem>>) target(%dma_start3A_860 : memref<1024x128xf32, #tpu.memory_space<vmem_shared>>) offsets(%dma_start3A_857 : memref<128xi32, #tpu.memory_space<vmem>>) semaphore(%dma_start3A_862 : memref<!tpu.dma_semaphore, #tpu.memory_space<semaphore_mem>>) {add = true}
    %dma_start3A_863 = arith.constant 8 : i32
    %dma_start3A_864 = arith.constant 2 : i32
    %dma_start3A_865 = arith.constant 0 : i32
    %dma_start3A_866 = tpu.memref_slice %arg13[%dma_start3A_863, %dma_start3A_865] : memref<25x128xi32, #tpu.memory_space<vmem>> -> memref<1x128xi32, #tpu.memory_space<vmem>>
    %dma_start3A_867 = tpu.memref_squeeze %dma_start3A_866 : memref<1x128xi32, #tpu.memory_space<vmem>> -> memref<128xi32, #tpu.memory_space<vmem>>
    %dma_start3A_868 = arith.constant 0 : i32
    %dma_start3A_869 = arith.constant 0 : i32
    %dma_start3A_870 = tpu.memref_slice %arg19[%dma_start3A_868, %dma_start3A_869] : memref<1024x16xf32, #tpu.memory_space<vmem_shared>> -> memref<1024x16xf32, #tpu.memory_space<vmem_shared>>
    %dma_start3A_871 = tpu.memref_slice %arg22[%dma_start3A_864] : memref<2x!tpu.dma_semaphore, #tpu.memory_space<semaphore_mem>> -> memref<1x!tpu.dma_semaphore, #tpu.memory_space<semaphore_mem>>
    %dma_start3A_872 = tpu.memref_squeeze %dma_start3A_871 : memref<1x!tpu.dma_semaphore, #tpu.memory_space<semaphore_mem>> -> memref<!tpu.dma_semaphore, #tpu.memory_space<semaphore_mem>>
    tpu.enqueue_indirect_dma source(%arg15 : memref<128x16xf32, #tpu.memory_space<vmem>>) target(%dma_start3A_870 : memref<1024x16xf32, #tpu.memory_space<vmem_shared>>) offsets(%dma_start3A_867 : memref<128xi32, #tpu.memory_space<vmem>>) semaphore(%dma_start3A_872 : memref<!tpu.dma_semaphore, #tpu.memory_space<semaphore_mem>>) {add = true}
    %dma_wait3A_873 = arith.constant 2 : i32
    %dma_wait3A_874 = arith.constant 8 : i32
    %dma_wait3A_875 = arith.constant 2 : i32
    %dma_wait3A_876 = arith.constant 0 : i32
    %dma_wait3A_877 = arith.constant 0 : i32
    %dma_wait3A_878 = tpu.memref_slice %arg12[%dma_wait3A_873, %dma_wait3A_876, %dma_wait3A_877] : memref<3x128x128xf32, #tpu.memory_space<vmem>> -> memref<1x128x128xf32, #tpu.memory_space<vmem>>
    %dma_wait3A_879 = tpu.memref_squeeze %dma_wait3A_878 : memref<1x128x128xf32, #tpu.memory_space<vmem>> -> memref<128x128xf32, #tpu.memory_space<vmem>>
    %dma_wait3A_880 = arith.constant 0 : i32
    %dma_wait3A_881 = tpu.memref_slice %arg13[%dma_wait3A_874, %dma_wait3A_880] : memref<25x128xi32, #tpu.memory_space<vmem>> -> memref<1x128xi32, #tpu.memory_space<vmem>>
    %dma_wait3A_882 = tpu.memref_squeeze %dma_wait3A_881 : memref<1x128xi32, #tpu.memory_space<vmem>> -> memref<128xi32, #tpu.memory_space<vmem>>
    %dma_wait3A_883 = arith.constant 0 : i32
    %dma_wait3A_884 = arith.constant 0 : i32
    %dma_wait3A_885 = tpu.memref_slice %arg18[%dma_wait3A_883, %dma_wait3A_884] : memref<1024x128xf32, #tpu.memory_space<vmem_shared>> -> memref<1024x128xf32, #tpu.memory_space<vmem_shared>>
    %dma_wait3A_886 = tpu.memref_slice %arg21[%dma_wait3A_875] : memref<2x!tpu.dma_semaphore, #tpu.memory_space<semaphore_mem>> -> memref<1x!tpu.dma_semaphore, #tpu.memory_space<semaphore_mem>>
    %dma_wait3A_887 = tpu.memref_squeeze %dma_wait3A_886 : memref<1x!tpu.dma_semaphore, #tpu.memory_space<semaphore_mem>> -> memref<!tpu.dma_semaphore, #tpu.memory_space<semaphore_mem>>
    tpu.wait_indirect_dma semaphore(%dma_wait3A_887 : memref<!tpu.dma_semaphore, #tpu.memory_space<semaphore_mem>>) src(%dma_wait3A_879 : memref<128x128xf32, #tpu.memory_space<vmem>>) dst(%dma_wait3A_885 : memref<1024x128xf32, #tpu.memory_space<vmem_shared>>)
    %dma_wait3A_888 = arith.constant 8 : i32
    %dma_wait3A_889 = arith.constant 2 : i32
    %dma_wait3A_890 = arith.constant 0 : i32
    %dma_wait3A_891 = tpu.memref_slice %arg13[%dma_wait3A_888, %dma_wait3A_890] : memref<25x128xi32, #tpu.memory_space<vmem>> -> memref<1x128xi32, #tpu.memory_space<vmem>>
    %dma_wait3A_892 = tpu.memref_squeeze %dma_wait3A_891 : memref<1x128xi32, #tpu.memory_space<vmem>> -> memref<128xi32, #tpu.memory_space<vmem>>
    %dma_wait3A_893 = arith.constant 0 : i32
    %dma_wait3A_894 = arith.constant 0 : i32
    %dma_wait3A_895 = tpu.memref_slice %arg19[%dma_wait3A_893, %dma_wait3A_894] : memref<1024x16xf32, #tpu.memory_space<vmem_shared>> -> memref<1024x16xf32, #tpu.memory_space<vmem_shared>>
    %dma_wait3A_896 = tpu.memref_slice %arg22[%dma_wait3A_889] : memref<2x!tpu.dma_semaphore, #tpu.memory_space<semaphore_mem>> -> memref<1x!tpu.dma_semaphore, #tpu.memory_space<semaphore_mem>>
    %dma_wait3A_897 = tpu.memref_squeeze %dma_wait3A_896 : memref<1x!tpu.dma_semaphore, #tpu.memory_space<semaphore_mem>> -> memref<!tpu.dma_semaphore, #tpu.memory_space<semaphore_mem>>
    tpu.wait_indirect_dma semaphore(%dma_wait3A_897 : memref<!tpu.dma_semaphore, #tpu.memory_space<semaphore_mem>>) src(%arg15 : memref<128x16xf32, #tpu.memory_space<vmem>>) dst(%dma_wait3A_895 : memref<1024x16xf32, #tpu.memory_space<vmem_shared>>)
    %add3A_898 = arith.constant 352 : i32
    %add3A_899 = arith.addi %add3A_898, %add3A : i32
    %min3A_900 = arith.constant 780 : i32
    %min3A_901 = arith.minsi %add3A_899, %min3A_900 : i32
    %mul3A_902 = arith.constant 128 : i32
    %mul3A_903 = arith.muli %min3A_901, %mul3A_902 : i32
    %dma_start3A_904 = arith.constant 2 : i32
    %dma_start3A_905 = arith.constant 2 : i32
    %dma_start3A_906 = arith.constant 0 : i32
    %dma_start3A_907 = arith.constant 0 : i32
    %dma_start3A_908 = tpu.memref_slice %arg12[%dma_start3A_904, %dma_start3A_906, %dma_start3A_907] : memref<3x128x128xf32, #tpu.memory_space<vmem>> -> memref<1x128x128xf32, #tpu.memory_space<vmem>>
    %dma_start3A_909 = tpu.memref_squeeze %dma_start3A_908 : memref<1x128x128xf32, #tpu.memory_space<vmem>> -> memref<128x128xf32, #tpu.memory_space<vmem>>
    %dma_start3A_910 = arith.constant 0 : i32
    %dma_start3A_911 = tpu.memref_slice %arg2[%mul3A_903, %dma_start3A_910] : memref<100000x128xf32, #tpu.memory_space<hbm>> -> memref<128x128xf32, #tpu.memory_space<hbm>>
    %dma_start3A_912 = tpu.memref_slice %arg20[%dma_start3A_905] : memref<3x!tpu.dma_semaphore, #tpu.memory_space<semaphore_mem>> -> memref<1x!tpu.dma_semaphore, #tpu.memory_space<semaphore_mem>>
    %dma_start3A_913 = tpu.memref_squeeze %dma_start3A_912 : memref<1x!tpu.dma_semaphore, #tpu.memory_space<semaphore_mem>> -> memref<!tpu.dma_semaphore, #tpu.memory_space<semaphore_mem>>
    %dma_start3A_914 = arith.constant 0 : i32
    %dma_start3A_915 = arith.constant 0 : i32
    %dma_start3A_916 = tpu.memref_slice %arg12[%dma_start3A_904, %dma_start3A_914, %dma_start3A_915] : memref<3x128x128xf32, #tpu.memory_space<vmem>> -> memref<1x128x128xf32, #tpu.memory_space<vmem>>
    %dma_start3A_917 = tpu.memref_squeeze %dma_start3A_916 : memref<1x128x128xf32, #tpu.memory_space<vmem>> -> memref<128x128xf32, #tpu.memory_space<vmem>>
    %dma_start3A_918 = arith.constant 0 : i32
    %dma_start3A_919 = tpu.memref_slice %arg2[%mul3A_903, %dma_start3A_918] : memref<100000x128xf32, #tpu.memory_space<hbm>> -> memref<128x128xf32, #tpu.memory_space<hbm>>
    tpu.enqueue_dma source(%dma_start3A_919 : memref<128x128xf32, #tpu.memory_space<hbm>>) target(%dma_start3A_917 : memref<128x128xf32, #tpu.memory_space<vmem>>) target_semaphore(%dma_start3A_913 : memref<!tpu.dma_semaphore, #tpu.memory_space<semaphore_mem>>)
    %add3A_920 = arith.constant 288 : i32
    %add3A_921 = arith.addi %add3A_920, %add3A : i32
    %min3A_922 = arith.constant 780 : i32
    %min3A_923 = arith.minsi %add3A_921, %min3A_922 : i32
    %mul3A_924 = arith.constant 128 : i32
    %mul3A_925 = arith.muli %min3A_923, %mul3A_924 : i32
    %dma_wait3A_926 = arith.constant 0 : i32
    %dma_wait3A_927 = arith.constant 0 : i32
    %dma_wait3A_928 = arith.constant 0 : i32
    %dma_wait3A_929 = arith.constant 0 : i32
    %dma_wait3A_930 = tpu.memref_slice %arg12[%dma_wait3A_926, %dma_wait3A_928, %dma_wait3A_929] : memref<3x128x128xf32, #tpu.memory_space<vmem>> -> memref<1x128x128xf32, #tpu.memory_space<vmem>>
    %dma_wait3A_931 = tpu.memref_squeeze %dma_wait3A_930 : memref<1x128x128xf32, #tpu.memory_space<vmem>> -> memref<128x128xf32, #tpu.memory_space<vmem>>
    %dma_wait3A_932 = arith.constant 0 : i32
    %dma_wait3A_933 = tpu.memref_slice %arg2[%mul3A_925, %dma_wait3A_932] : memref<100000x128xf32, #tpu.memory_space<hbm>> -> memref<128x128xf32, #tpu.memory_space<hbm>>
    %dma_wait3A_934 = tpu.memref_slice %arg20[%dma_wait3A_927] : memref<3x!tpu.dma_semaphore, #tpu.memory_space<semaphore_mem>> -> memref<1x!tpu.dma_semaphore, #tpu.memory_space<semaphore_mem>>
    %dma_wait3A_935 = tpu.memref_squeeze %dma_wait3A_934 : memref<1x!tpu.dma_semaphore, #tpu.memory_space<semaphore_mem>> -> memref<!tpu.dma_semaphore, #tpu.memory_space<semaphore_mem>>
    %dma_wait3A_936 = arith.constant 0 : i32
    %dma_wait3A_937 = arith.constant 0 : i32
    %dma_wait3A_938 = tpu.memref_slice %arg12[%dma_wait3A_926, %dma_wait3A_936, %dma_wait3A_937] : memref<3x128x128xf32, #tpu.memory_space<vmem>> -> memref<1x128x128xf32, #tpu.memory_space<vmem>>
    %dma_wait3A_939 = tpu.memref_squeeze %dma_wait3A_938 : memref<1x128x128xf32, #tpu.memory_space<vmem>> -> memref<128x128xf32, #tpu.memory_space<vmem>>
    %dma_wait3A_940 = arith.constant 0 : i32
    %dma_wait3A_941 = tpu.memref_slice %arg2[%mul3A_925, %dma_wait3A_940] : memref<100000x128xf32, #tpu.memory_space<hbm>> -> memref<128x128xf32, #tpu.memory_space<hbm>>
    tpu.wait_dma2 semaphore(%dma_wait3A_935 : memref<!tpu.dma_semaphore, #tpu.memory_space<semaphore_mem>>) src(%dma_wait3A_941 : memref<128x128xf32, #tpu.memory_space<hbm>>) dst(%dma_wait3A_939 : memref<128x128xf32, #tpu.memory_space<vmem>>)
    %dma_start3A_942 = arith.constant 0 : i32
    %dma_start3A_943 = arith.constant 9 : i32
    %dma_start3A_944 = arith.constant 0 : i32
    %dma_start3A_945 = arith.constant 0 : i32
    %dma_start3A_946 = arith.constant 0 : i32
    %dma_start3A_947 = tpu.memref_slice %arg12[%dma_start3A_942, %dma_start3A_945, %dma_start3A_946] : memref<3x128x128xf32, #tpu.memory_space<vmem>> -> memref<1x128x128xf32, #tpu.memory_space<vmem>>
    %dma_start3A_948 = tpu.memref_squeeze %dma_start3A_947 : memref<1x128x128xf32, #tpu.memory_space<vmem>> -> memref<128x128xf32, #tpu.memory_space<vmem>>
    %dma_start3A_949 = arith.constant 0 : i32
    %dma_start3A_950 = tpu.memref_slice %arg13[%dma_start3A_943, %dma_start3A_949] : memref<25x128xi32, #tpu.memory_space<vmem>> -> memref<1x128xi32, #tpu.memory_space<vmem>>
    %dma_start3A_951 = tpu.memref_squeeze %dma_start3A_950 : memref<1x128xi32, #tpu.memory_space<vmem>> -> memref<128xi32, #tpu.memory_space<vmem>>
    %dma_start3A_952 = arith.constant 0 : i32
    %dma_start3A_953 = arith.constant 0 : i32
    %dma_start3A_954 = tpu.memref_slice %arg18[%dma_start3A_952, %dma_start3A_953] : memref<1024x128xf32, #tpu.memory_space<vmem_shared>> -> memref<1024x128xf32, #tpu.memory_space<vmem_shared>>
    %dma_start3A_955 = tpu.memref_slice %arg21[%dma_start3A_944] : memref<2x!tpu.dma_semaphore, #tpu.memory_space<semaphore_mem>> -> memref<1x!tpu.dma_semaphore, #tpu.memory_space<semaphore_mem>>
    %dma_start3A_956 = tpu.memref_squeeze %dma_start3A_955 : memref<1x!tpu.dma_semaphore, #tpu.memory_space<semaphore_mem>> -> memref<!tpu.dma_semaphore, #tpu.memory_space<semaphore_mem>>
    tpu.enqueue_indirect_dma source(%dma_start3A_948 : memref<128x128xf32, #tpu.memory_space<vmem>>) target(%dma_start3A_954 : memref<1024x128xf32, #tpu.memory_space<vmem_shared>>) offsets(%dma_start3A_951 : memref<128xi32, #tpu.memory_space<vmem>>) semaphore(%dma_start3A_956 : memref<!tpu.dma_semaphore, #tpu.memory_space<semaphore_mem>>) {add = true}
    %dma_start3A_957 = arith.constant 9 : i32
    %dma_start3A_958 = arith.constant 0 : i32
    %dma_start3A_959 = arith.constant 0 : i32
    %dma_start3A_960 = tpu.memref_slice %arg13[%dma_start3A_957, %dma_start3A_959] : memref<25x128xi32, #tpu.memory_space<vmem>> -> memref<1x128xi32, #tpu.memory_space<vmem>>
    %dma_start3A_961 = tpu.memref_squeeze %dma_start3A_960 : memref<1x128xi32, #tpu.memory_space<vmem>> -> memref<128xi32, #tpu.memory_space<vmem>>
    %dma_start3A_962 = arith.constant 0 : i32
    %dma_start3A_963 = arith.constant 0 : i32
    %dma_start3A_964 = tpu.memref_slice %arg19[%dma_start3A_962, %dma_start3A_963] : memref<1024x16xf32, #tpu.memory_space<vmem_shared>> -> memref<1024x16xf32, #tpu.memory_space<vmem_shared>>
    %dma_start3A_965 = tpu.memref_slice %arg22[%dma_start3A_958] : memref<2x!tpu.dma_semaphore, #tpu.memory_space<semaphore_mem>> -> memref<1x!tpu.dma_semaphore, #tpu.memory_space<semaphore_mem>>
    %dma_start3A_966 = tpu.memref_squeeze %dma_start3A_965 : memref<1x!tpu.dma_semaphore, #tpu.memory_space<semaphore_mem>> -> memref<!tpu.dma_semaphore, #tpu.memory_space<semaphore_mem>>
    tpu.enqueue_indirect_dma source(%arg15 : memref<128x16xf32, #tpu.memory_space<vmem>>) target(%dma_start3A_964 : memref<1024x16xf32, #tpu.memory_space<vmem_shared>>) offsets(%dma_start3A_961 : memref<128xi32, #tpu.memory_space<vmem>>) semaphore(%dma_start3A_966 : memref<!tpu.dma_semaphore, #tpu.memory_space<semaphore_mem>>) {add = true}
    %dma_wait3A_967 = arith.constant 0 : i32
    %dma_wait3A_968 = arith.constant 9 : i32
    %dma_wait3A_969 = arith.constant 0 : i32
    %dma_wait3A_970 = arith.constant 0 : i32
    %dma_wait3A_971 = arith.constant 0 : i32
    %dma_wait3A_972 = tpu.memref_slice %arg12[%dma_wait3A_967, %dma_wait3A_970, %dma_wait3A_971] : memref<3x128x128xf32, #tpu.memory_space<vmem>> -> memref<1x128x128xf32, #tpu.memory_space<vmem>>
    %dma_wait3A_973 = tpu.memref_squeeze %dma_wait3A_972 : memref<1x128x128xf32, #tpu.memory_space<vmem>> -> memref<128x128xf32, #tpu.memory_space<vmem>>
    %dma_wait3A_974 = arith.constant 0 : i32
    %dma_wait3A_975 = tpu.memref_slice %arg13[%dma_wait3A_968, %dma_wait3A_974] : memref<25x128xi32, #tpu.memory_space<vmem>> -> memref<1x128xi32, #tpu.memory_space<vmem>>
    %dma_wait3A_976 = tpu.memref_squeeze %dma_wait3A_975 : memref<1x128xi32, #tpu.memory_space<vmem>> -> memref<128xi32, #tpu.memory_space<vmem>>
    %dma_wait3A_977 = arith.constant 0 : i32
    %dma_wait3A_978 = arith.constant 0 : i32
    %dma_wait3A_979 = tpu.memref_slice %arg18[%dma_wait3A_977, %dma_wait3A_978] : memref<1024x128xf32, #tpu.memory_space<vmem_shared>> -> memref<1024x128xf32, #tpu.memory_space<vmem_shared>>
    %dma_wait3A_980 = tpu.memref_slice %arg21[%dma_wait3A_969] : memref<2x!tpu.dma_semaphore, #tpu.memory_space<semaphore_mem>> -> memref<1x!tpu.dma_semaphore, #tpu.memory_space<semaphore_mem>>
    %dma_wait3A_981 = tpu.memref_squeeze %dma_wait3A_980 : memref<1x!tpu.dma_semaphore, #tpu.memory_space<semaphore_mem>> -> memref<!tpu.dma_semaphore, #tpu.memory_space<semaphore_mem>>
    tpu.wait_indirect_dma semaphore(%dma_wait3A_981 : memref<!tpu.dma_semaphore, #tpu.memory_space<semaphore_mem>>) src(%dma_wait3A_973 : memref<128x128xf32, #tpu.memory_space<vmem>>) dst(%dma_wait3A_979 : memref<1024x128xf32, #tpu.memory_space<vmem_shared>>)
    %dma_wait3A_982 = arith.constant 9 : i32
    %dma_wait3A_983 = arith.constant 0 : i32
    %dma_wait3A_984 = arith.constant 0 : i32
    %dma_wait3A_985 = tpu.memref_slice %arg13[%dma_wait3A_982, %dma_wait3A_984] : memref<25x128xi32, #tpu.memory_space<vmem>> -> memref<1x128xi32, #tpu.memory_space<vmem>>
    %dma_wait3A_986 = tpu.memref_squeeze %dma_wait3A_985 : memref<1x128xi32, #tpu.memory_space<vmem>> -> memref<128xi32, #tpu.memory_space<vmem>>
    %dma_wait3A_987 = arith.constant 0 : i32
    %dma_wait3A_988 = arith.constant 0 : i32
    %dma_wait3A_989 = tpu.memref_slice %arg19[%dma_wait3A_987, %dma_wait3A_988] : memref<1024x16xf32, #tpu.memory_space<vmem_shared>> -> memref<1024x16xf32, #tpu.memory_space<vmem_shared>>
    %dma_wait3A_990 = tpu.memref_slice %arg22[%dma_wait3A_983] : memref<2x!tpu.dma_semaphore, #tpu.memory_space<semaphore_mem>> -> memref<1x!tpu.dma_semaphore, #tpu.memory_space<semaphore_mem>>
    %dma_wait3A_991 = tpu.memref_squeeze %dma_wait3A_990 : memref<1x!tpu.dma_semaphore, #tpu.memory_space<semaphore_mem>> -> memref<!tpu.dma_semaphore, #tpu.memory_space<semaphore_mem>>
    tpu.wait_indirect_dma semaphore(%dma_wait3A_991 : memref<!tpu.dma_semaphore, #tpu.memory_space<semaphore_mem>>) src(%arg15 : memref<128x16xf32, #tpu.memory_space<vmem>>) dst(%dma_wait3A_989 : memref<1024x16xf32, #tpu.memory_space<vmem_shared>>)
    %add3A_992 = arith.constant 384 : i32
    %add3A_993 = arith.addi %add3A_992, %add3A : i32
    %min3A_994 = arith.constant 780 : i32
    %min3A_995 = arith.minsi %add3A_993, %min3A_994 : i32
    %mul3A_996 = arith.constant 128 : i32
    %mul3A_997 = arith.muli %min3A_995, %mul3A_996 : i32
    %dma_start3A_998 = arith.constant 0 : i32
    %dma_start3A_999 = arith.constant 0 : i32
    %dma_start3A_1000 = arith.constant 0 : i32
    %dma_start3A_1001 = arith.constant 0 : i32
    %dma_start3A_1002 = tpu.memref_slice %arg12[%dma_start3A_998, %dma_start3A_1000, %dma_start3A_1001] : memref<3x128x128xf32, #tpu.memory_space<vmem>> -> memref<1x128x128xf32, #tpu.memory_space<vmem>>
    %dma_start3A_1003 = tpu.memref_squeeze %dma_start3A_1002 : memref<1x128x128xf32, #tpu.memory_space<vmem>> -> memref<128x128xf32, #tpu.memory_space<vmem>>
    %dma_start3A_1004 = arith.constant 0 : i32
    %dma_start3A_1005 = tpu.memref_slice %arg2[%mul3A_997, %dma_start3A_1004] : memref<100000x128xf32, #tpu.memory_space<hbm>> -> memref<128x128xf32, #tpu.memory_space<hbm>>
    %dma_start3A_1006 = tpu.memref_slice %arg20[%dma_start3A_999] : memref<3x!tpu.dma_semaphore, #tpu.memory_space<semaphore_mem>> -> memref<1x!tpu.dma_semaphore, #tpu.memory_space<semaphore_mem>>
    %dma_start3A_1007 = tpu.memref_squeeze %dma_start3A_1006 : memref<1x!tpu.dma_semaphore, #tpu.memory_space<semaphore_mem>> -> memref<!tpu.dma_semaphore, #tpu.memory_space<semaphore_mem>>
    %dma_start3A_1008 = arith.constant 0 : i32
    %dma_start3A_1009 = arith.constant 0 : i32
    %dma_start3A_1010 = tpu.memref_slice %arg12[%dma_start3A_998, %dma_start3A_1008, %dma_start3A_1009] : memref<3x128x128xf32, #tpu.memory_space<vmem>> -> memref<1x128x128xf32, #tpu.memory_space<vmem>>
    %dma_start3A_1011 = tpu.memref_squeeze %dma_start3A_1010 : memref<1x128x128xf32, #tpu.memory_space<vmem>> -> memref<128x128xf32, #tpu.memory_space<vmem>>
    %dma_start3A_1012 = arith.constant 0 : i32
    %dma_start3A_1013 = tpu.memref_slice %arg2[%mul3A_997, %dma_start3A_1012] : memref<100000x128xf32, #tpu.memory_space<hbm>> -> memref<128x128xf32, #tpu.memory_space<hbm>>
    tpu.enqueue_dma source(%dma_start3A_1013 : memref<128x128xf32, #tpu.memory_space<hbm>>) target(%dma_start3A_1011 : memref<128x128xf32, #tpu.memory_space<vmem>>) target_semaphore(%dma_start3A_1007 : memref<!tpu.dma_semaphore, #tpu.memory_space<semaphore_mem>>)
    %add3A_1014 = arith.constant 320 : i32
    %add3A_1015 = arith.addi %add3A_1014, %add3A : i32
    %min3A_1016 = arith.constant 780 : i32
    %min3A_1017 = arith.minsi %add3A_1015, %min3A_1016 : i32
    %mul3A_1018 = arith.constant 128 : i32
    %mul3A_1019 = arith.muli %min3A_1017, %mul3A_1018 : i32
    %dma_wait3A_1020 = arith.constant 1 : i32
    %dma_wait3A_1021 = arith.constant 1 : i32
    %dma_wait3A_1022 = arith.constant 0 : i32
    %dma_wait3A_1023 = arith.constant 0 : i32
    %dma_wait3A_1024 = tpu.memref_slice %arg12[%dma_wait3A_1020, %dma_wait3A_1022, %dma_wait3A_1023] : memref<3x128x128xf32, #tpu.memory_space<vmem>> -> memref<1x128x128xf32, #tpu.memory_space<vmem>>
    %dma_wait3A_1025 = tpu.memref_squeeze %dma_wait3A_1024 : memref<1x128x128xf32, #tpu.memory_space<vmem>> -> memref<128x128xf32, #tpu.memory_space<vmem>>
    %dma_wait3A_1026 = arith.constant 0 : i32
    %dma_wait3A_1027 = tpu.memref_slice %arg2[%mul3A_1019, %dma_wait3A_1026] : memref<100000x128xf32, #tpu.memory_space<hbm>> -> memref<128x128xf32, #tpu.memory_space<hbm>>
    %dma_wait3A_1028 = tpu.memref_slice %arg20[%dma_wait3A_1021] : memref<3x!tpu.dma_semaphore, #tpu.memory_space<semaphore_mem>> -> memref<1x!tpu.dma_semaphore, #tpu.memory_space<semaphore_mem>>
    %dma_wait3A_1029 = tpu.memref_squeeze %dma_wait3A_1028 : memref<1x!tpu.dma_semaphore, #tpu.memory_space<semaphore_mem>> -> memref<!tpu.dma_semaphore, #tpu.memory_space<semaphore_mem>>
    %dma_wait3A_1030 = arith.constant 0 : i32
    %dma_wait3A_1031 = arith.constant 0 : i32
    %dma_wait3A_1032 = tpu.memref_slice %arg12[%dma_wait3A_1020, %dma_wait3A_1030, %dma_wait3A_1031] : memref<3x128x128xf32, #tpu.memory_space<vmem>> -> memref<1x128x128xf32, #tpu.memory_space<vmem>>
    %dma_wait3A_1033 = tpu.memref_squeeze %dma_wait3A_1032 : memref<1x128x128xf32, #tpu.memory_space<vmem>> -> memref<128x128xf32, #tpu.memory_space<vmem>>
    %dma_wait3A_1034 = arith.constant 0 : i32
    %dma_wait3A_1035 = tpu.memref_slice %arg2[%mul3A_1019, %dma_wait3A_1034] : memref<100000x128xf32, #tpu.memory_space<hbm>> -> memref<128x128xf32, #tpu.memory_space<hbm>>
    tpu.wait_dma2 semaphore(%dma_wait3A_1029 : memref<!tpu.dma_semaphore, #tpu.memory_space<semaphore_mem>>) src(%dma_wait3A_1035 : memref<128x128xf32, #tpu.memory_space<hbm>>) dst(%dma_wait3A_1033 : memref<128x128xf32, #tpu.memory_space<vmem>>)
    %dma_start3A_1036 = arith.constant 1 : i32
    %dma_start3A_1037 = arith.constant 10 : i32
    %dma_start3A_1038 = arith.constant 1 : i32
    %dma_start3A_1039 = arith.constant 0 : i32
    %dma_start3A_1040 = arith.constant 0 : i32
    %dma_start3A_1041 = tpu.memref_slice %arg12[%dma_start3A_1036, %dma_start3A_1039, %dma_start3A_1040] : memref<3x128x128xf32, #tpu.memory_space<vmem>> -> memref<1x128x128xf32, #tpu.memory_space<vmem>>
    %dma_start3A_1042 = tpu.memref_squeeze %dma_start3A_1041 : memref<1x128x128xf32, #tpu.memory_space<vmem>> -> memref<128x128xf32, #tpu.memory_space<vmem>>
    %dma_start3A_1043 = arith.constant 0 : i32
    %dma_start3A_1044 = tpu.memref_slice %arg13[%dma_start3A_1037, %dma_start3A_1043] : memref<25x128xi32, #tpu.memory_space<vmem>> -> memref<1x128xi32, #tpu.memory_space<vmem>>
    %dma_start3A_1045 = tpu.memref_squeeze %dma_start3A_1044 : memref<1x128xi32, #tpu.memory_space<vmem>> -> memref<128xi32, #tpu.memory_space<vmem>>
    %dma_start3A_1046 = arith.constant 0 : i32
    %dma_start3A_1047 = arith.constant 0 : i32
    %dma_start3A_1048 = tpu.memref_slice %arg18[%dma_start3A_1046, %dma_start3A_1047] : memref<1024x128xf32, #tpu.memory_space<vmem_shared>> -> memref<1024x128xf32, #tpu.memory_space<vmem_shared>>
    %dma_start3A_1049 = tpu.memref_slice %arg21[%dma_start3A_1038] : memref<2x!tpu.dma_semaphore, #tpu.memory_space<semaphore_mem>> -> memref<1x!tpu.dma_semaphore, #tpu.memory_space<semaphore_mem>>
    %dma_start3A_1050 = tpu.memref_squeeze %dma_start3A_1049 : memref<1x!tpu.dma_semaphore, #tpu.memory_space<semaphore_mem>> -> memref<!tpu.dma_semaphore, #tpu.memory_space<semaphore_mem>>
    tpu.enqueue_indirect_dma source(%dma_start3A_1042 : memref<128x128xf32, #tpu.memory_space<vmem>>) target(%dma_start3A_1048 : memref<1024x128xf32, #tpu.memory_space<vmem_shared>>) offsets(%dma_start3A_1045 : memref<128xi32, #tpu.memory_space<vmem>>) semaphore(%dma_start3A_1050 : memref<!tpu.dma_semaphore, #tpu.memory_space<semaphore_mem>>) {add = true}
    %dma_start3A_1051 = arith.constant 10 : i32
    %dma_start3A_1052 = arith.constant 1 : i32
    %dma_start3A_1053 = arith.constant 0 : i32
    %dma_start3A_1054 = tpu.memref_slice %arg13[%dma_start3A_1051, %dma_start3A_1053] : memref<25x128xi32, #tpu.memory_space<vmem>> -> memref<1x128xi32, #tpu.memory_space<vmem>>
    %dma_start3A_1055 = tpu.memref_squeeze %dma_start3A_1054 : memref<1x128xi32, #tpu.memory_space<vmem>> -> memref<128xi32, #tpu.memory_space<vmem>>
    %dma_start3A_1056 = arith.constant 0 : i32
    %dma_start3A_1057 = arith.constant 0 : i32
    %dma_start3A_1058 = tpu.memref_slice %arg19[%dma_start3A_1056, %dma_start3A_1057] : memref<1024x16xf32, #tpu.memory_space<vmem_shared>> -> memref<1024x16xf32, #tpu.memory_space<vmem_shared>>
    %dma_start3A_1059 = tpu.memref_slice %arg22[%dma_start3A_1052] : memref<2x!tpu.dma_semaphore, #tpu.memory_space<semaphore_mem>> -> memref<1x!tpu.dma_semaphore, #tpu.memory_space<semaphore_mem>>
    %dma_start3A_1060 = tpu.memref_squeeze %dma_start3A_1059 : memref<1x!tpu.dma_semaphore, #tpu.memory_space<semaphore_mem>> -> memref<!tpu.dma_semaphore, #tpu.memory_space<semaphore_mem>>
    tpu.enqueue_indirect_dma source(%arg15 : memref<128x16xf32, #tpu.memory_space<vmem>>) target(%dma_start3A_1058 : memref<1024x16xf32, #tpu.memory_space<vmem_shared>>) offsets(%dma_start3A_1055 : memref<128xi32, #tpu.memory_space<vmem>>) semaphore(%dma_start3A_1060 : memref<!tpu.dma_semaphore, #tpu.memory_space<semaphore_mem>>) {add = true}
    %dma_wait3A_1061 = arith.constant 1 : i32
    %dma_wait3A_1062 = arith.constant 10 : i32
    %dma_wait3A_1063 = arith.constant 1 : i32
    %dma_wait3A_1064 = arith.constant 0 : i32
    %dma_wait3A_1065 = arith.constant 0 : i32
    %dma_wait3A_1066 = tpu.memref_slice %arg12[%dma_wait3A_1061, %dma_wait3A_1064, %dma_wait3A_1065] : memref<3x128x128xf32, #tpu.memory_space<vmem>> -> memref<1x128x128xf32, #tpu.memory_space<vmem>>
    %dma_wait3A_1067 = tpu.memref_squeeze %dma_wait3A_1066 : memref<1x128x128xf32, #tpu.memory_space<vmem>> -> memref<128x128xf32, #tpu.memory_space<vmem>>
    %dma_wait3A_1068 = arith.constant 0 : i32
    %dma_wait3A_1069 = tpu.memref_slice %arg13[%dma_wait3A_1062, %dma_wait3A_1068] : memref<25x128xi32, #tpu.memory_space<vmem>> -> memref<1x128xi32, #tpu.memory_space<vmem>>
    %dma_wait3A_1070 = tpu.memref_squeeze %dma_wait3A_1069 : memref<1x128xi32, #tpu.memory_space<vmem>> -> memref<128xi32, #tpu.memory_space<vmem>>
    %dma_wait3A_1071 = arith.constant 0 : i32
    %dma_wait3A_1072 = arith.constant 0 : i32
    %dma_wait3A_1073 = tpu.memref_slice %arg18[%dma_wait3A_1071, %dma_wait3A_1072] : memref<1024x128xf32, #tpu.memory_space<vmem_shared>> -> memref<1024x128xf32, #tpu.memory_space<vmem_shared>>
    %dma_wait3A_1074 = tpu.memref_slice %arg21[%dma_wait3A_1063] : memref<2x!tpu.dma_semaphore, #tpu.memory_space<semaphore_mem>> -> memref<1x!tpu.dma_semaphore, #tpu.memory_space<semaphore_mem>>
    %dma_wait3A_1075 = tpu.memref_squeeze %dma_wait3A_1074 : memref<1x!tpu.dma_semaphore, #tpu.memory_space<semaphore_mem>> -> memref<!tpu.dma_semaphore, #tpu.memory_space<semaphore_mem>>
    tpu.wait_indirect_dma semaphore(%dma_wait3A_1075 : memref<!tpu.dma_semaphore, #tpu.memory_space<semaphore_mem>>) src(%dma_wait3A_1067 : memref<128x128xf32, #tpu.memory_space<vmem>>) dst(%dma_wait3A_1073 : memref<1024x128xf32, #tpu.memory_space<vmem_shared>>)
    %dma_wait3A_1076 = arith.constant 10 : i32
    %dma_wait3A_1077 = arith.constant 1 : i32
    %dma_wait3A_1078 = arith.constant 0 : i32
    %dma_wait3A_1079 = tpu.memref_slice %arg13[%dma_wait3A_1076, %dma_wait3A_1078] : memref<25x128xi32, #tpu.memory_space<vmem>> -> memref<1x128xi32, #tpu.memory_space<vmem>>
    %dma_wait3A_1080 = tpu.memref_squeeze %dma_wait3A_1079 : memref<1x128xi32, #tpu.memory_space<vmem>> -> memref<128xi32, #tpu.memory_space<vmem>>
    %dma_wait3A_1081 = arith.constant 0 : i32
    %dma_wait3A_1082 = arith.constant 0 : i32
    %dma_wait3A_1083 = tpu.memref_slice %arg19[%dma_wait3A_1081, %dma_wait3A_1082] : memref<1024x16xf32, #tpu.memory_space<vmem_shared>> -> memref<1024x16xf32, #tpu.memory_space<vmem_shared>>
    %dma_wait3A_1084 = tpu.memref_slice %arg22[%dma_wait3A_1077] : memref<2x!tpu.dma_semaphore, #tpu.memory_space<semaphore_mem>> -> memref<1x!tpu.dma_semaphore, #tpu.memory_space<semaphore_mem>>
    %dma_wait3A_1085 = tpu.memref_squeeze %dma_wait3A_1084 : memref<1x!tpu.dma_semaphore, #tpu.memory_space<semaphore_mem>> -> memref<!tpu.dma_semaphore, #tpu.memory_space<semaphore_mem>>
    tpu.wait_indirect_dma semaphore(%dma_wait3A_1085 : memref<!tpu.dma_semaphore, #tpu.memory_space<semaphore_mem>>) src(%arg15 : memref<128x16xf32, #tpu.memory_space<vmem>>) dst(%dma_wait3A_1083 : memref<1024x16xf32, #tpu.memory_space<vmem_shared>>)
    %add3A_1086 = arith.constant 416 : i32
    %add3A_1087 = arith.addi %add3A_1086, %add3A : i32
    %min3A_1088 = arith.constant 780 : i32
    %min3A_1089 = arith.minsi %add3A_1087, %min3A_1088 : i32
    %mul3A_1090 = arith.constant 128 : i32
    %mul3A_1091 = arith.muli %min3A_1089, %mul3A_1090 : i32
    %dma_start3A_1092 = arith.constant 1 : i32
    %dma_start3A_1093 = arith.constant 1 : i32
    %dma_start3A_1094 = arith.constant 0 : i32
    %dma_start3A_1095 = arith.constant 0 : i32
    %dma_start3A_1096 = tpu.memref_slice %arg12[%dma_start3A_1092, %dma_start3A_1094, %dma_start3A_1095] : memref<3x128x128xf32, #tpu.memory_space<vmem>> -> memref<1x128x128xf32, #tpu.memory_space<vmem>>
    %dma_start3A_1097 = tpu.memref_squeeze %dma_start3A_1096 : memref<1x128x128xf32, #tpu.memory_space<vmem>> -> memref<128x128xf32, #tpu.memory_space<vmem>>
    %dma_start3A_1098 = arith.constant 0 : i32
    %dma_start3A_1099 = tpu.memref_slice %arg2[%mul3A_1091, %dma_start3A_1098] : memref<100000x128xf32, #tpu.memory_space<hbm>> -> memref<128x128xf32, #tpu.memory_space<hbm>>
    %dma_start3A_1100 = tpu.memref_slice %arg20[%dma_start3A_1093] : memref<3x!tpu.dma_semaphore, #tpu.memory_space<semaphore_mem>> -> memref<1x!tpu.dma_semaphore, #tpu.memory_space<semaphore_mem>>
    %dma_start3A_1101 = tpu.memref_squeeze %dma_start3A_1100 : memref<1x!tpu.dma_semaphore, #tpu.memory_space<semaphore_mem>> -> memref<!tpu.dma_semaphore, #tpu.memory_space<semaphore_mem>>
    %dma_start3A_1102 = arith.constant 0 : i32
    %dma_start3A_1103 = arith.constant 0 : i32
    %dma_start3A_1104 = tpu.memref_slice %arg12[%dma_start3A_1092, %dma_start3A_1102, %dma_start3A_1103] : memref<3x128x128xf32, #tpu.memory_space<vmem>> -> memref<1x128x128xf32, #tpu.memory_space<vmem>>
    %dma_start3A_1105 = tpu.memref_squeeze %dma_start3A_1104 : memref<1x128x128xf32, #tpu.memory_space<vmem>> -> memref<128x128xf32, #tpu.memory_space<vmem>>
    %dma_start3A_1106 = arith.constant 0 : i32
    %dma_start3A_1107 = tpu.memref_slice %arg2[%mul3A_1091, %dma_start3A_1106] : memref<100000x128xf32, #tpu.memory_space<hbm>> -> memref<128x128xf32, #tpu.memory_space<hbm>>
    tpu.enqueue_dma source(%dma_start3A_1107 : memref<128x128xf32, #tpu.memory_space<hbm>>) target(%dma_start3A_1105 : memref<128x128xf32, #tpu.memory_space<vmem>>) target_semaphore(%dma_start3A_1101 : memref<!tpu.dma_semaphore, #tpu.memory_space<semaphore_mem>>)
    %add3A_1108 = arith.constant 352 : i32
    %add3A_1109 = arith.addi %add3A_1108, %add3A : i32
    %min3A_1110 = arith.constant 780 : i32
    %min3A_1111 = arith.minsi %add3A_1109, %min3A_1110 : i32
    %mul3A_1112 = arith.constant 128 : i32
    %mul3A_1113 = arith.muli %min3A_1111, %mul3A_1112 : i32
    %dma_wait3A_1114 = arith.constant 2 : i32
    %dma_wait3A_1115 = arith.constant 2 : i32
    %dma_wait3A_1116 = arith.constant 0 : i32
    %dma_wait3A_1117 = arith.constant 0 : i32
    %dma_wait3A_1118 = tpu.memref_slice %arg12[%dma_wait3A_1114, %dma_wait3A_1116, %dma_wait3A_1117] : memref<3x128x128xf32, #tpu.memory_space<vmem>> -> memref<1x128x128xf32, #tpu.memory_space<vmem>>
    %dma_wait3A_1119 = tpu.memref_squeeze %dma_wait3A_1118 : memref<1x128x128xf32, #tpu.memory_space<vmem>> -> memref<128x128xf32, #tpu.memory_space<vmem>>
    %dma_wait3A_1120 = arith.constant 0 : i32
    %dma_wait3A_1121 = tpu.memref_slice %arg2[%mul3A_1113, %dma_wait3A_1120] : memref<100000x128xf32, #tpu.memory_space<hbm>> -> memref<128x128xf32, #tpu.memory_space<hbm>>
    %dma_wait3A_1122 = tpu.memref_slice %arg20[%dma_wait3A_1115] : memref<3x!tpu.dma_semaphore, #tpu.memory_space<semaphore_mem>> -> memref<1x!tpu.dma_semaphore, #tpu.memory_space<semaphore_mem>>
    %dma_wait3A_1123 = tpu.memref_squeeze %dma_wait3A_1122 : memref<1x!tpu.dma_semaphore, #tpu.memory_space<semaphore_mem>> -> memref<!tpu.dma_semaphore, #tpu.memory_space<semaphore_mem>>
    %dma_wait3A_1124 = arith.constant 0 : i32
    %dma_wait3A_1125 = arith.constant 0 : i32
    %dma_wait3A_1126 = tpu.memref_slice %arg12[%dma_wait3A_1114, %dma_wait3A_1124, %dma_wait3A_1125] : memref<3x128x128xf32, #tpu.memory_space<vmem>> -> memref<1x128x128xf32, #tpu.memory_space<vmem>>
    %dma_wait3A_1127 = tpu.memref_squeeze %dma_wait3A_1126 : memref<1x128x128xf32, #tpu.memory_space<vmem>> -> memref<128x128xf32, #tpu.memory_space<vmem>>
    %dma_wait3A_1128 = arith.constant 0 : i32
    %dma_wait3A_1129 = tpu.memref_slice %arg2[%mul3A_1113, %dma_wait3A_1128] : memref<100000x128xf32, #tpu.memory_space<hbm>> -> memref<128x128xf32, #tpu.memory_space<hbm>>
    tpu.wait_dma2 semaphore(%dma_wait3A_1123 : memref<!tpu.dma_semaphore, #tpu.memory_space<semaphore_mem>>) src(%dma_wait3A_1129 : memref<128x128xf32, #tpu.memory_space<hbm>>) dst(%dma_wait3A_1127 : memref<128x128xf32, #tpu.memory_space<vmem>>)
    %dma_start3A_1130 = arith.constant 2 : i32
    %dma_start3A_1131 = arith.constant 11 : i32
    %dma_start3A_1132 = arith.constant 2 : i32
    %dma_start3A_1133 = arith.constant 0 : i32
    %dma_start3A_1134 = arith.constant 0 : i32
    %dma_start3A_1135 = tpu.memref_slice %arg12[%dma_start3A_1130, %dma_start3A_1133, %dma_start3A_1134] : memref<3x128x128xf32, #tpu.memory_space<vmem>> -> memref<1x128x128xf32, #tpu.memory_space<vmem>>
    %dma_start3A_1136 = tpu.memref_squeeze %dma_start3A_1135 : memref<1x128x128xf32, #tpu.memory_space<vmem>> -> memref<128x128xf32, #tpu.memory_space<vmem>>
    %dma_start3A_1137 = arith.constant 0 : i32
    %dma_start3A_1138 = tpu.memref_slice %arg13[%dma_start3A_1131, %dma_start3A_1137] : memref<25x128xi32, #tpu.memory_space<vmem>> -> memref<1x128xi32, #tpu.memory_space<vmem>>
    %dma_start3A_1139 = tpu.memref_squeeze %dma_start3A_1138 : memref<1x128xi32, #tpu.memory_space<vmem>> -> memref<128xi32, #tpu.memory_space<vmem>>
    %dma_start3A_1140 = arith.constant 0 : i32
    %dma_start3A_1141 = arith.constant 0 : i32
    %dma_start3A_1142 = tpu.memref_slice %arg18[%dma_start3A_1140, %dma_start3A_1141] : memref<1024x128xf32, #tpu.memory_space<vmem_shared>> -> memref<1024x128xf32, #tpu.memory_space<vmem_shared>>
    %dma_start3A_1143 = tpu.memref_slice %arg21[%dma_start3A_1132] : memref<2x!tpu.dma_semaphore, #tpu.memory_space<semaphore_mem>> -> memref<1x!tpu.dma_semaphore, #tpu.memory_space<semaphore_mem>>
    %dma_start3A_1144 = tpu.memref_squeeze %dma_start3A_1143 : memref<1x!tpu.dma_semaphore, #tpu.memory_space<semaphore_mem>> -> memref<!tpu.dma_semaphore, #tpu.memory_space<semaphore_mem>>
    tpu.enqueue_indirect_dma source(%dma_start3A_1136 : memref<128x128xf32, #tpu.memory_space<vmem>>) target(%dma_start3A_1142 : memref<1024x128xf32, #tpu.memory_space<vmem_shared>>) offsets(%dma_start3A_1139 : memref<128xi32, #tpu.memory_space<vmem>>) semaphore(%dma_start3A_1144 : memref<!tpu.dma_semaphore, #tpu.memory_space<semaphore_mem>>) {add = true}
    %dma_start3A_1145 = arith.constant 11 : i32
    %dma_start3A_1146 = arith.constant 2 : i32
    %dma_start3A_1147 = arith.constant 0 : i32
    %dma_start3A_1148 = tpu.memref_slice %arg13[%dma_start3A_1145, %dma_start3A_1147] : memref<25x128xi32, #tpu.memory_space<vmem>> -> memref<1x128xi32, #tpu.memory_space<vmem>>
    %dma_start3A_1149 = tpu.memref_squeeze %dma_start3A_1148 : memref<1x128xi32, #tpu.memory_space<vmem>> -> memref<128xi32, #tpu.memory_space<vmem>>
    %dma_start3A_1150 = arith.constant 0 : i32
    %dma_start3A_1151 = arith.constant 0 : i32
    %dma_start3A_1152 = tpu.memref_slice %arg19[%dma_start3A_1150, %dma_start3A_1151] : memref<1024x16xf32, #tpu.memory_space<vmem_shared>> -> memref<1024x16xf32, #tpu.memory_space<vmem_shared>>
    %dma_start3A_1153 = tpu.memref_slice %arg22[%dma_start3A_1146] : memref<2x!tpu.dma_semaphore, #tpu.memory_space<semaphore_mem>> -> memref<1x!tpu.dma_semaphore, #tpu.memory_space<semaphore_mem>>
    %dma_start3A_1154 = tpu.memref_squeeze %dma_start3A_1153 : memref<1x!tpu.dma_semaphore, #tpu.memory_space<semaphore_mem>> -> memref<!tpu.dma_semaphore, #tpu.memory_space<semaphore_mem>>
    tpu.enqueue_indirect_dma source(%arg15 : memref<128x16xf32, #tpu.memory_space<vmem>>) target(%dma_start3A_1152 : memref<1024x16xf32, #tpu.memory_space<vmem_shared>>) offsets(%dma_start3A_1149 : memref<128xi32, #tpu.memory_space<vmem>>) semaphore(%dma_start3A_1154 : memref<!tpu.dma_semaphore, #tpu.memory_space<semaphore_mem>>) {add = true}
    %dma_wait3A_1155 = arith.constant 2 : i32
    %dma_wait3A_1156 = arith.constant 11 : i32
    %dma_wait3A_1157 = arith.constant 2 : i32
    %dma_wait3A_1158 = arith.constant 0 : i32
    %dma_wait3A_1159 = arith.constant 0 : i32
    %dma_wait3A_1160 = tpu.memref_slice %arg12[%dma_wait3A_1155, %dma_wait3A_1158, %dma_wait3A_1159] : memref<3x128x128xf32, #tpu.memory_space<vmem>> -> memref<1x128x128xf32, #tpu.memory_space<vmem>>
    %dma_wait3A_1161 = tpu.memref_squeeze %dma_wait3A_1160 : memref<1x128x128xf32, #tpu.memory_space<vmem>> -> memref<128x128xf32, #tpu.memory_space<vmem>>
    %dma_wait3A_1162 = arith.constant 0 : i32
    %dma_wait3A_1163 = tpu.memref_slice %arg13[%dma_wait3A_1156, %dma_wait3A_1162] : memref<25x128xi32, #tpu.memory_space<vmem>> -> memref<1x128xi32, #tpu.memory_space<vmem>>
    %dma_wait3A_1164 = tpu.memref_squeeze %dma_wait3A_1163 : memref<1x128xi32, #tpu.memory_space<vmem>> -> memref<128xi32, #tpu.memory_space<vmem>>
    %dma_wait3A_1165 = arith.constant 0 : i32
    %dma_wait3A_1166 = arith.constant 0 : i32
    %dma_wait3A_1167 = tpu.memref_slice %arg18[%dma_wait3A_1165, %dma_wait3A_1166] : memref<1024x128xf32, #tpu.memory_space<vmem_shared>> -> memref<1024x128xf32, #tpu.memory_space<vmem_shared>>
    %dma_wait3A_1168 = tpu.memref_slice %arg21[%dma_wait3A_1157] : memref<2x!tpu.dma_semaphore, #tpu.memory_space<semaphore_mem>> -> memref<1x!tpu.dma_semaphore, #tpu.memory_space<semaphore_mem>>
    %dma_wait3A_1169 = tpu.memref_squeeze %dma_wait3A_1168 : memref<1x!tpu.dma_semaphore, #tpu.memory_space<semaphore_mem>> -> memref<!tpu.dma_semaphore, #tpu.memory_space<semaphore_mem>>
    tpu.wait_indirect_dma semaphore(%dma_wait3A_1169 : memref<!tpu.dma_semaphore, #tpu.memory_space<semaphore_mem>>) src(%dma_wait3A_1161 : memref<128x128xf32, #tpu.memory_space<vmem>>) dst(%dma_wait3A_1167 : memref<1024x128xf32, #tpu.memory_space<vmem_shared>>)
    %dma_wait3A_1170 = arith.constant 11 : i32
    %dma_wait3A_1171 = arith.constant 2 : i32
    %dma_wait3A_1172 = arith.constant 0 : i32
    %dma_wait3A_1173 = tpu.memref_slice %arg13[%dma_wait3A_1170, %dma_wait3A_1172] : memref<25x128xi32, #tpu.memory_space<vmem>> -> memref<1x128xi32, #tpu.memory_space<vmem>>
    %dma_wait3A_1174 = tpu.memref_squeeze %dma_wait3A_1173 : memref<1x128xi32, #tpu.memory_space<vmem>> -> memref<128xi32, #tpu.memory_space<vmem>>
    %dma_wait3A_1175 = arith.constant 0 : i32
    %dma_wait3A_1176 = arith.constant 0 : i32
    %dma_wait3A_1177 = tpu.memref_slice %arg19[%dma_wait3A_1175, %dma_wait3A_1176] : memref<1024x16xf32, #tpu.memory_space<vmem_shared>> -> memref<1024x16xf32, #tpu.memory_space<vmem_shared>>
    %dma_wait3A_1178 = tpu.memref_slice %arg22[%dma_wait3A_1171] : memref<2x!tpu.dma_semaphore, #tpu.memory_space<semaphore_mem>> -> memref<1x!tpu.dma_semaphore, #tpu.memory_space<semaphore_mem>>
    %dma_wait3A_1179 = tpu.memref_squeeze %dma_wait3A_1178 : memref<1x!tpu.dma_semaphore, #tpu.memory_space<semaphore_mem>> -> memref<!tpu.dma_semaphore, #tpu.memory_space<semaphore_mem>>
    tpu.wait_indirect_dma semaphore(%dma_wait3A_1179 : memref<!tpu.dma_semaphore, #tpu.memory_space<semaphore_mem>>) src(%arg15 : memref<128x16xf32, #tpu.memory_space<vmem>>) dst(%dma_wait3A_1177 : memref<1024x16xf32, #tpu.memory_space<vmem_shared>>)
    %add3A_1180 = arith.constant 448 : i32
    %add3A_1181 = arith.addi %add3A_1180, %add3A : i32
    %min3A_1182 = arith.constant 780 : i32
    %min3A_1183 = arith.minsi %add3A_1181, %min3A_1182 : i32
    %mul3A_1184 = arith.constant 128 : i32
    %mul3A_1185 = arith.muli %min3A_1183, %mul3A_1184 : i32
    %dma_start3A_1186 = arith.constant 2 : i32
    %dma_start3A_1187 = arith.constant 2 : i32
    %dma_start3A_1188 = arith.constant 0 : i32
    %dma_start3A_1189 = arith.constant 0 : i32
    %dma_start3A_1190 = tpu.memref_slice %arg12[%dma_start3A_1186, %dma_start3A_1188, %dma_start3A_1189] : memref<3x128x128xf32, #tpu.memory_space<vmem>> -> memref<1x128x128xf32, #tpu.memory_space<vmem>>
    %dma_start3A_1191 = tpu.memref_squeeze %dma_start3A_1190 : memref<1x128x128xf32, #tpu.memory_space<vmem>> -> memref<128x128xf32, #tpu.memory_space<vmem>>
    %dma_start3A_1192 = arith.constant 0 : i32
    %dma_start3A_1193 = tpu.memref_slice %arg2[%mul3A_1185, %dma_start3A_1192] : memref<100000x128xf32, #tpu.memory_space<hbm>> -> memref<128x128xf32, #tpu.memory_space<hbm>>
    %dma_start3A_1194 = tpu.memref_slice %arg20[%dma_start3A_1187] : memref<3x!tpu.dma_semaphore, #tpu.memory_space<semaphore_mem>> -> memref<1x!tpu.dma_semaphore, #tpu.memory_space<semaphore_mem>>
    %dma_start3A_1195 = tpu.memref_squeeze %dma_start3A_1194 : memref<1x!tpu.dma_semaphore, #tpu.memory_space<semaphore_mem>> -> memref<!tpu.dma_semaphore, #tpu.memory_space<semaphore_mem>>
    %dma_start3A_1196 = arith.constant 0 : i32
    %dma_start3A_1197 = arith.constant 0 : i32
    %dma_start3A_1198 = tpu.memref_slice %arg12[%dma_start3A_1186, %dma_start3A_1196, %dma_start3A_1197] : memref<3x128x128xf32, #tpu.memory_space<vmem>> -> memref<1x128x128xf32, #tpu.memory_space<vmem>>
    %dma_start3A_1199 = tpu.memref_squeeze %dma_start3A_1198 : memref<1x128x128xf32, #tpu.memory_space<vmem>> -> memref<128x128xf32, #tpu.memory_space<vmem>>
    %dma_start3A_1200 = arith.constant 0 : i32
    %dma_start3A_1201 = tpu.memref_slice %arg2[%mul3A_1185, %dma_start3A_1200] : memref<100000x128xf32, #tpu.memory_space<hbm>> -> memref<128x128xf32, #tpu.memory_space<hbm>>
    tpu.enqueue_dma source(%dma_start3A_1201 : memref<128x128xf32, #tpu.memory_space<hbm>>) target(%dma_start3A_1199 : memref<128x128xf32, #tpu.memory_space<vmem>>) target_semaphore(%dma_start3A_1195 : memref<!tpu.dma_semaphore, #tpu.memory_space<semaphore_mem>>)
    %add3A_1202 = arith.constant 384 : i32
    %add3A_1203 = arith.addi %add3A_1202, %add3A : i32
    %min3A_1204 = arith.constant 780 : i32
    %min3A_1205 = arith.minsi %add3A_1203, %min3A_1204 : i32
    %mul3A_1206 = arith.constant 128 : i32
    %mul3A_1207 = arith.muli %min3A_1205, %mul3A_1206 : i32
    %dma_wait3A_1208 = arith.constant 0 : i32
    %dma_wait3A_1209 = arith.constant 0 : i32
    %dma_wait3A_1210 = arith.constant 0 : i32
    %dma_wait3A_1211 = arith.constant 0 : i32
    %dma_wait3A_1212 = tpu.memref_slice %arg12[%dma_wait3A_1208, %dma_wait3A_1210, %dma_wait3A_1211] : memref<3x128x128xf32, #tpu.memory_space<vmem>> -> memref<1x128x128xf32, #tpu.memory_space<vmem>>
    %dma_wait3A_1213 = tpu.memref_squeeze %dma_wait3A_1212 : memref<1x128x128xf32, #tpu.memory_space<vmem>> -> memref<128x128xf32, #tpu.memory_space<vmem>>
    %dma_wait3A_1214 = arith.constant 0 : i32
    %dma_wait3A_1215 = tpu.memref_slice %arg2[%mul3A_1207, %dma_wait3A_1214] : memref<100000x128xf32, #tpu.memory_space<hbm>> -> memref<128x128xf32, #tpu.memory_space<hbm>>
    %dma_wait3A_1216 = tpu.memref_slice %arg20[%dma_wait3A_1209] : memref<3x!tpu.dma_semaphore, #tpu.memory_space<semaphore_mem>> -> memref<1x!tpu.dma_semaphore, #tpu.memory_space<semaphore_mem>>
    %dma_wait3A_1217 = tpu.memref_squeeze %dma_wait3A_1216 : memref<1x!tpu.dma_semaphore, #tpu.memory_space<semaphore_mem>> -> memref<!tpu.dma_semaphore, #tpu.memory_space<semaphore_mem>>
    %dma_wait3A_1218 = arith.constant 0 : i32
    %dma_wait3A_1219 = arith.constant 0 : i32
    %dma_wait3A_1220 = tpu.memref_slice %arg12[%dma_wait3A_1208, %dma_wait3A_1218, %dma_wait3A_1219] : memref<3x128x128xf32, #tpu.memory_space<vmem>> -> memref<1x128x128xf32, #tpu.memory_space<vmem>>
    %dma_wait3A_1221 = tpu.memref_squeeze %dma_wait3A_1220 : memref<1x128x128xf32, #tpu.memory_space<vmem>> -> memref<128x128xf32, #tpu.memory_space<vmem>>
    %dma_wait3A_1222 = arith.constant 0 : i32
    %dma_wait3A_1223 = tpu.memref_slice %arg2[%mul3A_1207, %dma_wait3A_1222] : memref<100000x128xf32, #tpu.memory_space<hbm>> -> memref<128x128xf32, #tpu.memory_space<hbm>>
    tpu.wait_dma2 semaphore(%dma_wait3A_1217 : memref<!tpu.dma_semaphore, #tpu.memory_space<semaphore_mem>>) src(%dma_wait3A_1223 : memref<128x128xf32, #tpu.memory_space<hbm>>) dst(%dma_wait3A_1221 : memref<128x128xf32, #tpu.memory_space<vmem>>)
    %dma_start3A_1224 = arith.constant 0 : i32
    %dma_start3A_1225 = arith.constant 12 : i32
    %dma_start3A_1226 = arith.constant 0 : i32
    %dma_start3A_1227 = arith.constant 0 : i32
    %dma_start3A_1228 = arith.constant 0 : i32
    %dma_start3A_1229 = tpu.memref_slice %arg12[%dma_start3A_1224, %dma_start3A_1227, %dma_start3A_1228] : memref<3x128x128xf32, #tpu.memory_space<vmem>> -> memref<1x128x128xf32, #tpu.memory_space<vmem>>
    %dma_start3A_1230 = tpu.memref_squeeze %dma_start3A_1229 : memref<1x128x128xf32, #tpu.memory_space<vmem>> -> memref<128x128xf32, #tpu.memory_space<vmem>>
    %dma_start3A_1231 = arith.constant 0 : i32
    %dma_start3A_1232 = tpu.memref_slice %arg13[%dma_start3A_1225, %dma_start3A_1231] : memref<25x128xi32, #tpu.memory_space<vmem>> -> memref<1x128xi32, #tpu.memory_space<vmem>>
    %dma_start3A_1233 = tpu.memref_squeeze %dma_start3A_1232 : memref<1x128xi32, #tpu.memory_space<vmem>> -> memref<128xi32, #tpu.memory_space<vmem>>
    %dma_start3A_1234 = arith.constant 0 : i32
    %dma_start3A_1235 = arith.constant 0 : i32
    %dma_start3A_1236 = tpu.memref_slice %arg18[%dma_start3A_1234, %dma_start3A_1235] : memref<1024x128xf32, #tpu.memory_space<vmem_shared>> -> memref<1024x128xf32, #tpu.memory_space<vmem_shared>>
    %dma_start3A_1237 = tpu.memref_slice %arg21[%dma_start3A_1226] : memref<2x!tpu.dma_semaphore, #tpu.memory_space<semaphore_mem>> -> memref<1x!tpu.dma_semaphore, #tpu.memory_space<semaphore_mem>>
    %dma_start3A_1238 = tpu.memref_squeeze %dma_start3A_1237 : memref<1x!tpu.dma_semaphore, #tpu.memory_space<semaphore_mem>> -> memref<!tpu.dma_semaphore, #tpu.memory_space<semaphore_mem>>
    tpu.enqueue_indirect_dma source(%dma_start3A_1230 : memref<128x128xf32, #tpu.memory_space<vmem>>) target(%dma_start3A_1236 : memref<1024x128xf32, #tpu.memory_space<vmem_shared>>) offsets(%dma_start3A_1233 : memref<128xi32, #tpu.memory_space<vmem>>) semaphore(%dma_start3A_1238 : memref<!tpu.dma_semaphore, #tpu.memory_space<semaphore_mem>>) {add = true}
    %dma_start3A_1239 = arith.constant 12 : i32
    %dma_start3A_1240 = arith.constant 0 : i32
    %dma_start3A_1241 = arith.constant 0 : i32
    %dma_start3A_1242 = tpu.memref_slice %arg13[%dma_start3A_1239, %dma_start3A_1241] : memref<25x128xi32, #tpu.memory_space<vmem>> -> memref<1x128xi32, #tpu.memory_space<vmem>>
    %dma_start3A_1243 = tpu.memref_squeeze %dma_start3A_1242 : memref<1x128xi32, #tpu.memory_space<vmem>> -> memref<128xi32, #tpu.memory_space<vmem>>
    %dma_start3A_1244 = arith.constant 0 : i32
    %dma_start3A_1245 = arith.constant 0 : i32
    %dma_start3A_1246 = tpu.memref_slice %arg19[%dma_start3A_1244, %dma_start3A_1245] : memref<1024x16xf32, #tpu.memory_space<vmem_shared>> -> memref<1024x16xf32, #tpu.memory_space<vmem_shared>>
    %dma_start3A_1247 = tpu.memref_slice %arg22[%dma_start3A_1240] : memref<2x!tpu.dma_semaphore, #tpu.memory_space<semaphore_mem>> -> memref<1x!tpu.dma_semaphore, #tpu.memory_space<semaphore_mem>>
    %dma_start3A_1248 = tpu.memref_squeeze %dma_start3A_1247 : memref<1x!tpu.dma_semaphore, #tpu.memory_space<semaphore_mem>> -> memref<!tpu.dma_semaphore, #tpu.memory_space<semaphore_mem>>
    tpu.enqueue_indirect_dma source(%arg15 : memref<128x16xf32, #tpu.memory_space<vmem>>) target(%dma_start3A_1246 : memref<1024x16xf32, #tpu.memory_space<vmem_shared>>) offsets(%dma_start3A_1243 : memref<128xi32, #tpu.memory_space<vmem>>) semaphore(%dma_start3A_1248 : memref<!tpu.dma_semaphore, #tpu.memory_space<semaphore_mem>>) {add = true}
    %dma_wait3A_1249 = arith.constant 0 : i32
    %dma_wait3A_1250 = arith.constant 12 : i32
    %dma_wait3A_1251 = arith.constant 0 : i32
    %dma_wait3A_1252 = arith.constant 0 : i32
    %dma_wait3A_1253 = arith.constant 0 : i32
    %dma_wait3A_1254 = tpu.memref_slice %arg12[%dma_wait3A_1249, %dma_wait3A_1252, %dma_wait3A_1253] : memref<3x128x128xf32, #tpu.memory_space<vmem>> -> memref<1x128x128xf32, #tpu.memory_space<vmem>>
    %dma_wait3A_1255 = tpu.memref_squeeze %dma_wait3A_1254 : memref<1x128x128xf32, #tpu.memory_space<vmem>> -> memref<128x128xf32, #tpu.memory_space<vmem>>
    %dma_wait3A_1256 = arith.constant 0 : i32
    %dma_wait3A_1257 = tpu.memref_slice %arg13[%dma_wait3A_1250, %dma_wait3A_1256] : memref<25x128xi32, #tpu.memory_space<vmem>> -> memref<1x128xi32, #tpu.memory_space<vmem>>
    %dma_wait3A_1258 = tpu.memref_squeeze %dma_wait3A_1257 : memref<1x128xi32, #tpu.memory_space<vmem>> -> memref<128xi32, #tpu.memory_space<vmem>>
    %dma_wait3A_1259 = arith.constant 0 : i32
    %dma_wait3A_1260 = arith.constant 0 : i32
    %dma_wait3A_1261 = tpu.memref_slice %arg18[%dma_wait3A_1259, %dma_wait3A_1260] : memref<1024x128xf32, #tpu.memory_space<vmem_shared>> -> memref<1024x128xf32, #tpu.memory_space<vmem_shared>>
    %dma_wait3A_1262 = tpu.memref_slice %arg21[%dma_wait3A_1251] : memref<2x!tpu.dma_semaphore, #tpu.memory_space<semaphore_mem>> -> memref<1x!tpu.dma_semaphore, #tpu.memory_space<semaphore_mem>>
    %dma_wait3A_1263 = tpu.memref_squeeze %dma_wait3A_1262 : memref<1x!tpu.dma_semaphore, #tpu.memory_space<semaphore_mem>> -> memref<!tpu.dma_semaphore, #tpu.memory_space<semaphore_mem>>
    tpu.wait_indirect_dma semaphore(%dma_wait3A_1263 : memref<!tpu.dma_semaphore, #tpu.memory_space<semaphore_mem>>) src(%dma_wait3A_1255 : memref<128x128xf32, #tpu.memory_space<vmem>>) dst(%dma_wait3A_1261 : memref<1024x128xf32, #tpu.memory_space<vmem_shared>>)
    %dma_wait3A_1264 = arith.constant 12 : i32
    %dma_wait3A_1265 = arith.constant 0 : i32
    %dma_wait3A_1266 = arith.constant 0 : i32
    %dma_wait3A_1267 = tpu.memref_slice %arg13[%dma_wait3A_1264, %dma_wait3A_1266] : memref<25x128xi32, #tpu.memory_space<vmem>> -> memref<1x128xi32, #tpu.memory_space<vmem>>
    %dma_wait3A_1268 = tpu.memref_squeeze %dma_wait3A_1267 : memref<1x128xi32, #tpu.memory_space<vmem>> -> memref<128xi32, #tpu.memory_space<vmem>>
    %dma_wait3A_1269 = arith.constant 0 : i32
    %dma_wait3A_1270 = arith.constant 0 : i32
    %dma_wait3A_1271 = tpu.memref_slice %arg19[%dma_wait3A_1269, %dma_wait3A_1270] : memref<1024x16xf32, #tpu.memory_space<vmem_shared>> -> memref<1024x16xf32, #tpu.memory_space<vmem_shared>>
    %dma_wait3A_1272 = tpu.memref_slice %arg22[%dma_wait3A_1265] : memref<2x!tpu.dma_semaphore, #tpu.memory_space<semaphore_mem>> -> memref<1x!tpu.dma_semaphore, #tpu.memory_space<semaphore_mem>>
    %dma_wait3A_1273 = tpu.memref_squeeze %dma_wait3A_1272 : memref<1x!tpu.dma_semaphore, #tpu.memory_space<semaphore_mem>> -> memref<!tpu.dma_semaphore, #tpu.memory_space<semaphore_mem>>
    tpu.wait_indirect_dma semaphore(%dma_wait3A_1273 : memref<!tpu.dma_semaphore, #tpu.memory_space<semaphore_mem>>) src(%arg15 : memref<128x16xf32, #tpu.memory_space<vmem>>) dst(%dma_wait3A_1271 : memref<1024x16xf32, #tpu.memory_space<vmem_shared>>)
    %add3A_1274 = arith.constant 480 : i32
    %add3A_1275 = arith.addi %add3A_1274, %add3A : i32
    %min3A_1276 = arith.constant 780 : i32
    %min3A_1277 = arith.minsi %add3A_1275, %min3A_1276 : i32
    %mul3A_1278 = arith.constant 128 : i32
    %mul3A_1279 = arith.muli %min3A_1277, %mul3A_1278 : i32
    %dma_start3A_1280 = arith.constant 0 : i32
    %dma_start3A_1281 = arith.constant 0 : i32
    %dma_start3A_1282 = arith.constant 0 : i32
    %dma_start3A_1283 = arith.constant 0 : i32
    %dma_start3A_1284 = tpu.memref_slice %arg12[%dma_start3A_1280, %dma_start3A_1282, %dma_start3A_1283] : memref<3x128x128xf32, #tpu.memory_space<vmem>> -> memref<1x128x128xf32, #tpu.memory_space<vmem>>
    %dma_start3A_1285 = tpu.memref_squeeze %dma_start3A_1284 : memref<1x128x128xf32, #tpu.memory_space<vmem>> -> memref<128x128xf32, #tpu.memory_space<vmem>>
    %dma_start3A_1286 = arith.constant 0 : i32
    %dma_start3A_1287 = tpu.memref_slice %arg2[%mul3A_1279, %dma_start3A_1286] : memref<100000x128xf32, #tpu.memory_space<hbm>> -> memref<128x128xf32, #tpu.memory_space<hbm>>
    %dma_start3A_1288 = tpu.memref_slice %arg20[%dma_start3A_1281] : memref<3x!tpu.dma_semaphore, #tpu.memory_space<semaphore_mem>> -> memref<1x!tpu.dma_semaphore, #tpu.memory_space<semaphore_mem>>
    %dma_start3A_1289 = tpu.memref_squeeze %dma_start3A_1288 : memref<1x!tpu.dma_semaphore, #tpu.memory_space<semaphore_mem>> -> memref<!tpu.dma_semaphore, #tpu.memory_space<semaphore_mem>>
    %dma_start3A_1290 = arith.constant 0 : i32
    %dma_start3A_1291 = arith.constant 0 : i32
    %dma_start3A_1292 = tpu.memref_slice %arg12[%dma_start3A_1280, %dma_start3A_1290, %dma_start3A_1291] : memref<3x128x128xf32, #tpu.memory_space<vmem>> -> memref<1x128x128xf32, #tpu.memory_space<vmem>>
    %dma_start3A_1293 = tpu.memref_squeeze %dma_start3A_1292 : memref<1x128x128xf32, #tpu.memory_space<vmem>> -> memref<128x128xf32, #tpu.memory_space<vmem>>
    %dma_start3A_1294 = arith.constant 0 : i32
    %dma_start3A_1295 = tpu.memref_slice %arg2[%mul3A_1279, %dma_start3A_1294] : memref<100000x128xf32, #tpu.memory_space<hbm>> -> memref<128x128xf32, #tpu.memory_space<hbm>>
    tpu.enqueue_dma source(%dma_start3A_1295 : memref<128x128xf32, #tpu.memory_space<hbm>>) target(%dma_start3A_1293 : memref<128x128xf32, #tpu.memory_space<vmem>>) target_semaphore(%dma_start3A_1289 : memref<!tpu.dma_semaphore, #tpu.memory_space<semaphore_mem>>)
    %add3A_1296 = arith.constant 416 : i32
    %add3A_1297 = arith.addi %add3A_1296, %add3A : i32
    %min3A_1298 = arith.constant 780 : i32
    %min3A_1299 = arith.minsi %add3A_1297, %min3A_1298 : i32
    %mul3A_1300 = arith.constant 128 : i32
    %mul3A_1301 = arith.muli %min3A_1299, %mul3A_1300 : i32
    %dma_wait3A_1302 = arith.constant 1 : i32
    %dma_wait3A_1303 = arith.constant 1 : i32
    %dma_wait3A_1304 = arith.constant 0 : i32
    %dma_wait3A_1305 = arith.constant 0 : i32
    %dma_wait3A_1306 = tpu.memref_slice %arg12[%dma_wait3A_1302, %dma_wait3A_1304, %dma_wait3A_1305] : memref<3x128x128xf32, #tpu.memory_space<vmem>> -> memref<1x128x128xf32, #tpu.memory_space<vmem>>
    %dma_wait3A_1307 = tpu.memref_squeeze %dma_wait3A_1306 : memref<1x128x128xf32, #tpu.memory_space<vmem>> -> memref<128x128xf32, #tpu.memory_space<vmem>>
    %dma_wait3A_1308 = arith.constant 0 : i32
    %dma_wait3A_1309 = tpu.memref_slice %arg2[%mul3A_1301, %dma_wait3A_1308] : memref<100000x128xf32, #tpu.memory_space<hbm>> -> memref<128x128xf32, #tpu.memory_space<hbm>>
    %dma_wait3A_1310 = tpu.memref_slice %arg20[%dma_wait3A_1303] : memref<3x!tpu.dma_semaphore, #tpu.memory_space<semaphore_mem>> -> memref<1x!tpu.dma_semaphore, #tpu.memory_space<semaphore_mem>>
    %dma_wait3A_1311 = tpu.memref_squeeze %dma_wait3A_1310 : memref<1x!tpu.dma_semaphore, #tpu.memory_space<semaphore_mem>> -> memref<!tpu.dma_semaphore, #tpu.memory_space<semaphore_mem>>
    %dma_wait3A_1312 = arith.constant 0 : i32
    %dma_wait3A_1313 = arith.constant 0 : i32
    %dma_wait3A_1314 = tpu.memref_slice %arg12[%dma_wait3A_1302, %dma_wait3A_1312, %dma_wait3A_1313] : memref<3x128x128xf32, #tpu.memory_space<vmem>> -> memref<1x128x128xf32, #tpu.memory_space<vmem>>
    %dma_wait3A_1315 = tpu.memref_squeeze %dma_wait3A_1314 : memref<1x128x128xf32, #tpu.memory_space<vmem>> -> memref<128x128xf32, #tpu.memory_space<vmem>>
    %dma_wait3A_1316 = arith.constant 0 : i32
    %dma_wait3A_1317 = tpu.memref_slice %arg2[%mul3A_1301, %dma_wait3A_1316] : memref<100000x128xf32, #tpu.memory_space<hbm>> -> memref<128x128xf32, #tpu.memory_space<hbm>>
    tpu.wait_dma2 semaphore(%dma_wait3A_1311 : memref<!tpu.dma_semaphore, #tpu.memory_space<semaphore_mem>>) src(%dma_wait3A_1317 : memref<128x128xf32, #tpu.memory_space<hbm>>) dst(%dma_wait3A_1315 : memref<128x128xf32, #tpu.memory_space<vmem>>)
    %dma_start3A_1318 = arith.constant 1 : i32
    %dma_start3A_1319 = arith.constant 13 : i32
    %dma_start3A_1320 = arith.constant 1 : i32
    %dma_start3A_1321 = arith.constant 0 : i32
    %dma_start3A_1322 = arith.constant 0 : i32
    %dma_start3A_1323 = tpu.memref_slice %arg12[%dma_start3A_1318, %dma_start3A_1321, %dma_start3A_1322] : memref<3x128x128xf32, #tpu.memory_space<vmem>> -> memref<1x128x128xf32, #tpu.memory_space<vmem>>
    %dma_start3A_1324 = tpu.memref_squeeze %dma_start3A_1323 : memref<1x128x128xf32, #tpu.memory_space<vmem>> -> memref<128x128xf32, #tpu.memory_space<vmem>>
    %dma_start3A_1325 = arith.constant 0 : i32
    %dma_start3A_1326 = tpu.memref_slice %arg13[%dma_start3A_1319, %dma_start3A_1325] : memref<25x128xi32, #tpu.memory_space<vmem>> -> memref<1x128xi32, #tpu.memory_space<vmem>>
    %dma_start3A_1327 = tpu.memref_squeeze %dma_start3A_1326 : memref<1x128xi32, #tpu.memory_space<vmem>> -> memref<128xi32, #tpu.memory_space<vmem>>
    %dma_start3A_1328 = arith.constant 0 : i32
    %dma_start3A_1329 = arith.constant 0 : i32
    %dma_start3A_1330 = tpu.memref_slice %arg18[%dma_start3A_1328, %dma_start3A_1329] : memref<1024x128xf32, #tpu.memory_space<vmem_shared>> -> memref<1024x128xf32, #tpu.memory_space<vmem_shared>>
    %dma_start3A_1331 = tpu.memref_slice %arg21[%dma_start3A_1320] : memref<2x!tpu.dma_semaphore, #tpu.memory_space<semaphore_mem>> -> memref<1x!tpu.dma_semaphore, #tpu.memory_space<semaphore_mem>>
    %dma_start3A_1332 = tpu.memref_squeeze %dma_start3A_1331 : memref<1x!tpu.dma_semaphore, #tpu.memory_space<semaphore_mem>> -> memref<!tpu.dma_semaphore, #tpu.memory_space<semaphore_mem>>
    tpu.enqueue_indirect_dma source(%dma_start3A_1324 : memref<128x128xf32, #tpu.memory_space<vmem>>) target(%dma_start3A_1330 : memref<1024x128xf32, #tpu.memory_space<vmem_shared>>) offsets(%dma_start3A_1327 : memref<128xi32, #tpu.memory_space<vmem>>) semaphore(%dma_start3A_1332 : memref<!tpu.dma_semaphore, #tpu.memory_space<semaphore_mem>>) {add = true}
    %dma_start3A_1333 = arith.constant 13 : i32
    %dma_start3A_1334 = arith.constant 1 : i32
    %dma_start3A_1335 = arith.constant 0 : i32
    %dma_start3A_1336 = tpu.memref_slice %arg13[%dma_start3A_1333, %dma_start3A_1335] : memref<25x128xi32, #tpu.memory_space<vmem>> -> memref<1x128xi32, #tpu.memory_space<vmem>>
    %dma_start3A_1337 = tpu.memref_squeeze %dma_start3A_1336 : memref<1x128xi32, #tpu.memory_space<vmem>> -> memref<128xi32, #tpu.memory_space<vmem>>
    %dma_start3A_1338 = arith.constant 0 : i32
    %dma_start3A_1339 = arith.constant 0 : i32
    %dma_start3A_1340 = tpu.memref_slice %arg19[%dma_start3A_1338, %dma_start3A_1339] : memref<1024x16xf32, #tpu.memory_space<vmem_shared>> -> memref<1024x16xf32, #tpu.memory_space<vmem_shared>>
    %dma_start3A_1341 = tpu.memref_slice %arg22[%dma_start3A_1334] : memref<2x!tpu.dma_semaphore, #tpu.memory_space<semaphore_mem>> -> memref<1x!tpu.dma_semaphore, #tpu.memory_space<semaphore_mem>>
    %dma_start3A_1342 = tpu.memref_squeeze %dma_start3A_1341 : memref<1x!tpu.dma_semaphore, #tpu.memory_space<semaphore_mem>> -> memref<!tpu.dma_semaphore, #tpu.memory_space<semaphore_mem>>
    tpu.enqueue_indirect_dma source(%arg15 : memref<128x16xf32, #tpu.memory_space<vmem>>) target(%dma_start3A_1340 : memref<1024x16xf32, #tpu.memory_space<vmem_shared>>) offsets(%dma_start3A_1337 : memref<128xi32, #tpu.memory_space<vmem>>) semaphore(%dma_start3A_1342 : memref<!tpu.dma_semaphore, #tpu.memory_space<semaphore_mem>>) {add = true}
    %dma_wait3A_1343 = arith.constant 1 : i32
    %dma_wait3A_1344 = arith.constant 13 : i32
    %dma_wait3A_1345 = arith.constant 1 : i32
    %dma_wait3A_1346 = arith.constant 0 : i32
    %dma_wait3A_1347 = arith.constant 0 : i32
    %dma_wait3A_1348 = tpu.memref_slice %arg12[%dma_wait3A_1343, %dma_wait3A_1346, %dma_wait3A_1347] : memref<3x128x128xf32, #tpu.memory_space<vmem>> -> memref<1x128x128xf32, #tpu.memory_space<vmem>>
    %dma_wait3A_1349 = tpu.memref_squeeze %dma_wait3A_1348 : memref<1x128x128xf32, #tpu.memory_space<vmem>> -> memref<128x128xf32, #tpu.memory_space<vmem>>
    %dma_wait3A_1350 = arith.constant 0 : i32
    %dma_wait3A_1351 = tpu.memref_slice %arg13[%dma_wait3A_1344, %dma_wait3A_1350] : memref<25x128xi32, #tpu.memory_space<vmem>> -> memref<1x128xi32, #tpu.memory_space<vmem>>
    %dma_wait3A_1352 = tpu.memref_squeeze %dma_wait3A_1351 : memref<1x128xi32, #tpu.memory_space<vmem>> -> memref<128xi32, #tpu.memory_space<vmem>>
    %dma_wait3A_1353 = arith.constant 0 : i32
    %dma_wait3A_1354 = arith.constant 0 : i32
    %dma_wait3A_1355 = tpu.memref_slice %arg18[%dma_wait3A_1353, %dma_wait3A_1354] : memref<1024x128xf32, #tpu.memory_space<vmem_shared>> -> memref<1024x128xf32, #tpu.memory_space<vmem_shared>>
    %dma_wait3A_1356 = tpu.memref_slice %arg21[%dma_wait3A_1345] : memref<2x!tpu.dma_semaphore, #tpu.memory_space<semaphore_mem>> -> memref<1x!tpu.dma_semaphore, #tpu.memory_space<semaphore_mem>>
    %dma_wait3A_1357 = tpu.memref_squeeze %dma_wait3A_1356 : memref<1x!tpu.dma_semaphore, #tpu.memory_space<semaphore_mem>> -> memref<!tpu.dma_semaphore, #tpu.memory_space<semaphore_mem>>
    tpu.wait_indirect_dma semaphore(%dma_wait3A_1357 : memref<!tpu.dma_semaphore, #tpu.memory_space<semaphore_mem>>) src(%dma_wait3A_1349 : memref<128x128xf32, #tpu.memory_space<vmem>>) dst(%dma_wait3A_1355 : memref<1024x128xf32, #tpu.memory_space<vmem_shared>>)
    %dma_wait3A_1358 = arith.constant 13 : i32
    %dma_wait3A_1359 = arith.constant 1 : i32
    %dma_wait3A_1360 = arith.constant 0 : i32
    %dma_wait3A_1361 = tpu.memref_slice %arg13[%dma_wait3A_1358, %dma_wait3A_1360] : memref<25x128xi32, #tpu.memory_space<vmem>> -> memref<1x128xi32, #tpu.memory_space<vmem>>
    %dma_wait3A_1362 = tpu.memref_squeeze %dma_wait3A_1361 : memref<1x128xi32, #tpu.memory_space<vmem>> -> memref<128xi32, #tpu.memory_space<vmem>>
    %dma_wait3A_1363 = arith.constant 0 : i32
    %dma_wait3A_1364 = arith.constant 0 : i32
    %dma_wait3A_1365 = tpu.memref_slice %arg19[%dma_wait3A_1363, %dma_wait3A_1364] : memref<1024x16xf32, #tpu.memory_space<vmem_shared>> -> memref<1024x16xf32, #tpu.memory_space<vmem_shared>>
    %dma_wait3A_1366 = tpu.memref_slice %arg22[%dma_wait3A_1359] : memref<2x!tpu.dma_semaphore, #tpu.memory_space<semaphore_mem>> -> memref<1x!tpu.dma_semaphore, #tpu.memory_space<semaphore_mem>>
    %dma_wait3A_1367 = tpu.memref_squeeze %dma_wait3A_1366 : memref<1x!tpu.dma_semaphore, #tpu.memory_space<semaphore_mem>> -> memref<!tpu.dma_semaphore, #tpu.memory_space<semaphore_mem>>
    tpu.wait_indirect_dma semaphore(%dma_wait3A_1367 : memref<!tpu.dma_semaphore, #tpu.memory_space<semaphore_mem>>) src(%arg15 : memref<128x16xf32, #tpu.memory_space<vmem>>) dst(%dma_wait3A_1365 : memref<1024x16xf32, #tpu.memory_space<vmem_shared>>)
    %add3A_1368 = arith.constant 512 : i32
    %add3A_1369 = arith.addi %add3A_1368, %add3A : i32
    %min3A_1370 = arith.constant 780 : i32
    %min3A_1371 = arith.minsi %add3A_1369, %min3A_1370 : i32
    %mul3A_1372 = arith.constant 128 : i32
    %mul3A_1373 = arith.muli %min3A_1371, %mul3A_1372 : i32
    %dma_start3A_1374 = arith.constant 1 : i32
    %dma_start3A_1375 = arith.constant 1 : i32
    %dma_start3A_1376 = arith.constant 0 : i32
    %dma_start3A_1377 = arith.constant 0 : i32
    %dma_start3A_1378 = tpu.memref_slice %arg12[%dma_start3A_1374, %dma_start3A_1376, %dma_start3A_1377] : memref<3x128x128xf32, #tpu.memory_space<vmem>> -> memref<1x128x128xf32, #tpu.memory_space<vmem>>
    %dma_start3A_1379 = tpu.memref_squeeze %dma_start3A_1378 : memref<1x128x128xf32, #tpu.memory_space<vmem>> -> memref<128x128xf32, #tpu.memory_space<vmem>>
    %dma_start3A_1380 = arith.constant 0 : i32
    %dma_start3A_1381 = tpu.memref_slice %arg2[%mul3A_1373, %dma_start3A_1380] : memref<100000x128xf32, #tpu.memory_space<hbm>> -> memref<128x128xf32, #tpu.memory_space<hbm>>
    %dma_start3A_1382 = tpu.memref_slice %arg20[%dma_start3A_1375] : memref<3x!tpu.dma_semaphore, #tpu.memory_space<semaphore_mem>> -> memref<1x!tpu.dma_semaphore, #tpu.memory_space<semaphore_mem>>
    %dma_start3A_1383 = tpu.memref_squeeze %dma_start3A_1382 : memref<1x!tpu.dma_semaphore, #tpu.memory_space<semaphore_mem>> -> memref<!tpu.dma_semaphore, #tpu.memory_space<semaphore_mem>>
    %dma_start3A_1384 = arith.constant 0 : i32
    %dma_start3A_1385 = arith.constant 0 : i32
    %dma_start3A_1386 = tpu.memref_slice %arg12[%dma_start3A_1374, %dma_start3A_1384, %dma_start3A_1385] : memref<3x128x128xf32, #tpu.memory_space<vmem>> -> memref<1x128x128xf32, #tpu.memory_space<vmem>>
    %dma_start3A_1387 = tpu.memref_squeeze %dma_start3A_1386 : memref<1x128x128xf32, #tpu.memory_space<vmem>> -> memref<128x128xf32, #tpu.memory_space<vmem>>
    %dma_start3A_1388 = arith.constant 0 : i32
    %dma_start3A_1389 = tpu.memref_slice %arg2[%mul3A_1373, %dma_start3A_1388] : memref<100000x128xf32, #tpu.memory_space<hbm>> -> memref<128x128xf32, #tpu.memory_space<hbm>>
    tpu.enqueue_dma source(%dma_start3A_1389 : memref<128x128xf32, #tpu.memory_space<hbm>>) target(%dma_start3A_1387 : memref<128x128xf32, #tpu.memory_space<vmem>>) target_semaphore(%dma_start3A_1383 : memref<!tpu.dma_semaphore, #tpu.memory_space<semaphore_mem>>)
    %add3A_1390 = arith.constant 448 : i32
    %add3A_1391 = arith.addi %add3A_1390, %add3A : i32
    %min3A_1392 = arith.constant 780 : i32
    %min3A_1393 = arith.minsi %add3A_1391, %min3A_1392 : i32
    %mul3A_1394 = arith.constant 128 : i32
    %mul3A_1395 = arith.muli %min3A_1393, %mul3A_1394 : i32
    %dma_wait3A_1396 = arith.constant 2 : i32
    %dma_wait3A_1397 = arith.constant 2 : i32
    %dma_wait3A_1398 = arith.constant 0 : i32
    %dma_wait3A_1399 = arith.constant 0 : i32
    %dma_wait3A_1400 = tpu.memref_slice %arg12[%dma_wait3A_1396, %dma_wait3A_1398, %dma_wait3A_1399] : memref<3x128x128xf32, #tpu.memory_space<vmem>> -> memref<1x128x128xf32, #tpu.memory_space<vmem>>
    %dma_wait3A_1401 = tpu.memref_squeeze %dma_wait3A_1400 : memref<1x128x128xf32, #tpu.memory_space<vmem>> -> memref<128x128xf32, #tpu.memory_space<vmem>>
    %dma_wait3A_1402 = arith.constant 0 : i32
    %dma_wait3A_1403 = tpu.memref_slice %arg2[%mul3A_1395, %dma_wait3A_1402] : memref<100000x128xf32, #tpu.memory_space<hbm>> -> memref<128x128xf32, #tpu.memory_space<hbm>>
    %dma_wait3A_1404 = tpu.memref_slice %arg20[%dma_wait3A_1397] : memref<3x!tpu.dma_semaphore, #tpu.memory_space<semaphore_mem>> -> memref<1x!tpu.dma_semaphore, #tpu.memory_space<semaphore_mem>>
    %dma_wait3A_1405 = tpu.memref_squeeze %dma_wait3A_1404 : memref<1x!tpu.dma_semaphore, #tpu.memory_space<semaphore_mem>> -> memref<!tpu.dma_semaphore, #tpu.memory_space<semaphore_mem>>
    %dma_wait3A_1406 = arith.constant 0 : i32
    %dma_wait3A_1407 = arith.constant 0 : i32
    %dma_wait3A_1408 = tpu.memref_slice %arg12[%dma_wait3A_1396, %dma_wait3A_1406, %dma_wait3A_1407] : memref<3x128x128xf32, #tpu.memory_space<vmem>> -> memref<1x128x128xf32, #tpu.memory_space<vmem>>
    %dma_wait3A_1409 = tpu.memref_squeeze %dma_wait3A_1408 : memref<1x128x128xf32, #tpu.memory_space<vmem>> -> memref<128x128xf32, #tpu.memory_space<vmem>>
    %dma_wait3A_1410 = arith.constant 0 : i32
    %dma_wait3A_1411 = tpu.memref_slice %arg2[%mul3A_1395, %dma_wait3A_1410] : memref<100000x128xf32, #tpu.memory_space<hbm>> -> memref<128x128xf32, #tpu.memory_space<hbm>>
    tpu.wait_dma2 semaphore(%dma_wait3A_1405 : memref<!tpu.dma_semaphore, #tpu.memory_space<semaphore_mem>>) src(%dma_wait3A_1411 : memref<128x128xf32, #tpu.memory_space<hbm>>) dst(%dma_wait3A_1409 : memref<128x128xf32, #tpu.memory_space<vmem>>)
    %dma_start3A_1412 = arith.constant 2 : i32
    %dma_start3A_1413 = arith.constant 14 : i32
    %dma_start3A_1414 = arith.constant 2 : i32
    %dma_start3A_1415 = arith.constant 0 : i32
    %dma_start3A_1416 = arith.constant 0 : i32
    %dma_start3A_1417 = tpu.memref_slice %arg12[%dma_start3A_1412, %dma_start3A_1415, %dma_start3A_1416] : memref<3x128x128xf32, #tpu.memory_space<vmem>> -> memref<1x128x128xf32, #tpu.memory_space<vmem>>
    %dma_start3A_1418 = tpu.memref_squeeze %dma_start3A_1417 : memref<1x128x128xf32, #tpu.memory_space<vmem>> -> memref<128x128xf32, #tpu.memory_space<vmem>>
    %dma_start3A_1419 = arith.constant 0 : i32
    %dma_start3A_1420 = tpu.memref_slice %arg13[%dma_start3A_1413, %dma_start3A_1419] : memref<25x128xi32, #tpu.memory_space<vmem>> -> memref<1x128xi32, #tpu.memory_space<vmem>>
    %dma_start3A_1421 = tpu.memref_squeeze %dma_start3A_1420 : memref<1x128xi32, #tpu.memory_space<vmem>> -> memref<128xi32, #tpu.memory_space<vmem>>
    %dma_start3A_1422 = arith.constant 0 : i32
    %dma_start3A_1423 = arith.constant 0 : i32
    %dma_start3A_1424 = tpu.memref_slice %arg18[%dma_start3A_1422, %dma_start3A_1423] : memref<1024x128xf32, #tpu.memory_space<vmem_shared>> -> memref<1024x128xf32, #tpu.memory_space<vmem_shared>>
    %dma_start3A_1425 = tpu.memref_slice %arg21[%dma_start3A_1414] : memref<2x!tpu.dma_semaphore, #tpu.memory_space<semaphore_mem>> -> memref<1x!tpu.dma_semaphore, #tpu.memory_space<semaphore_mem>>
    %dma_start3A_1426 = tpu.memref_squeeze %dma_start3A_1425 : memref<1x!tpu.dma_semaphore, #tpu.memory_space<semaphore_mem>> -> memref<!tpu.dma_semaphore, #tpu.memory_space<semaphore_mem>>
    tpu.enqueue_indirect_dma source(%dma_start3A_1418 : memref<128x128xf32, #tpu.memory_space<vmem>>) target(%dma_start3A_1424 : memref<1024x128xf32, #tpu.memory_space<vmem_shared>>) offsets(%dma_start3A_1421 : memref<128xi32, #tpu.memory_space<vmem>>) semaphore(%dma_start3A_1426 : memref<!tpu.dma_semaphore, #tpu.memory_space<semaphore_mem>>) {add = true}
    %dma_start3A_1427 = arith.constant 14 : i32
    %dma_start3A_1428 = arith.constant 2 : i32
    %dma_start3A_1429 = arith.constant 0 : i32
    %dma_start3A_1430 = tpu.memref_slice %arg13[%dma_start3A_1427, %dma_start3A_1429] : memref<25x128xi32, #tpu.memory_space<vmem>> -> memref<1x128xi32, #tpu.memory_space<vmem>>
    %dma_start3A_1431 = tpu.memref_squeeze %dma_start3A_1430 : memref<1x128xi32, #tpu.memory_space<vmem>> -> memref<128xi32, #tpu.memory_space<vmem>>
    %dma_start3A_1432 = arith.constant 0 : i32
    %dma_start3A_1433 = arith.constant 0 : i32
    %dma_start3A_1434 = tpu.memref_slice %arg19[%dma_start3A_1432, %dma_start3A_1433] : memref<1024x16xf32, #tpu.memory_space<vmem_shared>> -> memref<1024x16xf32, #tpu.memory_space<vmem_shared>>
    %dma_start3A_1435 = tpu.memref_slice %arg22[%dma_start3A_1428] : memref<2x!tpu.dma_semaphore, #tpu.memory_space<semaphore_mem>> -> memref<1x!tpu.dma_semaphore, #tpu.memory_space<semaphore_mem>>
    %dma_start3A_1436 = tpu.memref_squeeze %dma_start3A_1435 : memref<1x!tpu.dma_semaphore, #tpu.memory_space<semaphore_mem>> -> memref<!tpu.dma_semaphore, #tpu.memory_space<semaphore_mem>>
    tpu.enqueue_indirect_dma source(%arg15 : memref<128x16xf32, #tpu.memory_space<vmem>>) target(%dma_start3A_1434 : memref<1024x16xf32, #tpu.memory_space<vmem_shared>>) offsets(%dma_start3A_1431 : memref<128xi32, #tpu.memory_space<vmem>>) semaphore(%dma_start3A_1436 : memref<!tpu.dma_semaphore, #tpu.memory_space<semaphore_mem>>) {add = true}
    %dma_wait3A_1437 = arith.constant 2 : i32
    %dma_wait3A_1438 = arith.constant 14 : i32
    %dma_wait3A_1439 = arith.constant 2 : i32
    %dma_wait3A_1440 = arith.constant 0 : i32
    %dma_wait3A_1441 = arith.constant 0 : i32
    %dma_wait3A_1442 = tpu.memref_slice %arg12[%dma_wait3A_1437, %dma_wait3A_1440, %dma_wait3A_1441] : memref<3x128x128xf32, #tpu.memory_space<vmem>> -> memref<1x128x128xf32, #tpu.memory_space<vmem>>
    %dma_wait3A_1443 = tpu.memref_squeeze %dma_wait3A_1442 : memref<1x128x128xf32, #tpu.memory_space<vmem>> -> memref<128x128xf32, #tpu.memory_space<vmem>>
    %dma_wait3A_1444 = arith.constant 0 : i32
    %dma_wait3A_1445 = tpu.memref_slice %arg13[%dma_wait3A_1438, %dma_wait3A_1444] : memref<25x128xi32, #tpu.memory_space<vmem>> -> memref<1x128xi32, #tpu.memory_space<vmem>>
    %dma_wait3A_1446 = tpu.memref_squeeze %dma_wait3A_1445 : memref<1x128xi32, #tpu.memory_space<vmem>> -> memref<128xi32, #tpu.memory_space<vmem>>
    %dma_wait3A_1447 = arith.constant 0 : i32
    %dma_wait3A_1448 = arith.constant 0 : i32
    %dma_wait3A_1449 = tpu.memref_slice %arg18[%dma_wait3A_1447, %dma_wait3A_1448] : memref<1024x128xf32, #tpu.memory_space<vmem_shared>> -> memref<1024x128xf32, #tpu.memory_space<vmem_shared>>
    %dma_wait3A_1450 = tpu.memref_slice %arg21[%dma_wait3A_1439] : memref<2x!tpu.dma_semaphore, #tpu.memory_space<semaphore_mem>> -> memref<1x!tpu.dma_semaphore, #tpu.memory_space<semaphore_mem>>
    %dma_wait3A_1451 = tpu.memref_squeeze %dma_wait3A_1450 : memref<1x!tpu.dma_semaphore, #tpu.memory_space<semaphore_mem>> -> memref<!tpu.dma_semaphore, #tpu.memory_space<semaphore_mem>>
    tpu.wait_indirect_dma semaphore(%dma_wait3A_1451 : memref<!tpu.dma_semaphore, #tpu.memory_space<semaphore_mem>>) src(%dma_wait3A_1443 : memref<128x128xf32, #tpu.memory_space<vmem>>) dst(%dma_wait3A_1449 : memref<1024x128xf32, #tpu.memory_space<vmem_shared>>)
    %dma_wait3A_1452 = arith.constant 14 : i32
    %dma_wait3A_1453 = arith.constant 2 : i32
    %dma_wait3A_1454 = arith.constant 0 : i32
    %dma_wait3A_1455 = tpu.memref_slice %arg13[%dma_wait3A_1452, %dma_wait3A_1454] : memref<25x128xi32, #tpu.memory_space<vmem>> -> memref<1x128xi32, #tpu.memory_space<vmem>>
    %dma_wait3A_1456 = tpu.memref_squeeze %dma_wait3A_1455 : memref<1x128xi32, #tpu.memory_space<vmem>> -> memref<128xi32, #tpu.memory_space<vmem>>
    %dma_wait3A_1457 = arith.constant 0 : i32
    %dma_wait3A_1458 = arith.constant 0 : i32
    %dma_wait3A_1459 = tpu.memref_slice %arg19[%dma_wait3A_1457, %dma_wait3A_1458] : memref<1024x16xf32, #tpu.memory_space<vmem_shared>> -> memref<1024x16xf32, #tpu.memory_space<vmem_shared>>
    %dma_wait3A_1460 = tpu.memref_slice %arg22[%dma_wait3A_1453] : memref<2x!tpu.dma_semaphore, #tpu.memory_space<semaphore_mem>> -> memref<1x!tpu.dma_semaphore, #tpu.memory_space<semaphore_mem>>
    %dma_wait3A_1461 = tpu.memref_squeeze %dma_wait3A_1460 : memref<1x!tpu.dma_semaphore, #tpu.memory_space<semaphore_mem>> -> memref<!tpu.dma_semaphore, #tpu.memory_space<semaphore_mem>>
    tpu.wait_indirect_dma semaphore(%dma_wait3A_1461 : memref<!tpu.dma_semaphore, #tpu.memory_space<semaphore_mem>>) src(%arg15 : memref<128x16xf32, #tpu.memory_space<vmem>>) dst(%dma_wait3A_1459 : memref<1024x16xf32, #tpu.memory_space<vmem_shared>>)
    %add3A_1462 = arith.constant 544 : i32
    %add3A_1463 = arith.addi %add3A_1462, %add3A : i32
    %min3A_1464 = arith.constant 780 : i32
    %min3A_1465 = arith.minsi %add3A_1463, %min3A_1464 : i32
    %mul3A_1466 = arith.constant 128 : i32
    %mul3A_1467 = arith.muli %min3A_1465, %mul3A_1466 : i32
    %dma_start3A_1468 = arith.constant 2 : i32
    %dma_start3A_1469 = arith.constant 2 : i32
    %dma_start3A_1470 = arith.constant 0 : i32
    %dma_start3A_1471 = arith.constant 0 : i32
    %dma_start3A_1472 = tpu.memref_slice %arg12[%dma_start3A_1468, %dma_start3A_1470, %dma_start3A_1471] : memref<3x128x128xf32, #tpu.memory_space<vmem>> -> memref<1x128x128xf32, #tpu.memory_space<vmem>>
    %dma_start3A_1473 = tpu.memref_squeeze %dma_start3A_1472 : memref<1x128x128xf32, #tpu.memory_space<vmem>> -> memref<128x128xf32, #tpu.memory_space<vmem>>
    %dma_start3A_1474 = arith.constant 0 : i32
    %dma_start3A_1475 = tpu.memref_slice %arg2[%mul3A_1467, %dma_start3A_1474] : memref<100000x128xf32, #tpu.memory_space<hbm>> -> memref<128x128xf32, #tpu.memory_space<hbm>>
    %dma_start3A_1476 = tpu.memref_slice %arg20[%dma_start3A_1469] : memref<3x!tpu.dma_semaphore, #tpu.memory_space<semaphore_mem>> -> memref<1x!tpu.dma_semaphore, #tpu.memory_space<semaphore_mem>>
    %dma_start3A_1477 = tpu.memref_squeeze %dma_start3A_1476 : memref<1x!tpu.dma_semaphore, #tpu.memory_space<semaphore_mem>> -> memref<!tpu.dma_semaphore, #tpu.memory_space<semaphore_mem>>
    %dma_start3A_1478 = arith.constant 0 : i32
    %dma_start3A_1479 = arith.constant 0 : i32
    %dma_start3A_1480 = tpu.memref_slice %arg12[%dma_start3A_1468, %dma_start3A_1478, %dma_start3A_1479] : memref<3x128x128xf32, #tpu.memory_space<vmem>> -> memref<1x128x128xf32, #tpu.memory_space<vmem>>
    %dma_start3A_1481 = tpu.memref_squeeze %dma_start3A_1480 : memref<1x128x128xf32, #tpu.memory_space<vmem>> -> memref<128x128xf32, #tpu.memory_space<vmem>>
    %dma_start3A_1482 = arith.constant 0 : i32
    %dma_start3A_1483 = tpu.memref_slice %arg2[%mul3A_1467, %dma_start3A_1482] : memref<100000x128xf32, #tpu.memory_space<hbm>> -> memref<128x128xf32, #tpu.memory_space<hbm>>
    tpu.enqueue_dma source(%dma_start3A_1483 : memref<128x128xf32, #tpu.memory_space<hbm>>) target(%dma_start3A_1481 : memref<128x128xf32, #tpu.memory_space<vmem>>) target_semaphore(%dma_start3A_1477 : memref<!tpu.dma_semaphore, #tpu.memory_space<semaphore_mem>>)
    %add3A_1484 = arith.constant 480 : i32
    %add3A_1485 = arith.addi %add3A_1484, %add3A : i32
    %min3A_1486 = arith.constant 780 : i32
    %min3A_1487 = arith.minsi %add3A_1485, %min3A_1486 : i32
    %mul3A_1488 = arith.constant 128 : i32
    %mul3A_1489 = arith.muli %min3A_1487, %mul3A_1488 : i32
    %dma_wait3A_1490 = arith.constant 0 : i32
    %dma_wait3A_1491 = arith.constant 0 : i32
    %dma_wait3A_1492 = arith.constant 0 : i32
    %dma_wait3A_1493 = arith.constant 0 : i32
    %dma_wait3A_1494 = tpu.memref_slice %arg12[%dma_wait3A_1490, %dma_wait3A_1492, %dma_wait3A_1493] : memref<3x128x128xf32, #tpu.memory_space<vmem>> -> memref<1x128x128xf32, #tpu.memory_space<vmem>>
    %dma_wait3A_1495 = tpu.memref_squeeze %dma_wait3A_1494 : memref<1x128x128xf32, #tpu.memory_space<vmem>> -> memref<128x128xf32, #tpu.memory_space<vmem>>
    %dma_wait3A_1496 = arith.constant 0 : i32
    %dma_wait3A_1497 = tpu.memref_slice %arg2[%mul3A_1489, %dma_wait3A_1496] : memref<100000x128xf32, #tpu.memory_space<hbm>> -> memref<128x128xf32, #tpu.memory_space<hbm>>
    %dma_wait3A_1498 = tpu.memref_slice %arg20[%dma_wait3A_1491] : memref<3x!tpu.dma_semaphore, #tpu.memory_space<semaphore_mem>> -> memref<1x!tpu.dma_semaphore, #tpu.memory_space<semaphore_mem>>
    %dma_wait3A_1499 = tpu.memref_squeeze %dma_wait3A_1498 : memref<1x!tpu.dma_semaphore, #tpu.memory_space<semaphore_mem>> -> memref<!tpu.dma_semaphore, #tpu.memory_space<semaphore_mem>>
    %dma_wait3A_1500 = arith.constant 0 : i32
    %dma_wait3A_1501 = arith.constant 0 : i32
    %dma_wait3A_1502 = tpu.memref_slice %arg12[%dma_wait3A_1490, %dma_wait3A_1500, %dma_wait3A_1501] : memref<3x128x128xf32, #tpu.memory_space<vmem>> -> memref<1x128x128xf32, #tpu.memory_space<vmem>>
    %dma_wait3A_1503 = tpu.memref_squeeze %dma_wait3A_1502 : memref<1x128x128xf32, #tpu.memory_space<vmem>> -> memref<128x128xf32, #tpu.memory_space<vmem>>
    %dma_wait3A_1504 = arith.constant 0 : i32
    %dma_wait3A_1505 = tpu.memref_slice %arg2[%mul3A_1489, %dma_wait3A_1504] : memref<100000x128xf32, #tpu.memory_space<hbm>> -> memref<128x128xf32, #tpu.memory_space<hbm>>
    tpu.wait_dma2 semaphore(%dma_wait3A_1499 : memref<!tpu.dma_semaphore, #tpu.memory_space<semaphore_mem>>) src(%dma_wait3A_1505 : memref<128x128xf32, #tpu.memory_space<hbm>>) dst(%dma_wait3A_1503 : memref<128x128xf32, #tpu.memory_space<vmem>>)
    %dma_start3A_1506 = arith.constant 0 : i32
    %dma_start3A_1507 = arith.constant 15 : i32
    %dma_start3A_1508 = arith.constant 0 : i32
    %dma_start3A_1509 = arith.constant 0 : i32
    %dma_start3A_1510 = arith.constant 0 : i32
    %dma_start3A_1511 = tpu.memref_slice %arg12[%dma_start3A_1506, %dma_start3A_1509, %dma_start3A_1510] : memref<3x128x128xf32, #tpu.memory_space<vmem>> -> memref<1x128x128xf32, #tpu.memory_space<vmem>>
    %dma_start3A_1512 = tpu.memref_squeeze %dma_start3A_1511 : memref<1x128x128xf32, #tpu.memory_space<vmem>> -> memref<128x128xf32, #tpu.memory_space<vmem>>
    %dma_start3A_1513 = arith.constant 0 : i32
    %dma_start3A_1514 = tpu.memref_slice %arg13[%dma_start3A_1507, %dma_start3A_1513] : memref<25x128xi32, #tpu.memory_space<vmem>> -> memref<1x128xi32, #tpu.memory_space<vmem>>
    %dma_start3A_1515 = tpu.memref_squeeze %dma_start3A_1514 : memref<1x128xi32, #tpu.memory_space<vmem>> -> memref<128xi32, #tpu.memory_space<vmem>>
    %dma_start3A_1516 = arith.constant 0 : i32
    %dma_start3A_1517 = arith.constant 0 : i32
    %dma_start3A_1518 = tpu.memref_slice %arg18[%dma_start3A_1516, %dma_start3A_1517] : memref<1024x128xf32, #tpu.memory_space<vmem_shared>> -> memref<1024x128xf32, #tpu.memory_space<vmem_shared>>
    %dma_start3A_1519 = tpu.memref_slice %arg21[%dma_start3A_1508] : memref<2x!tpu.dma_semaphore, #tpu.memory_space<semaphore_mem>> -> memref<1x!tpu.dma_semaphore, #tpu.memory_space<semaphore_mem>>
    %dma_start3A_1520 = tpu.memref_squeeze %dma_start3A_1519 : memref<1x!tpu.dma_semaphore, #tpu.memory_space<semaphore_mem>> -> memref<!tpu.dma_semaphore, #tpu.memory_space<semaphore_mem>>
    tpu.enqueue_indirect_dma source(%dma_start3A_1512 : memref<128x128xf32, #tpu.memory_space<vmem>>) target(%dma_start3A_1518 : memref<1024x128xf32, #tpu.memory_space<vmem_shared>>) offsets(%dma_start3A_1515 : memref<128xi32, #tpu.memory_space<vmem>>) semaphore(%dma_start3A_1520 : memref<!tpu.dma_semaphore, #tpu.memory_space<semaphore_mem>>) {add = true}
    %dma_start3A_1521 = arith.constant 15 : i32
    %dma_start3A_1522 = arith.constant 0 : i32
    %dma_start3A_1523 = arith.constant 0 : i32
    %dma_start3A_1524 = tpu.memref_slice %arg13[%dma_start3A_1521, %dma_start3A_1523] : memref<25x128xi32, #tpu.memory_space<vmem>> -> memref<1x128xi32, #tpu.memory_space<vmem>>
    %dma_start3A_1525 = tpu.memref_squeeze %dma_start3A_1524 : memref<1x128xi32, #tpu.memory_space<vmem>> -> memref<128xi32, #tpu.memory_space<vmem>>
    %dma_start3A_1526 = arith.constant 0 : i32
    %dma_start3A_1527 = arith.constant 0 : i32
    %dma_start3A_1528 = tpu.memref_slice %arg19[%dma_start3A_1526, %dma_start3A_1527] : memref<1024x16xf32, #tpu.memory_space<vmem_shared>> -> memref<1024x16xf32, #tpu.memory_space<vmem_shared>>
    %dma_start3A_1529 = tpu.memref_slice %arg22[%dma_start3A_1522] : memref<2x!tpu.dma_semaphore, #tpu.memory_space<semaphore_mem>> -> memref<1x!tpu.dma_semaphore, #tpu.memory_space<semaphore_mem>>
    %dma_start3A_1530 = tpu.memref_squeeze %dma_start3A_1529 : memref<1x!tpu.dma_semaphore, #tpu.memory_space<semaphore_mem>> -> memref<!tpu.dma_semaphore, #tpu.memory_space<semaphore_mem>>
    tpu.enqueue_indirect_dma source(%arg15 : memref<128x16xf32, #tpu.memory_space<vmem>>) target(%dma_start3A_1528 : memref<1024x16xf32, #tpu.memory_space<vmem_shared>>) offsets(%dma_start3A_1525 : memref<128xi32, #tpu.memory_space<vmem>>) semaphore(%dma_start3A_1530 : memref<!tpu.dma_semaphore, #tpu.memory_space<semaphore_mem>>) {add = true}
    %dma_wait3A_1531 = arith.constant 0 : i32
    %dma_wait3A_1532 = arith.constant 15 : i32
    %dma_wait3A_1533 = arith.constant 0 : i32
    %dma_wait3A_1534 = arith.constant 0 : i32
    %dma_wait3A_1535 = arith.constant 0 : i32
    %dma_wait3A_1536 = tpu.memref_slice %arg12[%dma_wait3A_1531, %dma_wait3A_1534, %dma_wait3A_1535] : memref<3x128x128xf32, #tpu.memory_space<vmem>> -> memref<1x128x128xf32, #tpu.memory_space<vmem>>
    %dma_wait3A_1537 = tpu.memref_squeeze %dma_wait3A_1536 : memref<1x128x128xf32, #tpu.memory_space<vmem>> -> memref<128x128xf32, #tpu.memory_space<vmem>>
    %dma_wait3A_1538 = arith.constant 0 : i32
    %dma_wait3A_1539 = tpu.memref_slice %arg13[%dma_wait3A_1532, %dma_wait3A_1538] : memref<25x128xi32, #tpu.memory_space<vmem>> -> memref<1x128xi32, #tpu.memory_space<vmem>>
    %dma_wait3A_1540 = tpu.memref_squeeze %dma_wait3A_1539 : memref<1x128xi32, #tpu.memory_space<vmem>> -> memref<128xi32, #tpu.memory_space<vmem>>
    %dma_wait3A_1541 = arith.constant 0 : i32
    %dma_wait3A_1542 = arith.constant 0 : i32
    %dma_wait3A_1543 = tpu.memref_slice %arg18[%dma_wait3A_1541, %dma_wait3A_1542] : memref<1024x128xf32, #tpu.memory_space<vmem_shared>> -> memref<1024x128xf32, #tpu.memory_space<vmem_shared>>
    %dma_wait3A_1544 = tpu.memref_slice %arg21[%dma_wait3A_1533] : memref<2x!tpu.dma_semaphore, #tpu.memory_space<semaphore_mem>> -> memref<1x!tpu.dma_semaphore, #tpu.memory_space<semaphore_mem>>
    %dma_wait3A_1545 = tpu.memref_squeeze %dma_wait3A_1544 : memref<1x!tpu.dma_semaphore, #tpu.memory_space<semaphore_mem>> -> memref<!tpu.dma_semaphore, #tpu.memory_space<semaphore_mem>>
    tpu.wait_indirect_dma semaphore(%dma_wait3A_1545 : memref<!tpu.dma_semaphore, #tpu.memory_space<semaphore_mem>>) src(%dma_wait3A_1537 : memref<128x128xf32, #tpu.memory_space<vmem>>) dst(%dma_wait3A_1543 : memref<1024x128xf32, #tpu.memory_space<vmem_shared>>)
    %dma_wait3A_1546 = arith.constant 15 : i32
    %dma_wait3A_1547 = arith.constant 0 : i32
    %dma_wait3A_1548 = arith.constant 0 : i32
    %dma_wait3A_1549 = tpu.memref_slice %arg13[%dma_wait3A_1546, %dma_wait3A_1548] : memref<25x128xi32, #tpu.memory_space<vmem>> -> memref<1x128xi32, #tpu.memory_space<vmem>>
    %dma_wait3A_1550 = tpu.memref_squeeze %dma_wait3A_1549 : memref<1x128xi32, #tpu.memory_space<vmem>> -> memref<128xi32, #tpu.memory_space<vmem>>
    %dma_wait3A_1551 = arith.constant 0 : i32
    %dma_wait3A_1552 = arith.constant 0 : i32
    %dma_wait3A_1553 = tpu.memref_slice %arg19[%dma_wait3A_1551, %dma_wait3A_1552] : memref<1024x16xf32, #tpu.memory_space<vmem_shared>> -> memref<1024x16xf32, #tpu.memory_space<vmem_shared>>
    %dma_wait3A_1554 = tpu.memref_slice %arg22[%dma_wait3A_1547] : memref<2x!tpu.dma_semaphore, #tpu.memory_space<semaphore_mem>> -> memref<1x!tpu.dma_semaphore, #tpu.memory_space<semaphore_mem>>
    %dma_wait3A_1555 = tpu.memref_squeeze %dma_wait3A_1554 : memref<1x!tpu.dma_semaphore, #tpu.memory_space<semaphore_mem>> -> memref<!tpu.dma_semaphore, #tpu.memory_space<semaphore_mem>>
    tpu.wait_indirect_dma semaphore(%dma_wait3A_1555 : memref<!tpu.dma_semaphore, #tpu.memory_space<semaphore_mem>>) src(%arg15 : memref<128x16xf32, #tpu.memory_space<vmem>>) dst(%dma_wait3A_1553 : memref<1024x16xf32, #tpu.memory_space<vmem_shared>>)
    %add3A_1556 = arith.constant 576 : i32
    %add3A_1557 = arith.addi %add3A_1556, %add3A : i32
    %min3A_1558 = arith.constant 780 : i32
    %min3A_1559 = arith.minsi %add3A_1557, %min3A_1558 : i32
    %mul3A_1560 = arith.constant 128 : i32
    %mul3A_1561 = arith.muli %min3A_1559, %mul3A_1560 : i32
    %dma_start3A_1562 = arith.constant 0 : i32
    %dma_start3A_1563 = arith.constant 0 : i32
    %dma_start3A_1564 = arith.constant 0 : i32
    %dma_start3A_1565 = arith.constant 0 : i32
    %dma_start3A_1566 = tpu.memref_slice %arg12[%dma_start3A_1562, %dma_start3A_1564, %dma_start3A_1565] : memref<3x128x128xf32, #tpu.memory_space<vmem>> -> memref<1x128x128xf32, #tpu.memory_space<vmem>>
    %dma_start3A_1567 = tpu.memref_squeeze %dma_start3A_1566 : memref<1x128x128xf32, #tpu.memory_space<vmem>> -> memref<128x128xf32, #tpu.memory_space<vmem>>
    %dma_start3A_1568 = arith.constant 0 : i32
    %dma_start3A_1569 = tpu.memref_slice %arg2[%mul3A_1561, %dma_start3A_1568] : memref<100000x128xf32, #tpu.memory_space<hbm>> -> memref<128x128xf32, #tpu.memory_space<hbm>>
    %dma_start3A_1570 = tpu.memref_slice %arg20[%dma_start3A_1563] : memref<3x!tpu.dma_semaphore, #tpu.memory_space<semaphore_mem>> -> memref<1x!tpu.dma_semaphore, #tpu.memory_space<semaphore_mem>>
    %dma_start3A_1571 = tpu.memref_squeeze %dma_start3A_1570 : memref<1x!tpu.dma_semaphore, #tpu.memory_space<semaphore_mem>> -> memref<!tpu.dma_semaphore, #tpu.memory_space<semaphore_mem>>
    %dma_start3A_1572 = arith.constant 0 : i32
    %dma_start3A_1573 = arith.constant 0 : i32
    %dma_start3A_1574 = tpu.memref_slice %arg12[%dma_start3A_1562, %dma_start3A_1572, %dma_start3A_1573] : memref<3x128x128xf32, #tpu.memory_space<vmem>> -> memref<1x128x128xf32, #tpu.memory_space<vmem>>
    %dma_start3A_1575 = tpu.memref_squeeze %dma_start3A_1574 : memref<1x128x128xf32, #tpu.memory_space<vmem>> -> memref<128x128xf32, #tpu.memory_space<vmem>>
    %dma_start3A_1576 = arith.constant 0 : i32
    %dma_start3A_1577 = tpu.memref_slice %arg2[%mul3A_1561, %dma_start3A_1576] : memref<100000x128xf32, #tpu.memory_space<hbm>> -> memref<128x128xf32, #tpu.memory_space<hbm>>
    tpu.enqueue_dma source(%dma_start3A_1577 : memref<128x128xf32, #tpu.memory_space<hbm>>) target(%dma_start3A_1575 : memref<128x128xf32, #tpu.memory_space<vmem>>) target_semaphore(%dma_start3A_1571 : memref<!tpu.dma_semaphore, #tpu.memory_space<semaphore_mem>>)
    %add3A_1578 = arith.constant 512 : i32
    %add3A_1579 = arith.addi %add3A_1578, %add3A : i32
    %min3A_1580 = arith.constant 780 : i32
    %min3A_1581 = arith.minsi %add3A_1579, %min3A_1580 : i32
    %mul3A_1582 = arith.constant 128 : i32
    %mul3A_1583 = arith.muli %min3A_1581, %mul3A_1582 : i32
    %dma_wait3A_1584 = arith.constant 1 : i32
    %dma_wait3A_1585 = arith.constant 1 : i32
    %dma_wait3A_1586 = arith.constant 0 : i32
    %dma_wait3A_1587 = arith.constant 0 : i32
    %dma_wait3A_1588 = tpu.memref_slice %arg12[%dma_wait3A_1584, %dma_wait3A_1586, %dma_wait3A_1587] : memref<3x128x128xf32, #tpu.memory_space<vmem>> -> memref<1x128x128xf32, #tpu.memory_space<vmem>>
    %dma_wait3A_1589 = tpu.memref_squeeze %dma_wait3A_1588 : memref<1x128x128xf32, #tpu.memory_space<vmem>> -> memref<128x128xf32, #tpu.memory_space<vmem>>
    %dma_wait3A_1590 = arith.constant 0 : i32
    %dma_wait3A_1591 = tpu.memref_slice %arg2[%mul3A_1583, %dma_wait3A_1590] : memref<100000x128xf32, #tpu.memory_space<hbm>> -> memref<128x128xf32, #tpu.memory_space<hbm>>
    %dma_wait3A_1592 = tpu.memref_slice %arg20[%dma_wait3A_1585] : memref<3x!tpu.dma_semaphore, #tpu.memory_space<semaphore_mem>> -> memref<1x!tpu.dma_semaphore, #tpu.memory_space<semaphore_mem>>
    %dma_wait3A_1593 = tpu.memref_squeeze %dma_wait3A_1592 : memref<1x!tpu.dma_semaphore, #tpu.memory_space<semaphore_mem>> -> memref<!tpu.dma_semaphore, #tpu.memory_space<semaphore_mem>>
    %dma_wait3A_1594 = arith.constant 0 : i32
    %dma_wait3A_1595 = arith.constant 0 : i32
    %dma_wait3A_1596 = tpu.memref_slice %arg12[%dma_wait3A_1584, %dma_wait3A_1594, %dma_wait3A_1595] : memref<3x128x128xf32, #tpu.memory_space<vmem>> -> memref<1x128x128xf32, #tpu.memory_space<vmem>>
    %dma_wait3A_1597 = tpu.memref_squeeze %dma_wait3A_1596 : memref<1x128x128xf32, #tpu.memory_space<vmem>> -> memref<128x128xf32, #tpu.memory_space<vmem>>
    %dma_wait3A_1598 = arith.constant 0 : i32
    %dma_wait3A_1599 = tpu.memref_slice %arg2[%mul3A_1583, %dma_wait3A_1598] : memref<100000x128xf32, #tpu.memory_space<hbm>> -> memref<128x128xf32, #tpu.memory_space<hbm>>
    tpu.wait_dma2 semaphore(%dma_wait3A_1593 : memref<!tpu.dma_semaphore, #tpu.memory_space<semaphore_mem>>) src(%dma_wait3A_1599 : memref<128x128xf32, #tpu.memory_space<hbm>>) dst(%dma_wait3A_1597 : memref<128x128xf32, #tpu.memory_space<vmem>>)
    %dma_start3A_1600 = arith.constant 1 : i32
    %dma_start3A_1601 = arith.constant 16 : i32
    %dma_start3A_1602 = arith.constant 1 : i32
    %dma_start3A_1603 = arith.constant 0 : i32
    %dma_start3A_1604 = arith.constant 0 : i32
    %dma_start3A_1605 = tpu.memref_slice %arg12[%dma_start3A_1600, %dma_start3A_1603, %dma_start3A_1604] : memref<3x128x128xf32, #tpu.memory_space<vmem>> -> memref<1x128x128xf32, #tpu.memory_space<vmem>>
    %dma_start3A_1606 = tpu.memref_squeeze %dma_start3A_1605 : memref<1x128x128xf32, #tpu.memory_space<vmem>> -> memref<128x128xf32, #tpu.memory_space<vmem>>
    %dma_start3A_1607 = arith.constant 0 : i32
    %dma_start3A_1608 = tpu.memref_slice %arg13[%dma_start3A_1601, %dma_start3A_1607] : memref<25x128xi32, #tpu.memory_space<vmem>> -> memref<1x128xi32, #tpu.memory_space<vmem>>
    %dma_start3A_1609 = tpu.memref_squeeze %dma_start3A_1608 : memref<1x128xi32, #tpu.memory_space<vmem>> -> memref<128xi32, #tpu.memory_space<vmem>>
    %dma_start3A_1610 = arith.constant 0 : i32
    %dma_start3A_1611 = arith.constant 0 : i32
    %dma_start3A_1612 = tpu.memref_slice %arg18[%dma_start3A_1610, %dma_start3A_1611] : memref<1024x128xf32, #tpu.memory_space<vmem_shared>> -> memref<1024x128xf32, #tpu.memory_space<vmem_shared>>
    %dma_start3A_1613 = tpu.memref_slice %arg21[%dma_start3A_1602] : memref<2x!tpu.dma_semaphore, #tpu.memory_space<semaphore_mem>> -> memref<1x!tpu.dma_semaphore, #tpu.memory_space<semaphore_mem>>
    %dma_start3A_1614 = tpu.memref_squeeze %dma_start3A_1613 : memref<1x!tpu.dma_semaphore, #tpu.memory_space<semaphore_mem>> -> memref<!tpu.dma_semaphore, #tpu.memory_space<semaphore_mem>>
    tpu.enqueue_indirect_dma source(%dma_start3A_1606 : memref<128x128xf32, #tpu.memory_space<vmem>>) target(%dma_start3A_1612 : memref<1024x128xf32, #tpu.memory_space<vmem_shared>>) offsets(%dma_start3A_1609 : memref<128xi32, #tpu.memory_space<vmem>>) semaphore(%dma_start3A_1614 : memref<!tpu.dma_semaphore, #tpu.memory_space<semaphore_mem>>) {add = true}
    %dma_start3A_1615 = arith.constant 16 : i32
    %dma_start3A_1616 = arith.constant 1 : i32
    %dma_start3A_1617 = arith.constant 0 : i32
    %dma_start3A_1618 = tpu.memref_slice %arg13[%dma_start3A_1615, %dma_start3A_1617] : memref<25x128xi32, #tpu.memory_space<vmem>> -> memref<1x128xi32, #tpu.memory_space<vmem>>
    %dma_start3A_1619 = tpu.memref_squeeze %dma_start3A_1618 : memref<1x128xi32, #tpu.memory_space<vmem>> -> memref<128xi32, #tpu.memory_space<vmem>>
    %dma_start3A_1620 = arith.constant 0 : i32
    %dma_start3A_1621 = arith.constant 0 : i32
    %dma_start3A_1622 = tpu.memref_slice %arg19[%dma_start3A_1620, %dma_start3A_1621] : memref<1024x16xf32, #tpu.memory_space<vmem_shared>> -> memref<1024x16xf32, #tpu.memory_space<vmem_shared>>
    %dma_start3A_1623 = tpu.memref_slice %arg22[%dma_start3A_1616] : memref<2x!tpu.dma_semaphore, #tpu.memory_space<semaphore_mem>> -> memref<1x!tpu.dma_semaphore, #tpu.memory_space<semaphore_mem>>
    %dma_start3A_1624 = tpu.memref_squeeze %dma_start3A_1623 : memref<1x!tpu.dma_semaphore, #tpu.memory_space<semaphore_mem>> -> memref<!tpu.dma_semaphore, #tpu.memory_space<semaphore_mem>>
    tpu.enqueue_indirect_dma source(%arg15 : memref<128x16xf32, #tpu.memory_space<vmem>>) target(%dma_start3A_1622 : memref<1024x16xf32, #tpu.memory_space<vmem_shared>>) offsets(%dma_start3A_1619 : memref<128xi32, #tpu.memory_space<vmem>>) semaphore(%dma_start3A_1624 : memref<!tpu.dma_semaphore, #tpu.memory_space<semaphore_mem>>) {add = true}
    %dma_wait3A_1625 = arith.constant 1 : i32
    %dma_wait3A_1626 = arith.constant 16 : i32
    %dma_wait3A_1627 = arith.constant 1 : i32
    %dma_wait3A_1628 = arith.constant 0 : i32
    %dma_wait3A_1629 = arith.constant 0 : i32
    %dma_wait3A_1630 = tpu.memref_slice %arg12[%dma_wait3A_1625, %dma_wait3A_1628, %dma_wait3A_1629] : memref<3x128x128xf32, #tpu.memory_space<vmem>> -> memref<1x128x128xf32, #tpu.memory_space<vmem>>
    %dma_wait3A_1631 = tpu.memref_squeeze %dma_wait3A_1630 : memref<1x128x128xf32, #tpu.memory_space<vmem>> -> memref<128x128xf32, #tpu.memory_space<vmem>>
    %dma_wait3A_1632 = arith.constant 0 : i32
    %dma_wait3A_1633 = tpu.memref_slice %arg13[%dma_wait3A_1626, %dma_wait3A_1632] : memref<25x128xi32, #tpu.memory_space<vmem>> -> memref<1x128xi32, #tpu.memory_space<vmem>>
    %dma_wait3A_1634 = tpu.memref_squeeze %dma_wait3A_1633 : memref<1x128xi32, #tpu.memory_space<vmem>> -> memref<128xi32, #tpu.memory_space<vmem>>
    %dma_wait3A_1635 = arith.constant 0 : i32
    %dma_wait3A_1636 = arith.constant 0 : i32
    %dma_wait3A_1637 = tpu.memref_slice %arg18[%dma_wait3A_1635, %dma_wait3A_1636] : memref<1024x128xf32, #tpu.memory_space<vmem_shared>> -> memref<1024x128xf32, #tpu.memory_space<vmem_shared>>
    %dma_wait3A_1638 = tpu.memref_slice %arg21[%dma_wait3A_1627] : memref<2x!tpu.dma_semaphore, #tpu.memory_space<semaphore_mem>> -> memref<1x!tpu.dma_semaphore, #tpu.memory_space<semaphore_mem>>
    %dma_wait3A_1639 = tpu.memref_squeeze %dma_wait3A_1638 : memref<1x!tpu.dma_semaphore, #tpu.memory_space<semaphore_mem>> -> memref<!tpu.dma_semaphore, #tpu.memory_space<semaphore_mem>>
    tpu.wait_indirect_dma semaphore(%dma_wait3A_1639 : memref<!tpu.dma_semaphore, #tpu.memory_space<semaphore_mem>>) src(%dma_wait3A_1631 : memref<128x128xf32, #tpu.memory_space<vmem>>) dst(%dma_wait3A_1637 : memref<1024x128xf32, #tpu.memory_space<vmem_shared>>)
    %dma_wait3A_1640 = arith.constant 16 : i32
    %dma_wait3A_1641 = arith.constant 1 : i32
    %dma_wait3A_1642 = arith.constant 0 : i32
    %dma_wait3A_1643 = tpu.memref_slice %arg13[%dma_wait3A_1640, %dma_wait3A_1642] : memref<25x128xi32, #tpu.memory_space<vmem>> -> memref<1x128xi32, #tpu.memory_space<vmem>>
    %dma_wait3A_1644 = tpu.memref_squeeze %dma_wait3A_1643 : memref<1x128xi32, #tpu.memory_space<vmem>> -> memref<128xi32, #tpu.memory_space<vmem>>
    %dma_wait3A_1645 = arith.constant 0 : i32
    %dma_wait3A_1646 = arith.constant 0 : i32
    %dma_wait3A_1647 = tpu.memref_slice %arg19[%dma_wait3A_1645, %dma_wait3A_1646] : memref<1024x16xf32, #tpu.memory_space<vmem_shared>> -> memref<1024x16xf32, #tpu.memory_space<vmem_shared>>
    %dma_wait3A_1648 = tpu.memref_slice %arg22[%dma_wait3A_1641] : memref<2x!tpu.dma_semaphore, #tpu.memory_space<semaphore_mem>> -> memref<1x!tpu.dma_semaphore, #tpu.memory_space<semaphore_mem>>
    %dma_wait3A_1649 = tpu.memref_squeeze %dma_wait3A_1648 : memref<1x!tpu.dma_semaphore, #tpu.memory_space<semaphore_mem>> -> memref<!tpu.dma_semaphore, #tpu.memory_space<semaphore_mem>>
    tpu.wait_indirect_dma semaphore(%dma_wait3A_1649 : memref<!tpu.dma_semaphore, #tpu.memory_space<semaphore_mem>>) src(%arg15 : memref<128x16xf32, #tpu.memory_space<vmem>>) dst(%dma_wait3A_1647 : memref<1024x16xf32, #tpu.memory_space<vmem_shared>>)
    %add3A_1650 = arith.constant 608 : i32
    %add3A_1651 = arith.addi %add3A_1650, %add3A : i32
    %min3A_1652 = arith.constant 780 : i32
    %min3A_1653 = arith.minsi %add3A_1651, %min3A_1652 : i32
    %mul3A_1654 = arith.constant 128 : i32
    %mul3A_1655 = arith.muli %min3A_1653, %mul3A_1654 : i32
    %dma_start3A_1656 = arith.constant 1 : i32
    %dma_start3A_1657 = arith.constant 1 : i32
    %dma_start3A_1658 = arith.constant 0 : i32
    %dma_start3A_1659 = arith.constant 0 : i32
    %dma_start3A_1660 = tpu.memref_slice %arg12[%dma_start3A_1656, %dma_start3A_1658, %dma_start3A_1659] : memref<3x128x128xf32, #tpu.memory_space<vmem>> -> memref<1x128x128xf32, #tpu.memory_space<vmem>>
    %dma_start3A_1661 = tpu.memref_squeeze %dma_start3A_1660 : memref<1x128x128xf32, #tpu.memory_space<vmem>> -> memref<128x128xf32, #tpu.memory_space<vmem>>
    %dma_start3A_1662 = arith.constant 0 : i32
    %dma_start3A_1663 = tpu.memref_slice %arg2[%mul3A_1655, %dma_start3A_1662] : memref<100000x128xf32, #tpu.memory_space<hbm>> -> memref<128x128xf32, #tpu.memory_space<hbm>>
    %dma_start3A_1664 = tpu.memref_slice %arg20[%dma_start3A_1657] : memref<3x!tpu.dma_semaphore, #tpu.memory_space<semaphore_mem>> -> memref<1x!tpu.dma_semaphore, #tpu.memory_space<semaphore_mem>>
    %dma_start3A_1665 = tpu.memref_squeeze %dma_start3A_1664 : memref<1x!tpu.dma_semaphore, #tpu.memory_space<semaphore_mem>> -> memref<!tpu.dma_semaphore, #tpu.memory_space<semaphore_mem>>
    %dma_start3A_1666 = arith.constant 0 : i32
    %dma_start3A_1667 = arith.constant 0 : i32
    %dma_start3A_1668 = tpu.memref_slice %arg12[%dma_start3A_1656, %dma_start3A_1666, %dma_start3A_1667] : memref<3x128x128xf32, #tpu.memory_space<vmem>> -> memref<1x128x128xf32, #tpu.memory_space<vmem>>
    %dma_start3A_1669 = tpu.memref_squeeze %dma_start3A_1668 : memref<1x128x128xf32, #tpu.memory_space<vmem>> -> memref<128x128xf32, #tpu.memory_space<vmem>>
    %dma_start3A_1670 = arith.constant 0 : i32
    %dma_start3A_1671 = tpu.memref_slice %arg2[%mul3A_1655, %dma_start3A_1670] : memref<100000x128xf32, #tpu.memory_space<hbm>> -> memref<128x128xf32, #tpu.memory_space<hbm>>
    tpu.enqueue_dma source(%dma_start3A_1671 : memref<128x128xf32, #tpu.memory_space<hbm>>) target(%dma_start3A_1669 : memref<128x128xf32, #tpu.memory_space<vmem>>) target_semaphore(%dma_start3A_1665 : memref<!tpu.dma_semaphore, #tpu.memory_space<semaphore_mem>>)
    %add3A_1672 = arith.constant 544 : i32
    %add3A_1673 = arith.addi %add3A_1672, %add3A : i32
    %min3A_1674 = arith.constant 780 : i32
    %min3A_1675 = arith.minsi %add3A_1673, %min3A_1674 : i32
    %mul3A_1676 = arith.constant 128 : i32
    %mul3A_1677 = arith.muli %min3A_1675, %mul3A_1676 : i32
    %dma_wait3A_1678 = arith.constant 2 : i32
    %dma_wait3A_1679 = arith.constant 2 : i32
    %dma_wait3A_1680 = arith.constant 0 : i32
    %dma_wait3A_1681 = arith.constant 0 : i32
    %dma_wait3A_1682 = tpu.memref_slice %arg12[%dma_wait3A_1678, %dma_wait3A_1680, %dma_wait3A_1681] : memref<3x128x128xf32, #tpu.memory_space<vmem>> -> memref<1x128x128xf32, #tpu.memory_space<vmem>>
    %dma_wait3A_1683 = tpu.memref_squeeze %dma_wait3A_1682 : memref<1x128x128xf32, #tpu.memory_space<vmem>> -> memref<128x128xf32, #tpu.memory_space<vmem>>
    %dma_wait3A_1684 = arith.constant 0 : i32
    %dma_wait3A_1685 = tpu.memref_slice %arg2[%mul3A_1677, %dma_wait3A_1684] : memref<100000x128xf32, #tpu.memory_space<hbm>> -> memref<128x128xf32, #tpu.memory_space<hbm>>
    %dma_wait3A_1686 = tpu.memref_slice %arg20[%dma_wait3A_1679] : memref<3x!tpu.dma_semaphore, #tpu.memory_space<semaphore_mem>> -> memref<1x!tpu.dma_semaphore, #tpu.memory_space<semaphore_mem>>
    %dma_wait3A_1687 = tpu.memref_squeeze %dma_wait3A_1686 : memref<1x!tpu.dma_semaphore, #tpu.memory_space<semaphore_mem>> -> memref<!tpu.dma_semaphore, #tpu.memory_space<semaphore_mem>>
    %dma_wait3A_1688 = arith.constant 0 : i32
    %dma_wait3A_1689 = arith.constant 0 : i32
    %dma_wait3A_1690 = tpu.memref_slice %arg12[%dma_wait3A_1678, %dma_wait3A_1688, %dma_wait3A_1689] : memref<3x128x128xf32, #tpu.memory_space<vmem>> -> memref<1x128x128xf32, #tpu.memory_space<vmem>>
    %dma_wait3A_1691 = tpu.memref_squeeze %dma_wait3A_1690 : memref<1x128x128xf32, #tpu.memory_space<vmem>> -> memref<128x128xf32, #tpu.memory_space<vmem>>
    %dma_wait3A_1692 = arith.constant 0 : i32
    %dma_wait3A_1693 = tpu.memref_slice %arg2[%mul3A_1677, %dma_wait3A_1692] : memref<100000x128xf32, #tpu.memory_space<hbm>> -> memref<128x128xf32, #tpu.memory_space<hbm>>
    tpu.wait_dma2 semaphore(%dma_wait3A_1687 : memref<!tpu.dma_semaphore, #tpu.memory_space<semaphore_mem>>) src(%dma_wait3A_1693 : memref<128x128xf32, #tpu.memory_space<hbm>>) dst(%dma_wait3A_1691 : memref<128x128xf32, #tpu.memory_space<vmem>>)
    %dma_start3A_1694 = arith.constant 2 : i32
    %dma_start3A_1695 = arith.constant 17 : i32
    %dma_start3A_1696 = arith.constant 2 : i32
    %dma_start3A_1697 = arith.constant 0 : i32
    %dma_start3A_1698 = arith.constant 0 : i32
    %dma_start3A_1699 = tpu.memref_slice %arg12[%dma_start3A_1694, %dma_start3A_1697, %dma_start3A_1698] : memref<3x128x128xf32, #tpu.memory_space<vmem>> -> memref<1x128x128xf32, #tpu.memory_space<vmem>>
    %dma_start3A_1700 = tpu.memref_squeeze %dma_start3A_1699 : memref<1x128x128xf32, #tpu.memory_space<vmem>> -> memref<128x128xf32, #tpu.memory_space<vmem>>
    %dma_start3A_1701 = arith.constant 0 : i32
    %dma_start3A_1702 = tpu.memref_slice %arg13[%dma_start3A_1695, %dma_start3A_1701] : memref<25x128xi32, #tpu.memory_space<vmem>> -> memref<1x128xi32, #tpu.memory_space<vmem>>
    %dma_start3A_1703 = tpu.memref_squeeze %dma_start3A_1702 : memref<1x128xi32, #tpu.memory_space<vmem>> -> memref<128xi32, #tpu.memory_space<vmem>>
    %dma_start3A_1704 = arith.constant 0 : i32
    %dma_start3A_1705 = arith.constant 0 : i32
    %dma_start3A_1706 = tpu.memref_slice %arg18[%dma_start3A_1704, %dma_start3A_1705] : memref<1024x128xf32, #tpu.memory_space<vmem_shared>> -> memref<1024x128xf32, #tpu.memory_space<vmem_shared>>
    %dma_start3A_1707 = tpu.memref_slice %arg21[%dma_start3A_1696] : memref<2x!tpu.dma_semaphore, #tpu.memory_space<semaphore_mem>> -> memref<1x!tpu.dma_semaphore, #tpu.memory_space<semaphore_mem>>
    %dma_start3A_1708 = tpu.memref_squeeze %dma_start3A_1707 : memref<1x!tpu.dma_semaphore, #tpu.memory_space<semaphore_mem>> -> memref<!tpu.dma_semaphore, #tpu.memory_space<semaphore_mem>>
    tpu.enqueue_indirect_dma source(%dma_start3A_1700 : memref<128x128xf32, #tpu.memory_space<vmem>>) target(%dma_start3A_1706 : memref<1024x128xf32, #tpu.memory_space<vmem_shared>>) offsets(%dma_start3A_1703 : memref<128xi32, #tpu.memory_space<vmem>>) semaphore(%dma_start3A_1708 : memref<!tpu.dma_semaphore, #tpu.memory_space<semaphore_mem>>) {add = true}
    %dma_start3A_1709 = arith.constant 17 : i32
    %dma_start3A_1710 = arith.constant 2 : i32
    %dma_start3A_1711 = arith.constant 0 : i32
    %dma_start3A_1712 = tpu.memref_slice %arg13[%dma_start3A_1709, %dma_start3A_1711] : memref<25x128xi32, #tpu.memory_space<vmem>> -> memref<1x128xi32, #tpu.memory_space<vmem>>
    %dma_start3A_1713 = tpu.memref_squeeze %dma_start3A_1712 : memref<1x128xi32, #tpu.memory_space<vmem>> -> memref<128xi32, #tpu.memory_space<vmem>>
    %dma_start3A_1714 = arith.constant 0 : i32
    %dma_start3A_1715 = arith.constant 0 : i32
    %dma_start3A_1716 = tpu.memref_slice %arg19[%dma_start3A_1714, %dma_start3A_1715] : memref<1024x16xf32, #tpu.memory_space<vmem_shared>> -> memref<1024x16xf32, #tpu.memory_space<vmem_shared>>
    %dma_start3A_1717 = tpu.memref_slice %arg22[%dma_start3A_1710] : memref<2x!tpu.dma_semaphore, #tpu.memory_space<semaphore_mem>> -> memref<1x!tpu.dma_semaphore, #tpu.memory_space<semaphore_mem>>
    %dma_start3A_1718 = tpu.memref_squeeze %dma_start3A_1717 : memref<1x!tpu.dma_semaphore, #tpu.memory_space<semaphore_mem>> -> memref<!tpu.dma_semaphore, #tpu.memory_space<semaphore_mem>>
    tpu.enqueue_indirect_dma source(%arg15 : memref<128x16xf32, #tpu.memory_space<vmem>>) target(%dma_start3A_1716 : memref<1024x16xf32, #tpu.memory_space<vmem_shared>>) offsets(%dma_start3A_1713 : memref<128xi32, #tpu.memory_space<vmem>>) semaphore(%dma_start3A_1718 : memref<!tpu.dma_semaphore, #tpu.memory_space<semaphore_mem>>) {add = true}
    %dma_wait3A_1719 = arith.constant 2 : i32
    %dma_wait3A_1720 = arith.constant 17 : i32
    %dma_wait3A_1721 = arith.constant 2 : i32
    %dma_wait3A_1722 = arith.constant 0 : i32
    %dma_wait3A_1723 = arith.constant 0 : i32
    %dma_wait3A_1724 = tpu.memref_slice %arg12[%dma_wait3A_1719, %dma_wait3A_1722, %dma_wait3A_1723] : memref<3x128x128xf32, #tpu.memory_space<vmem>> -> memref<1x128x128xf32, #tpu.memory_space<vmem>>
    %dma_wait3A_1725 = tpu.memref_squeeze %dma_wait3A_1724 : memref<1x128x128xf32, #tpu.memory_space<vmem>> -> memref<128x128xf32, #tpu.memory_space<vmem>>
    %dma_wait3A_1726 = arith.constant 0 : i32
    %dma_wait3A_1727 = tpu.memref_slice %arg13[%dma_wait3A_1720, %dma_wait3A_1726] : memref<25x128xi32, #tpu.memory_space<vmem>> -> memref<1x128xi32, #tpu.memory_space<vmem>>
    %dma_wait3A_1728 = tpu.memref_squeeze %dma_wait3A_1727 : memref<1x128xi32, #tpu.memory_space<vmem>> -> memref<128xi32, #tpu.memory_space<vmem>>
    %dma_wait3A_1729 = arith.constant 0 : i32
    %dma_wait3A_1730 = arith.constant 0 : i32
    %dma_wait3A_1731 = tpu.memref_slice %arg18[%dma_wait3A_1729, %dma_wait3A_1730] : memref<1024x128xf32, #tpu.memory_space<vmem_shared>> -> memref<1024x128xf32, #tpu.memory_space<vmem_shared>>
    %dma_wait3A_1732 = tpu.memref_slice %arg21[%dma_wait3A_1721] : memref<2x!tpu.dma_semaphore, #tpu.memory_space<semaphore_mem>> -> memref<1x!tpu.dma_semaphore, #tpu.memory_space<semaphore_mem>>
    %dma_wait3A_1733 = tpu.memref_squeeze %dma_wait3A_1732 : memref<1x!tpu.dma_semaphore, #tpu.memory_space<semaphore_mem>> -> memref<!tpu.dma_semaphore, #tpu.memory_space<semaphore_mem>>
    tpu.wait_indirect_dma semaphore(%dma_wait3A_1733 : memref<!tpu.dma_semaphore, #tpu.memory_space<semaphore_mem>>) src(%dma_wait3A_1725 : memref<128x128xf32, #tpu.memory_space<vmem>>) dst(%dma_wait3A_1731 : memref<1024x128xf32, #tpu.memory_space<vmem_shared>>)
    %dma_wait3A_1734 = arith.constant 17 : i32
    %dma_wait3A_1735 = arith.constant 2 : i32
    %dma_wait3A_1736 = arith.constant 0 : i32
    %dma_wait3A_1737 = tpu.memref_slice %arg13[%dma_wait3A_1734, %dma_wait3A_1736] : memref<25x128xi32, #tpu.memory_space<vmem>> -> memref<1x128xi32, #tpu.memory_space<vmem>>
    %dma_wait3A_1738 = tpu.memref_squeeze %dma_wait3A_1737 : memref<1x128xi32, #tpu.memory_space<vmem>> -> memref<128xi32, #tpu.memory_space<vmem>>
    %dma_wait3A_1739 = arith.constant 0 : i32
    %dma_wait3A_1740 = arith.constant 0 : i32
    %dma_wait3A_1741 = tpu.memref_slice %arg19[%dma_wait3A_1739, %dma_wait3A_1740] : memref<1024x16xf32, #tpu.memory_space<vmem_shared>> -> memref<1024x16xf32, #tpu.memory_space<vmem_shared>>
    %dma_wait3A_1742 = tpu.memref_slice %arg22[%dma_wait3A_1735] : memref<2x!tpu.dma_semaphore, #tpu.memory_space<semaphore_mem>> -> memref<1x!tpu.dma_semaphore, #tpu.memory_space<semaphore_mem>>
    %dma_wait3A_1743 = tpu.memref_squeeze %dma_wait3A_1742 : memref<1x!tpu.dma_semaphore, #tpu.memory_space<semaphore_mem>> -> memref<!tpu.dma_semaphore, #tpu.memory_space<semaphore_mem>>
    tpu.wait_indirect_dma semaphore(%dma_wait3A_1743 : memref<!tpu.dma_semaphore, #tpu.memory_space<semaphore_mem>>) src(%arg15 : memref<128x16xf32, #tpu.memory_space<vmem>>) dst(%dma_wait3A_1741 : memref<1024x16xf32, #tpu.memory_space<vmem_shared>>)
    %add3A_1744 = arith.constant 640 : i32
    %add3A_1745 = arith.addi %add3A_1744, %add3A : i32
    %min3A_1746 = arith.constant 780 : i32
    %min3A_1747 = arith.minsi %add3A_1745, %min3A_1746 : i32
    %mul3A_1748 = arith.constant 128 : i32
    %mul3A_1749 = arith.muli %min3A_1747, %mul3A_1748 : i32
    %dma_start3A_1750 = arith.constant 2 : i32
    %dma_start3A_1751 = arith.constant 2 : i32
    %dma_start3A_1752 = arith.constant 0 : i32
    %dma_start3A_1753 = arith.constant 0 : i32
    %dma_start3A_1754 = tpu.memref_slice %arg12[%dma_start3A_1750, %dma_start3A_1752, %dma_start3A_1753] : memref<3x128x128xf32, #tpu.memory_space<vmem>> -> memref<1x128x128xf32, #tpu.memory_space<vmem>>
    %dma_start3A_1755 = tpu.memref_squeeze %dma_start3A_1754 : memref<1x128x128xf32, #tpu.memory_space<vmem>> -> memref<128x128xf32, #tpu.memory_space<vmem>>
    %dma_start3A_1756 = arith.constant 0 : i32
    %dma_start3A_1757 = tpu.memref_slice %arg2[%mul3A_1749, %dma_start3A_1756] : memref<100000x128xf32, #tpu.memory_space<hbm>> -> memref<128x128xf32, #tpu.memory_space<hbm>>
    %dma_start3A_1758 = tpu.memref_slice %arg20[%dma_start3A_1751] : memref<3x!tpu.dma_semaphore, #tpu.memory_space<semaphore_mem>> -> memref<1x!tpu.dma_semaphore, #tpu.memory_space<semaphore_mem>>
    %dma_start3A_1759 = tpu.memref_squeeze %dma_start3A_1758 : memref<1x!tpu.dma_semaphore, #tpu.memory_space<semaphore_mem>> -> memref<!tpu.dma_semaphore, #tpu.memory_space<semaphore_mem>>
    %dma_start3A_1760 = arith.constant 0 : i32
    %dma_start3A_1761 = arith.constant 0 : i32
    %dma_start3A_1762 = tpu.memref_slice %arg12[%dma_start3A_1750, %dma_start3A_1760, %dma_start3A_1761] : memref<3x128x128xf32, #tpu.memory_space<vmem>> -> memref<1x128x128xf32, #tpu.memory_space<vmem>>
    %dma_start3A_1763 = tpu.memref_squeeze %dma_start3A_1762 : memref<1x128x128xf32, #tpu.memory_space<vmem>> -> memref<128x128xf32, #tpu.memory_space<vmem>>
    %dma_start3A_1764 = arith.constant 0 : i32
    %dma_start3A_1765 = tpu.memref_slice %arg2[%mul3A_1749, %dma_start3A_1764] : memref<100000x128xf32, #tpu.memory_space<hbm>> -> memref<128x128xf32, #tpu.memory_space<hbm>>
    tpu.enqueue_dma source(%dma_start3A_1765 : memref<128x128xf32, #tpu.memory_space<hbm>>) target(%dma_start3A_1763 : memref<128x128xf32, #tpu.memory_space<vmem>>) target_semaphore(%dma_start3A_1759 : memref<!tpu.dma_semaphore, #tpu.memory_space<semaphore_mem>>)
    %add3A_1766 = arith.constant 576 : i32
    %add3A_1767 = arith.addi %add3A_1766, %add3A : i32
    %min3A_1768 = arith.constant 780 : i32
    %min3A_1769 = arith.minsi %add3A_1767, %min3A_1768 : i32
    %mul3A_1770 = arith.constant 128 : i32
    %mul3A_1771 = arith.muli %min3A_1769, %mul3A_1770 : i32
    %dma_wait3A_1772 = arith.constant 0 : i32
    %dma_wait3A_1773 = arith.constant 0 : i32
    %dma_wait3A_1774 = arith.constant 0 : i32
    %dma_wait3A_1775 = arith.constant 0 : i32
    %dma_wait3A_1776 = tpu.memref_slice %arg12[%dma_wait3A_1772, %dma_wait3A_1774, %dma_wait3A_1775] : memref<3x128x128xf32, #tpu.memory_space<vmem>> -> memref<1x128x128xf32, #tpu.memory_space<vmem>>
    %dma_wait3A_1777 = tpu.memref_squeeze %dma_wait3A_1776 : memref<1x128x128xf32, #tpu.memory_space<vmem>> -> memref<128x128xf32, #tpu.memory_space<vmem>>
    %dma_wait3A_1778 = arith.constant 0 : i32
    %dma_wait3A_1779 = tpu.memref_slice %arg2[%mul3A_1771, %dma_wait3A_1778] : memref<100000x128xf32, #tpu.memory_space<hbm>> -> memref<128x128xf32, #tpu.memory_space<hbm>>
    %dma_wait3A_1780 = tpu.memref_slice %arg20[%dma_wait3A_1773] : memref<3x!tpu.dma_semaphore, #tpu.memory_space<semaphore_mem>> -> memref<1x!tpu.dma_semaphore, #tpu.memory_space<semaphore_mem>>
    %dma_wait3A_1781 = tpu.memref_squeeze %dma_wait3A_1780 : memref<1x!tpu.dma_semaphore, #tpu.memory_space<semaphore_mem>> -> memref<!tpu.dma_semaphore, #tpu.memory_space<semaphore_mem>>
    %dma_wait3A_1782 = arith.constant 0 : i32
    %dma_wait3A_1783 = arith.constant 0 : i32
    %dma_wait3A_1784 = tpu.memref_slice %arg12[%dma_wait3A_1772, %dma_wait3A_1782, %dma_wait3A_1783] : memref<3x128x128xf32, #tpu.memory_space<vmem>> -> memref<1x128x128xf32, #tpu.memory_space<vmem>>
    %dma_wait3A_1785 = tpu.memref_squeeze %dma_wait3A_1784 : memref<1x128x128xf32, #tpu.memory_space<vmem>> -> memref<128x128xf32, #tpu.memory_space<vmem>>
    %dma_wait3A_1786 = arith.constant 0 : i32
    %dma_wait3A_1787 = tpu.memref_slice %arg2[%mul3A_1771, %dma_wait3A_1786] : memref<100000x128xf32, #tpu.memory_space<hbm>> -> memref<128x128xf32, #tpu.memory_space<hbm>>
    tpu.wait_dma2 semaphore(%dma_wait3A_1781 : memref<!tpu.dma_semaphore, #tpu.memory_space<semaphore_mem>>) src(%dma_wait3A_1787 : memref<128x128xf32, #tpu.memory_space<hbm>>) dst(%dma_wait3A_1785 : memref<128x128xf32, #tpu.memory_space<vmem>>)
    %dma_start3A_1788 = arith.constant 0 : i32
    %dma_start3A_1789 = arith.constant 18 : i32
    %dma_start3A_1790 = arith.constant 0 : i32
    %dma_start3A_1791 = arith.constant 0 : i32
    %dma_start3A_1792 = arith.constant 0 : i32
    %dma_start3A_1793 = tpu.memref_slice %arg12[%dma_start3A_1788, %dma_start3A_1791, %dma_start3A_1792] : memref<3x128x128xf32, #tpu.memory_space<vmem>> -> memref<1x128x128xf32, #tpu.memory_space<vmem>>
    %dma_start3A_1794 = tpu.memref_squeeze %dma_start3A_1793 : memref<1x128x128xf32, #tpu.memory_space<vmem>> -> memref<128x128xf32, #tpu.memory_space<vmem>>
    %dma_start3A_1795 = arith.constant 0 : i32
    %dma_start3A_1796 = tpu.memref_slice %arg13[%dma_start3A_1789, %dma_start3A_1795] : memref<25x128xi32, #tpu.memory_space<vmem>> -> memref<1x128xi32, #tpu.memory_space<vmem>>
    %dma_start3A_1797 = tpu.memref_squeeze %dma_start3A_1796 : memref<1x128xi32, #tpu.memory_space<vmem>> -> memref<128xi32, #tpu.memory_space<vmem>>
    %dma_start3A_1798 = arith.constant 0 : i32
    %dma_start3A_1799 = arith.constant 0 : i32
    %dma_start3A_1800 = tpu.memref_slice %arg18[%dma_start3A_1798, %dma_start3A_1799] : memref<1024x128xf32, #tpu.memory_space<vmem_shared>> -> memref<1024x128xf32, #tpu.memory_space<vmem_shared>>
    %dma_start3A_1801 = tpu.memref_slice %arg21[%dma_start3A_1790] : memref<2x!tpu.dma_semaphore, #tpu.memory_space<semaphore_mem>> -> memref<1x!tpu.dma_semaphore, #tpu.memory_space<semaphore_mem>>
    %dma_start3A_1802 = tpu.memref_squeeze %dma_start3A_1801 : memref<1x!tpu.dma_semaphore, #tpu.memory_space<semaphore_mem>> -> memref<!tpu.dma_semaphore, #tpu.memory_space<semaphore_mem>>
    tpu.enqueue_indirect_dma source(%dma_start3A_1794 : memref<128x128xf32, #tpu.memory_space<vmem>>) target(%dma_start3A_1800 : memref<1024x128xf32, #tpu.memory_space<vmem_shared>>) offsets(%dma_start3A_1797 : memref<128xi32, #tpu.memory_space<vmem>>) semaphore(%dma_start3A_1802 : memref<!tpu.dma_semaphore, #tpu.memory_space<semaphore_mem>>) {add = true}
    %dma_start3A_1803 = arith.constant 18 : i32
    %dma_start3A_1804 = arith.constant 0 : i32
    %dma_start3A_1805 = arith.constant 0 : i32
    %dma_start3A_1806 = tpu.memref_slice %arg13[%dma_start3A_1803, %dma_start3A_1805] : memref<25x128xi32, #tpu.memory_space<vmem>> -> memref<1x128xi32, #tpu.memory_space<vmem>>
    %dma_start3A_1807 = tpu.memref_squeeze %dma_start3A_1806 : memref<1x128xi32, #tpu.memory_space<vmem>> -> memref<128xi32, #tpu.memory_space<vmem>>
    %dma_start3A_1808 = arith.constant 0 : i32
    %dma_start3A_1809 = arith.constant 0 : i32
    %dma_start3A_1810 = tpu.memref_slice %arg19[%dma_start3A_1808, %dma_start3A_1809] : memref<1024x16xf32, #tpu.memory_space<vmem_shared>> -> memref<1024x16xf32, #tpu.memory_space<vmem_shared>>
    %dma_start3A_1811 = tpu.memref_slice %arg22[%dma_start3A_1804] : memref<2x!tpu.dma_semaphore, #tpu.memory_space<semaphore_mem>> -> memref<1x!tpu.dma_semaphore, #tpu.memory_space<semaphore_mem>>
    %dma_start3A_1812 = tpu.memref_squeeze %dma_start3A_1811 : memref<1x!tpu.dma_semaphore, #tpu.memory_space<semaphore_mem>> -> memref<!tpu.dma_semaphore, #tpu.memory_space<semaphore_mem>>
    tpu.enqueue_indirect_dma source(%arg15 : memref<128x16xf32, #tpu.memory_space<vmem>>) target(%dma_start3A_1810 : memref<1024x16xf32, #tpu.memory_space<vmem_shared>>) offsets(%dma_start3A_1807 : memref<128xi32, #tpu.memory_space<vmem>>) semaphore(%dma_start3A_1812 : memref<!tpu.dma_semaphore, #tpu.memory_space<semaphore_mem>>) {add = true}
    %dma_wait3A_1813 = arith.constant 0 : i32
    %dma_wait3A_1814 = arith.constant 18 : i32
    %dma_wait3A_1815 = arith.constant 0 : i32
    %dma_wait3A_1816 = arith.constant 0 : i32
    %dma_wait3A_1817 = arith.constant 0 : i32
    %dma_wait3A_1818 = tpu.memref_slice %arg12[%dma_wait3A_1813, %dma_wait3A_1816, %dma_wait3A_1817] : memref<3x128x128xf32, #tpu.memory_space<vmem>> -> memref<1x128x128xf32, #tpu.memory_space<vmem>>
    %dma_wait3A_1819 = tpu.memref_squeeze %dma_wait3A_1818 : memref<1x128x128xf32, #tpu.memory_space<vmem>> -> memref<128x128xf32, #tpu.memory_space<vmem>>
    %dma_wait3A_1820 = arith.constant 0 : i32
    %dma_wait3A_1821 = tpu.memref_slice %arg13[%dma_wait3A_1814, %dma_wait3A_1820] : memref<25x128xi32, #tpu.memory_space<vmem>> -> memref<1x128xi32, #tpu.memory_space<vmem>>
    %dma_wait3A_1822 = tpu.memref_squeeze %dma_wait3A_1821 : memref<1x128xi32, #tpu.memory_space<vmem>> -> memref<128xi32, #tpu.memory_space<vmem>>
    %dma_wait3A_1823 = arith.constant 0 : i32
    %dma_wait3A_1824 = arith.constant 0 : i32
    %dma_wait3A_1825 = tpu.memref_slice %arg18[%dma_wait3A_1823, %dma_wait3A_1824] : memref<1024x128xf32, #tpu.memory_space<vmem_shared>> -> memref<1024x128xf32, #tpu.memory_space<vmem_shared>>
    %dma_wait3A_1826 = tpu.memref_slice %arg21[%dma_wait3A_1815] : memref<2x!tpu.dma_semaphore, #tpu.memory_space<semaphore_mem>> -> memref<1x!tpu.dma_semaphore, #tpu.memory_space<semaphore_mem>>
    %dma_wait3A_1827 = tpu.memref_squeeze %dma_wait3A_1826 : memref<1x!tpu.dma_semaphore, #tpu.memory_space<semaphore_mem>> -> memref<!tpu.dma_semaphore, #tpu.memory_space<semaphore_mem>>
    tpu.wait_indirect_dma semaphore(%dma_wait3A_1827 : memref<!tpu.dma_semaphore, #tpu.memory_space<semaphore_mem>>) src(%dma_wait3A_1819 : memref<128x128xf32, #tpu.memory_space<vmem>>) dst(%dma_wait3A_1825 : memref<1024x128xf32, #tpu.memory_space<vmem_shared>>)
    %dma_wait3A_1828 = arith.constant 18 : i32
    %dma_wait3A_1829 = arith.constant 0 : i32
    %dma_wait3A_1830 = arith.constant 0 : i32
    %dma_wait3A_1831 = tpu.memref_slice %arg13[%dma_wait3A_1828, %dma_wait3A_1830] : memref<25x128xi32, #tpu.memory_space<vmem>> -> memref<1x128xi32, #tpu.memory_space<vmem>>
    %dma_wait3A_1832 = tpu.memref_squeeze %dma_wait3A_1831 : memref<1x128xi32, #tpu.memory_space<vmem>> -> memref<128xi32, #tpu.memory_space<vmem>>
    %dma_wait3A_1833 = arith.constant 0 : i32
    %dma_wait3A_1834 = arith.constant 0 : i32
    %dma_wait3A_1835 = tpu.memref_slice %arg19[%dma_wait3A_1833, %dma_wait3A_1834] : memref<1024x16xf32, #tpu.memory_space<vmem_shared>> -> memref<1024x16xf32, #tpu.memory_space<vmem_shared>>
    %dma_wait3A_1836 = tpu.memref_slice %arg22[%dma_wait3A_1829] : memref<2x!tpu.dma_semaphore, #tpu.memory_space<semaphore_mem>> -> memref<1x!tpu.dma_semaphore, #tpu.memory_space<semaphore_mem>>
    %dma_wait3A_1837 = tpu.memref_squeeze %dma_wait3A_1836 : memref<1x!tpu.dma_semaphore, #tpu.memory_space<semaphore_mem>> -> memref<!tpu.dma_semaphore, #tpu.memory_space<semaphore_mem>>
    tpu.wait_indirect_dma semaphore(%dma_wait3A_1837 : memref<!tpu.dma_semaphore, #tpu.memory_space<semaphore_mem>>) src(%arg15 : memref<128x16xf32, #tpu.memory_space<vmem>>) dst(%dma_wait3A_1835 : memref<1024x16xf32, #tpu.memory_space<vmem_shared>>)
    %add3A_1838 = arith.constant 672 : i32
    %add3A_1839 = arith.addi %add3A_1838, %add3A : i32
    %min3A_1840 = arith.constant 780 : i32
    %min3A_1841 = arith.minsi %add3A_1839, %min3A_1840 : i32
    %mul3A_1842 = arith.constant 128 : i32
    %mul3A_1843 = arith.muli %min3A_1841, %mul3A_1842 : i32
    %dma_start3A_1844 = arith.constant 0 : i32
    %dma_start3A_1845 = arith.constant 0 : i32
    %dma_start3A_1846 = arith.constant 0 : i32
    %dma_start3A_1847 = arith.constant 0 : i32
    %dma_start3A_1848 = tpu.memref_slice %arg12[%dma_start3A_1844, %dma_start3A_1846, %dma_start3A_1847] : memref<3x128x128xf32, #tpu.memory_space<vmem>> -> memref<1x128x128xf32, #tpu.memory_space<vmem>>
    %dma_start3A_1849 = tpu.memref_squeeze %dma_start3A_1848 : memref<1x128x128xf32, #tpu.memory_space<vmem>> -> memref<128x128xf32, #tpu.memory_space<vmem>>
    %dma_start3A_1850 = arith.constant 0 : i32
    %dma_start3A_1851 = tpu.memref_slice %arg2[%mul3A_1843, %dma_start3A_1850] : memref<100000x128xf32, #tpu.memory_space<hbm>> -> memref<128x128xf32, #tpu.memory_space<hbm>>
    %dma_start3A_1852 = tpu.memref_slice %arg20[%dma_start3A_1845] : memref<3x!tpu.dma_semaphore, #tpu.memory_space<semaphore_mem>> -> memref<1x!tpu.dma_semaphore, #tpu.memory_space<semaphore_mem>>
    %dma_start3A_1853 = tpu.memref_squeeze %dma_start3A_1852 : memref<1x!tpu.dma_semaphore, #tpu.memory_space<semaphore_mem>> -> memref<!tpu.dma_semaphore, #tpu.memory_space<semaphore_mem>>
    %dma_start3A_1854 = arith.constant 0 : i32
    %dma_start3A_1855 = arith.constant 0 : i32
    %dma_start3A_1856 = tpu.memref_slice %arg12[%dma_start3A_1844, %dma_start3A_1854, %dma_start3A_1855] : memref<3x128x128xf32, #tpu.memory_space<vmem>> -> memref<1x128x128xf32, #tpu.memory_space<vmem>>
    %dma_start3A_1857 = tpu.memref_squeeze %dma_start3A_1856 : memref<1x128x128xf32, #tpu.memory_space<vmem>> -> memref<128x128xf32, #tpu.memory_space<vmem>>
    %dma_start3A_1858 = arith.constant 0 : i32
    %dma_start3A_1859 = tpu.memref_slice %arg2[%mul3A_1843, %dma_start3A_1858] : memref<100000x128xf32, #tpu.memory_space<hbm>> -> memref<128x128xf32, #tpu.memory_space<hbm>>
    tpu.enqueue_dma source(%dma_start3A_1859 : memref<128x128xf32, #tpu.memory_space<hbm>>) target(%dma_start3A_1857 : memref<128x128xf32, #tpu.memory_space<vmem>>) target_semaphore(%dma_start3A_1853 : memref<!tpu.dma_semaphore, #tpu.memory_space<semaphore_mem>>)
    %add3A_1860 = arith.constant 608 : i32
    %add3A_1861 = arith.addi %add3A_1860, %add3A : i32
    %min3A_1862 = arith.constant 780 : i32
    %min3A_1863 = arith.minsi %add3A_1861, %min3A_1862 : i32
    %mul3A_1864 = arith.constant 128 : i32
    %mul3A_1865 = arith.muli %min3A_1863, %mul3A_1864 : i32
    %dma_wait3A_1866 = arith.constant 1 : i32
    %dma_wait3A_1867 = arith.constant 1 : i32
    %dma_wait3A_1868 = arith.constant 0 : i32
    %dma_wait3A_1869 = arith.constant 0 : i32
    %dma_wait3A_1870 = tpu.memref_slice %arg12[%dma_wait3A_1866, %dma_wait3A_1868, %dma_wait3A_1869] : memref<3x128x128xf32, #tpu.memory_space<vmem>> -> memref<1x128x128xf32, #tpu.memory_space<vmem>>
    %dma_wait3A_1871 = tpu.memref_squeeze %dma_wait3A_1870 : memref<1x128x128xf32, #tpu.memory_space<vmem>> -> memref<128x128xf32, #tpu.memory_space<vmem>>
    %dma_wait3A_1872 = arith.constant 0 : i32
    %dma_wait3A_1873 = tpu.memref_slice %arg2[%mul3A_1865, %dma_wait3A_1872] : memref<100000x128xf32, #tpu.memory_space<hbm>> -> memref<128x128xf32, #tpu.memory_space<hbm>>
    %dma_wait3A_1874 = tpu.memref_slice %arg20[%dma_wait3A_1867] : memref<3x!tpu.dma_semaphore, #tpu.memory_space<semaphore_mem>> -> memref<1x!tpu.dma_semaphore, #tpu.memory_space<semaphore_mem>>
    %dma_wait3A_1875 = tpu.memref_squeeze %dma_wait3A_1874 : memref<1x!tpu.dma_semaphore, #tpu.memory_space<semaphore_mem>> -> memref<!tpu.dma_semaphore, #tpu.memory_space<semaphore_mem>>
    %dma_wait3A_1876 = arith.constant 0 : i32
    %dma_wait3A_1877 = arith.constant 0 : i32
    %dma_wait3A_1878 = tpu.memref_slice %arg12[%dma_wait3A_1866, %dma_wait3A_1876, %dma_wait3A_1877] : memref<3x128x128xf32, #tpu.memory_space<vmem>> -> memref<1x128x128xf32, #tpu.memory_space<vmem>>
    %dma_wait3A_1879 = tpu.memref_squeeze %dma_wait3A_1878 : memref<1x128x128xf32, #tpu.memory_space<vmem>> -> memref<128x128xf32, #tpu.memory_space<vmem>>
    %dma_wait3A_1880 = arith.constant 0 : i32
    %dma_wait3A_1881 = tpu.memref_slice %arg2[%mul3A_1865, %dma_wait3A_1880] : memref<100000x128xf32, #tpu.memory_space<hbm>> -> memref<128x128xf32, #tpu.memory_space<hbm>>
    tpu.wait_dma2 semaphore(%dma_wait3A_1875 : memref<!tpu.dma_semaphore, #tpu.memory_space<semaphore_mem>>) src(%dma_wait3A_1881 : memref<128x128xf32, #tpu.memory_space<hbm>>) dst(%dma_wait3A_1879 : memref<128x128xf32, #tpu.memory_space<vmem>>)
    %dma_start3A_1882 = arith.constant 1 : i32
    %dma_start3A_1883 = arith.constant 19 : i32
    %dma_start3A_1884 = arith.constant 1 : i32
    %dma_start3A_1885 = arith.constant 0 : i32
    %dma_start3A_1886 = arith.constant 0 : i32
    %dma_start3A_1887 = tpu.memref_slice %arg12[%dma_start3A_1882, %dma_start3A_1885, %dma_start3A_1886] : memref<3x128x128xf32, #tpu.memory_space<vmem>> -> memref<1x128x128xf32, #tpu.memory_space<vmem>>
    %dma_start3A_1888 = tpu.memref_squeeze %dma_start3A_1887 : memref<1x128x128xf32, #tpu.memory_space<vmem>> -> memref<128x128xf32, #tpu.memory_space<vmem>>
    %dma_start3A_1889 = arith.constant 0 : i32
    %dma_start3A_1890 = tpu.memref_slice %arg13[%dma_start3A_1883, %dma_start3A_1889] : memref<25x128xi32, #tpu.memory_space<vmem>> -> memref<1x128xi32, #tpu.memory_space<vmem>>
    %dma_start3A_1891 = tpu.memref_squeeze %dma_start3A_1890 : memref<1x128xi32, #tpu.memory_space<vmem>> -> memref<128xi32, #tpu.memory_space<vmem>>
    %dma_start3A_1892 = arith.constant 0 : i32
    %dma_start3A_1893 = arith.constant 0 : i32
    %dma_start3A_1894 = tpu.memref_slice %arg18[%dma_start3A_1892, %dma_start3A_1893] : memref<1024x128xf32, #tpu.memory_space<vmem_shared>> -> memref<1024x128xf32, #tpu.memory_space<vmem_shared>>
    %dma_start3A_1895 = tpu.memref_slice %arg21[%dma_start3A_1884] : memref<2x!tpu.dma_semaphore, #tpu.memory_space<semaphore_mem>> -> memref<1x!tpu.dma_semaphore, #tpu.memory_space<semaphore_mem>>
    %dma_start3A_1896 = tpu.memref_squeeze %dma_start3A_1895 : memref<1x!tpu.dma_semaphore, #tpu.memory_space<semaphore_mem>> -> memref<!tpu.dma_semaphore, #tpu.memory_space<semaphore_mem>>
    tpu.enqueue_indirect_dma source(%dma_start3A_1888 : memref<128x128xf32, #tpu.memory_space<vmem>>) target(%dma_start3A_1894 : memref<1024x128xf32, #tpu.memory_space<vmem_shared>>) offsets(%dma_start3A_1891 : memref<128xi32, #tpu.memory_space<vmem>>) semaphore(%dma_start3A_1896 : memref<!tpu.dma_semaphore, #tpu.memory_space<semaphore_mem>>) {add = true}
    %dma_start3A_1897 = arith.constant 19 : i32
    %dma_start3A_1898 = arith.constant 1 : i32
    %dma_start3A_1899 = arith.constant 0 : i32
    %dma_start3A_1900 = tpu.memref_slice %arg13[%dma_start3A_1897, %dma_start3A_1899] : memref<25x128xi32, #tpu.memory_space<vmem>> -> memref<1x128xi32, #tpu.memory_space<vmem>>
    %dma_start3A_1901 = tpu.memref_squeeze %dma_start3A_1900 : memref<1x128xi32, #tpu.memory_space<vmem>> -> memref<128xi32, #tpu.memory_space<vmem>>
    %dma_start3A_1902 = arith.constant 0 : i32
    %dma_start3A_1903 = arith.constant 0 : i32
    %dma_start3A_1904 = tpu.memref_slice %arg19[%dma_start3A_1902, %dma_start3A_1903] : memref<1024x16xf32, #tpu.memory_space<vmem_shared>> -> memref<1024x16xf32, #tpu.memory_space<vmem_shared>>
    %dma_start3A_1905 = tpu.memref_slice %arg22[%dma_start3A_1898] : memref<2x!tpu.dma_semaphore, #tpu.memory_space<semaphore_mem>> -> memref<1x!tpu.dma_semaphore, #tpu.memory_space<semaphore_mem>>
    %dma_start3A_1906 = tpu.memref_squeeze %dma_start3A_1905 : memref<1x!tpu.dma_semaphore, #tpu.memory_space<semaphore_mem>> -> memref<!tpu.dma_semaphore, #tpu.memory_space<semaphore_mem>>
    tpu.enqueue_indirect_dma source(%arg15 : memref<128x16xf32, #tpu.memory_space<vmem>>) target(%dma_start3A_1904 : memref<1024x16xf32, #tpu.memory_space<vmem_shared>>) offsets(%dma_start3A_1901 : memref<128xi32, #tpu.memory_space<vmem>>) semaphore(%dma_start3A_1906 : memref<!tpu.dma_semaphore, #tpu.memory_space<semaphore_mem>>) {add = true}
    %dma_wait3A_1907 = arith.constant 1 : i32
    %dma_wait3A_1908 = arith.constant 19 : i32
    %dma_wait3A_1909 = arith.constant 1 : i32
    %dma_wait3A_1910 = arith.constant 0 : i32
    %dma_wait3A_1911 = arith.constant 0 : i32
    %dma_wait3A_1912 = tpu.memref_slice %arg12[%dma_wait3A_1907, %dma_wait3A_1910, %dma_wait3A_1911] : memref<3x128x128xf32, #tpu.memory_space<vmem>> -> memref<1x128x128xf32, #tpu.memory_space<vmem>>
    %dma_wait3A_1913 = tpu.memref_squeeze %dma_wait3A_1912 : memref<1x128x128xf32, #tpu.memory_space<vmem>> -> memref<128x128xf32, #tpu.memory_space<vmem>>
    %dma_wait3A_1914 = arith.constant 0 : i32
    %dma_wait3A_1915 = tpu.memref_slice %arg13[%dma_wait3A_1908, %dma_wait3A_1914] : memref<25x128xi32, #tpu.memory_space<vmem>> -> memref<1x128xi32, #tpu.memory_space<vmem>>
    %dma_wait3A_1916 = tpu.memref_squeeze %dma_wait3A_1915 : memref<1x128xi32, #tpu.memory_space<vmem>> -> memref<128xi32, #tpu.memory_space<vmem>>
    %dma_wait3A_1917 = arith.constant 0 : i32
    %dma_wait3A_1918 = arith.constant 0 : i32
    %dma_wait3A_1919 = tpu.memref_slice %arg18[%dma_wait3A_1917, %dma_wait3A_1918] : memref<1024x128xf32, #tpu.memory_space<vmem_shared>> -> memref<1024x128xf32, #tpu.memory_space<vmem_shared>>
    %dma_wait3A_1920 = tpu.memref_slice %arg21[%dma_wait3A_1909] : memref<2x!tpu.dma_semaphore, #tpu.memory_space<semaphore_mem>> -> memref<1x!tpu.dma_semaphore, #tpu.memory_space<semaphore_mem>>
    %dma_wait3A_1921 = tpu.memref_squeeze %dma_wait3A_1920 : memref<1x!tpu.dma_semaphore, #tpu.memory_space<semaphore_mem>> -> memref<!tpu.dma_semaphore, #tpu.memory_space<semaphore_mem>>
    tpu.wait_indirect_dma semaphore(%dma_wait3A_1921 : memref<!tpu.dma_semaphore, #tpu.memory_space<semaphore_mem>>) src(%dma_wait3A_1913 : memref<128x128xf32, #tpu.memory_space<vmem>>) dst(%dma_wait3A_1919 : memref<1024x128xf32, #tpu.memory_space<vmem_shared>>)
    %dma_wait3A_1922 = arith.constant 19 : i32
    %dma_wait3A_1923 = arith.constant 1 : i32
    %dma_wait3A_1924 = arith.constant 0 : i32
    %dma_wait3A_1925 = tpu.memref_slice %arg13[%dma_wait3A_1922, %dma_wait3A_1924] : memref<25x128xi32, #tpu.memory_space<vmem>> -> memref<1x128xi32, #tpu.memory_space<vmem>>
    %dma_wait3A_1926 = tpu.memref_squeeze %dma_wait3A_1925 : memref<1x128xi32, #tpu.memory_space<vmem>> -> memref<128xi32, #tpu.memory_space<vmem>>
    %dma_wait3A_1927 = arith.constant 0 : i32
    %dma_wait3A_1928 = arith.constant 0 : i32
    %dma_wait3A_1929 = tpu.memref_slice %arg19[%dma_wait3A_1927, %dma_wait3A_1928] : memref<1024x16xf32, #tpu.memory_space<vmem_shared>> -> memref<1024x16xf32, #tpu.memory_space<vmem_shared>>
    %dma_wait3A_1930 = tpu.memref_slice %arg22[%dma_wait3A_1923] : memref<2x!tpu.dma_semaphore, #tpu.memory_space<semaphore_mem>> -> memref<1x!tpu.dma_semaphore, #tpu.memory_space<semaphore_mem>>
    %dma_wait3A_1931 = tpu.memref_squeeze %dma_wait3A_1930 : memref<1x!tpu.dma_semaphore, #tpu.memory_space<semaphore_mem>> -> memref<!tpu.dma_semaphore, #tpu.memory_space<semaphore_mem>>
    tpu.wait_indirect_dma semaphore(%dma_wait3A_1931 : memref<!tpu.dma_semaphore, #tpu.memory_space<semaphore_mem>>) src(%arg15 : memref<128x16xf32, #tpu.memory_space<vmem>>) dst(%dma_wait3A_1929 : memref<1024x16xf32, #tpu.memory_space<vmem_shared>>)
    %add3A_1932 = arith.constant 704 : i32
    %add3A_1933 = arith.addi %add3A_1932, %add3A : i32
    %min3A_1934 = arith.constant 780 : i32
    %min3A_1935 = arith.minsi %add3A_1933, %min3A_1934 : i32
    %mul3A_1936 = arith.constant 128 : i32
    %mul3A_1937 = arith.muli %min3A_1935, %mul3A_1936 : i32
    %dma_start3A_1938 = arith.constant 1 : i32
    %dma_start3A_1939 = arith.constant 1 : i32
    %dma_start3A_1940 = arith.constant 0 : i32
    %dma_start3A_1941 = arith.constant 0 : i32
    %dma_start3A_1942 = tpu.memref_slice %arg12[%dma_start3A_1938, %dma_start3A_1940, %dma_start3A_1941] : memref<3x128x128xf32, #tpu.memory_space<vmem>> -> memref<1x128x128xf32, #tpu.memory_space<vmem>>
    %dma_start3A_1943 = tpu.memref_squeeze %dma_start3A_1942 : memref<1x128x128xf32, #tpu.memory_space<vmem>> -> memref<128x128xf32, #tpu.memory_space<vmem>>
    %dma_start3A_1944 = arith.constant 0 : i32
    %dma_start3A_1945 = tpu.memref_slice %arg2[%mul3A_1937, %dma_start3A_1944] : memref<100000x128xf32, #tpu.memory_space<hbm>> -> memref<128x128xf32, #tpu.memory_space<hbm>>
    %dma_start3A_1946 = tpu.memref_slice %arg20[%dma_start3A_1939] : memref<3x!tpu.dma_semaphore, #tpu.memory_space<semaphore_mem>> -> memref<1x!tpu.dma_semaphore, #tpu.memory_space<semaphore_mem>>
    %dma_start3A_1947 = tpu.memref_squeeze %dma_start3A_1946 : memref<1x!tpu.dma_semaphore, #tpu.memory_space<semaphore_mem>> -> memref<!tpu.dma_semaphore, #tpu.memory_space<semaphore_mem>>
    %dma_start3A_1948 = arith.constant 0 : i32
    %dma_start3A_1949 = arith.constant 0 : i32
    %dma_start3A_1950 = tpu.memref_slice %arg12[%dma_start3A_1938, %dma_start3A_1948, %dma_start3A_1949] : memref<3x128x128xf32, #tpu.memory_space<vmem>> -> memref<1x128x128xf32, #tpu.memory_space<vmem>>
    %dma_start3A_1951 = tpu.memref_squeeze %dma_start3A_1950 : memref<1x128x128xf32, #tpu.memory_space<vmem>> -> memref<128x128xf32, #tpu.memory_space<vmem>>
    %dma_start3A_1952 = arith.constant 0 : i32
    %dma_start3A_1953 = tpu.memref_slice %arg2[%mul3A_1937, %dma_start3A_1952] : memref<100000x128xf32, #tpu.memory_space<hbm>> -> memref<128x128xf32, #tpu.memory_space<hbm>>
    tpu.enqueue_dma source(%dma_start3A_1953 : memref<128x128xf32, #tpu.memory_space<hbm>>) target(%dma_start3A_1951 : memref<128x128xf32, #tpu.memory_space<vmem>>) target_semaphore(%dma_start3A_1947 : memref<!tpu.dma_semaphore, #tpu.memory_space<semaphore_mem>>)
    %add3A_1954 = arith.constant 640 : i32
    %add3A_1955 = arith.addi %add3A_1954, %add3A : i32
    %min3A_1956 = arith.constant 780 : i32
    %min3A_1957 = arith.minsi %add3A_1955, %min3A_1956 : i32
    %mul3A_1958 = arith.constant 128 : i32
    %mul3A_1959 = arith.muli %min3A_1957, %mul3A_1958 : i32
    %dma_wait3A_1960 = arith.constant 2 : i32
    %dma_wait3A_1961 = arith.constant 2 : i32
    %dma_wait3A_1962 = arith.constant 0 : i32
    %dma_wait3A_1963 = arith.constant 0 : i32
    %dma_wait3A_1964 = tpu.memref_slice %arg12[%dma_wait3A_1960, %dma_wait3A_1962, %dma_wait3A_1963] : memref<3x128x128xf32, #tpu.memory_space<vmem>> -> memref<1x128x128xf32, #tpu.memory_space<vmem>>
    %dma_wait3A_1965 = tpu.memref_squeeze %dma_wait3A_1964 : memref<1x128x128xf32, #tpu.memory_space<vmem>> -> memref<128x128xf32, #tpu.memory_space<vmem>>
    %dma_wait3A_1966 = arith.constant 0 : i32
    %dma_wait3A_1967 = tpu.memref_slice %arg2[%mul3A_1959, %dma_wait3A_1966] : memref<100000x128xf32, #tpu.memory_space<hbm>> -> memref<128x128xf32, #tpu.memory_space<hbm>>
    %dma_wait3A_1968 = tpu.memref_slice %arg20[%dma_wait3A_1961] : memref<3x!tpu.dma_semaphore, #tpu.memory_space<semaphore_mem>> -> memref<1x!tpu.dma_semaphore, #tpu.memory_space<semaphore_mem>>
    %dma_wait3A_1969 = tpu.memref_squeeze %dma_wait3A_1968 : memref<1x!tpu.dma_semaphore, #tpu.memory_space<semaphore_mem>> -> memref<!tpu.dma_semaphore, #tpu.memory_space<semaphore_mem>>
    %dma_wait3A_1970 = arith.constant 0 : i32
    %dma_wait3A_1971 = arith.constant 0 : i32
    %dma_wait3A_1972 = tpu.memref_slice %arg12[%dma_wait3A_1960, %dma_wait3A_1970, %dma_wait3A_1971] : memref<3x128x128xf32, #tpu.memory_space<vmem>> -> memref<1x128x128xf32, #tpu.memory_space<vmem>>
    %dma_wait3A_1973 = tpu.memref_squeeze %dma_wait3A_1972 : memref<1x128x128xf32, #tpu.memory_space<vmem>> -> memref<128x128xf32, #tpu.memory_space<vmem>>
    %dma_wait3A_1974 = arith.constant 0 : i32
    %dma_wait3A_1975 = tpu.memref_slice %arg2[%mul3A_1959, %dma_wait3A_1974] : memref<100000x128xf32, #tpu.memory_space<hbm>> -> memref<128x128xf32, #tpu.memory_space<hbm>>
    tpu.wait_dma2 semaphore(%dma_wait3A_1969 : memref<!tpu.dma_semaphore, #tpu.memory_space<semaphore_mem>>) src(%dma_wait3A_1975 : memref<128x128xf32, #tpu.memory_space<hbm>>) dst(%dma_wait3A_1973 : memref<128x128xf32, #tpu.memory_space<vmem>>)
    %dma_start3A_1976 = arith.constant 2 : i32
    %dma_start3A_1977 = arith.constant 20 : i32
    %dma_start3A_1978 = arith.constant 2 : i32
    %dma_start3A_1979 = arith.constant 0 : i32
    %dma_start3A_1980 = arith.constant 0 : i32
    %dma_start3A_1981 = tpu.memref_slice %arg12[%dma_start3A_1976, %dma_start3A_1979, %dma_start3A_1980] : memref<3x128x128xf32, #tpu.memory_space<vmem>> -> memref<1x128x128xf32, #tpu.memory_space<vmem>>
    %dma_start3A_1982 = tpu.memref_squeeze %dma_start3A_1981 : memref<1x128x128xf32, #tpu.memory_space<vmem>> -> memref<128x128xf32, #tpu.memory_space<vmem>>
    %dma_start3A_1983 = arith.constant 0 : i32
    %dma_start3A_1984 = tpu.memref_slice %arg13[%dma_start3A_1977, %dma_start3A_1983] : memref<25x128xi32, #tpu.memory_space<vmem>> -> memref<1x128xi32, #tpu.memory_space<vmem>>
    %dma_start3A_1985 = tpu.memref_squeeze %dma_start3A_1984 : memref<1x128xi32, #tpu.memory_space<vmem>> -> memref<128xi32, #tpu.memory_space<vmem>>
    %dma_start3A_1986 = arith.constant 0 : i32
    %dma_start3A_1987 = arith.constant 0 : i32
    %dma_start3A_1988 = tpu.memref_slice %arg18[%dma_start3A_1986, %dma_start3A_1987] : memref<1024x128xf32, #tpu.memory_space<vmem_shared>> -> memref<1024x128xf32, #tpu.memory_space<vmem_shared>>
    %dma_start3A_1989 = tpu.memref_slice %arg21[%dma_start3A_1978] : memref<2x!tpu.dma_semaphore, #tpu.memory_space<semaphore_mem>> -> memref<1x!tpu.dma_semaphore, #tpu.memory_space<semaphore_mem>>
    %dma_start3A_1990 = tpu.memref_squeeze %dma_start3A_1989 : memref<1x!tpu.dma_semaphore, #tpu.memory_space<semaphore_mem>> -> memref<!tpu.dma_semaphore, #tpu.memory_space<semaphore_mem>>
    tpu.enqueue_indirect_dma source(%dma_start3A_1982 : memref<128x128xf32, #tpu.memory_space<vmem>>) target(%dma_start3A_1988 : memref<1024x128xf32, #tpu.memory_space<vmem_shared>>) offsets(%dma_start3A_1985 : memref<128xi32, #tpu.memory_space<vmem>>) semaphore(%dma_start3A_1990 : memref<!tpu.dma_semaphore, #tpu.memory_space<semaphore_mem>>) {add = true}
    %dma_start3A_1991 = arith.constant 20 : i32
    %dma_start3A_1992 = arith.constant 2 : i32
    %dma_start3A_1993 = arith.constant 0 : i32
    %dma_start3A_1994 = tpu.memref_slice %arg13[%dma_start3A_1991, %dma_start3A_1993] : memref<25x128xi32, #tpu.memory_space<vmem>> -> memref<1x128xi32, #tpu.memory_space<vmem>>
    %dma_start3A_1995 = tpu.memref_squeeze %dma_start3A_1994 : memref<1x128xi32, #tpu.memory_space<vmem>> -> memref<128xi32, #tpu.memory_space<vmem>>
    %dma_start3A_1996 = arith.constant 0 : i32
    %dma_start3A_1997 = arith.constant 0 : i32
    %dma_start3A_1998 = tpu.memref_slice %arg19[%dma_start3A_1996, %dma_start3A_1997] : memref<1024x16xf32, #tpu.memory_space<vmem_shared>> -> memref<1024x16xf32, #tpu.memory_space<vmem_shared>>
    %dma_start3A_1999 = tpu.memref_slice %arg22[%dma_start3A_1992] : memref<2x!tpu.dma_semaphore, #tpu.memory_space<semaphore_mem>> -> memref<1x!tpu.dma_semaphore, #tpu.memory_space<semaphore_mem>>
    %dma_start3A_2000 = tpu.memref_squeeze %dma_start3A_1999 : memref<1x!tpu.dma_semaphore, #tpu.memory_space<semaphore_mem>> -> memref<!tpu.dma_semaphore, #tpu.memory_space<semaphore_mem>>
    tpu.enqueue_indirect_dma source(%arg15 : memref<128x16xf32, #tpu.memory_space<vmem>>) target(%dma_start3A_1998 : memref<1024x16xf32, #tpu.memory_space<vmem_shared>>) offsets(%dma_start3A_1995 : memref<128xi32, #tpu.memory_space<vmem>>) semaphore(%dma_start3A_2000 : memref<!tpu.dma_semaphore, #tpu.memory_space<semaphore_mem>>) {add = true}
    %dma_wait3A_2001 = arith.constant 2 : i32
    %dma_wait3A_2002 = arith.constant 20 : i32
    %dma_wait3A_2003 = arith.constant 2 : i32
    %dma_wait3A_2004 = arith.constant 0 : i32
    %dma_wait3A_2005 = arith.constant 0 : i32
    %dma_wait3A_2006 = tpu.memref_slice %arg12[%dma_wait3A_2001, %dma_wait3A_2004, %dma_wait3A_2005] : memref<3x128x128xf32, #tpu.memory_space<vmem>> -> memref<1x128x128xf32, #tpu.memory_space<vmem>>
    %dma_wait3A_2007 = tpu.memref_squeeze %dma_wait3A_2006 : memref<1x128x128xf32, #tpu.memory_space<vmem>> -> memref<128x128xf32, #tpu.memory_space<vmem>>
    %dma_wait3A_2008 = arith.constant 0 : i32
    %dma_wait3A_2009 = tpu.memref_slice %arg13[%dma_wait3A_2002, %dma_wait3A_2008] : memref<25x128xi32, #tpu.memory_space<vmem>> -> memref<1x128xi32, #tpu.memory_space<vmem>>
    %dma_wait3A_2010 = tpu.memref_squeeze %dma_wait3A_2009 : memref<1x128xi32, #tpu.memory_space<vmem>> -> memref<128xi32, #tpu.memory_space<vmem>>
    %dma_wait3A_2011 = arith.constant 0 : i32
    %dma_wait3A_2012 = arith.constant 0 : i32
    %dma_wait3A_2013 = tpu.memref_slice %arg18[%dma_wait3A_2011, %dma_wait3A_2012] : memref<1024x128xf32, #tpu.memory_space<vmem_shared>> -> memref<1024x128xf32, #tpu.memory_space<vmem_shared>>
    %dma_wait3A_2014 = tpu.memref_slice %arg21[%dma_wait3A_2003] : memref<2x!tpu.dma_semaphore, #tpu.memory_space<semaphore_mem>> -> memref<1x!tpu.dma_semaphore, #tpu.memory_space<semaphore_mem>>
    %dma_wait3A_2015 = tpu.memref_squeeze %dma_wait3A_2014 : memref<1x!tpu.dma_semaphore, #tpu.memory_space<semaphore_mem>> -> memref<!tpu.dma_semaphore, #tpu.memory_space<semaphore_mem>>
    tpu.wait_indirect_dma semaphore(%dma_wait3A_2015 : memref<!tpu.dma_semaphore, #tpu.memory_space<semaphore_mem>>) src(%dma_wait3A_2007 : memref<128x128xf32, #tpu.memory_space<vmem>>) dst(%dma_wait3A_2013 : memref<1024x128xf32, #tpu.memory_space<vmem_shared>>)
    %dma_wait3A_2016 = arith.constant 20 : i32
    %dma_wait3A_2017 = arith.constant 2 : i32
    %dma_wait3A_2018 = arith.constant 0 : i32
    %dma_wait3A_2019 = tpu.memref_slice %arg13[%dma_wait3A_2016, %dma_wait3A_2018] : memref<25x128xi32, #tpu.memory_space<vmem>> -> memref<1x128xi32, #tpu.memory_space<vmem>>
    %dma_wait3A_2020 = tpu.memref_squeeze %dma_wait3A_2019 : memref<1x128xi32, #tpu.memory_space<vmem>> -> memref<128xi32, #tpu.memory_space<vmem>>
    %dma_wait3A_2021 = arith.constant 0 : i32
    %dma_wait3A_2022 = arith.constant 0 : i32
    %dma_wait3A_2023 = tpu.memref_slice %arg19[%dma_wait3A_2021, %dma_wait3A_2022] : memref<1024x16xf32, #tpu.memory_space<vmem_shared>> -> memref<1024x16xf32, #tpu.memory_space<vmem_shared>>
    %dma_wait3A_2024 = tpu.memref_slice %arg22[%dma_wait3A_2017] : memref<2x!tpu.dma_semaphore, #tpu.memory_space<semaphore_mem>> -> memref<1x!tpu.dma_semaphore, #tpu.memory_space<semaphore_mem>>
    %dma_wait3A_2025 = tpu.memref_squeeze %dma_wait3A_2024 : memref<1x!tpu.dma_semaphore, #tpu.memory_space<semaphore_mem>> -> memref<!tpu.dma_semaphore, #tpu.memory_space<semaphore_mem>>
    tpu.wait_indirect_dma semaphore(%dma_wait3A_2025 : memref<!tpu.dma_semaphore, #tpu.memory_space<semaphore_mem>>) src(%arg15 : memref<128x16xf32, #tpu.memory_space<vmem>>) dst(%dma_wait3A_2023 : memref<1024x16xf32, #tpu.memory_space<vmem_shared>>)
    %add3A_2026 = arith.constant 736 : i32
    %add3A_2027 = arith.addi %add3A_2026, %add3A : i32
    %min3A_2028 = arith.constant 780 : i32
    %min3A_2029 = arith.minsi %add3A_2027, %min3A_2028 : i32
    %mul3A_2030 = arith.constant 128 : i32
    %mul3A_2031 = arith.muli %min3A_2029, %mul3A_2030 : i32
    %dma_start3A_2032 = arith.constant 2 : i32
    %dma_start3A_2033 = arith.constant 2 : i32
    %dma_start3A_2034 = arith.constant 0 : i32
    %dma_start3A_2035 = arith.constant 0 : i32
    %dma_start3A_2036 = tpu.memref_slice %arg12[%dma_start3A_2032, %dma_start3A_2034, %dma_start3A_2035] : memref<3x128x128xf32, #tpu.memory_space<vmem>> -> memref<1x128x128xf32, #tpu.memory_space<vmem>>
    %dma_start3A_2037 = tpu.memref_squeeze %dma_start3A_2036 : memref<1x128x128xf32, #tpu.memory_space<vmem>> -> memref<128x128xf32, #tpu.memory_space<vmem>>
    %dma_start3A_2038 = arith.constant 0 : i32
    %dma_start3A_2039 = tpu.memref_slice %arg2[%mul3A_2031, %dma_start3A_2038] : memref<100000x128xf32, #tpu.memory_space<hbm>> -> memref<128x128xf32, #tpu.memory_space<hbm>>
    %dma_start3A_2040 = tpu.memref_slice %arg20[%dma_start3A_2033] : memref<3x!tpu.dma_semaphore, #tpu.memory_space<semaphore_mem>> -> memref<1x!tpu.dma_semaphore, #tpu.memory_space<semaphore_mem>>
    %dma_start3A_2041 = tpu.memref_squeeze %dma_start3A_2040 : memref<1x!tpu.dma_semaphore, #tpu.memory_space<semaphore_mem>> -> memref<!tpu.dma_semaphore, #tpu.memory_space<semaphore_mem>>
    %dma_start3A_2042 = arith.constant 0 : i32
    %dma_start3A_2043 = arith.constant 0 : i32
    %dma_start3A_2044 = tpu.memref_slice %arg12[%dma_start3A_2032, %dma_start3A_2042, %dma_start3A_2043] : memref<3x128x128xf32, #tpu.memory_space<vmem>> -> memref<1x128x128xf32, #tpu.memory_space<vmem>>
    %dma_start3A_2045 = tpu.memref_squeeze %dma_start3A_2044 : memref<1x128x128xf32, #tpu.memory_space<vmem>> -> memref<128x128xf32, #tpu.memory_space<vmem>>
    %dma_start3A_2046 = arith.constant 0 : i32
    %dma_start3A_2047 = tpu.memref_slice %arg2[%mul3A_2031, %dma_start3A_2046] : memref<100000x128xf32, #tpu.memory_space<hbm>> -> memref<128x128xf32, #tpu.memory_space<hbm>>
    tpu.enqueue_dma source(%dma_start3A_2047 : memref<128x128xf32, #tpu.memory_space<hbm>>) target(%dma_start3A_2045 : memref<128x128xf32, #tpu.memory_space<vmem>>) target_semaphore(%dma_start3A_2041 : memref<!tpu.dma_semaphore, #tpu.memory_space<semaphore_mem>>)
    %add3A_2048 = arith.constant 672 : i32
    %add3A_2049 = arith.addi %add3A_2048, %add3A : i32
    %min3A_2050 = arith.constant 780 : i32
    %min3A_2051 = arith.minsi %add3A_2049, %min3A_2050 : i32
    %mul3A_2052 = arith.constant 128 : i32
    %mul3A_2053 = arith.muli %min3A_2051, %mul3A_2052 : i32
    %dma_wait3A_2054 = arith.constant 0 : i32
    %dma_wait3A_2055 = arith.constant 0 : i32
    %dma_wait3A_2056 = arith.constant 0 : i32
    %dma_wait3A_2057 = arith.constant 0 : i32
    %dma_wait3A_2058 = tpu.memref_slice %arg12[%dma_wait3A_2054, %dma_wait3A_2056, %dma_wait3A_2057] : memref<3x128x128xf32, #tpu.memory_space<vmem>> -> memref<1x128x128xf32, #tpu.memory_space<vmem>>
    %dma_wait3A_2059 = tpu.memref_squeeze %dma_wait3A_2058 : memref<1x128x128xf32, #tpu.memory_space<vmem>> -> memref<128x128xf32, #tpu.memory_space<vmem>>
    %dma_wait3A_2060 = arith.constant 0 : i32
    %dma_wait3A_2061 = tpu.memref_slice %arg2[%mul3A_2053, %dma_wait3A_2060] : memref<100000x128xf32, #tpu.memory_space<hbm>> -> memref<128x128xf32, #tpu.memory_space<hbm>>
    %dma_wait3A_2062 = tpu.memref_slice %arg20[%dma_wait3A_2055] : memref<3x!tpu.dma_semaphore, #tpu.memory_space<semaphore_mem>> -> memref<1x!tpu.dma_semaphore, #tpu.memory_space<semaphore_mem>>
    %dma_wait3A_2063 = tpu.memref_squeeze %dma_wait3A_2062 : memref<1x!tpu.dma_semaphore, #tpu.memory_space<semaphore_mem>> -> memref<!tpu.dma_semaphore, #tpu.memory_space<semaphore_mem>>
    %dma_wait3A_2064 = arith.constant 0 : i32
    %dma_wait3A_2065 = arith.constant 0 : i32
    %dma_wait3A_2066 = tpu.memref_slice %arg12[%dma_wait3A_2054, %dma_wait3A_2064, %dma_wait3A_2065] : memref<3x128x128xf32, #tpu.memory_space<vmem>> -> memref<1x128x128xf32, #tpu.memory_space<vmem>>
    %dma_wait3A_2067 = tpu.memref_squeeze %dma_wait3A_2066 : memref<1x128x128xf32, #tpu.memory_space<vmem>> -> memref<128x128xf32, #tpu.memory_space<vmem>>
    %dma_wait3A_2068 = arith.constant 0 : i32
    %dma_wait3A_2069 = tpu.memref_slice %arg2[%mul3A_2053, %dma_wait3A_2068] : memref<100000x128xf32, #tpu.memory_space<hbm>> -> memref<128x128xf32, #tpu.memory_space<hbm>>
    tpu.wait_dma2 semaphore(%dma_wait3A_2063 : memref<!tpu.dma_semaphore, #tpu.memory_space<semaphore_mem>>) src(%dma_wait3A_2069 : memref<128x128xf32, #tpu.memory_space<hbm>>) dst(%dma_wait3A_2067 : memref<128x128xf32, #tpu.memory_space<vmem>>)
    %dma_start3A_2070 = arith.constant 0 : i32
    %dma_start3A_2071 = arith.constant 21 : i32
    %dma_start3A_2072 = arith.constant 0 : i32
    %dma_start3A_2073 = arith.constant 0 : i32
    %dma_start3A_2074 = arith.constant 0 : i32
    %dma_start3A_2075 = tpu.memref_slice %arg12[%dma_start3A_2070, %dma_start3A_2073, %dma_start3A_2074] : memref<3x128x128xf32, #tpu.memory_space<vmem>> -> memref<1x128x128xf32, #tpu.memory_space<vmem>>
    %dma_start3A_2076 = tpu.memref_squeeze %dma_start3A_2075 : memref<1x128x128xf32, #tpu.memory_space<vmem>> -> memref<128x128xf32, #tpu.memory_space<vmem>>
    %dma_start3A_2077 = arith.constant 0 : i32
    %dma_start3A_2078 = tpu.memref_slice %arg13[%dma_start3A_2071, %dma_start3A_2077] : memref<25x128xi32, #tpu.memory_space<vmem>> -> memref<1x128xi32, #tpu.memory_space<vmem>>
    %dma_start3A_2079 = tpu.memref_squeeze %dma_start3A_2078 : memref<1x128xi32, #tpu.memory_space<vmem>> -> memref<128xi32, #tpu.memory_space<vmem>>
    %dma_start3A_2080 = arith.constant 0 : i32
    %dma_start3A_2081 = arith.constant 0 : i32
    %dma_start3A_2082 = tpu.memref_slice %arg18[%dma_start3A_2080, %dma_start3A_2081] : memref<1024x128xf32, #tpu.memory_space<vmem_shared>> -> memref<1024x128xf32, #tpu.memory_space<vmem_shared>>
    %dma_start3A_2083 = tpu.memref_slice %arg21[%dma_start3A_2072] : memref<2x!tpu.dma_semaphore, #tpu.memory_space<semaphore_mem>> -> memref<1x!tpu.dma_semaphore, #tpu.memory_space<semaphore_mem>>
    %dma_start3A_2084 = tpu.memref_squeeze %dma_start3A_2083 : memref<1x!tpu.dma_semaphore, #tpu.memory_space<semaphore_mem>> -> memref<!tpu.dma_semaphore, #tpu.memory_space<semaphore_mem>>
    tpu.enqueue_indirect_dma source(%dma_start3A_2076 : memref<128x128xf32, #tpu.memory_space<vmem>>) target(%dma_start3A_2082 : memref<1024x128xf32, #tpu.memory_space<vmem_shared>>) offsets(%dma_start3A_2079 : memref<128xi32, #tpu.memory_space<vmem>>) semaphore(%dma_start3A_2084 : memref<!tpu.dma_semaphore, #tpu.memory_space<semaphore_mem>>) {add = true}
    %dma_start3A_2085 = arith.constant 21 : i32
    %dma_start3A_2086 = arith.constant 0 : i32
    %dma_start3A_2087 = arith.constant 0 : i32
    %dma_start3A_2088 = tpu.memref_slice %arg13[%dma_start3A_2085, %dma_start3A_2087] : memref<25x128xi32, #tpu.memory_space<vmem>> -> memref<1x128xi32, #tpu.memory_space<vmem>>
    %dma_start3A_2089 = tpu.memref_squeeze %dma_start3A_2088 : memref<1x128xi32, #tpu.memory_space<vmem>> -> memref<128xi32, #tpu.memory_space<vmem>>
    %dma_start3A_2090 = arith.constant 0 : i32
    %dma_start3A_2091 = arith.constant 0 : i32
    %dma_start3A_2092 = tpu.memref_slice %arg19[%dma_start3A_2090, %dma_start3A_2091] : memref<1024x16xf32, #tpu.memory_space<vmem_shared>> -> memref<1024x16xf32, #tpu.memory_space<vmem_shared>>
    %dma_start3A_2093 = tpu.memref_slice %arg22[%dma_start3A_2086] : memref<2x!tpu.dma_semaphore, #tpu.memory_space<semaphore_mem>> -> memref<1x!tpu.dma_semaphore, #tpu.memory_space<semaphore_mem>>
    %dma_start3A_2094 = tpu.memref_squeeze %dma_start3A_2093 : memref<1x!tpu.dma_semaphore, #tpu.memory_space<semaphore_mem>> -> memref<!tpu.dma_semaphore, #tpu.memory_space<semaphore_mem>>
    tpu.enqueue_indirect_dma source(%arg15 : memref<128x16xf32, #tpu.memory_space<vmem>>) target(%dma_start3A_2092 : memref<1024x16xf32, #tpu.memory_space<vmem_shared>>) offsets(%dma_start3A_2089 : memref<128xi32, #tpu.memory_space<vmem>>) semaphore(%dma_start3A_2094 : memref<!tpu.dma_semaphore, #tpu.memory_space<semaphore_mem>>) {add = true}
    %dma_wait3A_2095 = arith.constant 0 : i32
    %dma_wait3A_2096 = arith.constant 21 : i32
    %dma_wait3A_2097 = arith.constant 0 : i32
    %dma_wait3A_2098 = arith.constant 0 : i32
    %dma_wait3A_2099 = arith.constant 0 : i32
    %dma_wait3A_2100 = tpu.memref_slice %arg12[%dma_wait3A_2095, %dma_wait3A_2098, %dma_wait3A_2099] : memref<3x128x128xf32, #tpu.memory_space<vmem>> -> memref<1x128x128xf32, #tpu.memory_space<vmem>>
    %dma_wait3A_2101 = tpu.memref_squeeze %dma_wait3A_2100 : memref<1x128x128xf32, #tpu.memory_space<vmem>> -> memref<128x128xf32, #tpu.memory_space<vmem>>
    %dma_wait3A_2102 = arith.constant 0 : i32
    %dma_wait3A_2103 = tpu.memref_slice %arg13[%dma_wait3A_2096, %dma_wait3A_2102] : memref<25x128xi32, #tpu.memory_space<vmem>> -> memref<1x128xi32, #tpu.memory_space<vmem>>
    %dma_wait3A_2104 = tpu.memref_squeeze %dma_wait3A_2103 : memref<1x128xi32, #tpu.memory_space<vmem>> -> memref<128xi32, #tpu.memory_space<vmem>>
    %dma_wait3A_2105 = arith.constant 0 : i32
    %dma_wait3A_2106 = arith.constant 0 : i32
    %dma_wait3A_2107 = tpu.memref_slice %arg18[%dma_wait3A_2105, %dma_wait3A_2106] : memref<1024x128xf32, #tpu.memory_space<vmem_shared>> -> memref<1024x128xf32, #tpu.memory_space<vmem_shared>>
    %dma_wait3A_2108 = tpu.memref_slice %arg21[%dma_wait3A_2097] : memref<2x!tpu.dma_semaphore, #tpu.memory_space<semaphore_mem>> -> memref<1x!tpu.dma_semaphore, #tpu.memory_space<semaphore_mem>>
    %dma_wait3A_2109 = tpu.memref_squeeze %dma_wait3A_2108 : memref<1x!tpu.dma_semaphore, #tpu.memory_space<semaphore_mem>> -> memref<!tpu.dma_semaphore, #tpu.memory_space<semaphore_mem>>
    tpu.wait_indirect_dma semaphore(%dma_wait3A_2109 : memref<!tpu.dma_semaphore, #tpu.memory_space<semaphore_mem>>) src(%dma_wait3A_2101 : memref<128x128xf32, #tpu.memory_space<vmem>>) dst(%dma_wait3A_2107 : memref<1024x128xf32, #tpu.memory_space<vmem_shared>>)
    %dma_wait3A_2110 = arith.constant 21 : i32
    %dma_wait3A_2111 = arith.constant 0 : i32
    %dma_wait3A_2112 = arith.constant 0 : i32
    %dma_wait3A_2113 = tpu.memref_slice %arg13[%dma_wait3A_2110, %dma_wait3A_2112] : memref<25x128xi32, #tpu.memory_space<vmem>> -> memref<1x128xi32, #tpu.memory_space<vmem>>
    %dma_wait3A_2114 = tpu.memref_squeeze %dma_wait3A_2113 : memref<1x128xi32, #tpu.memory_space<vmem>> -> memref<128xi32, #tpu.memory_space<vmem>>
    %dma_wait3A_2115 = arith.constant 0 : i32
    %dma_wait3A_2116 = arith.constant 0 : i32
    %dma_wait3A_2117 = tpu.memref_slice %arg19[%dma_wait3A_2115, %dma_wait3A_2116] : memref<1024x16xf32, #tpu.memory_space<vmem_shared>> -> memref<1024x16xf32, #tpu.memory_space<vmem_shared>>
    %dma_wait3A_2118 = tpu.memref_slice %arg22[%dma_wait3A_2111] : memref<2x!tpu.dma_semaphore, #tpu.memory_space<semaphore_mem>> -> memref<1x!tpu.dma_semaphore, #tpu.memory_space<semaphore_mem>>
    %dma_wait3A_2119 = tpu.memref_squeeze %dma_wait3A_2118 : memref<1x!tpu.dma_semaphore, #tpu.memory_space<semaphore_mem>> -> memref<!tpu.dma_semaphore, #tpu.memory_space<semaphore_mem>>
    tpu.wait_indirect_dma semaphore(%dma_wait3A_2119 : memref<!tpu.dma_semaphore, #tpu.memory_space<semaphore_mem>>) src(%arg15 : memref<128x16xf32, #tpu.memory_space<vmem>>) dst(%dma_wait3A_2117 : memref<1024x16xf32, #tpu.memory_space<vmem_shared>>)
    %add3A_2120 = arith.constant 768 : i32
    %add3A_2121 = arith.addi %add3A_2120, %add3A : i32
    %min3A_2122 = arith.constant 780 : i32
    %min3A_2123 = arith.minsi %add3A_2121, %min3A_2122 : i32
    %mul3A_2124 = arith.constant 128 : i32
    %mul3A_2125 = arith.muli %min3A_2123, %mul3A_2124 : i32
    %dma_start3A_2126 = arith.constant 0 : i32
    %dma_start3A_2127 = arith.constant 0 : i32
    %dma_start3A_2128 = arith.constant 0 : i32
    %dma_start3A_2129 = arith.constant 0 : i32
    %dma_start3A_2130 = tpu.memref_slice %arg12[%dma_start3A_2126, %dma_start3A_2128, %dma_start3A_2129] : memref<3x128x128xf32, #tpu.memory_space<vmem>> -> memref<1x128x128xf32, #tpu.memory_space<vmem>>
    %dma_start3A_2131 = tpu.memref_squeeze %dma_start3A_2130 : memref<1x128x128xf32, #tpu.memory_space<vmem>> -> memref<128x128xf32, #tpu.memory_space<vmem>>
    %dma_start3A_2132 = arith.constant 0 : i32
    %dma_start3A_2133 = tpu.memref_slice %arg2[%mul3A_2125, %dma_start3A_2132] : memref<100000x128xf32, #tpu.memory_space<hbm>> -> memref<128x128xf32, #tpu.memory_space<hbm>>
    %dma_start3A_2134 = tpu.memref_slice %arg20[%dma_start3A_2127] : memref<3x!tpu.dma_semaphore, #tpu.memory_space<semaphore_mem>> -> memref<1x!tpu.dma_semaphore, #tpu.memory_space<semaphore_mem>>
    %dma_start3A_2135 = tpu.memref_squeeze %dma_start3A_2134 : memref<1x!tpu.dma_semaphore, #tpu.memory_space<semaphore_mem>> -> memref<!tpu.dma_semaphore, #tpu.memory_space<semaphore_mem>>
    %dma_start3A_2136 = arith.constant 0 : i32
    %dma_start3A_2137 = arith.constant 0 : i32
    %dma_start3A_2138 = tpu.memref_slice %arg12[%dma_start3A_2126, %dma_start3A_2136, %dma_start3A_2137] : memref<3x128x128xf32, #tpu.memory_space<vmem>> -> memref<1x128x128xf32, #tpu.memory_space<vmem>>
    %dma_start3A_2139 = tpu.memref_squeeze %dma_start3A_2138 : memref<1x128x128xf32, #tpu.memory_space<vmem>> -> memref<128x128xf32, #tpu.memory_space<vmem>>
    %dma_start3A_2140 = arith.constant 0 : i32
    %dma_start3A_2141 = tpu.memref_slice %arg2[%mul3A_2125, %dma_start3A_2140] : memref<100000x128xf32, #tpu.memory_space<hbm>> -> memref<128x128xf32, #tpu.memory_space<hbm>>
    tpu.enqueue_dma source(%dma_start3A_2141 : memref<128x128xf32, #tpu.memory_space<hbm>>) target(%dma_start3A_2139 : memref<128x128xf32, #tpu.memory_space<vmem>>) target_semaphore(%dma_start3A_2135 : memref<!tpu.dma_semaphore, #tpu.memory_space<semaphore_mem>>)
    %add3A_2142 = arith.constant 704 : i32
    %add3A_2143 = arith.addi %add3A_2142, %add3A : i32
    %min3A_2144 = arith.constant 780 : i32
    %min3A_2145 = arith.minsi %add3A_2143, %min3A_2144 : i32
    %mul3A_2146 = arith.constant 128 : i32
    %mul3A_2147 = arith.muli %min3A_2145, %mul3A_2146 : i32
    %dma_wait3A_2148 = arith.constant 1 : i32
    %dma_wait3A_2149 = arith.constant 1 : i32
    %dma_wait3A_2150 = arith.constant 0 : i32
    %dma_wait3A_2151 = arith.constant 0 : i32
    %dma_wait3A_2152 = tpu.memref_slice %arg12[%dma_wait3A_2148, %dma_wait3A_2150, %dma_wait3A_2151] : memref<3x128x128xf32, #tpu.memory_space<vmem>> -> memref<1x128x128xf32, #tpu.memory_space<vmem>>
    %dma_wait3A_2153 = tpu.memref_squeeze %dma_wait3A_2152 : memref<1x128x128xf32, #tpu.memory_space<vmem>> -> memref<128x128xf32, #tpu.memory_space<vmem>>
    %dma_wait3A_2154 = arith.constant 0 : i32
    %dma_wait3A_2155 = tpu.memref_slice %arg2[%mul3A_2147, %dma_wait3A_2154] : memref<100000x128xf32, #tpu.memory_space<hbm>> -> memref<128x128xf32, #tpu.memory_space<hbm>>
    %dma_wait3A_2156 = tpu.memref_slice %arg20[%dma_wait3A_2149] : memref<3x!tpu.dma_semaphore, #tpu.memory_space<semaphore_mem>> -> memref<1x!tpu.dma_semaphore, #tpu.memory_space<semaphore_mem>>
    %dma_wait3A_2157 = tpu.memref_squeeze %dma_wait3A_2156 : memref<1x!tpu.dma_semaphore, #tpu.memory_space<semaphore_mem>> -> memref<!tpu.dma_semaphore, #tpu.memory_space<semaphore_mem>>
    %dma_wait3A_2158 = arith.constant 0 : i32
    %dma_wait3A_2159 = arith.constant 0 : i32
    %dma_wait3A_2160 = tpu.memref_slice %arg12[%dma_wait3A_2148, %dma_wait3A_2158, %dma_wait3A_2159] : memref<3x128x128xf32, #tpu.memory_space<vmem>> -> memref<1x128x128xf32, #tpu.memory_space<vmem>>
    %dma_wait3A_2161 = tpu.memref_squeeze %dma_wait3A_2160 : memref<1x128x128xf32, #tpu.memory_space<vmem>> -> memref<128x128xf32, #tpu.memory_space<vmem>>
    %dma_wait3A_2162 = arith.constant 0 : i32
    %dma_wait3A_2163 = tpu.memref_slice %arg2[%mul3A_2147, %dma_wait3A_2162] : memref<100000x128xf32, #tpu.memory_space<hbm>> -> memref<128x128xf32, #tpu.memory_space<hbm>>
    tpu.wait_dma2 semaphore(%dma_wait3A_2157 : memref<!tpu.dma_semaphore, #tpu.memory_space<semaphore_mem>>) src(%dma_wait3A_2163 : memref<128x128xf32, #tpu.memory_space<hbm>>) dst(%dma_wait3A_2161 : memref<128x128xf32, #tpu.memory_space<vmem>>)
    %dma_start3A_2164 = arith.constant 1 : i32
    %dma_start3A_2165 = arith.constant 22 : i32
    %dma_start3A_2166 = arith.constant 1 : i32
    %dma_start3A_2167 = arith.constant 0 : i32
    %dma_start3A_2168 = arith.constant 0 : i32
    %dma_start3A_2169 = tpu.memref_slice %arg12[%dma_start3A_2164, %dma_start3A_2167, %dma_start3A_2168] : memref<3x128x128xf32, #tpu.memory_space<vmem>> -> memref<1x128x128xf32, #tpu.memory_space<vmem>>
    %dma_start3A_2170 = tpu.memref_squeeze %dma_start3A_2169 : memref<1x128x128xf32, #tpu.memory_space<vmem>> -> memref<128x128xf32, #tpu.memory_space<vmem>>
    %dma_start3A_2171 = arith.constant 0 : i32
    %dma_start3A_2172 = tpu.memref_slice %arg13[%dma_start3A_2165, %dma_start3A_2171] : memref<25x128xi32, #tpu.memory_space<vmem>> -> memref<1x128xi32, #tpu.memory_space<vmem>>
    %dma_start3A_2173 = tpu.memref_squeeze %dma_start3A_2172 : memref<1x128xi32, #tpu.memory_space<vmem>> -> memref<128xi32, #tpu.memory_space<vmem>>
    %dma_start3A_2174 = arith.constant 0 : i32
    %dma_start3A_2175 = arith.constant 0 : i32
    %dma_start3A_2176 = tpu.memref_slice %arg18[%dma_start3A_2174, %dma_start3A_2175] : memref<1024x128xf32, #tpu.memory_space<vmem_shared>> -> memref<1024x128xf32, #tpu.memory_space<vmem_shared>>
    %dma_start3A_2177 = tpu.memref_slice %arg21[%dma_start3A_2166] : memref<2x!tpu.dma_semaphore, #tpu.memory_space<semaphore_mem>> -> memref<1x!tpu.dma_semaphore, #tpu.memory_space<semaphore_mem>>
    %dma_start3A_2178 = tpu.memref_squeeze %dma_start3A_2177 : memref<1x!tpu.dma_semaphore, #tpu.memory_space<semaphore_mem>> -> memref<!tpu.dma_semaphore, #tpu.memory_space<semaphore_mem>>
    tpu.enqueue_indirect_dma source(%dma_start3A_2170 : memref<128x128xf32, #tpu.memory_space<vmem>>) target(%dma_start3A_2176 : memref<1024x128xf32, #tpu.memory_space<vmem_shared>>) offsets(%dma_start3A_2173 : memref<128xi32, #tpu.memory_space<vmem>>) semaphore(%dma_start3A_2178 : memref<!tpu.dma_semaphore, #tpu.memory_space<semaphore_mem>>) {add = true}
    %dma_start3A_2179 = arith.constant 22 : i32
    %dma_start3A_2180 = arith.constant 1 : i32
    %dma_start3A_2181 = arith.constant 0 : i32
    %dma_start3A_2182 = tpu.memref_slice %arg13[%dma_start3A_2179, %dma_start3A_2181] : memref<25x128xi32, #tpu.memory_space<vmem>> -> memref<1x128xi32, #tpu.memory_space<vmem>>
    %dma_start3A_2183 = tpu.memref_squeeze %dma_start3A_2182 : memref<1x128xi32, #tpu.memory_space<vmem>> -> memref<128xi32, #tpu.memory_space<vmem>>
    %dma_start3A_2184 = arith.constant 0 : i32
    %dma_start3A_2185 = arith.constant 0 : i32
    %dma_start3A_2186 = tpu.memref_slice %arg19[%dma_start3A_2184, %dma_start3A_2185] : memref<1024x16xf32, #tpu.memory_space<vmem_shared>> -> memref<1024x16xf32, #tpu.memory_space<vmem_shared>>
    %dma_start3A_2187 = tpu.memref_slice %arg22[%dma_start3A_2180] : memref<2x!tpu.dma_semaphore, #tpu.memory_space<semaphore_mem>> -> memref<1x!tpu.dma_semaphore, #tpu.memory_space<semaphore_mem>>
    %dma_start3A_2188 = tpu.memref_squeeze %dma_start3A_2187 : memref<1x!tpu.dma_semaphore, #tpu.memory_space<semaphore_mem>> -> memref<!tpu.dma_semaphore, #tpu.memory_space<semaphore_mem>>
    tpu.enqueue_indirect_dma source(%arg15 : memref<128x16xf32, #tpu.memory_space<vmem>>) target(%dma_start3A_2186 : memref<1024x16xf32, #tpu.memory_space<vmem_shared>>) offsets(%dma_start3A_2183 : memref<128xi32, #tpu.memory_space<vmem>>) semaphore(%dma_start3A_2188 : memref<!tpu.dma_semaphore, #tpu.memory_space<semaphore_mem>>) {add = true}
    %dma_wait3A_2189 = arith.constant 1 : i32
    %dma_wait3A_2190 = arith.constant 22 : i32
    %dma_wait3A_2191 = arith.constant 1 : i32
    %dma_wait3A_2192 = arith.constant 0 : i32
    %dma_wait3A_2193 = arith.constant 0 : i32
    %dma_wait3A_2194 = tpu.memref_slice %arg12[%dma_wait3A_2189, %dma_wait3A_2192, %dma_wait3A_2193] : memref<3x128x128xf32, #tpu.memory_space<vmem>> -> memref<1x128x128xf32, #tpu.memory_space<vmem>>
    %dma_wait3A_2195 = tpu.memref_squeeze %dma_wait3A_2194 : memref<1x128x128xf32, #tpu.memory_space<vmem>> -> memref<128x128xf32, #tpu.memory_space<vmem>>
    %dma_wait3A_2196 = arith.constant 0 : i32
    %dma_wait3A_2197 = tpu.memref_slice %arg13[%dma_wait3A_2190, %dma_wait3A_2196] : memref<25x128xi32, #tpu.memory_space<vmem>> -> memref<1x128xi32, #tpu.memory_space<vmem>>
    %dma_wait3A_2198 = tpu.memref_squeeze %dma_wait3A_2197 : memref<1x128xi32, #tpu.memory_space<vmem>> -> memref<128xi32, #tpu.memory_space<vmem>>
    %dma_wait3A_2199 = arith.constant 0 : i32
    %dma_wait3A_2200 = arith.constant 0 : i32
    %dma_wait3A_2201 = tpu.memref_slice %arg18[%dma_wait3A_2199, %dma_wait3A_2200] : memref<1024x128xf32, #tpu.memory_space<vmem_shared>> -> memref<1024x128xf32, #tpu.memory_space<vmem_shared>>
    %dma_wait3A_2202 = tpu.memref_slice %arg21[%dma_wait3A_2191] : memref<2x!tpu.dma_semaphore, #tpu.memory_space<semaphore_mem>> -> memref<1x!tpu.dma_semaphore, #tpu.memory_space<semaphore_mem>>
    %dma_wait3A_2203 = tpu.memref_squeeze %dma_wait3A_2202 : memref<1x!tpu.dma_semaphore, #tpu.memory_space<semaphore_mem>> -> memref<!tpu.dma_semaphore, #tpu.memory_space<semaphore_mem>>
    tpu.wait_indirect_dma semaphore(%dma_wait3A_2203 : memref<!tpu.dma_semaphore, #tpu.memory_space<semaphore_mem>>) src(%dma_wait3A_2195 : memref<128x128xf32, #tpu.memory_space<vmem>>) dst(%dma_wait3A_2201 : memref<1024x128xf32, #tpu.memory_space<vmem_shared>>)
    %dma_wait3A_2204 = arith.constant 22 : i32
    %dma_wait3A_2205 = arith.constant 1 : i32
    %dma_wait3A_2206 = arith.constant 0 : i32
    %dma_wait3A_2207 = tpu.memref_slice %arg13[%dma_wait3A_2204, %dma_wait3A_2206] : memref<25x128xi32, #tpu.memory_space<vmem>> -> memref<1x128xi32, #tpu.memory_space<vmem>>
    %dma_wait3A_2208 = tpu.memref_squeeze %dma_wait3A_2207 : memref<1x128xi32, #tpu.memory_space<vmem>> -> memref<128xi32, #tpu.memory_space<vmem>>
    %dma_wait3A_2209 = arith.constant 0 : i32
    %dma_wait3A_2210 = arith.constant 0 : i32
    %dma_wait3A_2211 = tpu.memref_slice %arg19[%dma_wait3A_2209, %dma_wait3A_2210] : memref<1024x16xf32, #tpu.memory_space<vmem_shared>> -> memref<1024x16xf32, #tpu.memory_space<vmem_shared>>
    %dma_wait3A_2212 = tpu.memref_slice %arg22[%dma_wait3A_2205] : memref<2x!tpu.dma_semaphore, #tpu.memory_space<semaphore_mem>> -> memref<1x!tpu.dma_semaphore, #tpu.memory_space<semaphore_mem>>
    %dma_wait3A_2213 = tpu.memref_squeeze %dma_wait3A_2212 : memref<1x!tpu.dma_semaphore, #tpu.memory_space<semaphore_mem>> -> memref<!tpu.dma_semaphore, #tpu.memory_space<semaphore_mem>>
    tpu.wait_indirect_dma semaphore(%dma_wait3A_2213 : memref<!tpu.dma_semaphore, #tpu.memory_space<semaphore_mem>>) src(%arg15 : memref<128x16xf32, #tpu.memory_space<vmem>>) dst(%dma_wait3A_2211 : memref<1024x16xf32, #tpu.memory_space<vmem_shared>>)
    %add3A_2214 = arith.constant 736 : i32
    %add3A_2215 = arith.addi %add3A_2214, %add3A : i32
    %min3A_2216 = arith.constant 780 : i32
    %min3A_2217 = arith.minsi %add3A_2215, %min3A_2216 : i32
    %mul3A_2218 = arith.constant 128 : i32
    %mul3A_2219 = arith.muli %min3A_2217, %mul3A_2218 : i32
    %dma_wait3A_2220 = arith.constant 2 : i32
    %dma_wait3A_2221 = arith.constant 2 : i32
    %dma_wait3A_2222 = arith.constant 0 : i32
    %dma_wait3A_2223 = arith.constant 0 : i32
    %dma_wait3A_2224 = tpu.memref_slice %arg12[%dma_wait3A_2220, %dma_wait3A_2222, %dma_wait3A_2223] : memref<3x128x128xf32, #tpu.memory_space<vmem>> -> memref<1x128x128xf32, #tpu.memory_space<vmem>>
    %dma_wait3A_2225 = tpu.memref_squeeze %dma_wait3A_2224 : memref<1x128x128xf32, #tpu.memory_space<vmem>> -> memref<128x128xf32, #tpu.memory_space<vmem>>
    %dma_wait3A_2226 = arith.constant 0 : i32
    %dma_wait3A_2227 = tpu.memref_slice %arg2[%mul3A_2219, %dma_wait3A_2226] : memref<100000x128xf32, #tpu.memory_space<hbm>> -> memref<128x128xf32, #tpu.memory_space<hbm>>
    %dma_wait3A_2228 = tpu.memref_slice %arg20[%dma_wait3A_2221] : memref<3x!tpu.dma_semaphore, #tpu.memory_space<semaphore_mem>> -> memref<1x!tpu.dma_semaphore, #tpu.memory_space<semaphore_mem>>
    %dma_wait3A_2229 = tpu.memref_squeeze %dma_wait3A_2228 : memref<1x!tpu.dma_semaphore, #tpu.memory_space<semaphore_mem>> -> memref<!tpu.dma_semaphore, #tpu.memory_space<semaphore_mem>>
    %dma_wait3A_2230 = arith.constant 0 : i32
    %dma_wait3A_2231 = arith.constant 0 : i32
    %dma_wait3A_2232 = tpu.memref_slice %arg12[%dma_wait3A_2220, %dma_wait3A_2230, %dma_wait3A_2231] : memref<3x128x128xf32, #tpu.memory_space<vmem>> -> memref<1x128x128xf32, #tpu.memory_space<vmem>>
    %dma_wait3A_2233 = tpu.memref_squeeze %dma_wait3A_2232 : memref<1x128x128xf32, #tpu.memory_space<vmem>> -> memref<128x128xf32, #tpu.memory_space<vmem>>
    %dma_wait3A_2234 = arith.constant 0 : i32
    %dma_wait3A_2235 = tpu.memref_slice %arg2[%mul3A_2219, %dma_wait3A_2234] : memref<100000x128xf32, #tpu.memory_space<hbm>> -> memref<128x128xf32, #tpu.memory_space<hbm>>
    tpu.wait_dma2 semaphore(%dma_wait3A_2229 : memref<!tpu.dma_semaphore, #tpu.memory_space<semaphore_mem>>) src(%dma_wait3A_2235 : memref<128x128xf32, #tpu.memory_space<hbm>>) dst(%dma_wait3A_2233 : memref<128x128xf32, #tpu.memory_space<vmem>>)
    %dma_start3A_2236 = arith.constant 2 : i32
    %dma_start3A_2237 = arith.constant 23 : i32
    %dma_start3A_2238 = arith.constant 2 : i32
    %dma_start3A_2239 = arith.constant 0 : i32
    %dma_start3A_2240 = arith.constant 0 : i32
    %dma_start3A_2241 = tpu.memref_slice %arg12[%dma_start3A_2236, %dma_start3A_2239, %dma_start3A_2240] : memref<3x128x128xf32, #tpu.memory_space<vmem>> -> memref<1x128x128xf32, #tpu.memory_space<vmem>>
    %dma_start3A_2242 = tpu.memref_squeeze %dma_start3A_2241 : memref<1x128x128xf32, #tpu.memory_space<vmem>> -> memref<128x128xf32, #tpu.memory_space<vmem>>
    %dma_start3A_2243 = arith.constant 0 : i32
    %dma_start3A_2244 = tpu.memref_slice %arg13[%dma_start3A_2237, %dma_start3A_2243] : memref<25x128xi32, #tpu.memory_space<vmem>> -> memref<1x128xi32, #tpu.memory_space<vmem>>
    %dma_start3A_2245 = tpu.memref_squeeze %dma_start3A_2244 : memref<1x128xi32, #tpu.memory_space<vmem>> -> memref<128xi32, #tpu.memory_space<vmem>>
    %dma_start3A_2246 = arith.constant 0 : i32
    %dma_start3A_2247 = arith.constant 0 : i32
    %dma_start3A_2248 = tpu.memref_slice %arg18[%dma_start3A_2246, %dma_start3A_2247] : memref<1024x128xf32, #tpu.memory_space<vmem_shared>> -> memref<1024x128xf32, #tpu.memory_space<vmem_shared>>
    %dma_start3A_2249 = tpu.memref_slice %arg21[%dma_start3A_2238] : memref<2x!tpu.dma_semaphore, #tpu.memory_space<semaphore_mem>> -> memref<1x!tpu.dma_semaphore, #tpu.memory_space<semaphore_mem>>
    %dma_start3A_2250 = tpu.memref_squeeze %dma_start3A_2249 : memref<1x!tpu.dma_semaphore, #tpu.memory_space<semaphore_mem>> -> memref<!tpu.dma_semaphore, #tpu.memory_space<semaphore_mem>>
    tpu.enqueue_indirect_dma source(%dma_start3A_2242 : memref<128x128xf32, #tpu.memory_space<vmem>>) target(%dma_start3A_2248 : memref<1024x128xf32, #tpu.memory_space<vmem_shared>>) offsets(%dma_start3A_2245 : memref<128xi32, #tpu.memory_space<vmem>>) semaphore(%dma_start3A_2250 : memref<!tpu.dma_semaphore, #tpu.memory_space<semaphore_mem>>) {add = true}
    %dma_start3A_2251 = arith.constant 23 : i32
    %dma_start3A_2252 = arith.constant 2 : i32
    %dma_start3A_2253 = arith.constant 0 : i32
    %dma_start3A_2254 = tpu.memref_slice %arg13[%dma_start3A_2251, %dma_start3A_2253] : memref<25x128xi32, #tpu.memory_space<vmem>> -> memref<1x128xi32, #tpu.memory_space<vmem>>
    %dma_start3A_2255 = tpu.memref_squeeze %dma_start3A_2254 : memref<1x128xi32, #tpu.memory_space<vmem>> -> memref<128xi32, #tpu.memory_space<vmem>>
    %dma_start3A_2256 = arith.constant 0 : i32
    %dma_start3A_2257 = arith.constant 0 : i32
    %dma_start3A_2258 = tpu.memref_slice %arg19[%dma_start3A_2256, %dma_start3A_2257] : memref<1024x16xf32, #tpu.memory_space<vmem_shared>> -> memref<1024x16xf32, #tpu.memory_space<vmem_shared>>
    %dma_start3A_2259 = tpu.memref_slice %arg22[%dma_start3A_2252] : memref<2x!tpu.dma_semaphore, #tpu.memory_space<semaphore_mem>> -> memref<1x!tpu.dma_semaphore, #tpu.memory_space<semaphore_mem>>
    %dma_start3A_2260 = tpu.memref_squeeze %dma_start3A_2259 : memref<1x!tpu.dma_semaphore, #tpu.memory_space<semaphore_mem>> -> memref<!tpu.dma_semaphore, #tpu.memory_space<semaphore_mem>>
    tpu.enqueue_indirect_dma source(%arg15 : memref<128x16xf32, #tpu.memory_space<vmem>>) target(%dma_start3A_2258 : memref<1024x16xf32, #tpu.memory_space<vmem_shared>>) offsets(%dma_start3A_2255 : memref<128xi32, #tpu.memory_space<vmem>>) semaphore(%dma_start3A_2260 : memref<!tpu.dma_semaphore, #tpu.memory_space<semaphore_mem>>) {add = true}
    %dma_wait3A_2261 = arith.constant 2 : i32
    %dma_wait3A_2262 = arith.constant 23 : i32
    %dma_wait3A_2263 = arith.constant 2 : i32
    %dma_wait3A_2264 = arith.constant 0 : i32
    %dma_wait3A_2265 = arith.constant 0 : i32
    %dma_wait3A_2266 = tpu.memref_slice %arg12[%dma_wait3A_2261, %dma_wait3A_2264, %dma_wait3A_2265] : memref<3x128x128xf32, #tpu.memory_space<vmem>> -> memref<1x128x128xf32, #tpu.memory_space<vmem>>
    %dma_wait3A_2267 = tpu.memref_squeeze %dma_wait3A_2266 : memref<1x128x128xf32, #tpu.memory_space<vmem>> -> memref<128x128xf32, #tpu.memory_space<vmem>>
    %dma_wait3A_2268 = arith.constant 0 : i32
    %dma_wait3A_2269 = tpu.memref_slice %arg13[%dma_wait3A_2262, %dma_wait3A_2268] : memref<25x128xi32, #tpu.memory_space<vmem>> -> memref<1x128xi32, #tpu.memory_space<vmem>>
    %dma_wait3A_2270 = tpu.memref_squeeze %dma_wait3A_2269 : memref<1x128xi32, #tpu.memory_space<vmem>> -> memref<128xi32, #tpu.memory_space<vmem>>
    %dma_wait3A_2271 = arith.constant 0 : i32
    %dma_wait3A_2272 = arith.constant 0 : i32
    %dma_wait3A_2273 = tpu.memref_slice %arg18[%dma_wait3A_2271, %dma_wait3A_2272] : memref<1024x128xf32, #tpu.memory_space<vmem_shared>> -> memref<1024x128xf32, #tpu.memory_space<vmem_shared>>
    %dma_wait3A_2274 = tpu.memref_slice %arg21[%dma_wait3A_2263] : memref<2x!tpu.dma_semaphore, #tpu.memory_space<semaphore_mem>> -> memref<1x!tpu.dma_semaphore, #tpu.memory_space<semaphore_mem>>
    %dma_wait3A_2275 = tpu.memref_squeeze %dma_wait3A_2274 : memref<1x!tpu.dma_semaphore, #tpu.memory_space<semaphore_mem>> -> memref<!tpu.dma_semaphore, #tpu.memory_space<semaphore_mem>>
    tpu.wait_indirect_dma semaphore(%dma_wait3A_2275 : memref<!tpu.dma_semaphore, #tpu.memory_space<semaphore_mem>>) src(%dma_wait3A_2267 : memref<128x128xf32, #tpu.memory_space<vmem>>) dst(%dma_wait3A_2273 : memref<1024x128xf32, #tpu.memory_space<vmem_shared>>)
    %dma_wait3A_2276 = arith.constant 23 : i32
    %dma_wait3A_2277 = arith.constant 2 : i32
    %dma_wait3A_2278 = arith.constant 0 : i32
    %dma_wait3A_2279 = tpu.memref_slice %arg13[%dma_wait3A_2276, %dma_wait3A_2278] : memref<25x128xi32, #tpu.memory_space<vmem>> -> memref<1x128xi32, #tpu.memory_space<vmem>>
    %dma_wait3A_2280 = tpu.memref_squeeze %dma_wait3A_2279 : memref<1x128xi32, #tpu.memory_space<vmem>> -> memref<128xi32, #tpu.memory_space<vmem>>
    %dma_wait3A_2281 = arith.constant 0 : i32
    %dma_wait3A_2282 = arith.constant 0 : i32
    %dma_wait3A_2283 = tpu.memref_slice %arg19[%dma_wait3A_2281, %dma_wait3A_2282] : memref<1024x16xf32, #tpu.memory_space<vmem_shared>> -> memref<1024x16xf32, #tpu.memory_space<vmem_shared>>
    %dma_wait3A_2284 = tpu.memref_slice %arg22[%dma_wait3A_2277] : memref<2x!tpu.dma_semaphore, #tpu.memory_space<semaphore_mem>> -> memref<1x!tpu.dma_semaphore, #tpu.memory_space<semaphore_mem>>
    %dma_wait3A_2285 = tpu.memref_squeeze %dma_wait3A_2284 : memref<1x!tpu.dma_semaphore, #tpu.memory_space<semaphore_mem>> -> memref<!tpu.dma_semaphore, #tpu.memory_space<semaphore_mem>>
    tpu.wait_indirect_dma semaphore(%dma_wait3A_2285 : memref<!tpu.dma_semaphore, #tpu.memory_space<semaphore_mem>>) src(%arg15 : memref<128x16xf32, #tpu.memory_space<vmem>>) dst(%dma_wait3A_2283 : memref<1024x16xf32, #tpu.memory_space<vmem_shared>>)
    %add3A_2286 = arith.constant 768 : i32
    %add3A_2287 = arith.addi %add3A_2286, %add3A : i32
    %min3A_2288 = arith.constant 780 : i32
    %min3A_2289 = arith.minsi %add3A_2287, %min3A_2288 : i32
    %mul3A_2290 = arith.constant 128 : i32
    %mul3A_2291 = arith.muli %min3A_2289, %mul3A_2290 : i32
    %dma_wait3A_2292 = arith.constant 0 : i32
    %dma_wait3A_2293 = arith.constant 0 : i32
    %dma_wait3A_2294 = arith.constant 0 : i32
    %dma_wait3A_2295 = arith.constant 0 : i32
    %dma_wait3A_2296 = tpu.memref_slice %arg12[%dma_wait3A_2292, %dma_wait3A_2294, %dma_wait3A_2295] : memref<3x128x128xf32, #tpu.memory_space<vmem>> -> memref<1x128x128xf32, #tpu.memory_space<vmem>>
    %dma_wait3A_2297 = tpu.memref_squeeze %dma_wait3A_2296 : memref<1x128x128xf32, #tpu.memory_space<vmem>> -> memref<128x128xf32, #tpu.memory_space<vmem>>
    %dma_wait3A_2298 = arith.constant 0 : i32
    %dma_wait3A_2299 = tpu.memref_slice %arg2[%mul3A_2291, %dma_wait3A_2298] : memref<100000x128xf32, #tpu.memory_space<hbm>> -> memref<128x128xf32, #tpu.memory_space<hbm>>
    %dma_wait3A_2300 = tpu.memref_slice %arg20[%dma_wait3A_2293] : memref<3x!tpu.dma_semaphore, #tpu.memory_space<semaphore_mem>> -> memref<1x!tpu.dma_semaphore, #tpu.memory_space<semaphore_mem>>
    %dma_wait3A_2301 = tpu.memref_squeeze %dma_wait3A_2300 : memref<1x!tpu.dma_semaphore, #tpu.memory_space<semaphore_mem>> -> memref<!tpu.dma_semaphore, #tpu.memory_space<semaphore_mem>>
    %dma_wait3A_2302 = arith.constant 0 : i32
    %dma_wait3A_2303 = arith.constant 0 : i32
    %dma_wait3A_2304 = tpu.memref_slice %arg12[%dma_wait3A_2292, %dma_wait3A_2302, %dma_wait3A_2303] : memref<3x128x128xf32, #tpu.memory_space<vmem>> -> memref<1x128x128xf32, #tpu.memory_space<vmem>>
    %dma_wait3A_2305 = tpu.memref_squeeze %dma_wait3A_2304 : memref<1x128x128xf32, #tpu.memory_space<vmem>> -> memref<128x128xf32, #tpu.memory_space<vmem>>
    %dma_wait3A_2306 = arith.constant 0 : i32
    %dma_wait3A_2307 = tpu.memref_slice %arg2[%mul3A_2291, %dma_wait3A_2306] : memref<100000x128xf32, #tpu.memory_space<hbm>> -> memref<128x128xf32, #tpu.memory_space<hbm>>
    tpu.wait_dma2 semaphore(%dma_wait3A_2301 : memref<!tpu.dma_semaphore, #tpu.memory_space<semaphore_mem>>) src(%dma_wait3A_2307 : memref<128x128xf32, #tpu.memory_space<hbm>>) dst(%dma_wait3A_2305 : memref<128x128xf32, #tpu.memory_space<vmem>>)
    %dma_start3A_2308 = arith.constant 0 : i32
    %dma_start3A_2309 = arith.constant 24 : i32
    %dma_start3A_2310 = arith.constant 0 : i32
    %dma_start3A_2311 = arith.constant 0 : i32
    %dma_start3A_2312 = arith.constant 0 : i32
    %dma_start3A_2313 = tpu.memref_slice %arg12[%dma_start3A_2308, %dma_start3A_2311, %dma_start3A_2312] : memref<3x128x128xf32, #tpu.memory_space<vmem>> -> memref<1x128x128xf32, #tpu.memory_space<vmem>>
    %dma_start3A_2314 = tpu.memref_squeeze %dma_start3A_2313 : memref<1x128x128xf32, #tpu.memory_space<vmem>> -> memref<128x128xf32, #tpu.memory_space<vmem>>
    %dma_start3A_2315 = arith.constant 0 : i32
    %dma_start3A_2316 = tpu.memref_slice %arg13[%dma_start3A_2309, %dma_start3A_2315] : memref<25x128xi32, #tpu.memory_space<vmem>> -> memref<1x128xi32, #tpu.memory_space<vmem>>
    %dma_start3A_2317 = tpu.memref_squeeze %dma_start3A_2316 : memref<1x128xi32, #tpu.memory_space<vmem>> -> memref<128xi32, #tpu.memory_space<vmem>>
    %dma_start3A_2318 = arith.constant 0 : i32
    %dma_start3A_2319 = arith.constant 0 : i32
    %dma_start3A_2320 = tpu.memref_slice %arg18[%dma_start3A_2318, %dma_start3A_2319] : memref<1024x128xf32, #tpu.memory_space<vmem_shared>> -> memref<1024x128xf32, #tpu.memory_space<vmem_shared>>
    %dma_start3A_2321 = tpu.memref_slice %arg21[%dma_start3A_2310] : memref<2x!tpu.dma_semaphore, #tpu.memory_space<semaphore_mem>> -> memref<1x!tpu.dma_semaphore, #tpu.memory_space<semaphore_mem>>
    %dma_start3A_2322 = tpu.memref_squeeze %dma_start3A_2321 : memref<1x!tpu.dma_semaphore, #tpu.memory_space<semaphore_mem>> -> memref<!tpu.dma_semaphore, #tpu.memory_space<semaphore_mem>>
    tpu.enqueue_indirect_dma source(%dma_start3A_2314 : memref<128x128xf32, #tpu.memory_space<vmem>>) target(%dma_start3A_2320 : memref<1024x128xf32, #tpu.memory_space<vmem_shared>>) offsets(%dma_start3A_2317 : memref<128xi32, #tpu.memory_space<vmem>>) semaphore(%dma_start3A_2322 : memref<!tpu.dma_semaphore, #tpu.memory_space<semaphore_mem>>) {add = true}
    %dma_start3A_2323 = arith.constant 24 : i32
    %dma_start3A_2324 = arith.constant 0 : i32
    %dma_start3A_2325 = arith.constant 0 : i32
    %dma_start3A_2326 = tpu.memref_slice %arg13[%dma_start3A_2323, %dma_start3A_2325] : memref<25x128xi32, #tpu.memory_space<vmem>> -> memref<1x128xi32, #tpu.memory_space<vmem>>
    %dma_start3A_2327 = tpu.memref_squeeze %dma_start3A_2326 : memref<1x128xi32, #tpu.memory_space<vmem>> -> memref<128xi32, #tpu.memory_space<vmem>>
    %dma_start3A_2328 = arith.constant 0 : i32
    %dma_start3A_2329 = arith.constant 0 : i32
    %dma_start3A_2330 = tpu.memref_slice %arg19[%dma_start3A_2328, %dma_start3A_2329] : memref<1024x16xf32, #tpu.memory_space<vmem_shared>> -> memref<1024x16xf32, #tpu.memory_space<vmem_shared>>
    %dma_start3A_2331 = tpu.memref_slice %arg22[%dma_start3A_2324] : memref<2x!tpu.dma_semaphore, #tpu.memory_space<semaphore_mem>> -> memref<1x!tpu.dma_semaphore, #tpu.memory_space<semaphore_mem>>
    %dma_start3A_2332 = tpu.memref_squeeze %dma_start3A_2331 : memref<1x!tpu.dma_semaphore, #tpu.memory_space<semaphore_mem>> -> memref<!tpu.dma_semaphore, #tpu.memory_space<semaphore_mem>>
    tpu.enqueue_indirect_dma source(%arg15 : memref<128x16xf32, #tpu.memory_space<vmem>>) target(%dma_start3A_2330 : memref<1024x16xf32, #tpu.memory_space<vmem_shared>>) offsets(%dma_start3A_2327 : memref<128xi32, #tpu.memory_space<vmem>>) semaphore(%dma_start3A_2332 : memref<!tpu.dma_semaphore, #tpu.memory_space<semaphore_mem>>) {add = true}
    %dma_wait3A_2333 = arith.constant 0 : i32
    %dma_wait3A_2334 = arith.constant 24 : i32
    %dma_wait3A_2335 = arith.constant 0 : i32
    %dma_wait3A_2336 = arith.constant 0 : i32
    %dma_wait3A_2337 = arith.constant 0 : i32
    %dma_wait3A_2338 = tpu.memref_slice %arg12[%dma_wait3A_2333, %dma_wait3A_2336, %dma_wait3A_2337] : memref<3x128x128xf32, #tpu.memory_space<vmem>> -> memref<1x128x128xf32, #tpu.memory_space<vmem>>
    %dma_wait3A_2339 = tpu.memref_squeeze %dma_wait3A_2338 : memref<1x128x128xf32, #tpu.memory_space<vmem>> -> memref<128x128xf32, #tpu.memory_space<vmem>>
    %dma_wait3A_2340 = arith.constant 0 : i32
    %dma_wait3A_2341 = tpu.memref_slice %arg13[%dma_wait3A_2334, %dma_wait3A_2340] : memref<25x128xi32, #tpu.memory_space<vmem>> -> memref<1x128xi32, #tpu.memory_space<vmem>>
    %dma_wait3A_2342 = tpu.memref_squeeze %dma_wait3A_2341 : memref<1x128xi32, #tpu.memory_space<vmem>> -> memref<128xi32, #tpu.memory_space<vmem>>
    %dma_wait3A_2343 = arith.constant 0 : i32
    %dma_wait3A_2344 = arith.constant 0 : i32
    %dma_wait3A_2345 = tpu.memref_slice %arg18[%dma_wait3A_2343, %dma_wait3A_2344] : memref<1024x128xf32, #tpu.memory_space<vmem_shared>> -> memref<1024x128xf32, #tpu.memory_space<vmem_shared>>
    %dma_wait3A_2346 = tpu.memref_slice %arg21[%dma_wait3A_2335] : memref<2x!tpu.dma_semaphore, #tpu.memory_space<semaphore_mem>> -> memref<1x!tpu.dma_semaphore, #tpu.memory_space<semaphore_mem>>
    %dma_wait3A_2347 = tpu.memref_squeeze %dma_wait3A_2346 : memref<1x!tpu.dma_semaphore, #tpu.memory_space<semaphore_mem>> -> memref<!tpu.dma_semaphore, #tpu.memory_space<semaphore_mem>>
    tpu.wait_indirect_dma semaphore(%dma_wait3A_2347 : memref<!tpu.dma_semaphore, #tpu.memory_space<semaphore_mem>>) src(%dma_wait3A_2339 : memref<128x128xf32, #tpu.memory_space<vmem>>) dst(%dma_wait3A_2345 : memref<1024x128xf32, #tpu.memory_space<vmem_shared>>)
    %dma_wait3A_2348 = arith.constant 24 : i32
    %dma_wait3A_2349 = arith.constant 0 : i32
    %dma_wait3A_2350 = arith.constant 0 : i32
    %dma_wait3A_2351 = tpu.memref_slice %arg13[%dma_wait3A_2348, %dma_wait3A_2350] : memref<25x128xi32, #tpu.memory_space<vmem>> -> memref<1x128xi32, #tpu.memory_space<vmem>>
    %dma_wait3A_2352 = tpu.memref_squeeze %dma_wait3A_2351 : memref<1x128xi32, #tpu.memory_space<vmem>> -> memref<128xi32, #tpu.memory_space<vmem>>
    %dma_wait3A_2353 = arith.constant 0 : i32
    %dma_wait3A_2354 = arith.constant 0 : i32
    %dma_wait3A_2355 = tpu.memref_slice %arg19[%dma_wait3A_2353, %dma_wait3A_2354] : memref<1024x16xf32, #tpu.memory_space<vmem_shared>> -> memref<1024x16xf32, #tpu.memory_space<vmem_shared>>
    %dma_wait3A_2356 = tpu.memref_slice %arg22[%dma_wait3A_2349] : memref<2x!tpu.dma_semaphore, #tpu.memory_space<semaphore_mem>> -> memref<1x!tpu.dma_semaphore, #tpu.memory_space<semaphore_mem>>
    %dma_wait3A_2357 = tpu.memref_squeeze %dma_wait3A_2356 : memref<1x!tpu.dma_semaphore, #tpu.memory_space<semaphore_mem>> -> memref<!tpu.dma_semaphore, #tpu.memory_space<semaphore_mem>>
    tpu.wait_indirect_dma semaphore(%dma_wait3A_2357 : memref<!tpu.dma_semaphore, #tpu.memory_space<semaphore_mem>>) src(%arg15 : memref<128x16xf32, #tpu.memory_space<vmem>>) dst(%dma_wait3A_2355 : memref<1024x16xf32, #tpu.memory_space<vmem_shared>>)
    %eq3A = arith.constant 31 : i32
    %eq3A_2358 = arith.cmpi eq, %add3A, %eq3A : i32
    %convert_element_type3A = arith.extui %eq3A_2358 : i1 to i32
    %cond3A = arith.constant 0 : i32
    %cond3A_2359 = arith.cmpi ne, %convert_element_type3A, %cond3A : i32
    scf.if %cond3A_2359 {
      %run_scoped3A = arith.constant 0 : i32
      "tpu.region"() ({
        %run_scoped3A_2369 = tpu.sem_alloc : memref<!tpu.dma_semaphore, #tpu.memory_space<semaphore_mem>>
        %dma_start3A_2370 = arith.constant 0 : i32
        %dma_start3A_2371 = arith.constant 0 : i32
        %dma_start3A_2372 = tpu.memref_slice %arg12[%run_scoped3A, %dma_start3A_2370, %dma_start3A_2371] : memref<3x128x128xf32, #tpu.memory_space<vmem>> -> memref<1x128x128xf32, #tpu.memory_space<vmem>>
        %dma_start3A_2373 = tpu.memref_squeeze %dma_start3A_2372 : memref<1x128x128xf32, #tpu.memory_space<vmem>> -> memref<128x128xf32, #tpu.memory_space<vmem>>
        %dma_start3A_2374 = arith.constant 0 : i32
        %dma_start3A_2375 = arith.constant 0 : i32
        %dma_start3A_2376 = tpu.memref_slice %dma_start3A_2373[%dma_start3A_2374, %dma_start3A_2375] : memref<128x128xf32, #tpu.memory_space<vmem>> -> memref<32x128xf32, #tpu.memory_space<vmem>>
        %dma_start3A_2377 = arith.constant 99968 : i32
        %dma_start3A_2378 = arith.constant 0 : i32
        %dma_start3A_2379 = tpu.memref_slice %arg2[%dma_start3A_2377, %dma_start3A_2378] : memref<100000x128xf32, #tpu.memory_space<hbm>> -> memref<32x128xf32, #tpu.memory_space<hbm>>
        %dma_start3A_2380 = arith.constant 0 : i32
        %dma_start3A_2381 = arith.constant 0 : i32
        %dma_start3A_2382 = tpu.memref_slice %arg12[%run_scoped3A, %dma_start3A_2380, %dma_start3A_2381] : memref<3x128x128xf32, #tpu.memory_space<vmem>> -> memref<1x128x128xf32, #tpu.memory_space<vmem>>
        %dma_start3A_2383 = tpu.memref_squeeze %dma_start3A_2382 : memref<1x128x128xf32, #tpu.memory_space<vmem>> -> memref<128x128xf32, #tpu.memory_space<vmem>>
        %dma_start3A_2384 = arith.constant 0 : i32
        %dma_start3A_2385 = arith.constant 0 : i32
        %dma_start3A_2386 = tpu.memref_slice %dma_start3A_2383[%dma_start3A_2384, %dma_start3A_2385] : memref<128x128xf32, #tpu.memory_space<vmem>> -> memref<32x128xf32, #tpu.memory_space<vmem>>
        %dma_start3A_2387 = arith.constant 99968 : i32
        %dma_start3A_2388 = arith.constant 0 : i32
        %dma_start3A_2389 = tpu.memref_slice %arg2[%dma_start3A_2387, %dma_start3A_2388] : memref<100000x128xf32, #tpu.memory_space<hbm>> -> memref<32x128xf32, #tpu.memory_space<hbm>>
        tpu.enqueue_dma source(%dma_start3A_2389 : memref<32x128xf32, #tpu.memory_space<hbm>>) target(%dma_start3A_2386 : memref<32x128xf32, #tpu.memory_space<vmem>>) target_semaphore(%run_scoped3A_2369 : memref<!tpu.dma_semaphore, #tpu.memory_space<semaphore_mem>>)
        %dma_wait3A_2390 = arith.constant 0 : i32
        %dma_wait3A_2391 = arith.constant 0 : i32
        %dma_wait3A_2392 = tpu.memref_slice %arg12[%run_scoped3A, %dma_wait3A_2390, %dma_wait3A_2391] : memref<3x128x128xf32, #tpu.memory_space<vmem>> -> memref<1x128x128xf32, #tpu.memory_space<vmem>>
        %dma_wait3A_2393 = tpu.memref_squeeze %dma_wait3A_2392 : memref<1x128x128xf32, #tpu.memory_space<vmem>> -> memref<128x128xf32, #tpu.memory_space<vmem>>
        %dma_wait3A_2394 = arith.constant 0 : i32
        %dma_wait3A_2395 = arith.constant 0 : i32
        %dma_wait3A_2396 = tpu.memref_slice %dma_wait3A_2393[%dma_wait3A_2394, %dma_wait3A_2395] : memref<128x128xf32, #tpu.memory_space<vmem>> -> memref<32x128xf32, #tpu.memory_space<vmem>>
        %dma_wait3A_2397 = arith.constant 99968 : i32
        %dma_wait3A_2398 = arith.constant 0 : i32
        %dma_wait3A_2399 = tpu.memref_slice %arg2[%dma_wait3A_2397, %dma_wait3A_2398] : memref<100000x128xf32, #tpu.memory_space<hbm>> -> memref<32x128xf32, #tpu.memory_space<hbm>>
        %dma_wait3A_2400 = arith.constant 0 : i32
        %dma_wait3A_2401 = arith.constant 0 : i32
        %dma_wait3A_2402 = tpu.memref_slice %arg12[%run_scoped3A, %dma_wait3A_2400, %dma_wait3A_2401] : memref<3x128x128xf32, #tpu.memory_space<vmem>> -> memref<1x128x128xf32, #tpu.memory_space<vmem>>
        %dma_wait3A_2403 = tpu.memref_squeeze %dma_wait3A_2402 : memref<1x128x128xf32, #tpu.memory_space<vmem>> -> memref<128x128xf32, #tpu.memory_space<vmem>>
        %dma_wait3A_2404 = arith.constant 0 : i32
        %dma_wait3A_2405 = arith.constant 0 : i32
        %dma_wait3A_2406 = tpu.memref_slice %dma_wait3A_2403[%dma_wait3A_2404, %dma_wait3A_2405] : memref<128x128xf32, #tpu.memory_space<vmem>> -> memref<32x128xf32, #tpu.memory_space<vmem>>
        %dma_wait3A_2407 = arith.constant 99968 : i32
        %dma_wait3A_2408 = arith.constant 0 : i32
        %dma_wait3A_2409 = tpu.memref_slice %arg2[%dma_wait3A_2407, %dma_wait3A_2408] : memref<100000x128xf32, #tpu.memory_space<hbm>> -> memref<32x128xf32, #tpu.memory_space<hbm>>
        tpu.wait_dma2 semaphore(%run_scoped3A_2369 : memref<!tpu.dma_semaphore, #tpu.memory_space<semaphore_mem>>) src(%dma_wait3A_2409 : memref<32x128xf32, #tpu.memory_space<hbm>>) dst(%dma_wait3A_2406 : memref<32x128xf32, #tpu.memory_space<vmem>>)
        tpu.yield
      }) : () -> ()
      "tpu.region"() ({
        %run_scoped3A_2369 = tpu.sem_alloc : memref<!tpu.dma_semaphore, #tpu.memory_space<semaphore_mem>>
        %dma_start3A_2370 = arith.constant 99968 : i32
        %dma_start3A_2371 = tpu.memref_slice %arg4[%dma_start3A_2370] : memref<100000xi32, #tpu.memory_space<hbm>> -> memref<32xi32, #tpu.memory_space<hbm>>
        %dma_start3A_2372 = arith.constant 99968 : i32
        %dma_start3A_2373 = tpu.memref_slice %arg4[%dma_start3A_2372] : memref<100000xi32, #tpu.memory_space<hbm>> -> memref<32xi32, #tpu.memory_space<hbm>>
        tpu.enqueue_dma source(%dma_start3A_2373 : memref<32xi32, #tpu.memory_space<hbm>>) target(%arg14 : memref<32xi32, #tpu.memory_space<vmem>>) target_semaphore(%run_scoped3A_2369 : memref<!tpu.dma_semaphore, #tpu.memory_space<semaphore_mem>>)
        %dma_wait3A_2374 = arith.constant 99968 : i32
        %dma_wait3A_2375 = tpu.memref_slice %arg4[%dma_wait3A_2374] : memref<100000xi32, #tpu.memory_space<hbm>> -> memref<32xi32, #tpu.memory_space<hbm>>
        %dma_wait3A_2376 = arith.constant 99968 : i32
        %dma_wait3A_2377 = tpu.memref_slice %arg4[%dma_wait3A_2376] : memref<100000xi32, #tpu.memory_space<hbm>> -> memref<32xi32, #tpu.memory_space<hbm>>
        tpu.wait_dma2 semaphore(%run_scoped3A_2369 : memref<!tpu.dma_semaphore, #tpu.memory_space<semaphore_mem>>) src(%dma_wait3A_2377 : memref<32xi32, #tpu.memory_space<hbm>>) dst(%arg14 : memref<32xi32, #tpu.memory_space<vmem>>)
        tpu.yield
      }) : () -> ()
      %run_scoped3A_2368 = arith.constant 0 : i32
      "tpu.region"() ({
        %run_scoped3A_2369 = tpu.sem_alloc : memref<!tpu.dma_semaphore, #tpu.memory_space<semaphore_mem>>
        %dma_start3A_2370 = arith.constant 0 : i32
        %dma_start3A_2371 = arith.constant 0 : i32
        %dma_start3A_2372 = tpu.memref_slice %arg12[%run_scoped3A_2368, %dma_start3A_2370, %dma_start3A_2371] : memref<3x128x128xf32, #tpu.memory_space<vmem>> -> memref<1x128x128xf32, #tpu.memory_space<vmem>>
        %dma_start3A_2373 = tpu.memref_squeeze %dma_start3A_2372 : memref<1x128x128xf32, #tpu.memory_space<vmem>> -> memref<128x128xf32, #tpu.memory_space<vmem>>
        %dma_start3A_2374 = arith.constant 0 : i32
        %dma_start3A_2375 = arith.constant 0 : i32
        %dma_start3A_2376 = tpu.memref_slice %dma_start3A_2373[%dma_start3A_2374, %dma_start3A_2375] : memref<128x128xf32, #tpu.memory_space<vmem>> -> memref<32x128xf32, #tpu.memory_space<vmem>>
        %dma_start3A_2377 = arith.constant 0 : i32
        %dma_start3A_2378 = arith.constant 0 : i32
        %dma_start3A_2379 = tpu.memref_slice %arg18[%dma_start3A_2377, %dma_start3A_2378] : memref<1024x128xf32, #tpu.memory_space<vmem_shared>> -> memref<1024x128xf32, #tpu.memory_space<vmem_shared>>
        tpu.enqueue_indirect_dma source(%dma_start3A_2376 : memref<32x128xf32, #tpu.memory_space<vmem>>) target(%dma_start3A_2379 : memref<1024x128xf32, #tpu.memory_space<vmem_shared>>) offsets(%arg14 : memref<32xi32, #tpu.memory_space<vmem>>) semaphore(%run_scoped3A_2369 : memref<!tpu.dma_semaphore, #tpu.memory_space<semaphore_mem>>) {add = true}
        %dma_wait3A_2380 = arith.constant 0 : i32
        %dma_wait3A_2381 = arith.constant 0 : i32
        %dma_wait3A_2382 = tpu.memref_slice %arg12[%run_scoped3A_2368, %dma_wait3A_2380, %dma_wait3A_2381] : memref<3x128x128xf32, #tpu.memory_space<vmem>> -> memref<1x128x128xf32, #tpu.memory_space<vmem>>
        %dma_wait3A_2383 = tpu.memref_squeeze %dma_wait3A_2382 : memref<1x128x128xf32, #tpu.memory_space<vmem>> -> memref<128x128xf32, #tpu.memory_space<vmem>>
        %dma_wait3A_2384 = arith.constant 0 : i32
        %dma_wait3A_2385 = arith.constant 0 : i32
        %dma_wait3A_2386 = tpu.memref_slice %dma_wait3A_2383[%dma_wait3A_2384, %dma_wait3A_2385] : memref<128x128xf32, #tpu.memory_space<vmem>> -> memref<32x128xf32, #tpu.memory_space<vmem>>
        %dma_wait3A_2387 = arith.constant 0 : i32
        %dma_wait3A_2388 = arith.constant 0 : i32
        %dma_wait3A_2389 = tpu.memref_slice %arg18[%dma_wait3A_2387, %dma_wait3A_2388] : memref<1024x128xf32, #tpu.memory_space<vmem_shared>> -> memref<1024x128xf32, #tpu.memory_space<vmem_shared>>
        tpu.wait_indirect_dma semaphore(%run_scoped3A_2369 : memref<!tpu.dma_semaphore, #tpu.memory_space<semaphore_mem>>) src(%dma_wait3A_2386 : memref<32x128xf32, #tpu.memory_space<vmem>>) dst(%dma_wait3A_2389 : memref<1024x128xf32, #tpu.memory_space<vmem_shared>>)
        tpu.yield
      }) : () -> ()
      "tpu.region"() ({
        %run_scoped3A_2369 = tpu.sem_alloc : memref<!tpu.dma_semaphore, #tpu.memory_space<semaphore_mem>>
        %dma_start3A_2370 = arith.constant 0 : i32
        %dma_start3A_2371 = arith.constant 0 : i32
        %dma_start3A_2372 = tpu.memref_slice %arg15[%dma_start3A_2370, %dma_start3A_2371] : memref<128x16xf32, #tpu.memory_space<vmem>> -> memref<32x16xf32, #tpu.memory_space<vmem>>
        %dma_start3A_2373 = arith.constant 0 : i32
        %dma_start3A_2374 = arith.constant 0 : i32
        %dma_start3A_2375 = tpu.memref_slice %arg19[%dma_start3A_2373, %dma_start3A_2374] : memref<1024x16xf32, #tpu.memory_space<vmem_shared>> -> memref<1024x16xf32, #tpu.memory_space<vmem_shared>>
        tpu.enqueue_indirect_dma source(%dma_start3A_2372 : memref<32x16xf32, #tpu.memory_space<vmem>>) target(%dma_start3A_2375 : memref<1024x16xf32, #tpu.memory_space<vmem_shared>>) offsets(%arg14 : memref<32xi32, #tpu.memory_space<vmem>>) semaphore(%run_scoped3A_2369 : memref<!tpu.dma_semaphore, #tpu.memory_space<semaphore_mem>>) {add = true}
        %dma_wait3A_2376 = arith.constant 0 : i32
        %dma_wait3A_2377 = arith.constant 0 : i32
        %dma_wait3A_2378 = tpu.memref_slice %arg15[%dma_wait3A_2376, %dma_wait3A_2377] : memref<128x16xf32, #tpu.memory_space<vmem>> -> memref<32x16xf32, #tpu.memory_space<vmem>>
        %dma_wait3A_2379 = arith.constant 0 : i32
        %dma_wait3A_2380 = arith.constant 0 : i32
        %dma_wait3A_2381 = tpu.memref_slice %arg19[%dma_wait3A_2379, %dma_wait3A_2380] : memref<1024x16xf32, #tpu.memory_space<vmem_shared>> -> memref<1024x16xf32, #tpu.memory_space<vmem_shared>>
        tpu.wait_indirect_dma semaphore(%run_scoped3A_2369 : memref<!tpu.dma_semaphore, #tpu.memory_space<semaphore_mem>>) src(%dma_wait3A_2378 : memref<32x16xf32, #tpu.memory_space<vmem>>) dst(%dma_wait3A_2381 : memref<1024x16xf32, #tpu.memory_space<vmem_shared>>)
        tpu.yield
      }) : () -> ()
    } else {
    }
    "tpu.region"() ({
      %run_scoped3A = tpu.sem_alloc : memref<!tpu.dma_semaphore, #tpu.memory_space<semaphore_mem>>
      %dma_start3A_2368 = arith.constant 0 : i32
      %dma_start3A_2369 = tpu.memref_slice %arg4[%dma_start3A_2368] : memref<100000xi32, #tpu.memory_space<hbm>> -> memref<100000xi32, #tpu.memory_space<hbm>>
      tpu.enqueue_indirect_dma source(%dma_start3A_2369 : memref<100000xi32, #tpu.memory_space<hbm>>) target(%arg17 : memref<128xi32, #tpu.memory_space<vmem>>) offsets(%arg16 : memref<128xi32, #tpu.memory_space<vmem>>) semaphore(%run_scoped3A : memref<!tpu.dma_semaphore, #tpu.memory_space<semaphore_mem>>)
      %dma_wait3A_2370 = arith.constant 0 : i32
      %dma_wait3A_2371 = tpu.memref_slice %arg4[%dma_wait3A_2370] : memref<100000xi32, #tpu.memory_space<hbm>> -> memref<100000xi32, #tpu.memory_space<hbm>>
      tpu.wait_indirect_dma semaphore(%run_scoped3A : memref<!tpu.dma_semaphore, #tpu.memory_space<semaphore_mem>>) src(%dma_wait3A_2371 : memref<100000xi32, #tpu.memory_space<hbm>>) dst(%arg17 : memref<128xi32, #tpu.memory_space<vmem>>)
      tpu.yield
    }) : () -> ()
    %mul3A_2360 = arith.constant 128 : i32
    %mul3A_2361 = arith.muli %add3A, %mul3A_2360 : i32
    "tpu.region"() ({
      %run_scoped3A = tpu.sem_alloc : memref<!tpu.dma_semaphore, #tpu.memory_space<semaphore_mem>>
      %dma_start3A_2368 = tpu.memref_slice %arg11[%mul3A_2361] : memref<4096xi32, #tpu.memory_space<hbm>> -> memref<128xi32, #tpu.memory_space<hbm>>
      %dma_start3A_2369 = tpu.memref_slice %arg11[%mul3A_2361] : memref<4096xi32, #tpu.memory_space<hbm>> -> memref<128xi32, #tpu.memory_space<hbm>>
      tpu.enqueue_dma source(%arg17 : memref<128xi32, #tpu.memory_space<vmem>>) target(%dma_start3A_2369 : memref<128xi32, #tpu.memory_space<hbm>>) target_semaphore(%run_scoped3A : memref<!tpu.dma_semaphore, #tpu.memory_space<semaphore_mem>>)
      %dma_wait3A_2370 = tpu.memref_slice %arg11[%mul3A_2361] : memref<4096xi32, #tpu.memory_space<hbm>> -> memref<128xi32, #tpu.memory_space<hbm>>
      %dma_wait3A_2371 = tpu.memref_slice %arg11[%mul3A_2361] : memref<4096xi32, #tpu.memory_space<hbm>> -> memref<128xi32, #tpu.memory_space<hbm>>
      tpu.wait_dma2 semaphore(%run_scoped3A : memref<!tpu.dma_semaphore, #tpu.memory_space<semaphore_mem>>) src(%arg17 : memref<128xi32, #tpu.memory_space<vmem>>) dst(%dma_wait3A_2371 : memref<128xi32, #tpu.memory_space<hbm>>)
      tpu.yield
    }) : () -> ()
    %barrier3A_2362 = arith.constant 0 : index
    tpu.barrier barrier_id(%barrier3A_2362)
    %eq3A_2363 = arith.constant 0 : i32
    %eq3A_2364 = arith.cmpi eq, %arg1, %eq3A_2363 : i32
    %convert_element_type3A_2365 = arith.extui %eq3A_2364 : i1 to i32
    %cond3A_2366 = arith.constant 0 : i32
    %cond3A_2367 = arith.cmpi ne, %convert_element_type3A_2365, %cond3A_2366 : i32
    scf.if %cond3A_2367 {
      "tpu.region"() ({
        %run_scoped3A = tpu.sem_alloc : memref<!tpu.dma_semaphore, #tpu.memory_space<semaphore_mem>>
        %dma_start3A_2368 = arith.constant 0 : i32
        %dma_start3A_2369 = arith.constant 0 : i32
        %dma_start3A_2370 = tpu.memref_slice %arg9[%arg0, %dma_start3A_2368, %dma_start3A_2369] : memref<2x1024x128xf32, #tpu.memory_space<hbm>> -> memref<1x1024x128xf32, #tpu.memory_space<hbm>>
        %dma_start3A_2371 = tpu.memref_squeeze %dma_start3A_2370 : memref<1x1024x128xf32, #tpu.memory_space<hbm>> -> memref<1024x128xf32, #tpu.memory_space<hbm>>
        tpu.enqueue_dma source(%arg18 : memref<1024x128xf32, #tpu.memory_space<vmem_shared>>) target(%dma_start3A_2371 : memref<1024x128xf32, #tpu.memory_space<hbm>>) target_semaphore(%run_scoped3A : memref<!tpu.dma_semaphore, #tpu.memory_space<semaphore_mem>>)
        %dma_wait3A_2372 = arith.constant 0 : i32
        %dma_wait3A_2373 = arith.constant 0 : i32
        %dma_wait3A_2374 = tpu.memref_slice %arg9[%arg0, %dma_wait3A_2372, %dma_wait3A_2373] : memref<2x1024x128xf32, #tpu.memory_space<hbm>> -> memref<1x1024x128xf32, #tpu.memory_space<hbm>>
        %dma_wait3A_2375 = tpu.memref_squeeze %dma_wait3A_2374 : memref<1x1024x128xf32, #tpu.memory_space<hbm>> -> memref<1024x128xf32, #tpu.memory_space<hbm>>
        tpu.wait_dma2 semaphore(%run_scoped3A : memref<!tpu.dma_semaphore, #tpu.memory_space<semaphore_mem>>) src(%arg18 : memref<1024x128xf32, #tpu.memory_space<vmem_shared>>) dst(%dma_wait3A_2375 : memref<1024x128xf32, #tpu.memory_space<hbm>>)
        tpu.yield
      }) : () -> ()
      "tpu.region"() ({
        %run_scoped3A = tpu.sem_alloc : memref<!tpu.dma_semaphore, #tpu.memory_space<semaphore_mem>>
        %dma_start3A_2368 = arith.constant 0 : i32
        %dma_start3A_2369 = arith.constant 0 : i32
        %dma_start3A_2370 = tpu.memref_slice %arg10[%arg0, %dma_start3A_2368, %dma_start3A_2369] : memref<2x1024x16xf32, #tpu.memory_space<hbm>> -> memref<1x1024x16xf32, #tpu.memory_space<hbm>>
        %dma_start3A_2371 = tpu.memref_squeeze %dma_start3A_2370 : memref<1x1024x16xf32, #tpu.memory_space<hbm>> -> memref<1024x16xf32, #tpu.memory_space<hbm>>
        tpu.enqueue_dma source(%arg19 : memref<1024x16xf32, #tpu.memory_space<vmem_shared>>) target(%dma_start3A_2371 : memref<1024x16xf32, #tpu.memory_space<hbm>>) target_semaphore(%run_scoped3A : memref<!tpu.dma_semaphore, #tpu.memory_space<semaphore_mem>>)
        %dma_wait3A_2372 = arith.constant 0 : i32
        %dma_wait3A_2373 = arith.constant 0 : i32
        %dma_wait3A_2374 = tpu.memref_slice %arg10[%arg0, %dma_wait3A_2372, %dma_wait3A_2373] : memref<2x1024x16xf32, #tpu.memory_space<hbm>> -> memref<1x1024x16xf32, #tpu.memory_space<hbm>>
        %dma_wait3A_2375 = tpu.memref_squeeze %dma_wait3A_2374 : memref<1x1024x16xf32, #tpu.memory_space<hbm>> -> memref<1024x16xf32, #tpu.memory_space<hbm>>
        tpu.wait_dma2 semaphore(%run_scoped3A : memref<!tpu.dma_semaphore, #tpu.memory_space<semaphore_mem>>) src(%arg19 : memref<1024x16xf32, #tpu.memory_space<vmem_shared>>) dst(%dma_wait3A_2375 : memref<1024x16xf32, #tpu.memory_space<hbm>>)
        tpu.yield
      }) : () -> ()
    } else {
    }
    return
  }
}

module attributes {stable_mosaic.version = 14 : i64} {
  func.func @_tc_body(%arg0: i32, %arg1: memref<1024x128xf32, #tpu.memory_space<vmem>>, %arg2: memref<2x1024x128xf32, #tpu.memory_space<vmem>>, %arg3: memref<2x1024x16xf32, #tpu.memory_space<vmem>>, %arg4: memref<1024x1xi32, #tpu.memory_space<vmem>>, %arg5: memref<1x1xf32, #tpu.memory_space<vmem>>, %arg6: memref<1024x128xf32, #tpu.memory_space<vmem>>, %arg7: memref<1x1024xf32, #tpu.memory_space<vmem>>, %arg8: memref<1xf32, #tpu.memory_space<smem>>) attributes {dimension_semantics = [#tpu.dimension_semantics<arbitrary>], iteration_bounds = array<i64: 4>, scalar_prefetch = 0 : i64, scratch_operands = 3 : i64, tpu.core_type = #tpu.core_type<tc>, window_params = [{transform_indices = @transform_0, window_bounds = array<i64: 1024, 128>}, {pipeline_mode = #tpu.pipeline_mode<synchronous>, transform_indices = @transform_1, window_bounds = array<i64: 2, 1024, 128>}, {pipeline_mode = #tpu.pipeline_mode<synchronous>, transform_indices = @transform_2, window_bounds = array<i64: 2, 1024, 16>}, {transform_indices = @transform_3, window_bounds = array<i64: 1024, 1>}, {pipeline_mode = #tpu.pipeline_mode<synchronous>, transform_indices = @transform_4, window_bounds = array<i64: 1, 1>}]} {
    %eq3A = arith.constant 0 : i32
    %eq3A_0 = arith.cmpi eq, %arg0, %eq3A : i32
    %convert_element_type3A = arith.extui %eq3A_0 : i1 to i32
    %cond3A = arith.constant 0 : i32
    %cond3A_1 = arith.cmpi ne, %convert_element_type3A, %cond3A : i32
    scf.if %cond3A_1 {
      %get3A_71 = arith.constant 0 : index
      %get3A_72 = arith.constant 0 : index
      %get3A_73 = arith.constant 0 : index
      %get3A_74 = vector.load %arg2[%get3A_71, %get3A_72, %get3A_73] : memref<2x1024x128xf32, #tpu.memory_space<vmem>>, vector<1x1024x128xf32>
      %get3A_75 = vector.shape_cast %get3A_74 : vector<1x1024x128xf32> to vector<1024x128xf32>
      %get3A_76 = arith.constant 1 : index
      %get3A_77 = arith.constant 0 : index
      %get3A_78 = arith.constant 0 : index
      %get3A_79 = vector.load %arg2[%get3A_76, %get3A_77, %get3A_78] : memref<2x1024x128xf32, #tpu.memory_space<vmem>>, vector<1x1024x128xf32>
      %get3A_80 = vector.shape_cast %get3A_79 : vector<1x1024x128xf32> to vector<1024x128xf32>
      %add3A_81 = arith.addf %get3A_75, %get3A_80 : vector<1024x128xf32>
      %swap3A_82 = arith.constant 0 : index
      %swap3A_83 = arith.constant 0 : index
      %swap3A_84 = vector.load %arg6[%swap3A_82, %swap3A_83] : memref<1024x128xf32, #tpu.memory_space<vmem>>, vector<1024x128xf32>
      tpu.vector_store %arg6[%swap3A_82, %swap3A_83], %add3A_81 {strides = array<i32>} : memref<1024x128xf32, #tpu.memory_space<vmem>>, vector<1024x128xf32>,
      %get3A_85 = arith.constant 0 : index
      %get3A_86 = arith.constant 0 : index
      %get3A_87 = arith.constant 0 : index
      %get3A_88 = vector.load %arg3[%get3A_85, %get3A_86, %get3A_87] : memref<2x1024x16xf32, #tpu.memory_space<vmem>>, vector<1x1024x16xf32>
      %get3A_89 = vector.shape_cast %get3A_88 : vector<1x1024x16xf32> to vector<1024x16xf32>
      %get3A_90 = arith.constant 1 : index
      %get3A_91 = arith.constant 0 : index
      %get3A_92 = arith.constant 0 : index
      %get3A_93 = vector.load %arg3[%get3A_90, %get3A_91, %get3A_92] : memref<2x1024x16xf32, #tpu.memory_space<vmem>>, vector<1x1024x16xf32>
      %get3A_94 = vector.shape_cast %get3A_93 : vector<1x1024x16xf32> to vector<1024x16xf32>
      %add3A_95 = arith.addf %get3A_89, %get3A_94 : vector<1024x16xf32>
      %broadcast_in_dim3A_96 = arith.constant 6.250000e-02 : f32
      %broadcast_in_dim3A_97 = vector.broadcast %broadcast_in_dim3A_96 : f32 to vector<1x16xf32>
      %dot_general3A_98 = arith.constant dense<0.000000e+00> : vector<1x1024xf32>
      %dot_general3A_99 = tpu.matmul %broadcast_in_dim3A_97, %add3A_95, %dot_general3A_98 {dimension_numbers = #tpu.dot_dimension_numbers<[1], [1], [0], [0], [0, 0, 1, 0], [], []>, precision = #tpu.contract_precision<fp32>, transpose_lhs_hint = false} : vector<1x16xf32>, vector<1024x16xf32>, vector<1x1024xf32> -> vector<1x1024xf32>
      %swap3A_100 = arith.constant 0 : index
      %swap3A_101 = arith.constant 0 : index
      %swap3A_102 = vector.load %arg7[%swap3A_100, %swap3A_101] : memref<1x1024xf32, #tpu.memory_space<vmem>>, vector<1x1024xf32>
      tpu.vector_store %arg7[%swap3A_100, %swap3A_101], %dot_general3A_99 {strides = array<i32>} : memref<1x1024xf32, #tpu.memory_space<vmem>>, vector<1x1024xf32>,
      %swap3A_103 = arith.constant 0.000000e+00 : f32
      %swap3A_104 = arith.constant 0 : index
      %swap3A_105 = memref.load %arg8[%swap3A_104] : memref<1xf32, #tpu.memory_space<smem>>
      memref.store %swap3A_103, %arg8[%swap3A_104] : memref<1xf32, #tpu.memory_space<smem>>
    } else {
    }
    %get3A = arith.constant 0 : index
    %get3A_2 = arith.constant 0 : index
    %get3A_3 = vector.load %arg1[%get3A, %get3A_2] : memref<1024x128xf32, #tpu.memory_space<vmem>>, vector<1024x128xf32>
    %mul3A = arith.mulf %get3A_3, %get3A_3 : vector<1024x128xf32>
    %reduce_sum3A = arith.constant dense<0.000000e+00> : vector<1024xf32>
    %reduce_sum3A_4 = vector.multi_reduction <add>, %mul3A, %reduce_sum3A [1] : vector<1024x128xf32> to vector<1024xf32>
    %broadcast_in_dim3A = vector.shape_cast %reduce_sum3A_4 : vector<1024xf32> to vector<1024x1xf32>
    %sqrt3A = math.sqrt %broadcast_in_dim3A : vector<1024x1xf32>
    %max3A = arith.constant 9.99999996E-13 : f32
    %max3A_5 = vector.broadcast %max3A : f32 to vector<1024x1xf32>
    %max3A_6 = arith.maximumf %sqrt3A, %max3A_5 : vector<1024x1xf32>
    %div3A = vector.broadcast %max3A_6 : vector<1024x1xf32> to vector<1024x128xf32>
    %div3A_7 = arith.divf %get3A_3, %div3A : vector<1024x128xf32>
    %get3A_8 = arith.constant 0 : index
    %get3A_9 = arith.constant 0 : index
    %get3A_10 = vector.load %arg6[%get3A_8, %get3A_9] : memref<1024x128xf32, #tpu.memory_space<vmem>>, vector<1024x128xf32>
    %dot_general3A = arith.constant dense<0.000000e+00> : vector<1024x1024xf32>
    %dot_general3A_11 = tpu.matmul %div3A_7, %get3A_10, %dot_general3A {dimension_numbers = #tpu.dot_dimension_numbers<[1], [1], [0], [0], [0, 0, 1, 0], [], []>, transpose_lhs_hint = false} : vector<1024x128xf32>, vector<1024x128xf32>, vector<1024x1024xf32> -> vector<1024x1024xf32>
    %get3A_12 = arith.constant 0 : index
    %get3A_13 = arith.constant 0 : index
    %get3A_14 = vector.load %arg7[%get3A_12, %get3A_13] : memref<1x1024xf32, #tpu.memory_space<vmem>>, vector<1x1024xf32>
    %iota3A = tpu.iota {dimensions = array<i32: 1>} : vector<1x1024xi32>
    %gt3A = arith.constant 0.000000e+00 : f32
    %gt3A_15 = vector.broadcast %gt3A : f32 to vector<1x1024xf32>
    %gt3A_16 = arith.cmpf ogt, %get3A_14, %gt3A_15 : vector<1x1024xf32>
    %lt3A = arith.constant 1000 : i32
    %lt3A_17 = vector.broadcast %lt3A : i32 to vector<1x1024xi32>
    %lt3A_18 = arith.cmpi slt, %iota3A, %lt3A_17 : vector<1x1024xi32>
    %and3A = arith.andi %gt3A_16, %lt3A_18 : vector<1x1024xi1>
    %jit3A = arith.constant 1.000000e+00 : f32
    %jit3A_19 = arith.constant 0.000000e+00 : f32
    %broadcast_in_dim3A_20 = vector.broadcast %jit3A : f32 to vector<1x1024xf32>
    %broadcast_in_dim3A_21 = vector.broadcast %jit3A_19 : f32 to vector<1x1024xf32>
    %select_n3A = arith.select %and3A, %broadcast_in_dim3A_20, %broadcast_in_dim3A_21 : vector<1x1024xi1>, vector<1x1024xf32>
    %max3A_22 = arith.constant 1.000000e+00 : f32
    %max3A_23 = vector.broadcast %max3A_22 : f32 to vector<1x1024xf32>
    %max3A_24 = arith.maximumf %get3A_14, %max3A_23 : vector<1x1024xf32>
    %mul3A_25 = arith.constant 5.000000e-02 : f32
    %mul3A_26 = vector.broadcast %mul3A_25 : f32 to vector<1x1024xf32>
    %mul3A_27 = arith.mulf %mul3A_26, %max3A_24 : vector<1x1024xf32>
    %div3A_28 = arith.constant 1.000000e+00 : f32
    %div3A_29 = vector.broadcast %div3A_28 : f32 to vector<1x1024xf32>
    %div3A_30 = arith.divf %div3A_29, %mul3A_27 : vector<1x1024xf32>
    %mul3A_31 = vector.broadcast %div3A_30 : vector<1x1024xf32> to vector<1024x1024xf32>
    %mul3A_32 = arith.mulf %dot_general3A_11, %mul3A_31 : vector<1024x1024xf32>
    %exp3A = math.exp %mul3A_32 : vector<1024x1024xf32>
    %mul3A_33 = vector.broadcast %select_n3A : vector<1x1024xf32> to vector<1024x1024xf32>
    %mul3A_34 = arith.mulf %exp3A, %mul3A_33 : vector<1024x1024xf32>
    %reduce_sum3A_35 = arith.constant dense<0.000000e+00> : vector<1024xf32>
    %reduce_sum3A_36 = vector.multi_reduction <add>, %mul3A_34, %reduce_sum3A_35 [1] : vector<1024x1024xf32> to vector<1024xf32>
    %broadcast_in_dim3A_37 = vector.shape_cast %reduce_sum3A_36 : vector<1024xf32> to vector<1024x1xf32>
    %add3A = arith.constant 9.99999997E-7 : f32
    %add3A_38 = vector.broadcast %add3A : f32 to vector<1024x1xf32>
    %add3A_39 = arith.addf %broadcast_in_dim3A_37, %add3A_38 : vector<1024x1xf32>
    %get3A_40 = arith.constant 0 : index
    %get3A_41 = arith.constant 0 : index
    %get3A_42 = vector.load %arg4[%get3A_40, %get3A_41] : memref<1024x1xi32, #tpu.memory_space<vmem>>, vector<1024x1xi32>
    %iota3A_43 = tpu.iota {dimensions = array<i32: 1>} : vector<1024x1024xi32>
    %eq3A_44 = vector.broadcast %get3A_42 : vector<1024x1xi32> to vector<1024x1024xi32>
    %eq3A_45 = arith.cmpi eq, %iota3A_43, %eq3A_44 : vector<1024x1024xi32>
    %jit3A_46 = arith.constant 0.000000e+00 : f32
    %broadcast_in_dim3A_47 = vector.broadcast %jit3A_46 : f32 to vector<1024x1024xf32>
    %select_n3A_48 = arith.select %eq3A_45, %mul3A_34, %broadcast_in_dim3A_47 : vector<1024x1024xi1>, vector<1024x1024xf32>
    %reduce_sum3A_49 = arith.constant dense<0.000000e+00> : vector<1024xf32>
    %reduce_sum3A_50 = vector.multi_reduction <add>, %select_n3A_48, %reduce_sum3A_49 [1] : vector<1024x1024xf32> to vector<1024xf32>
    %broadcast_in_dim3A_51 = vector.shape_cast %reduce_sum3A_50 : vector<1024xf32> to vector<1024x1xf32>
    %mul3A_52 = arith.constant 9.99999997E-7 : f32
    %mul3A_53 = vector.broadcast %mul3A_52 : f32 to vector<1024x1xf32>
    %mul3A_54 = arith.mulf %mul3A_53, %add3A_39 : vector<1024x1xf32>
    %add3A_55 = arith.addf %broadcast_in_dim3A_51, %mul3A_54 : vector<1024x1xf32>
    %log3A = math.log %add3A_55 : vector<1024x1xf32>
    %log3A_56 = math.log %add3A_39 : vector<1024x1xf32>
    %sub3A = arith.subf %log3A, %log3A_56 : vector<1024x1xf32>
    %get3A_57 = arith.constant 0 : index
    %get3A_58 = memref.load %arg8[%get3A_57] : memref<1xf32, #tpu.memory_space<smem>>
    %reduce_sum3A_59 = vector.shape_cast %sub3A : vector<1024x1xf32> to vector<1x1024x1xf32>
    %reduce_sum3A_60 = arith.constant dense<0.000000e+00> : vector<1xf32>
    %reduce_sum3A_61 = vector.multi_reduction <add>, %reduce_sum3A_59, %reduce_sum3A_60 [1, 2] : vector<1x1024x1xf32> to vector<1xf32>
    %reduce_sum3A_62 = vector.shape_cast %reduce_sum3A_61 : vector<1xf32> to vector<1x1x1xf32>
    %reduce_sum3A_63 = vector.extract %reduce_sum3A_62[0, 0, 0] : f32 from vector<1x1x1xf32>
    %add3A_64 = arith.addf %get3A_58, %reduce_sum3A_63 : f32
    %swap3A = arith.constant 0 : index
    %swap3A_65 = memref.load %arg8[%swap3A] : memref<1xf32, #tpu.memory_space<smem>>
    memref.store %add3A_64, %arg8[%swap3A] : memref<1xf32, #tpu.memory_space<smem>>
    %eq3A_66 = arith.constant 3 : i32
    %eq3A_67 = arith.cmpi eq, %arg0, %eq3A_66 : i32
    %convert_element_type3A_68 = arith.extui %eq3A_67 : i1 to i32
    %cond3A_69 = arith.constant 0 : i32
    %cond3A_70 = arith.cmpi ne, %convert_element_type3A_68, %cond3A_69 : i32
    scf.if %cond3A_70 {
      %get3A_71 = arith.constant 0 : index
      %get3A_72 = memref.load %arg8[%get3A_71] : memref<1xf32, #tpu.memory_space<smem>>
      %neg3A = arith.constant 0.000000e+00 : f32
      %neg3A_73 = arith.subf %neg3A, %get3A_72 : f32
      %div3A_74 = arith.constant 4.096000e+03 : f32
      %div3A_75 = arith.divf %neg3A_73, %div3A_74 : f32
      %broadcast_in_dim3A_76 = vector.broadcast %div3A_75 : f32 to vector<1x1xf32>
      %swap3A_77 = arith.constant 0 : index
      %swap3A_78 = arith.constant 0 : index
      %swap3A_79 = vector.load %arg5[%swap3A_77, %swap3A_78] : memref<1x1xf32, #tpu.memory_space<vmem>>, vector<1x1xf32>
      tpu.vector_store %arg5[%swap3A_77, %swap3A_78], %broadcast_in_dim3A_76 {strides = array<i32>} : memref<1x1xf32, #tpu.memory_space<vmem>>, vector<1x1xf32>,
    } else {
    }
    return
  }
  func.func @transform_0(%arg0: i32) -> (i32, i32) {
    %c0_i32 = arith.constant 0 : i32
    %c0_i32_0 = arith.constant 0 : i32
    return %arg0, %c0_i32 : i32, i32
  }
  func.func @transform_1(%arg0: i32) -> (i32, i32, i32) {
    %c0_i32 = arith.constant 0 : i32
    %c0_i32_0 = arith.constant 0 : i32
    %c0_i32_1 = arith.constant 0 : i32
    %c0_i32_2 = arith.constant 0 : i32
    return %c0_i32, %c0_i32_0, %c0_i32_1 : i32, i32, i32
  }
  func.func @transform_2(%arg0: i32) -> (i32, i32, i32) {
    %c0_i32 = arith.constant 0 : i32
    %c0_i32_0 = arith.constant 0 : i32
    %c0_i32_1 = arith.constant 0 : i32
    %c0_i32_2 = arith.constant 0 : i32
    return %c0_i32, %c0_i32_0, %c0_i32_1 : i32, i32, i32
  }
  func.func @transform_3(%arg0: i32) -> (i32, i32) {
    %c0_i32 = arith.constant 0 : i32
    %c0_i32_0 = arith.constant 0 : i32
    return %arg0, %c0_i32 : i32, i32
  }
  func.func @transform_4(%arg0: i32) -> (i32, i32) {
    %c0_i32 = arith.constant 0 : i32
    %c0_i32_0 = arith.constant 0 : i32
    %c0_i32_1 = arith.constant 0 : i32
    return %c0_i32, %c0_i32_0 : i32, i32
  }
}

</mosaic_0001>

<sc_bundles>
// kernel: kernel.4.cloned.1.call-start
scs
__scs_entry_jumppad:
0x0: {  	(pc) =	sbr.rel $0x88, $3  }
0x1: {  	(tag) =	ssettag $0x0;
	lr =	simm.s32 $0x1  }
0x2: {  	[smem:$0x3F9D] =	sst lr;
	_ =	strace $0xD0000000  }
0x3: {  	_ = 	snop  }
0x4: {  	_ = 	snop  }
0x5: {  	_ = 	snop  }
0x6: {  	_ = 	snop  }
0x7: {  	_ = 	snop  }
__scs_overlays_trampoline_lowered:
0x8: {  	[smem:$0x3FAC] =	sst s0  }
0x9: {  	[smem:$0x3FAD] =	sst s1  }
0xa: {  	[smem:$0x3FAE] =	sst s2  }
0xb: {  	[smem:$0x3FAF] =	sst s3  }
0xc: {  	[smem:$0x3FB0] =	sst s4  }
0xd: {  	[smem:$0x3FB1] =	sst s5  }
0xe: {  	[smem:$0x3FB2] =	sst s6  }
0xf: {  	[smem:$0x3FB3] =	sst s7  }
0x10: {  	[smem:$0x3FB4] =	sst s8  }
0x11: {  	[smem:$0x3FB5] =	sst s9;
	s0 =	simm.s32 @!p0 $0x0  }
0x12: {  	s1 =	sld [smem:$0x3F9B];
	s0 =	simm.s32 @p0 $0x1  }
0x13: {  	[smem:$0x3FB6] =	sst s0;
	s0 =	simm.s32 @!p1 $0x0  }
0x14: {  	s2 =	sld [smem:$0x3F9A];
	s0 =	simm.s32 @p1 $0x1  }
0x15: {  	[smem:$0x3FB7] =	sst s0;
	s0 =	simm.s32 @!p2 $0x0  }
0x16: {  	s3 =	sld [smem:$0x3FDB];
	s0 =	simm.s32 @p2 $0x1  }
0x17: {  	s4 =	simm.s32 $0x1BF5;
	[smem:$0x3FB9] =	sst s0  }
0x18: {  	s0 =	sld [smem:$0x3F9C];
	_ =	swait.ge [sflag:s4], $0x0  }
0x19: {  	s7 =	sld [smem:$0x3F9D]  }
0x1a: {  	s8 =	sadd.s32 $0xFFFFE003, lr  }
0x1b: {  	s9 =	sadd.s32 $0xFFFFFEF7, lr;
	s5 =	simm.s32 $0xFFFFFFFF;
	p2 =	slt.u32 s8, $0xFFFFF086  }
0x1c: {  	p1 =	slt.u32 s9, $0xF7A;
	s5 =	simm.s32 @!p2 $0x0  }
0x1d: {  	s5 =	simm.s32 @p1 $0x1;
	p0 =	seq.s32 s7, s2  }
0x1e: {  	s7 =	smul.u32 @!p0 $0xF7A, s2;
	p2 =	seq.s32 @!p0 s5, $0x0  }
0x1f: {  	s9 =	smul.u32 $0xF7A, s1;
	s8 =	simm.s32 @!p0 $0x1BF5;
	p2 =	por !p2, p0  }
0x20: {  	[sflag:s8] =	ssyncset.s32 @!p0 $0xFFFFF086;
	s6 =	sadd.s32 @!p0 s3, s7;
	s7 =	simm.s32 @!p0 $0x108  }
0x21: {  	s3 =	sadd.s32 s3, s9;
	s6 =	sadd.s32 @!p0 $0x88, s6;
	s7 =	simm.s32 @p2 $0x1082  }
0x22: {  	[simem:s7], [sflag:s8] =	dma.local @!p0 [hbm:s6], $0xF7A  }
0x23: {  	s9 =	sor.u32 $0xD0000000, s2;
	s6 =	simm.s32 $0x108;
	_ =	swait.ge @!p0 [sflag:s8], $0x0  }
0x24: {  	s3 =	sadd.s32 $0x88, s3;
	s6 =	simm.s32 @!p1 $0x1082;
	[sflag:s4] =	ssyncset.s32 $0xFFFFF086  }
0x25: {  	[simem:s6], [sflag:s4] =	dma.local [hbm:s3], $0xF7A  }
0x26: {  	[smem:$0x3F9D] =	sst s1;
	(tag) =	ssettag s2;
	_ =	strace s9  }
0x27: {  	s1 =	sld [smem:$0x3FAD]  }
0x28: {  	s2 =	sld [smem:$0x3FAE]  }
0x29: {  	s4 =	sld [smem:$0x3FB0]  }
0x2a: {  	p0 =	seq.s32 s5, $0x0;
	s5 =	sld [smem:$0x3FB1]  }
0x2b: {  	s6 =	sld [smem:$0x3FB2]  }
0x2c: {  	s7 =	sld [smem:$0x3FB3]  }
0x2d: {  	s3 =	simm.s32 $0x108;
	s8 =	sld [smem:$0x3FB4]  }
0x2e: {  	s3 =	simm.s32 @!p0 $0x1082;
	s9 =	sld [smem:$0x3FB5]  }
0x2f: {  	lr =	sadd.s32 s0, s3;
	s0 =	sld [smem:$0x3FAC]  }
0x30: {  	s3 =	sld [smem:$0x3FAF]  }
0x31: {  	[smem:$0x3FB8] =	sst s10  }
0x32: {  	s10 =	sld [smem:$0x3FB6];
	_ =	sdelay $0x3  }
0x33: {  	p0 =	seq.s32 s10, $0x1;
	s10 =	sld [smem:$0x3FB8];
	_ =	sdelay $0x3  }
0x34: {  	[smem:$0x3FB8] =	sst s10  }
0x35: {  	s10 =	sld [smem:$0x3FB7];
	_ =	sdelay $0x3  }
0x36: {  	p1 =	seq.s32 s10, $0x1;
	s10 =	sld [smem:$0x3FB8];
	_ =	sdelay $0x3  }
0x37: {  	[smem:$0x3FB8] =	sst s10  }
0x38: {  	s10 =	sld [smem:$0x3FB9]  }
0x39: {  	_ = 	snop;
	(pc) =	sbr.ind lr, $3  }
0x3a: {  	_ = 	snop  }
0x3b: {  	_ = 	snop  }
0x3c: {  	p2 =	seq.s32 s10, $0x1;
	s10 =	sld [smem:$0x3FB8]  }
0x3d: {  	_ =	shalt  }
0x3e: {  	_ =	shalt  }
0x3f: {  	_ =	shalt  }
0x40: {  	_ =	shalt  }
0x41: {  	_ =	shalt  }
0x42: {  	_ =	shalt  }
0x43: {  	_ =	shalt  }
0x44: {  	_ =	shalt  }
0x45: {  	_ =	shalt  }
0x46: {  	_ =	shalt  }
0x47: {  	_ =	shalt  }
0x48: {  	_ =	shalt  }
0x49: {  	_ =	shalt  }
0x4a: {  	_ =	shalt  }
0x4b: {  	_ =	shalt  }
0x4c: {  	_ =	shalt  }
0x4d: {  	_ =	shalt  }
0x4e: {  	_ =	shalt  }
0x4f: {  	_ =	shalt  }
0x50: {  	_ =	shalt  }
0x51: {  	_ =	shalt  }
0x52: {  	_ =	shalt  }
0x53: {  	_ =	shalt  }
0x54: {  	_ =	shalt  }
0x55: {  	_ =	shalt  }
0x56: {  	_ =	shalt  }
0x57: {  	_ =	shalt  }
0x58: {  	_ =	shalt  }
0x59: {  	_ =	shalt  }
0x5a: {  	_ =	shalt  }
0x5b: {  	_ =	shalt  }
0x5c: {  	_ =	shalt  }
0x5d: {  	_ =	shalt  }
0x5e: {  	_ =	shalt  }
0x5f: {  	_ =	shalt  }
0x60: {  	_ =	shalt  }
0x61: {  	_ =	shalt  }
0x62: {  	_ =	shalt  }
0x63: {  	_ =	shalt  }
0x64: {  	_ =	shalt  }
0x65: {  	_ =	shalt  }
0x66: {  	_ =	shalt  }
0x67: {  	_ =	shalt  }
0x68: {  	_ =	shalt  }
0x69: {  	_ =	shalt  }
0x6a: {  	_ =	shalt  }
0x6b: {  	_ =	shalt  }
0x6c: {  	_ =	shalt  }
0x6d: {  	_ =	shalt  }
0x6e: {  	_ =	shalt  }
0x6f: {  	_ =	shalt  }
0x70: {  	_ =	shalt  }
0x71: {  	_ =	shalt  }
0x72: {  	_ =	shalt  }
0x73: {  	_ =	shalt  }
0x74: {  	_ =	shalt  }
0x75: {  	_ =	shalt  }
0x76: {  	_ =	shalt  }
0x77: {  	_ =	shalt  }
0x78: {  	_ =	shalt  }
0x79: {  	_ =	shalt  }
0x7a: {  	_ =	shalt  }
0x7b: {  	_ =	shalt  }
0x7c: {  	_ =	shalt  }
0x7d: {  	_ =	shalt  }
0x7e: {  	_ =	shalt  }
0x7f: {  	_ =	shalt  }
0x80: {  	_ =	shalt  }
0x81: {  	_ =	shalt  }
0x82: {  	_ =	shalt  }
0x83: {  	_ =	shalt  }
0x84: {  	_ =	shalt  }
0x85: {  	_ =	shalt  }
0x86: {  	_ =	shalt  }
0x87: {  	_ =	shalt  }
.Lfunc_end0:
.L_simem_size_0:
called_computation_lowered:
.L_overlay_start_0:
0x88: {  	s2 =	sld [smem:$0x3FD9]  }
0x89: {  	s3 =	sld [smem:$0x3FFE];
	_ =	sdelay $0x1  }
0x8a: {  	s1 =	srdreg.scid  }
0x8b: {  	s0 =	sand.u32 $0x1, s1  }
0x8c: {  	s17 =	sshll.u32 s0, $0xA;
	s2 =	sadd.s32 s3, s2  }
0x8d: {  	s2 =	sadd.s32 s2, s17  }
0x8e: {  	[smem:$0x3FC4] =	sst s2  }
0x8f: {  	_ = 	snop  }
0x90: {  	s2 =	sld [smem:$0x3FC8]  }
0x91: {  	s18 =	sld [smem:$0x3FC7]  }
0x92: {  	s4 =	sld [smem:$0x3FC6];
	(tm) =	ssettm $0x1  }
0x93: {  	s5 =	sld [smem:$0x3FFB];
	_ =	sdelay $0x3  }
0x94: {  	_ =	strace s5  }
0x95: {  	s5 =	sld [smem:$0x3FFC];
	_ =	sdelay $0x3  }
0x96: {  	_ =	strace s5  }
0x97: {  	s5 =	sld [smem:$0x3FFD];
	_ =	sdelay $0x3  }
0x98: {  	_ =	strace s5  }
0x99: {  	_ =	strace $0x8FFFFFFF  }
0x9a: {  	s19 =	sld [smem:$0x3FDB];
	_ =	sdelay $0x1  }
0x9b: {  	s6 =	simm.s32 $_scs_section_size  }
0x9c: {  	s7 =	simm.s32 $_size__tile_overlayer_lowered;
	s8 =	simm.s32 $_tile_overlayer_lowered  }
0x9d: {  	s22 =	simm.s32 $0x1BFF;
	s21 =	sshll.u32 s8, $0x1;
	s5 =	sadd.s32 s6, s19  }
0x9e: {  	s9 =	simm.s32 $0x0;
	s20 =	sshll.u32 s7, $0x1;
	s7 =	sadd.s32 s21, s5  }
0x9f: {  	[timem:s9], [sflag:s22] =	dma.local [hbm:s7], s20  }
0xa0: {  	_ =	swait.ge [sflag:s22], s20  }
0xa1: {  	s6 =	ssub.s32 $0x0, s20;
	[sflag:s22] =	ssyncset.done $0x0  }
0xa2: {  	[sflag:s22] =	ssyncadd.s32 s6;
	_ =	sdelay $0x1  }
0xa3: {  	s23 =	simm.s32 $0x1B8B  }
0xa4: {  	_ =	swait.ge [sflag:s23], $0x1  }
0xa5: {  	[sflag:s23] =	ssyncset.done $0x0  }
0xa6: {  	s25 =	simm.s32 $0x1B8E;
	s24 =	sld [smem:$0x3FFE];
	[sflag:s23] =	ssyncadd.s32 $0xFFFFFFFF  }
0xa7: {  	s26 =	simm.s32 $execute0_lowered;
	[smem:$0x3FD2] =	sst s25  }
0xa8: {  	s7 =	sshll.u32 s26, $0x1;
	_ =	strace $0x80000046;
	[dreg:$0x1] =	wrdreg $0xFFFFFFFF  }
0xa9: {  	s28 =	simm.s32 $_size_execute0_lowered;
	s5 =	sadd.s32 s5, s7;
	[dreg:$0x0] =	wrdreg $0x0  }
0xaa: {  	s7 =	sshll.u32 s28, $0x1;
	[dreg:$0x2] =	wrdreg s5  }
0xab: {  	[dreg:$0x3] =	wrdreg s7  }
0xac: {  	[dreg:$0x4] =	wrdreg $0xC0  }
0xad: {  	_ =	task [dreg:s9], $0x5FFFF  }
0xae: {  	[dreg:$0x1] =	wrdreg $0xFFFFFFFF  }
0xaf: {  	[dreg:$0x0] =	wrdreg $0x60  }
0xb0: {  	[dreg:$0x2] =	wrdreg s18  }
0xb1: {  	[dreg:$0x3] =	wrdreg s24  }
0xb2: {  	[dreg:$0x4] =	wrdreg s4  }
0xb3: {  	[dreg:$0x5] =	wrdreg s2  }
0xb4: {  	[dreg:$0x6] =	wrdreg $0x111800  }
0xb5: {  	[dreg:$0x7] =	wrdreg $0x131800  }
0xb6: {  	[dreg:$0x8] =	wrdreg $0x9  }
0xb7: {  	_ =	task.clear_ibuf [dreg:s9], $0x9FFFF;
	_ =	strace $0x90000046  }
0xb8: {  	s29 =	simm.s32 $0x9;
	_ =	strace $0x80000048  }
0xb9: {  	_ =	swait.ge [sflag:s29], $0x1  }
0xba: {  	[sflag:s29] =	ssyncadd.s32 $0xFFFFFFFF  }
0xbb: {  	_ =	strace $0x90000048  }
0xbc: {  	_ =	sfence  }
0xbd: {  	s30 =	sld [smem:$0x0];
	_ =	sdelay $0x2  }
0xbe: {  	s31 =	sshll.u32 s1, $0xD;
	s1 =	sshrl.u32 s1, $0x2  }
0xbf: {  	s3 =	sand.u32 $0x4000, s31;
	s1 =	sadd.s32 s1, s30  }
0xc0: {  	s0 =	sor.u32 s3, s0;
	s1 =	sshll.u32 s1, $0x11  }
0xc1: {  	s0 =	sor.u32 s1, s0  }
0xc2: {  	s0 =	sadd.s32 $0x8F2B, s0  }
0xc3: {  	[sflag:s0] =	ssyncadd.remote.s32 $0x1  }
0xc4: {  	_ =	sfence.sel $0xFFFF  }
0xc5: {  	[dreg:$0x0] =	wrdreg $0xFFFFFFFF;
	(pc) =	sbr.abs _section_cstart, $3  }
0xc6: {  	[dreg:$0x1] =	wrdreg $0xFFFFFFFF  }
0xc7: {  	_ =	task.clear_ibuf [dreg:s9], $0x2FFFF;
	_ =	strace $0x9FFFFFFF  }
0xc8: {  	(tm) =	ssettm $0x7FFFFFFF  }
0xc9: {  	_ =	shalt  }
tec
execute0_lowered:
.L_overlay_start_1:
0x0: {  	(tag) =	ssettag $0x1  }
0x1: {  	s1 =	rddreg [dreg:$0x0]  }
0x2: {  	s5 =	rddreg [dreg:$0x1]  }
0x3: {  	s23 =	rddreg [dreg:$0x2]  }
0x4: {  	s7 =	rddreg [dreg:$0x3]  }
0x5: {  	s2 =	rddreg [dreg:$0x4]  }
0x6: {  	s3 =	rddreg [dreg:$0x5]  }
0x7: {  	s4 =	simm.s32 $0x0;
	s0 =	srdreg.scid;
	s22 =	stileid.u32  }
0x8: {  	[smem:$0x7FF] =	sst s4;
	s24 =	sand.u32 $0x1, s0;
	s28 =	sshll.u32 s22, $0x1  }
0x9: {  	s6 =	sshll.u32 s22, $0xA;
	s9 =	sadd.s32 $0x4E00, s5;
	_ =	strace $0x80000047  }
0xa: {  	s0 =	sor.u32 s24, s28;
	s10 =	sadd.s32 s6, s5;
	[dreg:$0x7] =	wrdreg s9  }
0xb: {  	s8 =	sshll.u32 s0, $0x9;
	s29 =	sadd.s32 $0x9600, s10;
	s6 =	sshll.u32 s0, $0x4  }
0xc: {  	s30 =	sadd.s32 $0x5600, s10;
	s10 =	sshll.u32 s0, $0xB;
	[dreg:$0x8] =	wrdreg s29  }
0xd: {  	s8 =	sadd.s32 s8, s5;
	[dreg:$0x9] =	wrdreg s30;
	s7 =	sadd.s32 s7, s6  }
0xe: {  	s10 =	sadd.s32 s1, s10;
	s8 =	sadd.s32 $0xE00, s8;
	[dreg:$0xb] =	wrdreg s7  }
0xf: {  	s11 =	sadd.s32 $0x10000, s10;
	[dreg:$0xa] =	wrdreg s8  }
0x10: {  	s12 =	sadd.s32 $0x20000, s10;
	[dreg:$0xc] =	wrdreg s11  }
0x11: {  	s13 =	sadd.s32 $0x30000, s10;
	[dreg:$0xd] =	wrdreg s12  }
0x12: {  	s14 =	sadd.s32 $0x40000, s10;
	[dreg:$0xe] =	wrdreg s13  }
0x13: {  	s15 =	sadd.s32 $0x50000, s10;
	[dreg:$0xf] =	wrdreg s14  }
0x14: {  	s16 =	sadd.s32 $0x60000, s10;
	[dreg:$0x10] =	wrdreg s15  }
0x15: {  	s17 =	sadd.s32 $0x70000, s10;
	[dreg:$0x11] =	wrdreg s16  }
0x16: {  	s18 =	sadd.s32 $0x80000, s10;
	[dreg:$0x12] =	wrdreg s17  }
0x17: {  	s19 =	sadd.s32 $0x90000, s10;
	[dreg:$0x13] =	wrdreg s18  }
0x18: {  	s20 =	sadd.s32 $0xA0000, s10;
	[dreg:$0x14] =	wrdreg s19  }
0x19: {  	s21 =	sadd.s32 $0xB0000, s10;
	[dreg:$0x15] =	wrdreg s20  }
0x1a: {  	s25 =	sadd.s32 $0xC0000, s10;
	[dreg:$0x16] =	wrdreg s21  }
0x1b: {  	s26 =	sadd.s32 $0xD0000, s10;
	[dreg:$0x17] =	wrdreg s25  }
0x1c: {  	s28 =	sadd.s32 $0xE0000, s10;
	[dreg:$0x18] =	wrdreg s26  }
0x1d: {  	s29 =	sadd.s32 $0xF0000, s10;
	[dreg:$0x19] =	wrdreg s28  }
0x1e: {  	s30 =	sadd.s32 $0x100000, s10;
	[dreg:$0x1a] =	wrdreg s29  }
0x1f: {  	s9 =	sadd.s32 $0x120000, s10;
	[dreg:$0x1b] =	wrdreg s30  }
0x20: {  	[dreg:$0x1d] =	wrdreg s9  }
0x21: {  	s8 =	sadd.s32 $0x110000, s10;
	s30 =	rddreg [dreg:$0x8]  }
0x22: {  	s11 =	sadd.s32 $0x130000, s10;
	[dreg:$0x1c] =	wrdreg s8  }
0x23: {  	s12 =	sadd.s32 $0x140000, s10;
	s13 =	sadd.s32 $0x150000, s10;
	[dreg:$0x1e] =	wrdreg s11  }
0x24: {  	s14 =	smin.u32 s0, $0xC;
	s15 =	sadd.s32 $0x160000, s10;
	[dreg:$0x1f] =	wrdreg s12  }
0x25: {  	s16 =	sadd.s32 $0x170000, s10;
	s17 =	sshll.u32 s24, $0xE;
	[smem:$0x7F5] =	sst s13  }
0x26: {  	s20 =	sadd.s32 $0x30D0, s23;
	s8 =	sshll.u32 s14, $0xB;
	[smem:$0x7F6] =	sst s15  }
0x27: {  	[smem:$0x7F7] =	sst s16;
	s19 =	sadd.s32 s17, s5;
	s5 =	sadd.s32 s6, s5  }
0x28: {  	[smem:$0x7FA] =	sst s20;
	s8 =	sadd.s32 s8, s1;
	s1 =	sadd.s32 $0x186800, s1  }
0x29: {  	s21 =	sshll.u32 s22, $0xD;
	s25 =	sadd.s32 $0xD600, s5;
	[smem:$0x7F9] =	sst s1  }
0x2a: {  	s26 =	sadd.s32 s21, s2;
	s28 =	sadd.s32 $0xD800, s19;
	[smem:$0x7FB] =	sst s25  }
0x2b: {  	s29 =	sshrl.u32 s26, $0x3;
	[smem:$0x7FC] =	sst s28  }
0x2c: {  	s11 =	sadd.s32 $0x15800, s19;
	[smem:$0x7F2] =	sst s29  }
0x2d: {  	s9 =	sadd.s32 s21, s3;
	[smem:$0x7FD] =	sst s11  }
0x2e: {  	s5 =	sshrl.u32 s9, $0x3;
	s12 =	sld [smem:$0x7F2]  }
0x2f: {  	s13 =	sshll.u32 s22, $0x6;
	s18 =	sadd.s32 $0x180000, s8;
	[smem:$0x7F3] =	sst s5  }
0x30: {  	s7 =	simm.s32 $0x8;
	s6 =	sor.u32 $0x1C08, s13;
	[smem:$0x7F8] =	sst s18  }
0x31: {  	[spmem:s12], [sflag:s6] =	dma.local [hbm:s30], $0x400  }
0x32: {  	_ =	swait.ge [sflag:s7], $0x400  }
0x33: {  	s15 =	sld [smem:$0x7F3]  }
0x34: {  	[sflag:s7] =	ssyncset.done $0x0  }
0x35: {  	s14 =	rddreg [dreg:$0x9];
	[sflag:s7] =	ssyncadd.s32 $0xFFFFFC00  }
0x36: {  	[spmem:s15], [sflag:s6] =	dma.local [hbm:s14], $0x400  }
0x37: {  	_ =	swait.ge [sflag:s7], $0x400  }
0x38: {  	[sflag:s7] =	ssyncset.done $0x0  }
0x39: {  	s8 =	simm.s32 $0xD080;
	s16 =	rddreg [dreg:$0x7];
	[sflag:s7] =	ssyncadd.s32 $0xFFFFFC00  }
0x3a: {  	[tilespmem:s8], [sflag:$0x8] =	stream.linear.gather [hbm4b:s16+s4], $0x4000, $0x38;
	[tilespmem:$0x13580] =	vst v63  }
0x3b: {  	_ =	swait.ge [sflag:s7], $0x4000  }
0x3c: {  	[sflag:s7] =	ssyncset.done $0x0  }
0x3d: {  	s9 =	simm.s32 $0xC000;
	s17 =	rddreg [dreg:$0xa];
	[sflag:s7] =	ssyncadd.s32 $0xFFFFC000  }
0x3e: {  	[tilespmem:s9], [sflag:$0x8] =	stream.linear.gather [hbm4b:s17+s4], $0xC80, $0x38;
	[tilespmem:$0x13580] =	vst v63  }
0x3f: {  	_ =	swait.ge [sflag:s7], $0xC80  }
0x40: {  	[sflag:s7] =	ssyncset.done $0x0  }
0x41: {  	s25 =	simm.s32 $0x11080;
	s18 =	rddreg [dreg:$0xb];
	[sflag:s7] =	ssyncadd.s32 $0xFFFFF380  }
0x42: {  	[tilespmem:s25], [sflag:$0x8] =	stream.linear.gather [hbm4b:s18+s4], $0x80, $0x38;
	[tilespmem:$0x13580] =	vst v63  }
0x43: {  	_ =	swait.ge [sflag:s7], $0x80  }
0x44: {  	[sflag:s7] =	ssyncset.done $0x0  }
0x45: {  	s19 =	rddreg [dreg:$0xc];
	[sflag:s7] =	ssyncadd.s32 $0xFFFFFF80  }
0x46: {  	[tilespmem:s4], [sflag:$0x1] =	stream.linear.gather [hbm4b:s10+s4], $0x4000, $0x38;
	[tilespmem:$0x13580] =	vst v63  }
0x47: {  	s11 =	simm.s32 $0x4000;
	[smem:$0x7F4] =	sst s10  }
0x48: {  	[tilespmem:s11], [sflag:$0x2] =	stream.linear.gather [hbm4b:s19+s4], $0x4000, $0x38;
	[tilespmem:$0x13580] =	vst v63  }
0x49: {  	s12 =	simm.s32 $0x8000;
	s20 =	rddreg [dreg:$0xd]  }
0x4a: {  	[tilespmem:s12], [sflag:$0x3] =	stream.linear.gather [hbm4b:s20+s4], $0x4000, $0x38;
	[tilespmem:$0x13580] =	vst v63  }
0x4b: {  	s13 =	simm.s32 $0x1;
	[bflag:$0x0] =	sbarrier.arrive $0xFFFF  }
0x4c: {  	_ =	swait.ge [sflag:s13], $0x4000  }
0x4d: {  	[sflag:s13] =	ssyncset.done $0x0  }
0x4e: {  	s14 =	simm.s32 $0x80;
	[sflag:s13] =	ssyncadd.s32 $0xFFFFC000  }
0x4f: {  	[spmem:s2] =	stream.indirect.scatter.add.f32 [tilespmem:s4], [sflag:$0x4], $0x80, s9, s14, $0xb8;
	[tilespmem:$0x13580] =	vst v63  }
0x50: {  	s15 =	simm.s32 $0x4  }
0x51: {  	[spmem:s3] =	stream.indirect.scatter.add.f32 [tilespmem:s8], [sflag:$0x6], $0x10, s9, s14, $0xb8;
	[tilespmem:$0x13580] =	vst v63  }
0x52: {  	_ =	swait.ge [sflag:s15], $0x4000  }
0x53: {  	[sflag:s15] =	ssyncset.done $0x0  }
0x54: {  	s16 =	simm.s32 $0x6;
	[sflag:s15] =	ssyncadd.s32 $0xFFFFC000  }
0x55: {  	_ =	swait.ge [sflag:s16], $0x800  }
0x56: {  	[sflag:s16] =	ssyncset.done $0x0  }
0x57: {  	s17 =	simm.s32 $0x2;
	s21 =	rddreg [dreg:$0xe];
	[sflag:s16] =	ssyncadd.s32 $0xFFFFF800  }
0x58: {  	[tilespmem:s4], [sflag:$0x1] =	stream.linear.gather [hbm4b:s21+s4], $0x4000, $0x38;
	[tilespmem:$0x13580] =	vst v63  }
0x59: {  	_ =	swait.ge [sflag:s17], $0x4000  }
0x5a: {  	[sflag:s17] =	ssyncset.done $0x0  }
0x5b: {  	s26 =	simm.s32 $0xC080;
	[sflag:s17] =	ssyncadd.s32 $0xFFFFC000  }
0x5c: {  	[spmem:s2] =	stream.indirect.scatter.add.f32 [tilespmem:s11], [sflag:$0x5], $0x80, s26, s14, $0xb8;
	[tilespmem:$0x13580] =	vst v63  }
0x5d: {  	s19 =	simm.s32 $0x5  }
0x5e: {  	[spmem:s3] =	stream.indirect.scatter.add.f32 [tilespmem:s8], [sflag:$0x7], $0x10, s26, s14, $0xb8;
	[tilespmem:$0x13580] =	vst v63  }
0x5f: {  	_ =	swait.ge [sflag:s19], $0x4000  }
0x60: {  	[sflag:s19] =	ssyncset.done $0x0  }
0x61: {  	s20 =	simm.s32 $0x7;
	[sflag:s19] =	ssyncadd.s32 $0xFFFFC000  }
0x62: {  	_ =	swait.ge [sflag:s20], $0x800  }
0x63: {  	[sflag:s20] =	ssyncset.done $0x0  }
0x64: {  	s21 =	simm.s32 $0x3;
	s28 =	rddreg [dreg:$0xf];
	[sflag:s20] =	ssyncadd.s32 $0xFFFFF800  }
0x65: {  	[tilespmem:s11], [sflag:$0x2] =	stream.linear.gather [hbm4b:s28+s4], $0x4000, $0x38;
	[tilespmem:$0x13580] =	vst v63  }
0x66: {  	_ =	swait.ge [sflag:s21], $0x4000  }
0x67: {  	[sflag:s21] =	ssyncset.done $0x0  }
0x68: {  	s29 =	simm.s32 $0xC100;
	[sflag:s21] =	ssyncadd.s32 $0xFFFFC000  }
0x69: {  	[spmem:s2] =	stream.indirect.scatter.add.f32 [tilespmem:s12], [sflag:$0x6], $0x80, s29, s14, $0xb8;
	[tilespmem:$0x13580] =	vst v63  }
0x6a: {  	_ = 	snop  }
0x6b: {  	[spmem:s3] =	stream.indirect.scatter.add.f32 [tilespmem:s8], [sflag:$0x8], $0x10, s29, s14, $0xb8;
	[tilespmem:$0x13580] =	vst v63  }
0x6c: {  	_ =	swait.ge [sflag:s16], $0x4000  }
0x6d: {  	[sflag:s16] =	ssyncset.done $0x0  }
0x6e: {  	[sflag:s16] =	ssyncadd.s32 $0xFFFFC000  }
0x6f: {  	_ =	swait.ge [sflag:s7], $0x800  }
0x70: {  	[sflag:s7] =	ssyncset.done $0x0  }
0x71: {  	s30 =	rddreg [dreg:$0x10];
	[sflag:s7] =	ssyncadd.s32 $0xFFFFF800  }
0x72: {  	[tilespmem:s12], [sflag:$0x3] =	stream.linear.gather [hbm4b:s30+s4], $0x4000, $0x38;
	[tilespmem:$0x13580] =	vst v63  }
0x73: {  	_ =	swait.ge [sflag:s13], $0x4000  }
0x74: {  	[sflag:s13] =	ssyncset.done $0x0  }
0x75: {  	s5 =	simm.s32 $0xC180;
	[sflag:s13] =	ssyncadd.s32 $0xFFFFC000  }
0x76: {  	[spmem:s2] =	stream.indirect.scatter.add.f32 [tilespmem:s4], [sflag:$0x4], $0x80, s5, s14, $0xb8;
	[tilespmem:$0x13580] =	vst v63  }
0x77: {  	_ = 	snop  }
0x78: {  	[spmem:s3] =	stream.indirect.scatter.add.f32 [tilespmem:s8], [sflag:$0x6], $0x10, s5, s14, $0xb8;
	[tilespmem:$0x13580] =	vst v63  }
0x79: {  	_ =	swait.ge [sflag:s15], $0x4000  }
0x7a: {  	[sflag:s15] =	ssyncset.done $0x0  }
0x7b: {  	[sflag:s15] =	ssyncadd.s32 $0xFFFFC000  }
0x7c: {  	_ =	swait.ge [sflag:s16], $0x800  }
0x7d: {  	[sflag:s16] =	ssyncset.done $0x0  }
0x7e: {  	s10 =	rddreg [dreg:$0x11];
	[sflag:s16] =	ssyncadd.s32 $0xFFFFF800  }
0x7f: {  	[tilespmem:s4], [sflag:$0x1] =	stream.linear.gather [hbm4b:s10+s4], $0x4000, $0x38;
	[tilespmem:$0x13580] =	vst v63  }
0x80: {  	_ =	swait.ge [sflag:s17], $0x4000  }
0x81: {  	[sflag:s17] =	ssyncset.done $0x0  }
0x82: {  	s18 =	simm.s32 $0xC200;
	[sflag:s17] =	ssyncadd.s32 $0xFFFFC000  }
0x83: {  	[spmem:s2] =	stream.indirect.scatter.add.f32 [tilespmem:s11], [sflag:$0x5], $0x80, s18, s14, $0xb8;
	[tilespmem:$0x13580] =	vst v63  }
0x84: {  	_ = 	snop  }
0x85: {  	[spmem:s3] =	stream.indirect.scatter.add.f32 [tilespmem:s8], [sflag:$0x7], $0x10, s18, s14, $0xb8;
	[tilespmem:$0x13580] =	vst v63  }
0x86: {  	_ =	swait.ge [sflag:s19], $0x4000  }
0x87: {  	[sflag:s19] =	ssyncset.done $0x0  }
0x88: {  	[sflag:s19] =	ssyncadd.s32 $0xFFFFC000  }
0x89: {  	_ =	swait.ge [sflag:s20], $0x800  }
0x8a: {  	[sflag:s20] =	ssyncset.done $0x0  }
0x8b: {  	s26 =	rddreg [dreg:$0x12];
	[sflag:s20] =	ssyncadd.s32 $0xFFFFF800  }
0x8c: {  	[tilespmem:s11], [sflag:$0x2] =	stream.linear.gather [hbm4b:s26+s4], $0x4000, $0x38;
	[tilespmem:$0x13580] =	vst v63  }
0x8d: {  	_ =	swait.ge [sflag:s21], $0x4000  }
0x8e: {  	[sflag:s21] =	ssyncset.done $0x0  }
0x8f: {  	s28 =	simm.s32 $0xC280;
	[sflag:s21] =	ssyncadd.s32 $0xFFFFC000  }
0x90: {  	[spmem:s2] =	stream.indirect.scatter.add.f32 [tilespmem:s12], [sflag:$0x6], $0x80, s28, s14, $0xb8;
	[tilespmem:$0x13580] =	vst v63  }
0x91: {  	_ = 	snop  }
0x92: {  	[spmem:s3] =	stream.indirect.scatter.add.f32 [tilespmem:s8], [sflag:$0x8], $0x10, s28, s14, $0xb8;
	[tilespmem:$0x13580] =	vst v63  }
0x93: {  	_ =	swait.ge [sflag:s16], $0x4000  }
0x94: {  	[sflag:s16] =	ssyncset.done $0x0  }
0x95: {  	[sflag:s16] =	ssyncadd.s32 $0xFFFFC000  }
0x96: {  	_ =	swait.ge [sflag:s7], $0x800  }
0x97: {  	[sflag:s7] =	ssyncset.done $0x0  }
0x98: {  	s29 =	rddreg [dreg:$0x13];
	[sflag:s7] =	ssyncadd.s32 $0xFFFFF800  }
0x99: {  	[tilespmem:s12], [sflag:$0x3] =	stream.linear.gather [hbm4b:s29+s4], $0x4000, $0x38;
	[tilespmem:$0x13580] =	vst v63  }
0x9a: {  	_ =	swait.ge [sflag:s13], $0x4000  }
0x9b: {  	[sflag:s13] =	ssyncset.done $0x0  }
0x9c: {  	s30 =	simm.s32 $0xC300;
	[sflag:s13] =	ssyncadd.s32 $0xFFFFC000  }
0x9d: {  	[spmem:s2] =	stream.indirect.scatter.add.f32 [tilespmem:s4], [sflag:$0x4], $0x80, s30, s14, $0xb8;
	[tilespmem:$0x13580] =	vst v63  }
0x9e: {  	_ = 	snop  }
0x9f: {  	[spmem:s3] =	stream.indirect.scatter.add.f32 [tilespmem:s8], [sflag:$0x6], $0x10, s30, s14, $0xb8;
	[tilespmem:$0x13580] =	vst v63  }
0xa0: {  	_ =	swait.ge [sflag:s15], $0x4000  }
0xa1: {  	[sflag:s15] =	ssyncset.done $0x0  }
0xa2: {  	[sflag:s15] =	ssyncadd.s32 $0xFFFFC000  }
0xa3: {  	_ =	swait.ge [sflag:s16], $0x800  }
0xa4: {  	[sflag:s16] =	ssyncset.done $0x0  }
0xa5: {  	s5 =	rddreg [dreg:$0x14];
	[sflag:s16] =	ssyncadd.s32 $0xFFFFF800  }
0xa6: {  	[tilespmem:s4], [sflag:$0x1] =	stream.linear.gather [hbm4b:s5+s4], $0x4000, $0x38;
	[tilespmem:$0x13580] =	vst v63  }
0xa7: {  	_ =	swait.ge [sflag:s17], $0x4000  }
0xa8: {  	[sflag:s17] =	ssyncset.done $0x0  }
0xa9: {  	s10 =	simm.s32 $0xC380;
	[sflag:s17] =	ssyncadd.s32 $0xFFFFC000  }
0xaa: {  	[spmem:s2] =	stream.indirect.scatter.add.f32 [tilespmem:s11], [sflag:$0x5], $0x80, s10, s14, $0xb8;
	[tilespmem:$0x13580] =	vst v63  }
0xab: {  	_ = 	snop  }
0xac: {  	[spmem:s3] =	stream.indirect.scatter.add.f32 [tilespmem:s8], [sflag:$0x7], $0x10, s10, s14, $0xb8;
	[tilespmem:$0x13580] =	vst v63  }
0xad: {  	_ =	swait.ge [sflag:s19], $0x4000  }
0xae: {  	[sflag:s19] =	ssyncset.done $0x0  }
0xaf: {  	[sflag:s19] =	ssyncadd.s32 $0xFFFFC000  }
0xb0: {  	_ =	swait.ge [sflag:s20], $0x800  }
0xb1: {  	[sflag:s20] =	ssyncset.done $0x0  }
0xb2: {  	s18 =	rddreg [dreg:$0x15];
	[sflag:s20] =	ssyncadd.s32 $0xFFFFF800  }
0xb3: {  	[tilespmem:s11], [sflag:$0x2] =	stream.linear.gather [hbm4b:s18+s4], $0x4000, $0x38;
	[tilespmem:$0x13580] =	vst v63  }
0xb4: {  	_ =	swait.ge [sflag:s21], $0x4000  }
0xb5: {  	[sflag:s21] =	ssyncset.done $0x0  }
0xb6: {  	s26 =	simm.s32 $0xC400;
	[sflag:s21] =	ssyncadd.s32 $0xFFFFC000  }
0xb7: {  	[spmem:s2] =	stream.indirect.scatter.add.f32 [tilespmem:s12], [sflag:$0x6], $0x80, s26, s14, $0xb8;
	[tilespmem:$0x13580] =	vst v63  }
0xb8: {  	_ = 	snop  }
0xb9: {  	[spmem:s3] =	stream.indirect.scatter.add.f32 [tilespmem:s8], [sflag:$0x8], $0x10, s26, s14, $0xb8;
	[tilespmem:$0x13580] =	vst v63  }
0xba: {  	_ =	swait.ge [sflag:s16], $0x4000  }
0xbb: {  	[sflag:s16] =	ssyncset.done $0x0  }
0xbc: {  	[sflag:s16] =	ssyncadd.s32 $0xFFFFC000  }
0xbd: {  	_ =	swait.ge [sflag:s7], $0x800  }
0xbe: {  	[sflag:s7] =	ssyncset.done $0x0  }
0xbf: {  	s28 =	rddreg [dreg:$0x16];
	[sflag:s7] =	ssyncadd.s32 $0xFFFFF800  }
0xc0: {  	[tilespmem:s12], [sflag:$0x3] =	stream.linear.gather [hbm4b:s28+s4], $0x4000, $0x38;
	[tilespmem:$0x13580] =	vst v63  }
0xc1: {  	_ =	swait.ge [sflag:s13], $0x4000  }
0xc2: {  	[sflag:s13] =	ssyncset.done $0x0  }
0xc3: {  	s29 =	simm.s32 $0xC480;
	[sflag:s13] =	ssyncadd.s32 $0xFFFFC000  }
0xc4: {  	[spmem:s2] =	stream.indirect.scatter.add.f32 [tilespmem:s4], [sflag:$0x4], $0x80, s29, s14, $0xb8;
	[tilespmem:$0x13580] =	vst v63  }
0xc5: {  	_ = 	snop  }
0xc6: {  	[spmem:s3] =	stream.indirect.scatter.add.f32 [tilespmem:s8], [sflag:$0x6], $0x10, s29, s14, $0xb8;
	[tilespmem:$0x13580] =	vst v63  }
0xc7: {  	_ =	swait.ge [sflag:s15], $0x4000  }
0xc8: {  	[sflag:s15] =	ssyncset.done $0x0  }
0xc9: {  	[sflag:s15] =	ssyncadd.s32 $0xFFFFC000  }
0xca: {  	_ =	swait.ge [sflag:s16], $0x800  }
0xcb: {  	[sflag:s16] =	ssyncset.done $0x0  }
0xcc: {  	s30 =	rddreg [dreg:$0x17];
	[sflag:s16] =	ssyncadd.s32 $0xFFFFF800  }
0xcd: {  	[tilespmem:s4], [sflag:$0x1] =	stream.linear.gather [hbm4b:s30+s4], $0x4000, $0x38;
	[tilespmem:$0x13580] =	vst v63  }
0xce: {  	_ =	swait.ge [sflag:s17], $0x4000  }
0xcf: {  	[sflag:s17] =	ssyncset.done $0x0  }
0xd0: {  	s5 =	simm.s32 $0xC500;
	[sflag:s17] =	ssyncadd.s32 $0xFFFFC000  }
0xd1: {  	[spmem:s2] =	stream.indirect.scatter.add.f32 [tilespmem:s11], [sflag:$0x5], $0x80, s5, s14, $0xb8;
	[tilespmem:$0x13580] =	vst v63  }
0xd2: {  	_ = 	snop  }
0xd3: {  	[spmem:s3] =	stream.indirect.scatter.add.f32 [tilespmem:s8], [sflag:$0x7], $0x10, s5, s14, $0xb8;
	[tilespmem:$0x13580] =	vst v63  }
0xd4: {  	_ =	swait.ge [sflag:s19], $0x4000  }
0xd5: {  	[sflag:s19] =	ssyncset.done $0x0  }
0xd6: {  	[sflag:s19] =	ssyncadd.s32 $0xFFFFC000  }
0xd7: {  	_ =	swait.ge [sflag:s20], $0x800  }
0xd8: {  	[sflag:s20] =	ssyncset.done $0x0  }
0xd9: {  	s10 =	rddreg [dreg:$0x18];
	[sflag:s20] =	ssyncadd.s32 $0xFFFFF800  }
0xda: {  	[tilespmem:s11], [sflag:$0x2] =	stream.linear.gather [hbm4b:s10+s4], $0x4000, $0x38;
	[tilespmem:$0x13580] =	vst v63  }
0xdb: {  	_ =	swait.ge [sflag:s21], $0x4000  }
0xdc: {  	[sflag:s21] =	ssyncset.done $0x0  }
0xdd: {  	s18 =	simm.s32 $0xC580;
	[sflag:s21] =	ssyncadd.s32 $0xFFFFC000  }
0xde: {  	[spmem:s2] =	stream.indirect.scatter.add.f32 [tilespmem:s12], [sflag:$0x6], $0x80, s18, s14, $0xb8;
	[tilespmem:$0x13580] =	vst v63  }
0xdf: {  	_ = 	snop  }
0xe0: {  	[spmem:s3] =	stream.indirect.scatter.add.f32 [tilespmem:s8], [sflag:$0x8], $0x10, s18, s14, $0xb8;
	[tilespmem:$0x13580] =	vst v63  }
0xe1: {  	_ =	swait.ge [sflag:s16], $0x4000  }
0xe2: {  	[sflag:s16] =	ssyncset.done $0x0  }
0xe3: {  	[sflag:s16] =	ssyncadd.s32 $0xFFFFC000  }
0xe4: {  	_ =	swait.ge [sflag:s7], $0x800  }
0xe5: {  	[sflag:s7] =	ssyncset.done $0x0  }
0xe6: {  	s26 =	rddreg [dreg:$0x19];
	[sflag:s7] =	ssyncadd.s32 $0xFFFFF800  }
0xe7: {  	[tilespmem:s12], [sflag:$0x3] =	stream.linear.gather [hbm4b:s26+s4], $0x4000, $0x38;
	[tilespmem:$0x13580] =	vst v63  }
0xe8: {  	_ =	swait.ge [sflag:s13], $0x4000  }
0xe9: {  	[sflag:s13] =	ssyncset.done $0x0  }
0xea: {  	s28 =	simm.s32 $0xC600;
	[sflag:s13] =	ssyncadd.s32 $0xFFFFC000  }
0xeb: {  	[spmem:s2] =	stream.indirect.scatter.add.f32 [tilespmem:s4], [sflag:$0x4], $0x80, s28, s14, $0xb8;
	[tilespmem:$0x13580] =	vst v63  }
0xec: {  	_ = 	snop  }
0xed: {  	[spmem:s3] =	stream.indirect.scatter.add.f32 [tilespmem:s8], [sflag:$0x6], $0x10, s28, s14, $0xb8;
	[tilespmem:$0x13580] =	vst v63  }
0xee: {  	_ =	swait.ge [sflag:s15], $0x4000  }
0xef: {  	[sflag:s15] =	ssyncset.done $0x0  }
0xf0: {  	[sflag:s15] =	ssyncadd.s32 $0xFFFFC000  }
0xf1: {  	_ =	swait.ge [sflag:s16], $0x800  }
0xf2: {  	[sflag:s16] =	ssyncset.done $0x0  }
0xf3: {  	s29 =	rddreg [dreg:$0x1a];
	[sflag:s16] =	ssyncadd.s32 $0xFFFFF800  }
0xf4: {  	[tilespmem:s4], [sflag:$0x1] =	stream.linear.gather [hbm4b:s29+s4], $0x4000, $0x38;
	[tilespmem:$0x13580] =	vst v63  }
0xf5: {  	_ =	swait.ge [sflag:s17], $0x4000  }
0xf6: {  	[sflag:s17] =	ssyncset.done $0x0  }
0xf7: {  	s30 =	simm.s32 $0xC680;
	[sflag:s17] =	ssyncadd.s32 $0xFFFFC000  }
0xf8: {  	[spmem:s2] =	stream.indirect.scatter.add.f32 [tilespmem:s11], [sflag:$0x5], $0x80, s30, s14, $0xb8;
	[tilespmem:$0x13580] =	vst v63  }
0xf9: {  	_ = 	snop  }
0xfa: {  	[spmem:s3] =	stream.indirect.scatter.add.f32 [tilespmem:s8], [sflag:$0x7], $0x10, s30, s14, $0xb8;
	[tilespmem:$0x13580] =	vst v63  }
0xfb: {  	_ =	swait.ge [sflag:s19], $0x4000  }
0xfc: {  	[sflag:s19] =	ssyncset.done $0x0  }
0xfd: {  	[sflag:s19] =	ssyncadd.s32 $0xFFFFC000  }
0xfe: {  	_ =	swait.ge [sflag:s20], $0x800  }
0xff: {  	[sflag:s20] =	ssyncset.done $0x0  }
0x100: {  	s5 =	rddreg [dreg:$0x1b];
	[sflag:s20] =	ssyncadd.s32 $0xFFFFF800  }
0x101: {  	[tilespmem:s11], [sflag:$0x2] =	stream.linear.gather [hbm4b:s5+s4], $0x4000, $0x38;
	[tilespmem:$0x13580] =	vst v63  }
0x102: {  	_ =	swait.ge [sflag:s21], $0x4000  }
0x103: {  	[sflag:s21] =	ssyncset.done $0x0  }
0x104: {  	s10 =	simm.s32 $0xC700;
	[sflag:s21] =	ssyncadd.s32 $0xFFFFC000  }
0x105: {  	[spmem:s2] =	stream.indirect.scatter.add.f32 [tilespmem:s12], [sflag:$0x6], $0x80, s10, s14, $0xb8;
	[tilespmem:$0x13580] =	vst v63  }
0x106: {  	_ = 	snop  }
0x107: {  	[spmem:s3] =	stream.indirect.scatter.add.f32 [tilespmem:s8], [sflag:$0x8], $0x10, s10, s14, $0xb8;
	[tilespmem:$0x13580] =	vst v63  }
0x108: {  	_ =	swait.ge [sflag:s16], $0x4000  }
0x109: {  	[sflag:s16] =	ssyncset.done $0x0  }
0x10a: {  	[sflag:s16] =	ssyncadd.s32 $0xFFFFC000  }
0x10b: {  	_ =	swait.ge [sflag:s7], $0x800  }
0x10c: {  	[sflag:s7] =	ssyncset.done $0x0  }
0x10d: {  	s18 =	rddreg [dreg:$0x1c];
	[sflag:s7] =	ssyncadd.s32 $0xFFFFF800  }
0x10e: {  	[tilespmem:s12], [sflag:$0x3] =	stream.linear.gather [hbm4b:s18+s4], $0x4000, $0x38;
	[tilespmem:$0x13580] =	vst v63  }
0x10f: {  	_ =	swait.ge [sflag:s13], $0x4000  }
0x110: {  	[sflag:s13] =	ssyncset.done $0x0  }
0x111: {  	s26 =	simm.s32 $0xC780;
	[sflag:s13] =	ssyncadd.s32 $0xFFFFC000  }
0x112: {  	[spmem:s2] =	stream.indirect.scatter.add.f32 [tilespmem:s4], [sflag:$0x4], $0x80, s26, s14, $0xb8;
	[tilespmem:$0x13580] =	vst v63  }
0x113: {  	_ = 	snop  }
0x114: {  	[spmem:s3] =	stream.indirect.scatter.add.f32 [tilespmem:s8], [sflag:$0x6], $0x10, s26, s14, $0xb8;
	[tilespmem:$0x13580] =	vst v63  }
0x115: {  	_ =	swait.ge [sflag:s15], $0x4000  }
0x116: {  	[sflag:s15] =	ssyncset.done $0x0  }
0x117: {  	[sflag:s15] =	ssyncadd.s32 $0xFFFFC000  }
0x118: {  	_ =	swait.ge [sflag:s16], $0x800  }
0x119: {  	[sflag:s16] =	ssyncset.done $0x0  }
0x11a: {  	s28 =	rddreg [dreg:$0x1d];
	[sflag:s16] =	ssyncadd.s32 $0xFFFFF800  }
0x11b: {  	[tilespmem:s4], [sflag:$0x1] =	stream.linear.gather [hbm4b:s28+s4], $0x4000, $0x38;
	[tilespmem:$0x13580] =	vst v63  }
0x11c: {  	_ =	swait.ge [sflag:s17], $0x4000  }
0x11d: {  	[sflag:s17] =	ssyncset.done $0x0  }
0x11e: {  	s29 =	simm.s32 $0xC800;
	[sflag:s17] =	ssyncadd.s32 $0xFFFFC000  }
0x11f: {  	[spmem:s2] =	stream.indirect.scatter.add.f32 [tilespmem:s11], [sflag:$0x5], $0x80, s29, s14, $0xb8;
	[tilespmem:$0x13580] =	vst v63  }
0x120: {  	_ = 	snop  }
0x121: {  	[spmem:s3] =	stream.indirect.scatter.add.f32 [tilespmem:s8], [sflag:$0x7], $0x10, s29, s14, $0xb8;
	[tilespmem:$0x13580] =	vst v63  }
0x122: {  	_ =	swait.ge [sflag:s19], $0x4000  }
0x123: {  	[sflag:s19] =	ssyncset.done $0x0  }
0x124: {  	[sflag:s19] =	ssyncadd.s32 $0xFFFFC000  }
0x125: {  	_ =	swait.ge [sflag:s20], $0x800  }
0x126: {  	[sflag:s20] =	ssyncset.done $0x0  }
0x127: {  	s30 =	rddreg [dreg:$0x1e];
	[sflag:s20] =	ssyncadd.s32 $0xFFFFF800  }
0x128: {  	[tilespmem:s11], [sflag:$0x2] =	stream.linear.gather [hbm4b:s30+s4], $0x4000, $0x38;
	[tilespmem:$0x13580] =	vst v63  }
0x129: {  	_ =	swait.ge [sflag:s21], $0x4000  }
0x12a: {  	[sflag:s21] =	ssyncset.done $0x0  }
0x12b: {  	s5 =	simm.s32 $0xC880;
	[sflag:s21] =	ssyncadd.s32 $0xFFFFC000  }
0x12c: {  	[spmem:s2] =	stream.indirect.scatter.add.f32 [tilespmem:s12], [sflag:$0x6], $0x80, s5, s14, $0xb8;
	[tilespmem:$0x13580] =	vst v63  }
0x12d: {  	_ = 	snop  }
0x12e: {  	[spmem:s3] =	stream.indirect.scatter.add.f32 [tilespmem:s8], [sflag:$0x8], $0x10, s5, s14, $0xb8;
	[tilespmem:$0x13580] =	vst v63  }
0x12f: {  	_ =	swait.ge [sflag:s16], $0x4000  }
0x130: {  	[sflag:s16] =	ssyncset.done $0x0  }
0x131: {  	[sflag:s16] =	ssyncadd.s32 $0xFFFFC000  }
0x132: {  	_ =	swait.ge [sflag:s7], $0x800  }
0x133: {  	[sflag:s7] =	ssyncset.done $0x0  }
0x134: {  	s10 =	rddreg [dreg:$0x1f];
	[sflag:s7] =	ssyncadd.s32 $0xFFFFF800  }
0x135: {  	[tilespmem:s12], [sflag:$0x3] =	stream.linear.gather [hbm4b:s10+s4], $0x4000, $0x38;
	[tilespmem:$0x13580] =	vst v63  }
0x136: {  	_ =	swait.ge [sflag:s13], $0x4000  }
0x137: {  	[sflag:s13] =	ssyncset.done $0x0  }
0x138: {  	s18 =	simm.s32 $0xC900;
	[sflag:s13] =	ssyncadd.s32 $0xFFFFC000  }
0x139: {  	[spmem:s2] =	stream.indirect.scatter.add.f32 [tilespmem:s4], [sflag:$0x4], $0x80, s18, s14, $0xb8;
	[tilespmem:$0x13580] =	vst v63  }
0x13a: {  	_ = 	snop  }
0x13b: {  	[spmem:s3] =	stream.indirect.scatter.add.f32 [tilespmem:s8], [sflag:$0x6], $0x10, s18, s14, $0xb8;
	[tilespmem:$0x13580] =	vst v63  }
0x13c: {  	_ =	swait.ge [sflag:s15], $0x4000  }
0x13d: {  	[sflag:s15] =	ssyncset.done $0x0  }
0x13e: {  	[sflag:s15] =	ssyncadd.s32 $0xFFFFC000  }
0x13f: {  	_ =	swait.ge [sflag:s16], $0x800  }
0x140: {  	s26 =	sld [smem:$0x7F5]  }
0x141: {  	[sflag:s16] =	ssyncset.done $0x0  }
0x142: {  	[sflag:s16] =	ssyncadd.s32 $0xFFFFF800  }
0x143: {  	[tilespmem:s4], [sflag:$0x1] =	stream.linear.gather [hbm4b:s26+s4], $0x4000, $0x38;
	[tilespmem:$0x13580] =	vst v63  }
0x144: {  	_ =	swait.ge [sflag:s17], $0x4000  }
0x145: {  	[sflag:s17] =	ssyncset.done $0x0  }
0x146: {  	s28 =	simm.s32 $0xC980;
	[sflag:s17] =	ssyncadd.s32 $0xFFFFC000  }
0x147: {  	[spmem:s2] =	stream.indirect.scatter.add.f32 [tilespmem:s11], [sflag:$0x5], $0x80, s28, s14, $0xb8;
	[tilespmem:$0x13580] =	vst v63  }
0x148: {  	_ = 	snop  }
0x149: {  	[spmem:s3] =	stream.indirect.scatter.add.f32 [tilespmem:s8], [sflag:$0x7], $0x10, s28, s14, $0xb8;
	[tilespmem:$0x13580] =	vst v63  }
0x14a: {  	_ =	swait.ge [sflag:s19], $0x4000  }
0x14b: {  	[sflag:s19] =	ssyncset.done $0x0  }
0x14c: {  	[sflag:s19] =	ssyncadd.s32 $0xFFFFC000  }
0x14d: {  	_ =	swait.ge [sflag:s20], $0x800  }
0x14e: {  	s29 =	sld [smem:$0x7F6]  }
0x14f: {  	[sflag:s20] =	ssyncset.done $0x0  }
0x150: {  	[sflag:s20] =	ssyncadd.s32 $0xFFFFF800  }
0x151: {  	[tilespmem:s11], [sflag:$0x2] =	stream.linear.gather [hbm4b:s29+s4], $0x4000, $0x38;
	[tilespmem:$0x13580] =	vst v63  }
0x152: {  	_ =	swait.ge [sflag:s21], $0x4000  }
0x153: {  	[sflag:s21] =	ssyncset.done $0x0  }
0x154: {  	s30 =	simm.s32 $0xCA00;
	[sflag:s21] =	ssyncadd.s32 $0xFFFFC000  }
0x155: {  	[spmem:s2] =	stream.indirect.scatter.add.f32 [tilespmem:s12], [sflag:$0x6], $0x80, s30, s14, $0xb8;
	[tilespmem:$0x13580] =	vst v63  }
0x156: {  	_ = 	snop  }
0x157: {  	[spmem:s3] =	stream.indirect.scatter.add.f32 [tilespmem:s8], [sflag:$0x8], $0x10, s30, s14, $0xb8;
	[tilespmem:$0x13580] =	vst v63  }
0x158: {  	_ =	swait.ge [sflag:s16], $0x4000  }
0x159: {  	[sflag:s16] =	ssyncset.done $0x0  }
0x15a: {  	[sflag:s16] =	ssyncadd.s32 $0xFFFFC000  }
0x15b: {  	_ =	swait.ge [sflag:s7], $0x800  }
0x15c: {  	s5 =	sld [smem:$0x7F7]  }
0x15d: {  	[sflag:s7] =	ssyncset.done $0x0  }
0x15e: {  	[sflag:s7] =	ssyncadd.s32 $0xFFFFF800  }
0x15f: {  	[tilespmem:s12], [sflag:$0x3] =	stream.linear.gather [hbm4b:s5+s4], $0x4000, $0x38;
	[tilespmem:$0x13580] =	vst v63  }
0x160: {  	_ =	swait.ge [sflag:s13], $0x4000  }
0x161: {  	[sflag:s13] =	ssyncset.done $0x0  }
0x162: {  	s10 =	simm.s32 $0xCA80;
	[sflag:s13] =	ssyncadd.s32 $0xFFFFC000  }
0x163: {  	[spmem:s2] =	stream.indirect.scatter.add.f32 [tilespmem:s4], [sflag:$0x4], $0x80, s10, s14, $0xb8;
	[tilespmem:$0x13580] =	vst v63  }
0x164: {  	_ = 	snop  }
0x165: {  	[spmem:s3] =	stream.indirect.scatter.add.f32 [tilespmem:s8], [sflag:$0x6], $0x10, s10, s14, $0xb8;
	[tilespmem:$0x13580] =	vst v63  }
0x166: {  	_ =	swait.ge [sflag:s15], $0x4000  }
0x167: {  	[sflag:s15] =	ssyncset.done $0x0  }
0x168: {  	[sflag:s15] =	ssyncadd.s32 $0xFFFFC000  }
0x169: {  	_ =	swait.ge [sflag:s16], $0x800  }
0x16a: {  	s18 =	sld [smem:$0x7F8]  }
0x16b: {  	[sflag:s16] =	ssyncset.done $0x0  }
0x16c: {  	[sflag:s16] =	ssyncadd.s32 $0xFFFFF800  }
0x16d: {  	[tilespmem:s4], [sflag:$0x1] =	stream.linear.gather [hbm4b:s18+s4], $0x4000, $0x38;
	[tilespmem:$0x13580] =	vst v63  }
0x16e: {  	_ =	swait.ge [sflag:s17], $0x4000  }
0x16f: {  	[sflag:s17] =	ssyncset.done $0x0  }
0x170: {  	s26 =	simm.s32 $0xCB00;
	[sflag:s17] =	ssyncadd.s32 $0xFFFFC000  }
0x171: {  	[spmem:s2] =	stream.indirect.scatter.add.f32 [tilespmem:s11], [sflag:$0x5], $0x80, s26, s14, $0xb8;
	[tilespmem:$0x13580] =	vst v63  }
0x172: {  	_ = 	snop  }
0x173: {  	[spmem:s3] =	stream.indirect.scatter.add.f32 [tilespmem:s8], [sflag:$0x7], $0x10, s26, s14, $0xb8;
	[tilespmem:$0x13580] =	vst v63  }
0x174: {  	_ =	swait.ge [sflag:s19], $0x4000  }
0x175: {  	[sflag:s19] =	ssyncset.done $0x0  }
0x176: {  	[sflag:s19] =	ssyncadd.s32 $0xFFFFC000  }
0x177: {  	_ =	swait.ge [sflag:s20], $0x800  }
0x178: {  	[sflag:s20] =	ssyncset.done $0x0  }
0x179: {  	[sflag:s20] =	ssyncadd.s32 $0xFFFFF800  }
0x17a: {  	_ =	swait.ge [sflag:s21], $0x4000  }
0x17b: {  	[sflag:s21] =	ssyncset.done $0x0  }
0x17c: {  	s28 =	simm.s32 $0xCB80;
	[sflag:s21] =	ssyncadd.s32 $0xFFFFC000  }
0x17d: {  	[spmem:s2] =	stream.indirect.scatter.add.f32 [tilespmem:s12], [sflag:$0x6], $0x80, s28, s14, $0xb8;
	[tilespmem:$0x13580] =	vst v63  }
0x17e: {  	_ = 	snop  }
0x17f: {  	[spmem:s3] =	stream.indirect.scatter.add.f32 [tilespmem:s8], [sflag:$0x8], $0x10, s28, s14, $0xb8;
	[tilespmem:$0x13580] =	vst v63  }
0x180: {  	_ =	swait.ge [sflag:s16], $0x4000  }
0x181: {  	[sflag:s16] =	ssyncset.done $0x0  }
0x182: {  	[sflag:s16] =	ssyncadd.s32 $0xFFFFC000  }
0x183: {  	_ =	swait.ge [sflag:s7], $0x800  }
0x184: {  	[sflag:s7] =	ssyncset.done $0x0  }
0x185: {  	[sflag:s7] =	ssyncadd.s32 $0xFFFFF800  }
0x186: {  	_ =	swait.ge [sflag:s13], $0x4000  }
0x187: {  	[sflag:s13] =	ssyncset.done $0x0  }
0x188: {  	s31 =	simm.s32 $0xCC00;
	[sflag:s13] =	ssyncadd.s32 $0xFFFFC000  }
0x189: {  	[spmem:s2] =	stream.indirect.scatter.add.f32 [tilespmem:s4], [sflag:$0x4], $0x80, s31, s14, $0xb8;
	[tilespmem:$0x13580] =	vst v63  }
0x18a: {  	_ = 	snop  }
0x18b: {  	[spmem:s3] =	stream.indirect.scatter.add.f32 [tilespmem:s8], [sflag:$0x6], $0x10, s31, s14, $0xb8;
	[tilespmem:$0x13580] =	vst v63  }
0x18c: {  	_ =	swait.ge [sflag:s15], $0x4000  }
0x18d: {  	[sflag:s15] =	ssyncset.done $0x0  }
0x18e: {  	[sflag:s15] =	ssyncadd.s32 $0xFFFFC000  }
0x18f: {  	_ =	swait.ge [sflag:s16], $0x800  }
0x190: {  	s1 =	sld [smem:$0x7F9]  }
0x191: {  	p0 =	sne.s32 s0, $0x1F;
	[sflag:s16] =	ssyncset.done $0x0  }
0x192: {  	s0 =	simm.s32 @!p0 $0x0;
	[sflag:s16] =	ssyncadd.s32 $0xFFFFF800  }
0x193: {  	[tilespmem:s0], [sflag:$0x8] =	stream.linear.gather @!p0 [hbm4b:s1+s0], $0x1000, $0x38;
	[tilespmem:$0x13580] =	vst v63  }
0x194: {  	s1 =	simm.s32 @!p0 $0x8  }
0x195: {  	_ =	swait.ge @!p0 [sflag:s1], $0x1000  }
0x196: {  	s10 =	sld [smem:$0x7FA]  }
0x197: {  	[sflag:s1] =	ssyncset.done @!p0 $0x0  }
0x198: {  	s5 =	simm.s32 @!p0 $0xD000;
	[sflag:s1] =	ssyncadd.s32 @!p0 $0xFFFFF000  }
0x199: {  	[tilespmem:s5], [sflag:$0x8] =	stream.linear.gather @!p0 [hbm4b:s10+s0], $0x20, $0x38;
	[tilespmem:$0x13580] =	vst v63  }
0x19a: {  	_ =	swait.ge @!p0 [sflag:s1], $0x20  }
0x19b: {  	[sflag:s1] =	ssyncset.done @!p0 $0x0  }
0x19c: {  	s10 =	simm.s32 @!p0 $0x20;
	[sflag:s1] =	ssyncadd.s32 @!p0 $0xFFFFFFE0  }
0x19d: {  	[spmem:s2] =	stream.indirect.scatter.add.f32 @!p0 [tilespmem:s0], [sflag:$0x8], $0x80, s5, s10, $0xb8;
	[tilespmem:$0x13580] =	vst v63  }
0x19e: {  	_ =	swait.ge @!p0 [sflag:s1], $0x1000  }
0x19f: {  	[sflag:s1] =	ssyncset.done @!p0 $0x0  }
0x1a0: {  	s18 =	simm.s32 @!p0 $0xD080;
	[sflag:s1] =	ssyncadd.s32 @!p0 $0xFFFFF000  }
0x1a1: {  	[spmem:s3] =	stream.indirect.scatter.add.f32 @!p0 [tilespmem:s18], [sflag:$0x8], $0x10, s5, s10, $0xb8;
	[tilespmem:$0x13580] =	vst v63  }
0x1a2: {  	_ =	swait.ge @!p0 [sflag:s1], $0x200  }
0x1a3: {  	[sflag:s1] =	ssyncset.done @!p0 $0x0  }
0x1a4: {  	s18 =	simm.s32 $0x11100;
	[sflag:s1] =	ssyncadd.s32 @!p0 $0xFFFFFE00  }
0x1a5: {  	[tilespmem:s18], [sflag:$0x8] =	stream.indirect.gather [hbm4b:s23+s14], $0x1, s25, s14, $0xb8;
	[tilespmem:$0x13580] =	vst v63  }
0x1a6: {  	_ =	swait.ge [sflag:s7], $0x80  }
0x1a7: {  	s29 =	sld [smem:$0x7FB]  }
0x1a8: {  	[sflag:s7] =	ssyncset.done $0x0  }
0x1a9: {  	[sflag:s7] =	ssyncadd.s32 $0xFFFFFF80  }
0x1aa: {  	[hbm4b:s29+s4] =	stream.linear.scatter [tilespmem:s18], [sflag:$0x8], $0x80, $0x38;
	[tilespmem:$0x13580] =	vst v63  }
0x1ab: {  	_ =	swait.ge [sflag:s7], $0x80  }
0x1ac: {  	[sflag:s7] =	ssyncset.done $0x0  }
0x1ad: {  	[sflag:s7] =	ssyncadd.s32 $0xFFFFFF80  }
0x1ae: {  	[bflag:$0x0] =	sbarrier.arrive $0xFFFF  }
0x1af: {  	s25 =	sld [smem:$0x7FC]  }
0x1b0: {  	p1 =	sne.s32 s22, $0x0;
	s24 =	ssub.s32 $0x2, s24  }
0x1b1: {  	s30 =	sshrl.u32 s24, $0x1;
	s23 =	sshrl.u32 @!p1 s2, $0x3  }
0x1b2: {  	[hbm:s25], [sflag:s6] =	dma.local @!p1 [spmem:s23], $0x4000  }
0x1b3: {  	s25 =	ssub.s32 s24, s30  }
0x1b4: {  	s25 =	smax.u32 s25, $0x1  }
0x1b5: {  	s22 =	simm.s32 @!p1 $0x8;
	s25 =	sadd.s32 $0xFFFFFFFF, s25  }
0x1b6: {  	_ =	swait.ge @!p1 [sflag:s22], $0x4000;
	p2 =	sne.s32 s25, $0x0  }
.Ltmp0:
0x1b7: {  	s26 =	sld [smem:$0x7FD];
	(pc) =	sbr.rel @!p2 .LBB2_3-.Ltmp0, $4  }
0x1b8: {  	[sflag:s22] =	ssyncset.done @!p1 $0x0  }
0x1b9: {  	s24 =	sshrl.u32 @!p1 s3, $0x3;
	[sflag:s22] =	ssyncadd.s32 @!p1 $0xFFFFC000  }
0x1ba: {  	[hbm:s26], [sflag:s6] =	dma.local @!p1 [spmem:s24], $0x4000  }
0x1bb: {  	_ =	swait.ge @!p1 [sflag:s22], $0x4000  }
0x1bc: {  	s30 =	simm.s32 $0x11080  }
.LBB2_2:
0x1bd: {  	s28 =	sld [smem:$0x7F2]  }
0x1be: {  	[sflag:s22] =	ssyncset.done @!p1 $0x0  }
0x1bf: {  	s26 =	rddreg [dreg:$0x8];
	[sflag:s22] =	ssyncadd.s32 @!p1 $0xFFFFC000  }
0x1c0: {  	[spmem:s28], [sflag:s6] =	dma.local [hbm:s26], $0x400  }
0x1c1: {  	_ =	swait.ge [sflag:s7], $0x400  }
0x1c2: {  	s29 =	sld [smem:$0x7F3]  }
0x1c3: {  	[sflag:s7] =	ssyncset.done $0x0  }
0x1c4: {  	s26 =	rddreg [dreg:$0x9];
	[sflag:s7] =	ssyncadd.s32 $0xFFFFFC00  }
0x1c5: {  	[spmem:s29], [sflag:s6] =	dma.local [hbm:s26], $0x400  }
0x1c6: {  	_ =	swait.ge [sflag:s7], $0x400  }
0x1c7: {  	[sflag:s7] =	ssyncset.done $0x0  }
0x1c8: {  	s28 =	rddreg [dreg:$0x7];
	[sflag:s7] =	ssyncadd.s32 $0xFFFFFC00  }
0x1c9: {  	[tilespmem:s8], [sflag:$0x8] =	stream.linear.gather [hbm4b:s28+s4], $0x4000, $0x38;
	[tilespmem:$0x13580] =	vst v63  }
0x1ca: {  	_ =	swait.ge [sflag:s7], $0x4000  }
0x1cb: {  	[sflag:s7] =	ssyncset.done $0x0  }
0x1cc: {  	s29 =	rddreg [dreg:$0xa];
	[sflag:s7] =	ssyncadd.s32 $0xFFFFC000  }
0x1cd: {  	[tilespmem:s9], [sflag:$0x8] =	stream.linear.gather [hbm4b:s29+s4], $0xC80, $0x38;
	[tilespmem:$0x13580] =	vst v63  }
0x1ce: {  	_ =	swait.ge [sflag:s7], $0xC80  }
0x1cf: {  	[sflag:s7] =	ssyncset.done $0x0  }
0x1d0: {  	s28 =	rddreg [dreg:$0xb];
	[sflag:s7] =	ssyncadd.s32 $0xFFFFF380  }
0x1d1: {  	[tilespmem:s30], [sflag:$0x8] =	stream.linear.gather [hbm4b:s28+s4], $0x80, $0x38;
	[tilespmem:$0x13580] =	vst v63  }
0x1d2: {  	_ =	swait.ge [sflag:s7], $0x80  }
0x1d3: {  	s29 =	sld [smem:$0x7F4]  }
0x1d4: {  	[sflag:s7] =	ssyncset.done $0x0  }
0x1d5: {  	[sflag:s7] =	ssyncadd.s32 $0xFFFFFF80  }
0x1d6: {  	[tilespmem:s4], [sflag:$0x1] =	stream.linear.gather [hbm4b:s29+s4], $0x4000, $0x38;
	[tilespmem:$0x13580] =	vst v63  }
0x1d7: {  	s26 =	rddreg [dreg:$0xc]  }
0x1d8: {  	[tilespmem:s11], [sflag:$0x2] =	stream.linear.gather [hbm4b:s26+s4], $0x4000, $0x38;
	[tilespmem:$0x13580] =	vst v63  }
0x1d9: {  	s28 =	rddreg [dreg:$0xd]  }
0x1da: {  	[tilespmem:s12], [sflag:$0x3] =	stream.linear.gather [hbm4b:s28+s4], $0x4000, $0x38;
	[tilespmem:$0x13580] =	vst v63  }
0x1db: {  	[bflag:$0x0] =	sbarrier.arrive $0xFFFF  }
0x1dc: {  	_ =	swait.ge [sflag:s13], $0x4000  }
0x1dd: {  	[sflag:s13] =	ssyncset.done $0x0  }
0x1de: {  	[sflag:s13] =	ssyncadd.s32 $0xFFFFC000  }
0x1df: {  	[spmem:s2] =	stream.indirect.scatter.add.f32 [tilespmem:s4], [sflag:$0x4], $0x80, s9, s14, $0xb8;
	[tilespmem:$0x13580] =	vst v63  }
0x1e0: {  	_ = 	snop  }
0x1e1: {  	[spmem:s3] =	stream.indirect.scatter.add.f32 [tilespmem:s8], [sflag:$0x6], $0x10, s9, s14, $0xb8;
	[tilespmem:$0x13580] =	vst v63  }
0x1e2: {  	_ =	swait.ge [sflag:s15], $0x4000  }
0x1e3: {  	[sflag:s15] =	ssyncset.done $0x0  }
0x1e4: {  	[sflag:s15] =	ssyncadd.s32 $0xFFFFC000  }
0x1e5: {  	_ =	swait.ge [sflag:s16], $0x800  }
0x1e6: {  	[sflag:s16] =	ssyncset.done $0x0  }
0x1e7: {  	s29 =	rddreg [dreg:$0xe];
	[sflag:s16] =	ssyncadd.s32 $0xFFFFF800  }
0x1e8: {  	[tilespmem:s4], [sflag:$0x1] =	stream.linear.gather [hbm4b:s29+s4], $0x4000, $0x38;
	[tilespmem:$0x13580] =	vst v63  }
0x1e9: {  	_ =	swait.ge [sflag:s17], $0x4000  }
0x1ea: {  	[sflag:s17] =	ssyncset.done $0x0  }
0x1eb: {  	s28 =	simm.s32 $0xC080;
	[sflag:s17] =	ssyncadd.s32 $0xFFFFC000  }
0x1ec: {  	[spmem:s2] =	stream.indirect.scatter.add.f32 [tilespmem:s11], [sflag:$0x5], $0x80, s28, s14, $0xb8;
	[tilespmem:$0x13580] =	vst v63  }
0x1ed: {  	_ = 	snop  }
0x1ee: {  	[spmem:s3] =	stream.indirect.scatter.add.f32 [tilespmem:s8], [sflag:$0x7], $0x10, s28, s14, $0xb8;
	[tilespmem:$0x13580] =	vst v63  }
0x1ef: {  	_ =	swait.ge [sflag:s19], $0x4000  }
0x1f0: {  	[sflag:s19] =	ssyncset.done $0x0  }
0x1f1: {  	[sflag:s19] =	ssyncadd.s32 $0xFFFFC000  }
0x1f2: {  	_ =	swait.ge [sflag:s20], $0x800  }
0x1f3: {  	[sflag:s20] =	ssyncset.done $0x0  }
0x1f4: {  	s29 =	rddreg [dreg:$0xf];
	[sflag:s20] =	ssyncadd.s32 $0xFFFFF800  }
0x1f5: {  	[tilespmem:s11], [sflag:$0x2] =	stream.linear.gather [hbm4b:s29+s4], $0x4000, $0x38;
	[tilespmem:$0x13580] =	vst v63  }
0x1f6: {  	_ =	swait.ge [sflag:s21], $0x4000  }
0x1f7: {  	[sflag:s21] =	ssyncset.done $0x0  }
0x1f8: {  	s28 =	simm.s32 $0xC100;
	[sflag:s21] =	ssyncadd.s32 $0xFFFFC000  }
0x1f9: {  	[spmem:s2] =	stream.indirect.scatter.add.f32 [tilespmem:s12], [sflag:$0x6], $0x80, s28, s14, $0xb8;
	[tilespmem:$0x13580] =	vst v63  }
0x1fa: {  	_ = 	snop  }
0x1fb: {  	[spmem:s3] =	stream.indirect.scatter.add.f32 [tilespmem:s8], [sflag:$0x8], $0x10, s28, s14, $0xb8;
	[tilespmem:$0x13580] =	vst v63  }
0x1fc: {  	_ =	swait.ge [sflag:s16], $0x4000  }
0x1fd: {  	[sflag:s16] =	ssyncset.done $0x0  }
0x1fe: {  	[sflag:s16] =	ssyncadd.s32 $0xFFFFC000  }
0x1ff: {  	_ =	swait.ge [sflag:s7], $0x800  }
0x200: {  	[sflag:s7] =	ssyncset.done $0x0  }
0x201: {  	s29 =	rddreg [dreg:$0x10];
	[sflag:s7] =	ssyncadd.s32 $0xFFFFF800  }
0x202: {  	[tilespmem:s12], [sflag:$0x3] =	stream.linear.gather [hbm4b:s29+s4], $0x4000, $0x38;
	[tilespmem:$0x13580] =	vst v63  }
0x203: {  	_ =	swait.ge [sflag:s13], $0x4000  }
0x204: {  	[sflag:s13] =	ssyncset.done $0x0  }
0x205: {  	s28 =	simm.s32 $0xC180;
	[sflag:s13] =	ssyncadd.s32 $0xFFFFC000  }
0x206: {  	[spmem:s2] =	stream.indirect.scatter.add.f32 [tilespmem:s4], [sflag:$0x4], $0x80, s28, s14, $0xb8;
	[tilespmem:$0x13580] =	vst v63  }
0x207: {  	_ = 	snop  }
0x208: {  	[spmem:s3] =	stream.indirect.scatter.add.f32 [tilespmem:s8], [sflag:$0x6], $0x10, s28, s14, $0xb8;
	[tilespmem:$0x13580] =	vst v63  }
0x209: {  	_ =	swait.ge [sflag:s15], $0x4000  }
0x20a: {  	[sflag:s15] =	ssyncset.done $0x0  }
0x20b: {  	[sflag:s15] =	ssyncadd.s32 $0xFFFFC000  }
0x20c: {  	_ =	swait.ge [sflag:s16], $0x800  }
0x20d: {  	[sflag:s16] =	ssyncset.done $0x0  }
0x20e: {  	s29 =	rddreg [dreg:$0x11];
	[sflag:s16] =	ssyncadd.s32 $0xFFFFF800  }
0x20f: {  	[tilespmem:s4], [sflag:$0x1] =	stream.linear.gather [hbm4b:s29+s4], $0x4000, $0x38;
	[tilespmem:$0x13580] =	vst v63  }
0x210: {  	_ =	swait.ge [sflag:s17], $0x4000  }
0x211: {  	[sflag:s17] =	ssyncset.done $0x0  }
0x212: {  	s28 =	simm.s32 $0xC200;
	[sflag:s17] =	ssyncadd.s32 $0xFFFFC000  }
0x213: {  	[spmem:s2] =	stream.indirect.scatter.add.f32 [tilespmem:s11], [sflag:$0x5], $0x80, s28, s14, $0xb8;
	[tilespmem:$0x13580] =	vst v63  }
0x214: {  	_ = 	snop  }
0x215: {  	[spmem:s3] =	stream.indirect.scatter.add.f32 [tilespmem:s8], [sflag:$0x7], $0x10, s28, s14, $0xb8;
	[tilespmem:$0x13580] =	vst v63  }
0x216: {  	_ =	swait.ge [sflag:s19], $0x4000  }
0x217: {  	[sflag:s19] =	ssyncset.done $0x0  }
0x218: {  	[sflag:s19] =	ssyncadd.s32 $0xFFFFC000  }
0x219: {  	_ =	swait.ge [sflag:s20], $0x800  }
0x21a: {  	[sflag:s20] =	ssyncset.done $0x0  }
0x21b: {  	s29 =	rddreg [dreg:$0x12];
	[sflag:s20] =	ssyncadd.s32 $0xFFFFF800  }
0x21c: {  	[tilespmem:s11], [sflag:$0x2] =	stream.linear.gather [hbm4b:s29+s4], $0x4000, $0x38;
	[tilespmem:$0x13580] =	vst v63  }
0x21d: {  	_ =	swait.ge [sflag:s21], $0x4000  }
0x21e: {  	[sflag:s21] =	ssyncset.done $0x0  }
0x21f: {  	s28 =	simm.s32 $0xC280;
	[sflag:s21] =	ssyncadd.s32 $0xFFFFC000  }
0x220: {  	[spmem:s2] =	stream.indirect.scatter.add.f32 [tilespmem:s12], [sflag:$0x6], $0x80, s28, s14, $0xb8;
	[tilespmem:$0x13580] =	vst v63  }
0x221: {  	_ = 	snop  }
0x222: {  	[spmem:s3] =	stream.indirect.scatter.add.f32 [tilespmem:s8], [sflag:$0x8], $0x10, s28, s14, $0xb8;
	[tilespmem:$0x13580] =	vst v63  }
0x223: {  	_ =	swait.ge [sflag:s16], $0x4000  }
0x224: {  	[sflag:s16] =	ssyncset.done $0x0  }
0x225: {  	[sflag:s16] =	ssyncadd.s32 $0xFFFFC000  }
0x226: {  	_ =	swait.ge [sflag:s7], $0x800  }
0x227: {  	[sflag:s7] =	ssyncset.done $0x0  }
0x228: {  	s29 =	rddreg [dreg:$0x13];
	[sflag:s7] =	ssyncadd.s32 $0xFFFFF800  }
0x229: {  	[tilespmem:s12], [sflag:$0x3] =	stream.linear.gather [hbm4b:s29+s4], $0x4000, $0x38;
	[tilespmem:$0x13580] =	vst v63  }
0x22a: {  	_ =	swait.ge [sflag:s13], $0x4000  }
0x22b: {  	[sflag:s13] =	ssyncset.done $0x0  }
0x22c: {  	s28 =	simm.s32 $0xC300;
	[sflag:s13] =	ssyncadd.s32 $0xFFFFC000  }
0x22d: {  	[spmem:s2] =	stream.indirect.scatter.add.f32 [tilespmem:s4], [sflag:$0x4], $0x80, s28, s14, $0xb8;
	[tilespmem:$0x13580] =	vst v63  }
0x22e: {  	_ = 	snop  }
0x22f: {  	[spmem:s3] =	stream.indirect.scatter.add.f32 [tilespmem:s8], [sflag:$0x6], $0x10, s28, s14, $0xb8;
	[tilespmem:$0x13580] =	vst v63  }
0x230: {  	_ =	swait.ge [sflag:s15], $0x4000  }
0x231: {  	[sflag:s15] =	ssyncset.done $0x0  }
0x232: {  	[sflag:s15] =	ssyncadd.s32 $0xFFFFC000  }
0x233: {  	_ =	swait.ge [sflag:s16], $0x800  }
0x234: {  	[sflag:s16] =	ssyncset.done $0x0  }
0x235: {  	s29 =	rddreg [dreg:$0x14];
	[sflag:s16] =	ssyncadd.s32 $0xFFFFF800  }
0x236: {  	[tilespmem:s4], [sflag:$0x1] =	stream.linear.gather [hbm4b:s29+s4], $0x4000, $0x38;
	[tilespmem:$0x13580] =	vst v63  }
0x237: {  	_ =	swait.ge [sflag:s17], $0x4000  }
0x238: {  	[sflag:s17] =	ssyncset.done $0x0  }
0x239: {  	s28 =	simm.s32 $0xC380;
	[sflag:s17] =	ssyncadd.s32 $0xFFFFC000  }
0x23a: {  	[spmem:s2] =	stream.indirect.scatter.add.f32 [tilespmem:s11], [sflag:$0x5], $0x80, s28, s14, $0xb8;
	[tilespmem:$0x13580] =	vst v63  }
0x23b: {  	_ = 	snop  }
0x23c: {  	[spmem:s3] =	stream.indirect.scatter.add.f32 [tilespmem:s8], [sflag:$0x7], $0x10, s28, s14, $0xb8;
	[tilespmem:$0x13580] =	vst v63  }
0x23d: {  	_ =	swait.ge [sflag:s19], $0x4000  }
0x23e: {  	[sflag:s19] =	ssyncset.done $0x0  }
0x23f: {  	[sflag:s19] =	ssyncadd.s32 $0xFFFFC000  }
0x240: {  	_ =	swait.ge [sflag:s20], $0x800  }
0x241: {  	[sflag:s20] =	ssyncset.done $0x0  }
0x242: {  	s29 =	rddreg [dreg:$0x15];
	[sflag:s20] =	ssyncadd.s32 $0xFFFFF800  }
0x243: {  	[tilespmem:s11], [sflag:$0x2] =	stream.linear.gather [hbm4b:s29+s4], $0x4000, $0x38;
	[tilespmem:$0x13580] =	vst v63  }
0x244: {  	_ =	swait.ge [sflag:s21], $0x4000  }
0x245: {  	[sflag:s21] =	ssyncset.done $0x0  }
0x246: {  	s28 =	simm.s32 $0xC400;
	[sflag:s21] =	ssyncadd.s32 $0xFFFFC000  }
0x247: {  	[spmem:s2] =	stream.indirect.scatter.add.f32 [tilespmem:s12], [sflag:$0x6], $0x80, s28, s14, $0xb8;
	[tilespmem:$0x13580] =	vst v63  }
0x248: {  	_ = 	snop  }
0x249: {  	[spmem:s3] =	stream.indirect.scatter.add.f32 [tilespmem:s8], [sflag:$0x8], $0x10, s28, s14, $0xb8;
	[tilespmem:$0x13580] =	vst v63  }
0x24a: {  	_ =	swait.ge [sflag:s16], $0x4000  }
0x24b: {  	[sflag:s16] =	ssyncset.done $0x0  }
0x24c: {  	[sflag:s16] =	ssyncadd.s32 $0xFFFFC000  }
0x24d: {  	_ =	swait.ge [sflag:s7], $0x800  }
0x24e: {  	[sflag:s7] =	ssyncset.done $0x0  }
0x24f: {  	s29 =	rddreg [dreg:$0x16];
	[sflag:s7] =	ssyncadd.s32 $0xFFFFF800  }
0x250: {  	[tilespmem:s12], [sflag:$0x3] =	stream.linear.gather [hbm4b:s29+s4], $0x4000, $0x38;
	[tilespmem:$0x13580] =	vst v63  }
0x251: {  	_ =	swait.ge [sflag:s13], $0x4000  }
0x252: {  	[sflag:s13] =	ssyncset.done $0x0  }
0x253: {  	s28 =	simm.s32 $0xC480;
	[sflag:s13] =	ssyncadd.s32 $0xFFFFC000  }
0x254: {  	[spmem:s2] =	stream.indirect.scatter.add.f32 [tilespmem:s4], [sflag:$0x4], $0x80, s28, s14, $0xb8;
	[tilespmem:$0x13580] =	vst v63  }
0x255: {  	_ = 	snop  }
0x256: {  	[spmem:s3] =	stream.indirect.scatter.add.f32 [tilespmem:s8], [sflag:$0x6], $0x10, s28, s14, $0xb8;
	[tilespmem:$0x13580] =	vst v63  }
0x257: {  	_ =	swait.ge [sflag:s15], $0x4000  }
0x258: {  	[sflag:s15] =	ssyncset.done $0x0  }
0x259: {  	[sflag:s15] =	ssyncadd.s32 $0xFFFFC000  }
0x25a: {  	_ =	swait.ge [sflag:s16], $0x800  }
0x25b: {  	[sflag:s16] =	ssyncset.done $0x0  }
0x25c: {  	s29 =	rddreg [dreg:$0x17];
	[sflag:s16] =	ssyncadd.s32 $0xFFFFF800  }
0x25d: {  	[tilespmem:s4], [sflag:$0x1] =	stream.linear.gather [hbm4b:s29+s4], $0x4000, $0x38;
	[tilespmem:$0x13580] =	vst v63  }
0x25e: {  	_ =	swait.ge [sflag:s17], $0x4000  }
0x25f: {  	[sflag:s17] =	ssyncset.done $0x0  }
0x260: {  	s28 =	simm.s32 $0xC500;
	[sflag:s17] =	ssyncadd.s32 $0xFFFFC000  }
0x261: {  	[spmem:s2] =	stream.indirect.scatter.add.f32 [tilespmem:s11], [sflag:$0x5], $0x80, s28, s14, $0xb8;
	[tilespmem:$0x13580] =	vst v63  }
0x262: {  	_ = 	snop  }
0x263: {  	[spmem:s3] =	stream.indirect.scatter.add.f32 [tilespmem:s8], [sflag:$0x7], $0x10, s28, s14, $0xb8;
	[tilespmem:$0x13580] =	vst v63  }
0x264: {  	_ =	swait.ge [sflag:s19], $0x4000  }
0x265: {  	[sflag:s19] =	ssyncset.done $0x0  }
0x266: {  	[sflag:s19] =	ssyncadd.s32 $0xFFFFC000  }
0x267: {  	_ =	swait.ge [sflag:s20], $0x800  }
0x268: {  	[sflag:s20] =	ssyncset.done $0x0  }
0x269: {  	s29 =	rddreg [dreg:$0x18];
	[sflag:s20] =	ssyncadd.s32 $0xFFFFF800  }
0x26a: {  	[tilespmem:s11], [sflag:$0x2] =	stream.linear.gather [hbm4b:s29+s4], $0x4000, $0x38;
	[tilespmem:$0x13580] =	vst v63  }
0x26b: {  	_ =	swait.ge [sflag:s21], $0x4000  }
0x26c: {  	[sflag:s21] =	ssyncset.done $0x0  }
0x26d: {  	s28 =	simm.s32 $0xC580;
	[sflag:s21] =	ssyncadd.s32 $0xFFFFC000  }
0x26e: {  	[spmem:s2] =	stream.indirect.scatter.add.f32 [tilespmem:s12], [sflag:$0x6], $0x80, s28, s14, $0xb8;
	[tilespmem:$0x13580] =	vst v63  }
0x26f: {  	_ = 	snop  }
0x270: {  	[spmem:s3] =	stream.indirect.scatter.add.f32 [tilespmem:s8], [sflag:$0x8], $0x10, s28, s14, $0xb8;
	[tilespmem:$0x13580] =	vst v63  }
0x271: {  	_ =	swait.ge [sflag:s16], $0x4000  }
0x272: {  	[sflag:s16] =	ssyncset.done $0x0  }
0x273: {  	[sflag:s16] =	ssyncadd.s32 $0xFFFFC000  }
0x274: {  	_ =	swait.ge [sflag:s7], $0x800  }
0x275: {  	[sflag:s7] =	ssyncset.done $0x0  }
0x276: {  	s29 =	rddreg [dreg:$0x19];
	[sflag:s7] =	ssyncadd.s32 $0xFFFFF800  }
0x277: {  	[tilespmem:s12], [sflag:$0x3] =	stream.linear.gather [hbm4b:s29+s4], $0x4000, $0x38;
	[tilespmem:$0x13580] =	vst v63  }
0x278: {  	_ =	swait.ge [sflag:s13], $0x4000  }
0x279: {  	[sflag:s13] =	ssyncset.done $0x0  }
0x27a: {  	s28 =	simm.s32 $0xC600;
	[sflag:s13] =	ssyncadd.s32 $0xFFFFC000  }
0x27b: {  	[spmem:s2] =	stream.indirect.scatter.add.f32 [tilespmem:s4], [sflag:$0x4], $0x80, s28, s14, $0xb8;
	[tilespmem:$0x13580] =	vst v63  }
0x27c: {  	_ = 	snop  }
0x27d: {  	[spmem:s3] =	stream.indirect.scatter.add.f32 [tilespmem:s8], [sflag:$0x6], $0x10, s28, s14, $0xb8;
	[tilespmem:$0x13580] =	vst v63  }
0x27e: {  	_ =	swait.ge [sflag:s15], $0x4000  }
0x27f: {  	[sflag:s15] =	ssyncset.done $0x0  }
0x280: {  	[sflag:s15] =	ssyncadd.s32 $0xFFFFC000  }
0x281: {  	_ =	swait.ge [sflag:s16], $0x800  }
0x282: {  	[sflag:s16] =	ssyncset.done $0x0  }
0x283: {  	s29 =	rddreg [dreg:$0x1a];
	[sflag:s16] =	ssyncadd.s32 $0xFFFFF800  }
0x284: {  	[tilespmem:s4], [sflag:$0x1] =	stream.linear.gather [hbm4b:s29+s4], $0x4000, $0x38;
	[tilespmem:$0x13580] =	vst v63  }
0x285: {  	_ =	swait.ge [sflag:s17], $0x4000  }
0x286: {  	[sflag:s17] =	ssyncset.done $0x0  }
0x287: {  	s28 =	simm.s32 $0xC680;
	[sflag:s17] =	ssyncadd.s32 $0xFFFFC000  }
0x288: {  	[spmem:s2] =	stream.indirect.scatter.add.f32 [tilespmem:s11], [sflag:$0x5], $0x80, s28, s14, $0xb8;
	[tilespmem:$0x13580] =	vst v63  }
0x289: {  	_ = 	snop  }
0x28a: {  	[spmem:s3] =	stream.indirect.scatter.add.f32 [tilespmem:s8], [sflag:$0x7], $0x10, s28, s14, $0xb8;
	[tilespmem:$0x13580] =	vst v63  }
0x28b: {  	_ =	swait.ge [sflag:s19], $0x4000  }
0x28c: {  	[sflag:s19] =	ssyncset.done $0x0  }
0x28d: {  	[sflag:s19] =	ssyncadd.s32 $0xFFFFC000  }
0x28e: {  	_ =	swait.ge [sflag:s20], $0x800  }
0x28f: {  	[sflag:s20] =	ssyncset.done $0x0  }
0x290: {  	s29 =	rddreg [dreg:$0x1b];
	[sflag:s20] =	ssyncadd.s32 $0xFFFFF800  }
0x291: {  	[tilespmem:s11], [sflag:$0x2] =	stream.linear.gather [hbm4b:s29+s4], $0x4000, $0x38;
	[tilespmem:$0x13580] =	vst v63  }
0x292: {  	_ =	swait.ge [sflag:s21], $0x4000  }
0x293: {  	[sflag:s21] =	ssyncset.done $0x0  }
0x294: {  	s28 =	simm.s32 $0xC700;
	[sflag:s21] =	ssyncadd.s32 $0xFFFFC000  }
0x295: {  	[spmem:s2] =	stream.indirect.scatter.add.f32 [tilespmem:s12], [sflag:$0x6], $0x80, s28, s14, $0xb8;
	[tilespmem:$0x13580] =	vst v63  }
0x296: {  	_ = 	snop  }
0x297: {  	[spmem:s3] =	stream.indirect.scatter.add.f32 [tilespmem:s8], [sflag:$0x8], $0x10, s28, s14, $0xb8;
	[tilespmem:$0x13580] =	vst v63  }
0x298: {  	_ =	swait.ge [sflag:s16], $0x4000  }
0x299: {  	[sflag:s16] =	ssyncset.done $0x0  }
0x29a: {  	[sflag:s16] =	ssyncadd.s32 $0xFFFFC000  }
0x29b: {  	_ =	swait.ge [sflag:s7], $0x800  }
0x29c: {  	[sflag:s7] =	ssyncset.done $0x0  }
0x29d: {  	s29 =	rddreg [dreg:$0x1c];
	[sflag:s7] =	ssyncadd.s32 $0xFFFFF800  }
0x29e: {  	[tilespmem:s12], [sflag:$0x3] =	stream.linear.gather [hbm4b:s29+s4], $0x4000, $0x38;
	[tilespmem:$0x13580] =	vst v63  }
0x29f: {  	_ =	swait.ge [sflag:s13], $0x4000  }
0x2a0: {  	[sflag:s13] =	ssyncset.done $0x0  }
0x2a1: {  	s28 =	simm.s32 $0xC780;
	[sflag:s13] =	ssyncadd.s32 $0xFFFFC000  }
0x2a2: {  	[spmem:s2] =	stream.indirect.scatter.add.f32 [tilespmem:s4], [sflag:$0x4], $0x80, s28, s14, $0xb8;
	[tilespmem:$0x13580] =	vst v63  }
0x2a3: {  	_ = 	snop  }
0x2a4: {  	[spmem:s3] =	stream.indirect.scatter.add.f32 [tilespmem:s8], [sflag:$0x6], $0x10, s28, s14, $0xb8;
	[tilespmem:$0x13580] =	vst v63  }
0x2a5: {  	_ =	swait.ge [sflag:s15], $0x4000  }
0x2a6: {  	[sflag:s15] =	ssyncset.done $0x0  }
0x2a7: {  	[sflag:s15] =	ssyncadd.s32 $0xFFFFC000  }
0x2a8: {  	_ =	swait.ge [sflag:s16], $0x800  }
0x2a9: {  	[sflag:s16] =	ssyncset.done $0x0  }
0x2aa: {  	s29 =	rddreg [dreg:$0x1d];
	[sflag:s16] =	ssyncadd.s32 $0xFFFFF800  }
0x2ab: {  	[tilespmem:s4], [sflag:$0x1] =	stream.linear.gather [hbm4b:s29+s4], $0x4000, $0x38;
	[tilespmem:$0x13580] =	vst v63  }
0x2ac: {  	_ =	swait.ge [sflag:s17], $0x4000  }
0x2ad: {  	[sflag:s17] =	ssyncset.done $0x0  }
0x2ae: {  	s28 =	simm.s32 $0xC800;
	[sflag:s17] =	ssyncadd.s32 $0xFFFFC000  }
0x2af: {  	[spmem:s2] =	stream.indirect.scatter.add.f32 [tilespmem:s11], [sflag:$0x5], $0x80, s28, s14, $0xb8;
	[tilespmem:$0x13580] =	vst v63  }
0x2b0: {  	_ = 	snop  }
0x2b1: {  	[spmem:s3] =	stream.indirect.scatter.add.f32 [tilespmem:s8], [sflag:$0x7], $0x10, s28, s14, $0xb8;
	[tilespmem:$0x13580] =	vst v63  }
0x2b2: {  	_ =	swait.ge [sflag:s19], $0x4000  }
0x2b3: {  	[sflag:s19] =	ssyncset.done $0x0  }
0x2b4: {  	[sflag:s19] =	ssyncadd.s32 $0xFFFFC000  }
0x2b5: {  	_ =	swait.ge [sflag:s20], $0x800  }
0x2b6: {  	[sflag:s20] =	ssyncset.done $0x0  }
0x2b7: {  	s29 =	rddreg [dreg:$0x1e];
	[sflag:s20] =	ssyncadd.s32 $0xFFFFF800  }
0x2b8: {  	[tilespmem:s11], [sflag:$0x2] =	stream.linear.gather [hbm4b:s29+s4], $0x4000, $0x38;
	[tilespmem:$0x13580] =	vst v63  }
0x2b9: {  	_ =	swait.ge [sflag:s21], $0x4000  }
0x2ba: {  	[sflag:s21] =	ssyncset.done $0x0  }
0x2bb: {  	s28 =	simm.s32 $0xC880;
	[sflag:s21] =	ssyncadd.s32 $0xFFFFC000  }
0x2bc: {  	[spmem:s2] =	stream.indirect.scatter.add.f32 [tilespmem:s12], [sflag:$0x6], $0x80, s28, s14, $0xb8;
	[tilespmem:$0x13580] =	vst v63  }
0x2bd: {  	_ = 	snop  }
0x2be: {  	[spmem:s3] =	stream.indirect.scatter.add.f32 [tilespmem:s8], [sflag:$0x8], $0x10, s28, s14, $0xb8;
	[tilespmem:$0x13580] =	vst v63  }
0x2bf: {  	_ =	swait.ge [sflag:s16], $0x4000  }
0x2c0: {  	[sflag:s16] =	ssyncset.done $0x0  }
0x2c1: {  	[sflag:s16] =	ssyncadd.s32 $0xFFFFC000  }
0x2c2: {  	_ =	swait.ge [sflag:s7], $0x800  }
0x2c3: {  	[sflag:s7] =	ssyncset.done $0x0  }
0x2c4: {  	s29 =	rddreg [dreg:$0x1f];
	[sflag:s7] =	ssyncadd.s32 $0xFFFFF800  }
0x2c5: {  	[tilespmem:s12], [sflag:$0x3] =	stream.linear.gather [hbm4b:s29+s4], $0x4000, $0x38;
	[tilespmem:$0x13580] =	vst v63  }
0x2c6: {  	_ =	swait.ge [sflag:s13], $0x4000  }
0x2c7: {  	[sflag:s13] =	ssyncset.done $0x0  }
0x2c8: {  	s28 =	simm.s32 $0xC900;
	[sflag:s13] =	ssyncadd.s32 $0xFFFFC000  }
0x2c9: {  	[spmem:s2] =	stream.indirect.scatter.add.f32 [tilespmem:s4], [sflag:$0x4], $0x80, s28, s14, $0xb8;
	[tilespmem:$0x13580] =	vst v63  }
0x2ca: {  	_ = 	snop  }
0x2cb: {  	[spmem:s3] =	stream.indirect.scatter.add.f32 [tilespmem:s8], [sflag:$0x6], $0x10, s28, s14, $0xb8;
	[tilespmem:$0x13580] =	vst v63  }
0x2cc: {  	_ =	swait.ge [sflag:s15], $0x4000  }
0x2cd: {  	[sflag:s15] =	ssyncset.done $0x0  }
0x2ce: {  	[sflag:s15] =	ssyncadd.s32 $0xFFFFC000  }
0x2cf: {  	_ =	swait.ge [sflag:s16], $0x800  }
0x2d0: {  	s29 =	sld [smem:$0x7F5]  }
0x2d1: {  	[sflag:s16] =	ssyncset.done $0x0  }
0x2d2: {  	[sflag:s16] =	ssyncadd.s32 $0xFFFFF800  }
0x2d3: {  	[tilespmem:s4], [sflag:$0x1] =	stream.linear.gather [hbm4b:s29+s4], $0x4000, $0x38;
	[tilespmem:$0x13580] =	vst v63  }
0x2d4: {  	_ =	swait.ge [sflag:s17], $0x4000  }
0x2d5: {  	[sflag:s17] =	ssyncset.done $0x0  }
0x2d6: {  	s28 =	simm.s32 $0xC980;
	[sflag:s17] =	ssyncadd.s32 $0xFFFFC000  }
0x2d7: {  	[spmem:s2] =	stream.indirect.scatter.add.f32 [tilespmem:s11], [sflag:$0x5], $0x80, s28, s14, $0xb8;
	[tilespmem:$0x13580] =	vst v63  }
0x2d8: {  	_ = 	snop  }
0x2d9: {  	[spmem:s3] =	stream.indirect.scatter.add.f32 [tilespmem:s8], [sflag:$0x7], $0x10, s28, s14, $0xb8;
	[tilespmem:$0x13580] =	vst v63  }
0x2da: {  	_ =	swait.ge [sflag:s19], $0x4000  }
0x2db: {  	[sflag:s19] =	ssyncset.done $0x0  }
0x2dc: {  	[sflag:s19] =	ssyncadd.s32 $0xFFFFC000  }
0x2dd: {  	_ =	swait.ge [sflag:s20], $0x800  }
0x2de: {  	s29 =	sld [smem:$0x7F6]  }
0x2df: {  	[sflag:s20] =	ssyncset.done $0x0  }
0x2e0: {  	[sflag:s20] =	ssyncadd.s32 $0xFFFFF800  }
0x2e1: {  	[tilespmem:s11], [sflag:$0x2] =	stream.linear.gather [hbm4b:s29+s4], $0x4000, $0x38;
	[tilespmem:$0x13580] =	vst v63  }
0x2e2: {  	_ =	swait.ge [sflag:s21], $0x4000  }
0x2e3: {  	[sflag:s21] =	ssyncset.done $0x0  }
0x2e4: {  	s28 =	simm.s32 $0xCA00;
	[sflag:s21] =	ssyncadd.s32 $0xFFFFC000  }
0x2e5: {  	[spmem:s2] =	stream.indirect.scatter.add.f32 [tilespmem:s12], [sflag:$0x6], $0x80, s28, s14, $0xb8;
	[tilespmem:$0x13580] =	vst v63  }
0x2e6: {  	_ = 	snop  }
0x2e7: {  	[spmem:s3] =	stream.indirect.scatter.add.f32 [tilespmem:s8], [sflag:$0x8], $0x10, s28, s14, $0xb8;
	[tilespmem:$0x13580] =	vst v63  }
0x2e8: {  	_ =	swait.ge [sflag:s16], $0x4000  }
0x2e9: {  	[sflag:s16] =	ssyncset.done $0x0  }
0x2ea: {  	[sflag:s16] =	ssyncadd.s32 $0xFFFFC000  }
0x2eb: {  	_ =	swait.ge [sflag:s7], $0x800  }
0x2ec: {  	s29 =	sld [smem:$0x7F7]  }
0x2ed: {  	[sflag:s7] =	ssyncset.done $0x0  }
0x2ee: {  	[sflag:s7] =	ssyncadd.s32 $0xFFFFF800  }
0x2ef: {  	[tilespmem:s12], [sflag:$0x3] =	stream.linear.gather [hbm4b:s29+s4], $0x4000, $0x38;
	[tilespmem:$0x13580] =	vst v63  }
0x2f0: {  	_ =	swait.ge [sflag:s13], $0x4000  }
0x2f1: {  	[sflag:s13] =	ssyncset.done $0x0  }
0x2f2: {  	s28 =	simm.s32 $0xCA80;
	[sflag:s13] =	ssyncadd.s32 $0xFFFFC000  }
0x2f3: {  	[spmem:s2] =	stream.indirect.scatter.add.f32 [tilespmem:s4], [sflag:$0x4], $0x80, s28, s14, $0xb8;
	[tilespmem:$0x13580] =	vst v63  }
0x2f4: {  	_ = 	snop  }
0x2f5: {  	[spmem:s3] =	stream.indirect.scatter.add.f32 [tilespmem:s8], [sflag:$0x6], $0x10, s28, s14, $0xb8;
	[tilespmem:$0x13580] =	vst v63  }
0x2f6: {  	_ =	swait.ge [sflag:s15], $0x4000  }
0x2f7: {  	[sflag:s15] =	ssyncset.done $0x0  }
0x2f8: {  	[sflag:s15] =	ssyncadd.s32 $0xFFFFC000  }
0x2f9: {  	_ =	swait.ge [sflag:s16], $0x800  }
0x2fa: {  	s29 =	sld [smem:$0x7F8]  }
0x2fb: {  	[sflag:s16] =	ssyncset.done $0x0  }
0x2fc: {  	[sflag:s16] =	ssyncadd.s32 $0xFFFFF800  }
0x2fd: {  	[tilespmem:s4], [sflag:$0x1] =	stream.linear.gather [hbm4b:s29+s4], $0x4000, $0x38;
	[tilespmem:$0x13580] =	vst v63  }
0x2fe: {  	_ =	swait.ge [sflag:s17], $0x4000  }
0x2ff: {  	[sflag:s17] =	ssyncset.done $0x0  }
0x300: {  	s28 =	simm.s32 $0xCB00;
	[sflag:s17] =	ssyncadd.s32 $0xFFFFC000  }
0x301: {  	[spmem:s2] =	stream.indirect.scatter.add.f32 [tilespmem:s11], [sflag:$0x5], $0x80, s28, s14, $0xb8;
	[tilespmem:$0x13580] =	vst v63  }
0x302: {  	_ = 	snop  }
0x303: {  	[spmem:s3] =	stream.indirect.scatter.add.f32 [tilespmem:s8], [sflag:$0x7], $0x10, s28, s14, $0xb8;
	[tilespmem:$0x13580] =	vst v63  }
0x304: {  	_ =	swait.ge [sflag:s19], $0x4000  }
0x305: {  	[sflag:s19] =	ssyncset.done $0x0  }
0x306: {  	[sflag:s19] =	ssyncadd.s32 $0xFFFFC000  }
0x307: {  	_ =	swait.ge [sflag:s20], $0x800  }
0x308: {  	[sflag:s20] =	ssyncset.done $0x0  }
0x309: {  	[sflag:s20] =	ssyncadd.s32 $0xFFFFF800  }
0x30a: {  	_ =	swait.ge [sflag:s21], $0x4000  }
0x30b: {  	[sflag:s21] =	ssyncset.done $0x0  }
0x30c: {  	s29 =	simm.s32 $0xCB80;
	[sflag:s21] =	ssyncadd.s32 $0xFFFFC000  }
0x30d: {  	[spmem:s2] =	stream.indirect.scatter.add.f32 [tilespmem:s12], [sflag:$0x6], $0x80, s29, s14, $0xb8;
	[tilespmem:$0x13580] =	vst v63  }
0x30e: {  	_ = 	snop  }
0x30f: {  	[spmem:s3] =	stream.indirect.scatter.add.f32 [tilespmem:s8], [sflag:$0x8], $0x10, s29, s14, $0xb8;
	[tilespmem:$0x13580] =	vst v63  }
0x310: {  	_ =	swait.ge [sflag:s16], $0x4000  }
0x311: {  	[sflag:s16] =	ssyncset.done $0x0  }
0x312: {  	[sflag:s16] =	ssyncadd.s32 $0xFFFFC000  }
0x313: {  	_ =	swait.ge [sflag:s7], $0x800  }
0x314: {  	[sflag:s7] =	ssyncset.done $0x0  }
0x315: {  	[sflag:s7] =	ssyncadd.s32 $0xFFFFF800  }
0x316: {  	_ =	swait.ge [sflag:s13], $0x4000  }
0x317: {  	[sflag:s13] =	ssyncset.done $0x0  }
0x318: {  	[sflag:s13] =	ssyncadd.s32 $0xFFFFC000  }
0x319: {  	[spmem:s2] =	stream.indirect.scatter.add.f32 [tilespmem:s4], [sflag:$0x4], $0x80, s31, s14, $0xb8;
	[tilespmem:$0x13580] =	vst v63  }
0x31a: {  	_ = 	snop  }
0x31b: {  	[spmem:s3] =	stream.indirect.scatter.add.f32 [tilespmem:s8], [sflag:$0x6], $0x10, s31, s14, $0xb8;
	[tilespmem:$0x13580] =	vst v63  }
0x31c: {  	_ =	swait.ge [sflag:s15], $0x4000  }
0x31d: {  	[sflag:s15] =	ssyncset.done $0x0  }
0x31e: {  	[sflag:s15] =	ssyncadd.s32 $0xFFFFC000  }
0x31f: {  	_ =	swait.ge [sflag:s16], $0x800  }
0x320: {  	s26 =	sld [smem:$0x7F9]  }
0x321: {  	[sflag:s16] =	ssyncset.done $0x0  }
0x322: {  	[sflag:s16] =	ssyncadd.s32 $0xFFFFF800  }
0x323: {  	[tilespmem:s0], [sflag:$0x8] =	stream.linear.gather @!p0 [hbm4b:s26+s0], $0x1000, $0x38;
	[tilespmem:$0x13580] =	vst v63  }
0x324: {  	_ =	swait.ge @!p0 [sflag:s1], $0x1000  }
0x325: {  	s26 =	sld [smem:$0x7FA]  }
0x326: {  	[sflag:s1] =	ssyncset.done @!p0 $0x0  }
0x327: {  	[sflag:s1] =	ssyncadd.s32 @!p0 $0xFFFFF000  }
0x328: {  	[tilespmem:s5], [sflag:$0x8] =	stream.linear.gather @!p0 [hbm4b:s26+s0], $0x20, $0x38;
	[tilespmem:$0x13580] =	vst v63  }
0x329: {  	_ =	swait.ge @!p0 [sflag:s1], $0x20  }
0x32a: {  	[sflag:s1] =	ssyncset.done @!p0 $0x0  }
0x32b: {  	[sflag:s1] =	ssyncadd.s32 @!p0 $0xFFFFFFE0  }
0x32c: {  	[spmem:s2] =	stream.indirect.scatter.add.f32 @!p0 [tilespmem:s0], [sflag:$0x8], $0x80, s5, s10, $0xb8;
	[tilespmem:$0x13580] =	vst v63  }
0x32d: {  	_ =	swait.ge @!p0 [sflag:s1], $0x1000  }
0x32e: {  	[sflag:s1] =	ssyncset.done @!p0 $0x0  }
0x32f: {  	s26 =	simm.s32 @!p0 $0xD080;
	[sflag:s1] =	ssyncadd.s32 @!p0 $0xFFFFF000  }
0x330: {  	[spmem:s3] =	stream.indirect.scatter.add.f32 @!p0 [tilespmem:s26], [sflag:$0x8], $0x10, s5, s10, $0xb8;
	[tilespmem:$0x13580] =	vst v63  }
0x331: {  	_ =	swait.ge @!p0 [sflag:s1], $0x200  }
0x332: {  	[sflag:s1] =	ssyncset.done @!p0 $0x0  }
0x333: {  	[sflag:s1] =	ssyncadd.s32 @!p0 $0xFFFFFE00  }
0x334: {  	s28 =	rddreg [dreg:$0x2]  }
0x335: {  	[tilespmem:s18], [sflag:$0x8] =	stream.indirect.gather [hbm4b:s28+s14], $0x1, s30, s14, $0xb8;
	[tilespmem:$0x13580] =	vst v63  }
0x336: {  	_ =	swait.ge [sflag:s7], $0x80  }
0x337: {  	s29 =	sld [smem:$0x7FB]  }
0x338: {  	[sflag:s7] =	ssyncset.done $0x0  }
0x339: {  	[sflag:s7] =	ssyncadd.s32 $0xFFFFFF80  }
0x33a: {  	[hbm4b:s29+s4] =	stream.linear.scatter [tilespmem:s18], [sflag:$0x8], $0x80, $0x38;
	[tilespmem:$0x13580] =	vst v63  }
0x33b: {  	_ =	swait.ge [sflag:s7], $0x80  }
0x33c: {  	[sflag:s7] =	ssyncset.done $0x0  }
0x33d: {  	[sflag:s7] =	ssyncadd.s32 $0xFFFFFF80  }
0x33e: {  	[bflag:$0x0] =	sbarrier.arrive $0xFFFF  }
0x33f: {  	s26 =	sld [smem:$0x7FC];
	_ =	sdelay $0x1  }
0x340: {  	s25 =	sadd.s32 $0xFFFFFFFF, s25  }
0x341: {  	[hbm:s26], [sflag:s6] =	dma.local @!p1 [spmem:s23], $0x4000  }
0x342: {  	p2 =	sne.s32 s25, $0x0;
	_ =	swait.ge @!p1 [sflag:s22], $0x4000  }
.Ltmp1:
0x343: {  	s26 =	sld [smem:$0x7FD];
	(pc) =	sbr.rel @p2 .LBB2_2-.Ltmp1, $4  }
0x344: {  	[sflag:s22] =	ssyncset.done @!p1 $0x0  }
0x345: {  	[sflag:s22] =	ssyncadd.s32 @!p1 $0xFFFFC000  }
0x346: {  	[hbm:s26], [sflag:s6] =	dma.local @!p1 [spmem:s24], $0x4000  }
0x347: {  	_ =	swait.ge @!p1 [sflag:s22], $0x4000  }
.LBB2_3:
0x348: {  	[sflag:s22] =	ssyncset.done @!p1 $0x0  }
0x349: {  	[sflag:s22] =	ssyncadd.s32 @!p1 $0xFFFFC000  }
0x34a: {  	_ =	sfence.sel $0x180000  }
0x34b: {  	[bflag:$0x0] =	sbarrier.arrive $0xFFFF  }
0x34c: {  	_ =	strace $0x90000047  }
0x34d: {  	[bflag:$0x2] =	sbarrier.arrive $0xFFFF  }
0x34e: {  	s0 =	rddreg [dreg:$0x6]  }
0x34f: {  	s0 =	sadd.s32 @!p1 $0x100000, s0  }
0x350: {  	[sflag:s0] =	ssyncadd.tile.s32 @!p1 $0x1;
	_ =	shalt  }
.Lfunc_end2:
_tile_overlayer_lowered:
.L_overlay_start_2:
0x351: {  	(tag) =	ssettag $0x2  }
0x352: {  	s0 =	rddreg [dreg:$0x0];
	s2 =	stileid.u32  }
0x353: {  	s1 =	rddreg [dreg:$0x1];
	p0 =	sne.s32 s2, $0x0  }
0x354: {  	s3 =	rddreg [dreg:$0x2];
	[bflag:$0x3] =	sbarrier.arrive $0xFFFF;
	s2 =	simm.s32 @!p0 $0x1C08  }
0x355: {  	[timem:s3], [sflag:s2] =	dma.local @!p0 [hbm:s0], s1  }
0x356: {  	s0 =	simm.s32 @!p0 $0x8  }
0x357: {  	_ =	swait.ge @!p0 [sflag:s0], s1  }
0x358: {  	s1 =	ssub.s32 @!p0 $0x0, s1;
	[sflag:s0] =	ssyncset.done @!p0 $0x0  }
0x359: {  	[sflag:s0] =	ssyncadd.s32 @!p0 s1  }
0x35a: {  	[bflag:$0x3] =	sbarrier.arrive $0xFFFF  }
0x35b: {  	_ =	shalt  }

</sc_bundles>
